<compile_context>
chip_gen: v7x
topology: tpu7x:2x2x1
jax: 0.10.2.dev20260603
libtpu: 0.0.44.dev20260713+nightly
codegen_flags: <defaults>
</compile_context>

<pallas_src>
import functools

import jax
import jax.numpy as jnp
from jax import lax
from jax.experimental import pallas as pl
from jax.experimental.pallas import tpu as pltpu
from jax.experimental.pallas import tpu_sc as plsc

B = 4
H = 224
W = 224
NPIX = B * H * W
NTILES = 32
PIX_PER_TILE = NPIX // NTILES
ROWS_PER_TILE = PIX_PER_TILE // W
CHUNK = W // 2
NCHUNK = PIX_PER_TILE // CHUNK
GCHUNK = 224
VEC = 16


def _warp_body(t0, t1, t2, dx_hbm, dy_hbm, out_hbm, dx_v, dy_v, idx_v, grows, sem):
    wid = lax.axis_index("s") * 2 + lax.axis_index("c")
    bb = wid >> 3
    i0 = (wid & 7) * ROWS_PER_TILE
    base = wid * PIX_PER_TILE
    pltpu.sync_copy(dx_hbm.at[pl.ds(base, PIX_PER_TILE)], dx_v)
    pltpu.sync_copy(dy_hbm.at[pl.ds(base, PIX_PER_TILE)], dy_v)

    lane = lax.iota(jnp.int32, VEC)
    bf = bb.astype(jnp.float32)
    g0 = jnp.minimum(lane, 3) * (H * W)

    def row_body(r, carry):
        roff = r * W
        fi = (i0 + r).astype(jnp.float32)
        for v in range(W // VEC):
            off = roff + v * VEC
            fy = bf + dy_v[pl.ds(off, VEC)]
            fx = fi + dx_v[pl.ds(off, VEC)]
            yy = jnp.minimum(jnp.mod(fy, 224.0).astype(jnp.int32), H - 1)
            xx = jnp.minimum(jnp.mod(fx, 224.0).astype(jnp.int32), W - 1)
            goff = g0 if v == 0 else 3 * (H * W)
            idx_v[pl.ds(off, VEC)] = goff + yy * W + xx
        return carry

    lax.fori_loop(0, ROWS_PER_TILE, row_body, 0)

    tables = (t0, t1, t2)
    handles = [
        pltpu.async_copy(
            tables[ch].at[idx_v.at[pl.ds(c * GCHUNK, GCHUNK)]],
            grows.at[pl.ds(ch * PIX_PER_TILE + c * GCHUNK, GCHUNK)],
            sem,
        )
        for c in range(PIX_PER_TILE // GCHUNK)
        for ch in range(3)
    ]
    for h in handles:
        h.wait()

    for ch in range(3):
        pltpu.sync_copy(
            grows.at[pl.ds(ch * PIX_PER_TILE, PIX_PER_TILE)],
            out_hbm.at[pl.ds(((bb * 3 + ch) * H + i0) * W, PIX_PER_TILE)],
        )


_warp = functools.partial(
    pl.kernel,
    out_type=jax.ShapeDtypeStruct((B * 3 * H * W,), jnp.float32),
    mesh=plsc.VectorSubcoreMesh(core_axis_name="c", subcore_axis_name="s"),
    scratch_types=[
        pltpu.VMEM((PIX_PER_TILE,), jnp.float32),
        pltpu.VMEM((PIX_PER_TILE,), jnp.float32),
        pltpu.VMEM((PIX_PER_TILE,), jnp.int32),
        pltpu.VMEM((3 * PIX_PER_TILE,), jnp.float32),
        pltpu.SemaphoreType.DMA,
    ],
    compiler_params=pltpu.CompilerParams(use_tc_tiling_on_sc=False),
)(_warp_body)


def kernel(x):
    xp = jnp.transpose(x, (3, 0, 1, 2))
    tabs = [xp[ch].reshape(NPIX) for ch in range(3)]
    dxf = xp[3].reshape(NPIX)
    dyf = xp[4].reshape(NPIX)
    res = _warp(*tabs, dxf, dyf)
    return jnp.transpose(res.reshape(B, 3, H, W), (0, 2, 3, 1))

# --- scband reference (transcript-rebuilt; emitter-appended) ---
"""Pipeline reference for scband-bilinear-30279519436839 (READ-ONLY COPY).

The authoritative reference and input builder live on the scoring server;
editing this copy changes nothing except your own understanding.
"""

import jax, jax.numpy as jnp
import numpy as np


def binsample(I, dx, dy):
    batch_size = 4
    I = jnp.reshape(I, (batch_size, 224, 224, 3))
    dx = jnp.reshape(dx, (batch_size, 224, 224))
    dy = jnp.reshape(dy, (batch_size, 224, 224))
    x = jnp.arange(224)
    y = jnp.arange(224)
    z = jnp.arange(batch_size)
    # tf.meshgrid(x, z, y) default indexing='xy' -> outputs shape [len(z), len(x), len(y)]
    # returned in input order: X (from x), Y (from z  -- original code's variable-order bug, kept faithful), Z (from y)
    X, Y, Z = jnp.meshgrid(x, z, y, indexing='xy')
    X = X.astype(jnp.float32)
    Y = Y.astype(jnp.float32)
    X = (X + dx) % 224
    Y = (Y + dy) % 224
    X = X.astype(jnp.int32)
    Y = Y.astype(jnp.int32)
    Z = Z.astype(jnp.int32)
    # dead-code bilinear smoothing branch, kept for faithfulness
    tl = I[:, 0:222, 0:222, :]
    tr = I[:, 0:222, 2:224, :]
    bl = I[:, 2:224, 0:222, :]
    br = I[:, 2:224, 2:224, :]
    simple_bilinear_output = (tl + tr + bl + br) / 4
    simple_bilinear_output_with_padding = jnp.pad(simple_bilinear_output, ((0, 0), (1, 1), (1, 1), (0, 0)))
    # gather_nd(I, stack([Z, Y, X], axis=3)) == I[Z, Y, X]
    # (JAX clamps out-of-range indices; TF original relied on out-of-range Z into the batch dim)
    transformed_bilinear_image = I[Z, Y, X]
    img = jnp.reshape(transformed_bilinear_image, (-1, 224, 224, 3))
    return img


def setup_inputs(seed: int = 0) -> dict:
    key = jax.random.key(seed)
    x = jax.random.normal(key, (4, 224, 224, 5), dtype=jnp.float32)
    return {"x": x}


def reference(x):
    # unstack along channel axis (5 channels: 3 image + dx + dy)
    parts = [x[:, :, :, i] for i in range(5)]
    img = jnp.stack(parts[0:3], axis=3)
    dx = parts[3]
    dy = parts[4]
    return binsample(img, dx, dy)

if __name__ == "__main__":
    import jax
    _d = setup_inputs()
    print(jax.jit(kernel)(*tuple(_d.values())))

</pallas_src>

<mosaic_0001>
#map = affine_map<(d0, d1) -> (0)>
module attributes {stable_mosaic.version = 14 : i64} {
  func.func @_warp_body(%arg0: i32, %arg1: i32, %arg2: memref<200704xf32, #tpu.memory_space<hbm>>, %arg3: memref<200704xf32, #tpu.memory_space<hbm>>, %arg4: memref<200704xf32, #tpu.memory_space<hbm>>, %arg5: memref<200704xf32, #tpu.memory_space<hbm>>, %arg6: memref<200704xf32, #tpu.memory_space<hbm>>, %arg7: memref<602112xf32, #tpu.memory_space<hbm>>, %arg8: memref<6272xf32, #tpu.memory_space<vmem>>, %arg9: memref<6272xf32, #tpu.memory_space<vmem>>, %arg10: memref<6272xi32, #tpu.memory_space<vmem>>, %arg11: memref<18816xf32, #tpu.memory_space<vmem>>, %arg12: memref<!tpu.dma_semaphore, #tpu.memory_space<semaphore_mem>>) attributes {dimension_semantics = [#tpu.dimension_semantics<core_parallel>, #tpu.dimension_semantics<subcore_parallel>], iteration_bounds = array<i64: 2, 16>, scalar_prefetch = 0 : i64, scratch_operands = 5 : i64, tpu.core_type = #tpu.core_type<sc_vector_subcore>, window_params = [{transform_indices = #map}, {transform_indices = #map}, {transform_indices = #map}, {transform_indices = #map}, {transform_indices = #map}, {transform_indices = #map}]} {
    %mul3A = arith.constant 2 : i32
    %mul3A_0 = arith.muli %arg1, %mul3A : i32
    %add3A = arith.addi %mul3A_0, %arg0 : i32
    %shift_right_arithmetic3A = arith.constant 3 : i32
    %shift_right_arithmetic3A_1 = arith.shrsi %add3A, %shift_right_arithmetic3A : i32
    %and3A = arith.constant 7 : i32
    %and3A_2 = arith.andi %add3A, %and3A : i32
    %mul3A_3 = arith.constant 28 : i32
    %mul3A_4 = arith.muli %and3A_2, %mul3A_3 : i32
    %mul3A_5 = arith.constant 6272 : i32
    %mul3A_6 = arith.muli %add3A, %mul3A_5 : i32
    "tpu.region"() ({
      %run_scoped3A = tpu.sem_alloc : memref<!tpu.dma_semaphore, #tpu.memory_space<semaphore_mem>>
      %dma_start3A_1050 = tpu.memref_slice %arg5[%mul3A_6] : memref<200704xf32, #tpu.memory_space<hbm>> -> memref<6272xf32, #tpu.memory_space<hbm>>
      %dma_start3A_1051 = tpu.memref_slice %arg5[%mul3A_6] : memref<200704xf32, #tpu.memory_space<hbm>> -> memref<6272xf32, #tpu.memory_space<hbm>>
      tpu.enqueue_dma source(%dma_start3A_1051 : memref<6272xf32, #tpu.memory_space<hbm>>) target(%arg8 : memref<6272xf32, #tpu.memory_space<vmem>>) target_semaphore(%run_scoped3A : memref<!tpu.dma_semaphore, #tpu.memory_space<semaphore_mem>>)
      %dma_wait3A_1052 = tpu.memref_slice %arg5[%mul3A_6] : memref<200704xf32, #tpu.memory_space<hbm>> -> memref<6272xf32, #tpu.memory_space<hbm>>
      %dma_wait3A_1053 = tpu.memref_slice %arg5[%mul3A_6] : memref<200704xf32, #tpu.memory_space<hbm>> -> memref<6272xf32, #tpu.memory_space<hbm>>
      tpu.wait_dma2 semaphore(%run_scoped3A : memref<!tpu.dma_semaphore, #tpu.memory_space<semaphore_mem>>) src(%dma_wait3A_1053 : memref<6272xf32, #tpu.memory_space<hbm>>) dst(%arg8 : memref<6272xf32, #tpu.memory_space<vmem>>)
      tpu.yield
    }) : () -> ()
    "tpu.region"() ({
      %run_scoped3A = tpu.sem_alloc : memref<!tpu.dma_semaphore, #tpu.memory_space<semaphore_mem>>
      %dma_start3A_1050 = tpu.memref_slice %arg6[%mul3A_6] : memref<200704xf32, #tpu.memory_space<hbm>> -> memref<6272xf32, #tpu.memory_space<hbm>>
      %dma_start3A_1051 = tpu.memref_slice %arg6[%mul3A_6] : memref<200704xf32, #tpu.memory_space<hbm>> -> memref<6272xf32, #tpu.memory_space<hbm>>
      tpu.enqueue_dma source(%dma_start3A_1051 : memref<6272xf32, #tpu.memory_space<hbm>>) target(%arg9 : memref<6272xf32, #tpu.memory_space<vmem>>) target_semaphore(%run_scoped3A : memref<!tpu.dma_semaphore, #tpu.memory_space<semaphore_mem>>)
      %dma_wait3A_1052 = tpu.memref_slice %arg6[%mul3A_6] : memref<200704xf32, #tpu.memory_space<hbm>> -> memref<6272xf32, #tpu.memory_space<hbm>>
      %dma_wait3A_1053 = tpu.memref_slice %arg6[%mul3A_6] : memref<200704xf32, #tpu.memory_space<hbm>> -> memref<6272xf32, #tpu.memory_space<hbm>>
      tpu.wait_dma2 semaphore(%run_scoped3A : memref<!tpu.dma_semaphore, #tpu.memory_space<semaphore_mem>>) src(%dma_wait3A_1053 : memref<6272xf32, #tpu.memory_space<hbm>>) dst(%arg9 : memref<6272xf32, #tpu.memory_space<vmem>>)
      tpu.yield
    }) : () -> ()
    %iota3A = tpu.iota {dimensions = array<i32: 0>} : vector<16xi32>
    %convert_element_type3A = arith.sitofp %shift_right_arithmetic3A_1 : i32 to f32
    %min3A = arith.constant 3 : i32
    %min3A_7 = vector.broadcast %min3A : i32 to vector<16xi32>
    %min3A_8 = arith.minsi %iota3A, %min3A_7 : vector<16xi32>
    %mul3A_9 = arith.constant 50176 : i32
    %mul3A_10 = vector.broadcast %mul3A_9 : i32 to vector<16xi32>
    %mul3A_11 = arith.muli %min3A_8, %mul3A_10 : vector<16xi32>
    %scan3A = arith.constant 0 : i32
    %scan3A_12 = arith.constant 0 : i32
    %scan3A_13 = arith.constant 28 : i32
    %scan3A_14 = arith.addi %scan3A_12, %scan3A_13 : i32
    %scan3A_15 = arith.constant 1 : i32
    scf.for %scan3A_1050 = %scan3A_12 to %scan3A_14 step %scan3A_15  : i32 {
      %mul3A_1051 = arith.constant 224 : i32
      %mul3A_1052 = arith.muli %scan3A_1050, %mul3A_1051 : i32
      %add3A_1053 = arith.addi %mul3A_4, %scan3A_1050 : i32
      %convert_element_type3A_1054 = arith.sitofp %add3A_1053 : i32 to f32
      %add3A_1055 = arith.constant 0 : i32
      %add3A_1056 = arith.addi %mul3A_1052, %add3A_1055 : i32
      %get3A = arith.index_cast %add3A_1056 : i32 to index
      %get3A_1057 = tpu.vector_load %arg9[%get3A] {strides = array<i32>} : memref<6272xf32, #tpu.memory_space<vmem>>, vector<16xf32>,
      %get3A_1058 = vector.shape_cast %get3A_1057 : vector<16xf32> to vector<16xf32>
      %add3A_1059 = vector.broadcast %convert_element_type3A : f32 to vector<16xf32>
      %add3A_1060 = arith.addf %add3A_1059, %get3A_1058 : vector<16xf32>
      %get3A_1061 = arith.index_cast %add3A_1056 : i32 to index
      %get3A_1062 = tpu.vector_load %arg8[%get3A_1061] {strides = array<i32>} : memref<6272xf32, #tpu.memory_space<vmem>>, vector<16xf32>,
      %get3A_1063 = vector.shape_cast %get3A_1062 : vector<16xf32> to vector<16xf32>
      %add3A_1064 = vector.broadcast %convert_element_type3A_1054 : f32 to vector<16xf32>
      %add3A_1065 = arith.addf %add3A_1064, %get3A_1063 : vector<16xf32>
      %jit3A = arith.constant 2.240000e+02 : f32
      %rem3A = vector.broadcast %jit3A : f32 to vector<16xf32>
      %rem3A_1066 = arith.remf %add3A_1060, %rem3A : vector<16xf32>
      %ne3A = arith.constant 0.000000e+00 : f32
      %ne3A_1067 = vector.broadcast %ne3A : f32 to vector<16xf32>
      %ne3A_1068 = arith.cmpf one, %rem3A_1066, %ne3A_1067 : vector<16xf32>
      %lt3A = arith.constant 0.000000e+00 : f32
      %lt3A_1069 = vector.broadcast %lt3A : f32 to vector<16xf32>
      %lt3A_1070 = arith.cmpf olt, %rem3A_1066, %lt3A_1069 : vector<16xf32>
      %lt3A_1071 = arith.constant 0.000000e+00 : f32
      %lt3A_1072 = arith.cmpf olt, %jit3A, %lt3A_1071 : f32
      %ne3A_1073 = vector.broadcast %lt3A_1072 : i1 to vector<16xi1>
      %ne3A_1074 = vector.broadcast %ne3A_1073 : vector<16xi1> to vector<16xi1>
      %ne3A_1075 = arith.xori %lt3A_1070, %ne3A_1074 : vector<16xi1>
      %and3A_1076 = arith.andi %ne3A_1075, %ne3A_1068 : vector<16xi1>
      %add3A_1077 = vector.broadcast %jit3A : f32 to vector<16xf32>
      %add3A_1078 = arith.addf %rem3A_1066, %add3A_1077 : vector<16xf32>
      %select_n3A = arith.select %and3A_1076, %add3A_1078, %rem3A_1066 : vector<16xi1>, vector<16xf32>
      %convert_element_type3A_1079 = arith.fptosi %select_n3A : vector<16xf32> to vector<16xi32>
      %min3A_1080 = arith.constant 223 : i32
      %min3A_1081 = vector.broadcast %min3A_1080 : i32 to vector<16xi32>
      %min3A_1082 = arith.minsi %convert_element_type3A_1079, %min3A_1081 : vector<16xi32>
      %jit3A_1083 = arith.constant 2.240000e+02 : f32
      %rem3A_1084 = vector.broadcast %jit3A_1083 : f32 to vector<16xf32>
      %rem3A_1085 = arith.remf %add3A_1065, %rem3A_1084 : vector<16xf32>
      %ne3A_1086 = arith.constant 0.000000e+00 : f32
      %ne3A_1087 = vector.broadcast %ne3A_1086 : f32 to vector<16xf32>
      %ne3A_1088 = arith.cmpf one, %rem3A_1085, %ne3A_1087 : vector<16xf32>
      %lt3A_1089 = arith.constant 0.000000e+00 : f32
      %lt3A_1090 = vector.broadcast %lt3A_1089 : f32 to vector<16xf32>
      %lt3A_1091 = arith.cmpf olt, %rem3A_1085, %lt3A_1090 : vector<16xf32>
      %lt3A_1092 = arith.constant 0.000000e+00 : f32
      %lt3A_1093 = arith.cmpf olt, %jit3A_1083, %lt3A_1092 : f32
      %ne3A_1094 = vector.broadcast %lt3A_1093 : i1 to vector<16xi1>
      %ne3A_1095 = vector.broadcast %ne3A_1094 : vector<16xi1> to vector<16xi1>
      %ne3A_1096 = arith.xori %lt3A_1091, %ne3A_1095 : vector<16xi1>
      %and3A_1097 = arith.andi %ne3A_1096, %ne3A_1088 : vector<16xi1>
      %add3A_1098 = vector.broadcast %jit3A_1083 : f32 to vector<16xf32>
      %add3A_1099 = arith.addf %rem3A_1085, %add3A_1098 : vector<16xf32>
      %select_n3A_1100 = arith.select %and3A_1097, %add3A_1099, %rem3A_1085 : vector<16xi1>, vector<16xf32>
      %convert_element_type3A_1101 = arith.fptosi %select_n3A_1100 : vector<16xf32> to vector<16xi32>
      %min3A_1102 = arith.constant 223 : i32
      %min3A_1103 = vector.broadcast %min3A_1102 : i32 to vector<16xi32>
      %min3A_1104 = arith.minsi %convert_element_type3A_1101, %min3A_1103 : vector<16xi32>
      %mul3A_1105 = arith.constant 224 : i32
      %mul3A_1106 = vector.broadcast %mul3A_1105 : i32 to vector<16xi32>
      %mul3A_1107 = arith.muli %min3A_1082, %mul3A_1106 : vector<16xi32>
      %add3A_1108 = arith.addi %mul3A_11, %mul3A_1107 : vector<16xi32>
      %add3A_1109 = arith.addi %add3A_1108, %min3A_1104 : vector<16xi32>
      %swap3A = arith.index_cast %add3A_1056 : i32 to index
      %swap3A_1110 = tpu.vector_load %arg10[%swap3A] {strides = array<i32>} : memref<6272xi32, #tpu.memory_space<vmem>>, vector<16xi32>,
      %swap3A_1111 = vector.shape_cast %swap3A_1110 : vector<16xi32> to vector<16xi32>
      %swap3A_1112 = vector.shape_cast %add3A_1109 : vector<16xi32> to vector<16xi32>
      tpu.vector_store %arg10[%swap3A], %swap3A_1112 {strides = array<i32>} : memref<6272xi32, #tpu.memory_space<vmem>>, vector<16xi32>,
      %add3A_1113 = arith.constant 16 : i32
      %add3A_1114 = arith.addi %mul3A_1052, %add3A_1113 : i32
      %get3A_1115 = arith.index_cast %add3A_1114 : i32 to index
      %get3A_1116 = tpu.vector_load %arg9[%get3A_1115] {strides = array<i32>} : memref<6272xf32, #tpu.memory_space<vmem>>, vector<16xf32>,
      %get3A_1117 = vector.shape_cast %get3A_1116 : vector<16xf32> to vector<16xf32>
      %add3A_1118 = vector.broadcast %convert_element_type3A : f32 to vector<16xf32>
      %add3A_1119 = arith.addf %add3A_1118, %get3A_1117 : vector<16xf32>
      %get3A_1120 = arith.index_cast %add3A_1114 : i32 to index
      %get3A_1121 = tpu.vector_load %arg8[%get3A_1120] {strides = array<i32>} : memref<6272xf32, #tpu.memory_space<vmem>>, vector<16xf32>,
      %get3A_1122 = vector.shape_cast %get3A_1121 : vector<16xf32> to vector<16xf32>
      %add3A_1123 = vector.broadcast %convert_element_type3A_1054 : f32 to vector<16xf32>
      %add3A_1124 = arith.addf %add3A_1123, %get3A_1122 : vector<16xf32>
      %jit3A_1125 = arith.constant 2.240000e+02 : f32
      %rem3A_1126 = vector.broadcast %jit3A_1125 : f32 to vector<16xf32>
      %rem3A_1127 = arith.remf %add3A_1119, %rem3A_1126 : vector<16xf32>
      %ne3A_1128 = arith.constant 0.000000e+00 : f32
      %ne3A_1129 = vector.broadcast %ne3A_1128 : f32 to vector<16xf32>
      %ne3A_1130 = arith.cmpf one, %rem3A_1127, %ne3A_1129 : vector<16xf32>
      %lt3A_1131 = arith.constant 0.000000e+00 : f32
      %lt3A_1132 = vector.broadcast %lt3A_1131 : f32 to vector<16xf32>
      %lt3A_1133 = arith.cmpf olt, %rem3A_1127, %lt3A_1132 : vector<16xf32>
      %lt3A_1134 = arith.constant 0.000000e+00 : f32
      %lt3A_1135 = arith.cmpf olt, %jit3A_1125, %lt3A_1134 : f32
      %ne3A_1136 = vector.broadcast %lt3A_1135 : i1 to vector<16xi1>
      %ne3A_1137 = vector.broadcast %ne3A_1136 : vector<16xi1> to vector<16xi1>
      %ne3A_1138 = arith.xori %lt3A_1133, %ne3A_1137 : vector<16xi1>
      %and3A_1139 = arith.andi %ne3A_1138, %ne3A_1130 : vector<16xi1>
      %add3A_1140 = vector.broadcast %jit3A_1125 : f32 to vector<16xf32>
      %add3A_1141 = arith.addf %rem3A_1127, %add3A_1140 : vector<16xf32>
      %select_n3A_1142 = arith.select %and3A_1139, %add3A_1141, %rem3A_1127 : vector<16xi1>, vector<16xf32>
      %convert_element_type3A_1143 = arith.fptosi %select_n3A_1142 : vector<16xf32> to vector<16xi32>
      %min3A_1144 = arith.constant 223 : i32
      %min3A_1145 = vector.broadcast %min3A_1144 : i32 to vector<16xi32>
      %min3A_1146 = arith.minsi %convert_element_type3A_1143, %min3A_1145 : vector<16xi32>
      %jit3A_1147 = arith.constant 2.240000e+02 : f32
      %rem3A_1148 = vector.broadcast %jit3A_1147 : f32 to vector<16xf32>
      %rem3A_1149 = arith.remf %add3A_1124, %rem3A_1148 : vector<16xf32>
      %ne3A_1150 = arith.constant 0.000000e+00 : f32
      %ne3A_1151 = vector.broadcast %ne3A_1150 : f32 to vector<16xf32>
      %ne3A_1152 = arith.cmpf one, %rem3A_1149, %ne3A_1151 : vector<16xf32>
      %lt3A_1153 = arith.constant 0.000000e+00 : f32
      %lt3A_1154 = vector.broadcast %lt3A_1153 : f32 to vector<16xf32>
      %lt3A_1155 = arith.cmpf olt, %rem3A_1149, %lt3A_1154 : vector<16xf32>
      %lt3A_1156 = arith.constant 0.000000e+00 : f32
      %lt3A_1157 = arith.cmpf olt, %jit3A_1147, %lt3A_1156 : f32
      %ne3A_1158 = vector.broadcast %lt3A_1157 : i1 to vector<16xi1>
      %ne3A_1159 = vector.broadcast %ne3A_1158 : vector<16xi1> to vector<16xi1>
      %ne3A_1160 = arith.xori %lt3A_1155, %ne3A_1159 : vector<16xi1>
      %and3A_1161 = arith.andi %ne3A_1160, %ne3A_1152 : vector<16xi1>
      %add3A_1162 = vector.broadcast %jit3A_1147 : f32 to vector<16xf32>
      %add3A_1163 = arith.addf %rem3A_1149, %add3A_1162 : vector<16xf32>
      %select_n3A_1164 = arith.select %and3A_1161, %add3A_1163, %rem3A_1149 : vector<16xi1>, vector<16xf32>
      %convert_element_type3A_1165 = arith.fptosi %select_n3A_1164 : vector<16xf32> to vector<16xi32>
      %min3A_1166 = arith.constant 223 : i32
      %min3A_1167 = vector.broadcast %min3A_1166 : i32 to vector<16xi32>
      %min3A_1168 = arith.minsi %convert_element_type3A_1165, %min3A_1167 : vector<16xi32>
      %mul3A_1169 = arith.constant 224 : i32
      %mul3A_1170 = vector.broadcast %mul3A_1169 : i32 to vector<16xi32>
      %mul3A_1171 = arith.muli %min3A_1146, %mul3A_1170 : vector<16xi32>
      %add3A_1172 = arith.constant 150528 : i32
      %add3A_1173 = vector.broadcast %add3A_1172 : i32 to vector<16xi32>
      %add3A_1174 = arith.addi %add3A_1173, %mul3A_1171 : vector<16xi32>
      %add3A_1175 = arith.addi %add3A_1174, %min3A_1168 : vector<16xi32>
      %swap3A_1176 = arith.index_cast %add3A_1114 : i32 to index
      %swap3A_1177 = tpu.vector_load %arg10[%swap3A_1176] {strides = array<i32>} : memref<6272xi32, #tpu.memory_space<vmem>>, vector<16xi32>,
      %swap3A_1178 = vector.shape_cast %swap3A_1177 : vector<16xi32> to vector<16xi32>
      %swap3A_1179 = vector.shape_cast %add3A_1175 : vector<16xi32> to vector<16xi32>
      tpu.vector_store %arg10[%swap3A_1176], %swap3A_1179 {strides = array<i32>} : memref<6272xi32, #tpu.memory_space<vmem>>, vector<16xi32>,
      %add3A_1180 = arith.constant 32 : i32
      %add3A_1181 = arith.addi %mul3A_1052, %add3A_1180 : i32
      %get3A_1182 = arith.index_cast %add3A_1181 : i32 to index
      %get3A_1183 = tpu.vector_load %arg9[%get3A_1182] {strides = array<i32>} : memref<6272xf32, #tpu.memory_space<vmem>>, vector<16xf32>,
      %get3A_1184 = vector.shape_cast %get3A_1183 : vector<16xf32> to vector<16xf32>
      %add3A_1185 = vector.broadcast %convert_element_type3A : f32 to vector<16xf32>
      %add3A_1186 = arith.addf %add3A_1185, %get3A_1184 : vector<16xf32>
      %get3A_1187 = arith.index_cast %add3A_1181 : i32 to index
      %get3A_1188 = tpu.vector_load %arg8[%get3A_1187] {strides = array<i32>} : memref<6272xf32, #tpu.memory_space<vmem>>, vector<16xf32>,
      %get3A_1189 = vector.shape_cast %get3A_1188 : vector<16xf32> to vector<16xf32>
      %add3A_1190 = vector.broadcast %convert_element_type3A_1054 : f32 to vector<16xf32>
      %add3A_1191 = arith.addf %add3A_1190, %get3A_1189 : vector<16xf32>
      %jit3A_1192 = arith.constant 2.240000e+02 : f32
      %rem3A_1193 = vector.broadcast %jit3A_1192 : f32 to vector<16xf32>
      %rem3A_1194 = arith.remf %add3A_1186, %rem3A_1193 : vector<16xf32>
      %ne3A_1195 = arith.constant 0.000000e+00 : f32
      %ne3A_1196 = vector.broadcast %ne3A_1195 : f32 to vector<16xf32>
      %ne3A_1197 = arith.cmpf one, %rem3A_1194, %ne3A_1196 : vector<16xf32>
      %lt3A_1198 = arith.constant 0.000000e+00 : f32
      %lt3A_1199 = vector.broadcast %lt3A_1198 : f32 to vector<16xf32>
      %lt3A_1200 = arith.cmpf olt, %rem3A_1194, %lt3A_1199 : vector<16xf32>
      %lt3A_1201 = arith.constant 0.000000e+00 : f32
      %lt3A_1202 = arith.cmpf olt, %jit3A_1192, %lt3A_1201 : f32
      %ne3A_1203 = vector.broadcast %lt3A_1202 : i1 to vector<16xi1>
      %ne3A_1204 = vector.broadcast %ne3A_1203 : vector<16xi1> to vector<16xi1>
      %ne3A_1205 = arith.xori %lt3A_1200, %ne3A_1204 : vector<16xi1>
      %and3A_1206 = arith.andi %ne3A_1205, %ne3A_1197 : vector<16xi1>
      %add3A_1207 = vector.broadcast %jit3A_1192 : f32 to vector<16xf32>
      %add3A_1208 = arith.addf %rem3A_1194, %add3A_1207 : vector<16xf32>
      %select_n3A_1209 = arith.select %and3A_1206, %add3A_1208, %rem3A_1194 : vector<16xi1>, vector<16xf32>
      %convert_element_type3A_1210 = arith.fptosi %select_n3A_1209 : vector<16xf32> to vector<16xi32>
      %min3A_1211 = arith.constant 223 : i32
      %min3A_1212 = vector.broadcast %min3A_1211 : i32 to vector<16xi32>
      %min3A_1213 = arith.minsi %convert_element_type3A_1210, %min3A_1212 : vector<16xi32>
      %jit3A_1214 = arith.constant 2.240000e+02 : f32
      %rem3A_1215 = vector.broadcast %jit3A_1214 : f32 to vector<16xf32>
      %rem3A_1216 = arith.remf %add3A_1191, %rem3A_1215 : vector<16xf32>
      %ne3A_1217 = arith.constant 0.000000e+00 : f32
      %ne3A_1218 = vector.broadcast %ne3A_1217 : f32 to vector<16xf32>
      %ne3A_1219 = arith.cmpf one, %rem3A_1216, %ne3A_1218 : vector<16xf32>
      %lt3A_1220 = arith.constant 0.000000e+00 : f32
      %lt3A_1221 = vector.broadcast %lt3A_1220 : f32 to vector<16xf32>
      %lt3A_1222 = arith.cmpf olt, %rem3A_1216, %lt3A_1221 : vector<16xf32>
      %lt3A_1223 = arith.constant 0.000000e+00 : f32
      %lt3A_1224 = arith.cmpf olt, %jit3A_1214, %lt3A_1223 : f32
      %ne3A_1225 = vector.broadcast %lt3A_1224 : i1 to vector<16xi1>
      %ne3A_1226 = vector.broadcast %ne3A_1225 : vector<16xi1> to vector<16xi1>
      %ne3A_1227 = arith.xori %lt3A_1222, %ne3A_1226 : vector<16xi1>
      %and3A_1228 = arith.andi %ne3A_1227, %ne3A_1219 : vector<16xi1>
      %add3A_1229 = vector.broadcast %jit3A_1214 : f32 to vector<16xf32>
      %add3A_1230 = arith.addf %rem3A_1216, %add3A_1229 : vector<16xf32>
      %select_n3A_1231 = arith.select %and3A_1228, %add3A_1230, %rem3A_1216 : vector<16xi1>, vector<16xf32>
      %convert_element_type3A_1232 = arith.fptosi %select_n3A_1231 : vector<16xf32> to vector<16xi32>
      %min3A_1233 = arith.constant 223 : i32
      %min3A_1234 = vector.broadcast %min3A_1233 : i32 to vector<16xi32>
      %min3A_1235 = arith.minsi %convert_element_type3A_1232, %min3A_1234 : vector<16xi32>
      %mul3A_1236 = arith.constant 224 : i32
      %mul3A_1237 = vector.broadcast %mul3A_1236 : i32 to vector<16xi32>
      %mul3A_1238 = arith.muli %min3A_1213, %mul3A_1237 : vector<16xi32>
      %add3A_1239 = arith.constant 150528 : i32
      %add3A_1240 = vector.broadcast %add3A_1239 : i32 to vector<16xi32>
      %add3A_1241 = arith.addi %add3A_1240, %mul3A_1238 : vector<16xi32>
      %add3A_1242 = arith.addi %add3A_1241, %min3A_1235 : vector<16xi32>
      %swap3A_1243 = arith.index_cast %add3A_1181 : i32 to index
      %swap3A_1244 = tpu.vector_load %arg10[%swap3A_1243] {strides = array<i32>} : memref<6272xi32, #tpu.memory_space<vmem>>, vector<16xi32>,
      %swap3A_1245 = vector.shape_cast %swap3A_1244 : vector<16xi32> to vector<16xi32>
      %swap3A_1246 = vector.shape_cast %add3A_1242 : vector<16xi32> to vector<16xi32>
      tpu.vector_store %arg10[%swap3A_1243], %swap3A_1246 {strides = array<i32>} : memref<6272xi32, #tpu.memory_space<vmem>>, vector<16xi32>,
      %add3A_1247 = arith.constant 48 : i32
      %add3A_1248 = arith.addi %mul3A_1052, %add3A_1247 : i32
      %get3A_1249 = arith.index_cast %add3A_1248 : i32 to index
      %get3A_1250 = tpu.vector_load %arg9[%get3A_1249] {strides = array<i32>} : memref<6272xf32, #tpu.memory_space<vmem>>, vector<16xf32>,
      %get3A_1251 = vector.shape_cast %get3A_1250 : vector<16xf32> to vector<16xf32>
      %add3A_1252 = vector.broadcast %convert_element_type3A : f32 to vector<16xf32>
      %add3A_1253 = arith.addf %add3A_1252, %get3A_1251 : vector<16xf32>
      %get3A_1254 = arith.index_cast %add3A_1248 : i32 to index
      %get3A_1255 = tpu.vector_load %arg8[%get3A_1254] {strides = array<i32>} : memref<6272xf32, #tpu.memory_space<vmem>>, vector<16xf32>,
      %get3A_1256 = vector.shape_cast %get3A_1255 : vector<16xf32> to vector<16xf32>
      %add3A_1257 = vector.broadcast %convert_element_type3A_1054 : f32 to vector<16xf32>
      %add3A_1258 = arith.addf %add3A_1257, %get3A_1256 : vector<16xf32>
      %jit3A_1259 = arith.constant 2.240000e+02 : f32
      %rem3A_1260 = vector.broadcast %jit3A_1259 : f32 to vector<16xf32>
      %rem3A_1261 = arith.remf %add3A_1253, %rem3A_1260 : vector<16xf32>
      %ne3A_1262 = arith.constant 0.000000e+00 : f32
      %ne3A_1263 = vector.broadcast %ne3A_1262 : f32 to vector<16xf32>
      %ne3A_1264 = arith.cmpf one, %rem3A_1261, %ne3A_1263 : vector<16xf32>
      %lt3A_1265 = arith.constant 0.000000e+00 : f32
      %lt3A_1266 = vector.broadcast %lt3A_1265 : f32 to vector<16xf32>
      %lt3A_1267 = arith.cmpf olt, %rem3A_1261, %lt3A_1266 : vector<16xf32>
      %lt3A_1268 = arith.constant 0.000000e+00 : f32
      %lt3A_1269 = arith.cmpf olt, %jit3A_1259, %lt3A_1268 : f32
      %ne3A_1270 = vector.broadcast %lt3A_1269 : i1 to vector<16xi1>
      %ne3A_1271 = vector.broadcast %ne3A_1270 : vector<16xi1> to vector<16xi1>
      %ne3A_1272 = arith.xori %lt3A_1267, %ne3A_1271 : vector<16xi1>
      %and3A_1273 = arith.andi %ne3A_1272, %ne3A_1264 : vector<16xi1>
      %add3A_1274 = vector.broadcast %jit3A_1259 : f32 to vector<16xf32>
      %add3A_1275 = arith.addf %rem3A_1261, %add3A_1274 : vector<16xf32>
      %select_n3A_1276 = arith.select %and3A_1273, %add3A_1275, %rem3A_1261 : vector<16xi1>, vector<16xf32>
      %convert_element_type3A_1277 = arith.fptosi %select_n3A_1276 : vector<16xf32> to vector<16xi32>
      %min3A_1278 = arith.constant 223 : i32
      %min3A_1279 = vector.broadcast %min3A_1278 : i32 to vector<16xi32>
      %min3A_1280 = arith.minsi %convert_element_type3A_1277, %min3A_1279 : vector<16xi32>
      %jit3A_1281 = arith.constant 2.240000e+02 : f32
      %rem3A_1282 = vector.broadcast %jit3A_1281 : f32 to vector<16xf32>
      %rem3A_1283 = arith.remf %add3A_1258, %rem3A_1282 : vector<16xf32>
      %ne3A_1284 = arith.constant 0.000000e+00 : f32
      %ne3A_1285 = vector.broadcast %ne3A_1284 : f32 to vector<16xf32>
      %ne3A_1286 = arith.cmpf one, %rem3A_1283, %ne3A_1285 : vector<16xf32>
      %lt3A_1287 = arith.constant 0.000000e+00 : f32
      %lt3A_1288 = vector.broadcast %lt3A_1287 : f32 to vector<16xf32>
      %lt3A_1289 = arith.cmpf olt, %rem3A_1283, %lt3A_1288 : vector<16xf32>
      %lt3A_1290 = arith.constant 0.000000e+00 : f32
      %lt3A_1291 = arith.cmpf olt, %jit3A_1281, %lt3A_1290 : f32
      %ne3A_1292 = vector.broadcast %lt3A_1291 : i1 to vector<16xi1>
      %ne3A_1293 = vector.broadcast %ne3A_1292 : vector<16xi1> to vector<16xi1>
      %ne3A_1294 = arith.xori %lt3A_1289, %ne3A_1293 : vector<16xi1>
      %and3A_1295 = arith.andi %ne3A_1294, %ne3A_1286 : vector<16xi1>
      %add3A_1296 = vector.broadcast %jit3A_1281 : f32 to vector<16xf32>
      %add3A_1297 = arith.addf %rem3A_1283, %add3A_1296 : vector<16xf32>
      %select_n3A_1298 = arith.select %and3A_1295, %add3A_1297, %rem3A_1283 : vector<16xi1>, vector<16xf32>
      %convert_element_type3A_1299 = arith.fptosi %select_n3A_1298 : vector<16xf32> to vector<16xi32>
      %min3A_1300 = arith.constant 223 : i32
      %min3A_1301 = vector.broadcast %min3A_1300 : i32 to vector<16xi32>
      %min3A_1302 = arith.minsi %convert_element_type3A_1299, %min3A_1301 : vector<16xi32>
      %mul3A_1303 = arith.constant 224 : i32
      %mul3A_1304 = vector.broadcast %mul3A_1303 : i32 to vector<16xi32>
      %mul3A_1305 = arith.muli %min3A_1280, %mul3A_1304 : vector<16xi32>
      %add3A_1306 = arith.constant 150528 : i32
      %add3A_1307 = vector.broadcast %add3A_1306 : i32 to vector<16xi32>
      %add3A_1308 = arith.addi %add3A_1307, %mul3A_1305 : vector<16xi32>
      %add3A_1309 = arith.addi %add3A_1308, %min3A_1302 : vector<16xi32>
      %swap3A_1310 = arith.index_cast %add3A_1248 : i32 to index
      %swap3A_1311 = tpu.vector_load %arg10[%swap3A_1310] {strides = array<i32>} : memref<6272xi32, #tpu.memory_space<vmem>>, vector<16xi32>,
      %swap3A_1312 = vector.shape_cast %swap3A_1311 : vector<16xi32> to vector<16xi32>
      %swap3A_1313 = vector.shape_cast %add3A_1309 : vector<16xi32> to vector<16xi32>
      tpu.vector_store %arg10[%swap3A_1310], %swap3A_1313 {strides = array<i32>} : memref<6272xi32, #tpu.memory_space<vmem>>, vector<16xi32>,
      %add3A_1314 = arith.constant 64 : i32
      %add3A_1315 = arith.addi %mul3A_1052, %add3A_1314 : i32
      %get3A_1316 = arith.index_cast %add3A_1315 : i32 to index
      %get3A_1317 = tpu.vector_load %arg9[%get3A_1316] {strides = array<i32>} : memref<6272xf32, #tpu.memory_space<vmem>>, vector<16xf32>,
      %get3A_1318 = vector.shape_cast %get3A_1317 : vector<16xf32> to vector<16xf32>
      %add3A_1319 = vector.broadcast %convert_element_type3A : f32 to vector<16xf32>
      %add3A_1320 = arith.addf %add3A_1319, %get3A_1318 : vector<16xf32>
      %get3A_1321 = arith.index_cast %add3A_1315 : i32 to index
      %get3A_1322 = tpu.vector_load %arg8[%get3A_1321] {strides = array<i32>} : memref<6272xf32, #tpu.memory_space<vmem>>, vector<16xf32>,
      %get3A_1323 = vector.shape_cast %get3A_1322 : vector<16xf32> to vector<16xf32>
      %add3A_1324 = vector.broadcast %convert_element_type3A_1054 : f32 to vector<16xf32>
      %add3A_1325 = arith.addf %add3A_1324, %get3A_1323 : vector<16xf32>
      %jit3A_1326 = arith.constant 2.240000e+02 : f32
      %rem3A_1327 = vector.broadcast %jit3A_1326 : f32 to vector<16xf32>
      %rem3A_1328 = arith.remf %add3A_1320, %rem3A_1327 : vector<16xf32>
      %ne3A_1329 = arith.constant 0.000000e+00 : f32
      %ne3A_1330 = vector.broadcast %ne3A_1329 : f32 to vector<16xf32>
      %ne3A_1331 = arith.cmpf one, %rem3A_1328, %ne3A_1330 : vector<16xf32>
      %lt3A_1332 = arith.constant 0.000000e+00 : f32
      %lt3A_1333 = vector.broadcast %lt3A_1332 : f32 to vector<16xf32>
      %lt3A_1334 = arith.cmpf olt, %rem3A_1328, %lt3A_1333 : vector<16xf32>
      %lt3A_1335 = arith.constant 0.000000e+00 : f32
      %lt3A_1336 = arith.cmpf olt, %jit3A_1326, %lt3A_1335 : f32
      %ne3A_1337 = vector.broadcast %lt3A_1336 : i1 to vector<16xi1>
      %ne3A_1338 = vector.broadcast %ne3A_1337 : vector<16xi1> to vector<16xi1>
      %ne3A_1339 = arith.xori %lt3A_1334, %ne3A_1338 : vector<16xi1>
      %and3A_1340 = arith.andi %ne3A_1339, %ne3A_1331 : vector<16xi1>
      %add3A_1341 = vector.broadcast %jit3A_1326 : f32 to vector<16xf32>
      %add3A_1342 = arith.addf %rem3A_1328, %add3A_1341 : vector<16xf32>
      %select_n3A_1343 = arith.select %and3A_1340, %add3A_1342, %rem3A_1328 : vector<16xi1>, vector<16xf32>
      %convert_element_type3A_1344 = arith.fptosi %select_n3A_1343 : vector<16xf32> to vector<16xi32>
      %min3A_1345 = arith.constant 223 : i32
      %min3A_1346 = vector.broadcast %min3A_1345 : i32 to vector<16xi32>
      %min3A_1347 = arith.minsi %convert_element_type3A_1344, %min3A_1346 : vector<16xi32>
      %jit3A_1348 = arith.constant 2.240000e+02 : f32
      %rem3A_1349 = vector.broadcast %jit3A_1348 : f32 to vector<16xf32>
      %rem3A_1350 = arith.remf %add3A_1325, %rem3A_1349 : vector<16xf32>
      %ne3A_1351 = arith.constant 0.000000e+00 : f32
      %ne3A_1352 = vector.broadcast %ne3A_1351 : f32 to vector<16xf32>
      %ne3A_1353 = arith.cmpf one, %rem3A_1350, %ne3A_1352 : vector<16xf32>
      %lt3A_1354 = arith.constant 0.000000e+00 : f32
      %lt3A_1355 = vector.broadcast %lt3A_1354 : f32 to vector<16xf32>
      %lt3A_1356 = arith.cmpf olt, %rem3A_1350, %lt3A_1355 : vector<16xf32>
      %lt3A_1357 = arith.constant 0.000000e+00 : f32
      %lt3A_1358 = arith.cmpf olt, %jit3A_1348, %lt3A_1357 : f32
      %ne3A_1359 = vector.broadcast %lt3A_1358 : i1 to vector<16xi1>
      %ne3A_1360 = vector.broadcast %ne3A_1359 : vector<16xi1> to vector<16xi1>
      %ne3A_1361 = arith.xori %lt3A_1356, %ne3A_1360 : vector<16xi1>
      %and3A_1362 = arith.andi %ne3A_1361, %ne3A_1353 : vector<16xi1>
      %add3A_1363 = vector.broadcast %jit3A_1348 : f32 to vector<16xf32>
      %add3A_1364 = arith.addf %rem3A_1350, %add3A_1363 : vector<16xf32>
      %select_n3A_1365 = arith.select %and3A_1362, %add3A_1364, %rem3A_1350 : vector<16xi1>, vector<16xf32>
      %convert_element_type3A_1366 = arith.fptosi %select_n3A_1365 : vector<16xf32> to vector<16xi32>
      %min3A_1367 = arith.constant 223 : i32
      %min3A_1368 = vector.broadcast %min3A_1367 : i32 to vector<16xi32>
      %min3A_1369 = arith.minsi %convert_element_type3A_1366, %min3A_1368 : vector<16xi32>
      %mul3A_1370 = arith.constant 224 : i32
      %mul3A_1371 = vector.broadcast %mul3A_1370 : i32 to vector<16xi32>
      %mul3A_1372 = arith.muli %min3A_1347, %mul3A_1371 : vector<16xi32>
      %add3A_1373 = arith.constant 150528 : i32
      %add3A_1374 = vector.broadcast %add3A_1373 : i32 to vector<16xi32>
      %add3A_1375 = arith.addi %add3A_1374, %mul3A_1372 : vector<16xi32>
      %add3A_1376 = arith.addi %add3A_1375, %min3A_1369 : vector<16xi32>
      %swap3A_1377 = arith.index_cast %add3A_1315 : i32 to index
      %swap3A_1378 = tpu.vector_load %arg10[%swap3A_1377] {strides = array<i32>} : memref<6272xi32, #tpu.memory_space<vmem>>, vector<16xi32>,
      %swap3A_1379 = vector.shape_cast %swap3A_1378 : vector<16xi32> to vector<16xi32>
      %swap3A_1380 = vector.shape_cast %add3A_1376 : vector<16xi32> to vector<16xi32>
      tpu.vector_store %arg10[%swap3A_1377], %swap3A_1380 {strides = array<i32>} : memref<6272xi32, #tpu.memory_space<vmem>>, vector<16xi32>,
      %add3A_1381 = arith.constant 80 : i32
      %add3A_1382 = arith.addi %mul3A_1052, %add3A_1381 : i32
      %get3A_1383 = arith.index_cast %add3A_1382 : i32 to index
      %get3A_1384 = tpu.vector_load %arg9[%get3A_1383] {strides = array<i32>} : memref<6272xf32, #tpu.memory_space<vmem>>, vector<16xf32>,
      %get3A_1385 = vector.shape_cast %get3A_1384 : vector<16xf32> to vector<16xf32>
      %add3A_1386 = vector.broadcast %convert_element_type3A : f32 to vector<16xf32>
      %add3A_1387 = arith.addf %add3A_1386, %get3A_1385 : vector<16xf32>
      %get3A_1388 = arith.index_cast %add3A_1382 : i32 to index
      %get3A_1389 = tpu.vector_load %arg8[%get3A_1388] {strides = array<i32>} : memref<6272xf32, #tpu.memory_space<vmem>>, vector<16xf32>,
      %get3A_1390 = vector.shape_cast %get3A_1389 : vector<16xf32> to vector<16xf32>
      %add3A_1391 = vector.broadcast %convert_element_type3A_1054 : f32 to vector<16xf32>
      %add3A_1392 = arith.addf %add3A_1391, %get3A_1390 : vector<16xf32>
      %jit3A_1393 = arith.constant 2.240000e+02 : f32
      %rem3A_1394 = vector.broadcast %jit3A_1393 : f32 to vector<16xf32>
      %rem3A_1395 = arith.remf %add3A_1387, %rem3A_1394 : vector<16xf32>
      %ne3A_1396 = arith.constant 0.000000e+00 : f32
      %ne3A_1397 = vector.broadcast %ne3A_1396 : f32 to vector<16xf32>
      %ne3A_1398 = arith.cmpf one, %rem3A_1395, %ne3A_1397 : vector<16xf32>
      %lt3A_1399 = arith.constant 0.000000e+00 : f32
      %lt3A_1400 = vector.broadcast %lt3A_1399 : f32 to vector<16xf32>
      %lt3A_1401 = arith.cmpf olt, %rem3A_1395, %lt3A_1400 : vector<16xf32>
      %lt3A_1402 = arith.constant 0.000000e+00 : f32
      %lt3A_1403 = arith.cmpf olt, %jit3A_1393, %lt3A_1402 : f32
      %ne3A_1404 = vector.broadcast %lt3A_1403 : i1 to vector<16xi1>
      %ne3A_1405 = vector.broadcast %ne3A_1404 : vector<16xi1> to vector<16xi1>
      %ne3A_1406 = arith.xori %lt3A_1401, %ne3A_1405 : vector<16xi1>
      %and3A_1407 = arith.andi %ne3A_1406, %ne3A_1398 : vector<16xi1>
      %add3A_1408 = vector.broadcast %jit3A_1393 : f32 to vector<16xf32>
      %add3A_1409 = arith.addf %rem3A_1395, %add3A_1408 : vector<16xf32>
      %select_n3A_1410 = arith.select %and3A_1407, %add3A_1409, %rem3A_1395 : vector<16xi1>, vector<16xf32>
      %convert_element_type3A_1411 = arith.fptosi %select_n3A_1410 : vector<16xf32> to vector<16xi32>
      %min3A_1412 = arith.constant 223 : i32
      %min3A_1413 = vector.broadcast %min3A_1412 : i32 to vector<16xi32>
      %min3A_1414 = arith.minsi %convert_element_type3A_1411, %min3A_1413 : vector<16xi32>
      %jit3A_1415 = arith.constant 2.240000e+02 : f32
      %rem3A_1416 = vector.broadcast %jit3A_1415 : f32 to vector<16xf32>
      %rem3A_1417 = arith.remf %add3A_1392, %rem3A_1416 : vector<16xf32>
      %ne3A_1418 = arith.constant 0.000000e+00 : f32
      %ne3A_1419 = vector.broadcast %ne3A_1418 : f32 to vector<16xf32>
      %ne3A_1420 = arith.cmpf one, %rem3A_1417, %ne3A_1419 : vector<16xf32>
      %lt3A_1421 = arith.constant 0.000000e+00 : f32
      %lt3A_1422 = vector.broadcast %lt3A_1421 : f32 to vector<16xf32>
      %lt3A_1423 = arith.cmpf olt, %rem3A_1417, %lt3A_1422 : vector<16xf32>
      %lt3A_1424 = arith.constant 0.000000e+00 : f32
      %lt3A_1425 = arith.cmpf olt, %jit3A_1415, %lt3A_1424 : f32
      %ne3A_1426 = vector.broadcast %lt3A_1425 : i1 to vector<16xi1>
      %ne3A_1427 = vector.broadcast %ne3A_1426 : vector<16xi1> to vector<16xi1>
      %ne3A_1428 = arith.xori %lt3A_1423, %ne3A_1427 : vector<16xi1>
      %and3A_1429 = arith.andi %ne3A_1428, %ne3A_1420 : vector<16xi1>
      %add3A_1430 = vector.broadcast %jit3A_1415 : f32 to vector<16xf32>
      %add3A_1431 = arith.addf %rem3A_1417, %add3A_1430 : vector<16xf32>
      %select_n3A_1432 = arith.select %and3A_1429, %add3A_1431, %rem3A_1417 : vector<16xi1>, vector<16xf32>
      %convert_element_type3A_1433 = arith.fptosi %select_n3A_1432 : vector<16xf32> to vector<16xi32>
      %min3A_1434 = arith.constant 223 : i32
      %min3A_1435 = vector.broadcast %min3A_1434 : i32 to vector<16xi32>
      %min3A_1436 = arith.minsi %convert_element_type3A_1433, %min3A_1435 : vector<16xi32>
      %mul3A_1437 = arith.constant 224 : i32
      %mul3A_1438 = vector.broadcast %mul3A_1437 : i32 to vector<16xi32>
      %mul3A_1439 = arith.muli %min3A_1414, %mul3A_1438 : vector<16xi32>
      %add3A_1440 = arith.constant 150528 : i32
      %add3A_1441 = vector.broadcast %add3A_1440 : i32 to vector<16xi32>
      %add3A_1442 = arith.addi %add3A_1441, %mul3A_1439 : vector<16xi32>
      %add3A_1443 = arith.addi %add3A_1442, %min3A_1436 : vector<16xi32>
      %swap3A_1444 = arith.index_cast %add3A_1382 : i32 to index
      %swap3A_1445 = tpu.vector_load %arg10[%swap3A_1444] {strides = array<i32>} : memref<6272xi32, #tpu.memory_space<vmem>>, vector<16xi32>,
      %swap3A_1446 = vector.shape_cast %swap3A_1445 : vector<16xi32> to vector<16xi32>
      %swap3A_1447 = vector.shape_cast %add3A_1443 : vector<16xi32> to vector<16xi32>
      tpu.vector_store %arg10[%swap3A_1444], %swap3A_1447 {strides = array<i32>} : memref<6272xi32, #tpu.memory_space<vmem>>, vector<16xi32>,
      %add3A_1448 = arith.constant 96 : i32
      %add3A_1449 = arith.addi %mul3A_1052, %add3A_1448 : i32
      %get3A_1450 = arith.index_cast %add3A_1449 : i32 to index
      %get3A_1451 = tpu.vector_load %arg9[%get3A_1450] {strides = array<i32>} : memref<6272xf32, #tpu.memory_space<vmem>>, vector<16xf32>,
      %get3A_1452 = vector.shape_cast %get3A_1451 : vector<16xf32> to vector<16xf32>
      %add3A_1453 = vector.broadcast %convert_element_type3A : f32 to vector<16xf32>
      %add3A_1454 = arith.addf %add3A_1453, %get3A_1452 : vector<16xf32>
      %get3A_1455 = arith.index_cast %add3A_1449 : i32 to index
      %get3A_1456 = tpu.vector_load %arg8[%get3A_1455] {strides = array<i32>} : memref<6272xf32, #tpu.memory_space<vmem>>, vector<16xf32>,
      %get3A_1457 = vector.shape_cast %get3A_1456 : vector<16xf32> to vector<16xf32>
      %add3A_1458 = vector.broadcast %convert_element_type3A_1054 : f32 to vector<16xf32>
      %add3A_1459 = arith.addf %add3A_1458, %get3A_1457 : vector<16xf32>
      %jit3A_1460 = arith.constant 2.240000e+02 : f32
      %rem3A_1461 = vector.broadcast %jit3A_1460 : f32 to vector<16xf32>
      %rem3A_1462 = arith.remf %add3A_1454, %rem3A_1461 : vector<16xf32>
      %ne3A_1463 = arith.constant 0.000000e+00 : f32
      %ne3A_1464 = vector.broadcast %ne3A_1463 : f32 to vector<16xf32>
      %ne3A_1465 = arith.cmpf one, %rem3A_1462, %ne3A_1464 : vector<16xf32>
      %lt3A_1466 = arith.constant 0.000000e+00 : f32
      %lt3A_1467 = vector.broadcast %lt3A_1466 : f32 to vector<16xf32>
      %lt3A_1468 = arith.cmpf olt, %rem3A_1462, %lt3A_1467 : vector<16xf32>
      %lt3A_1469 = arith.constant 0.000000e+00 : f32
      %lt3A_1470 = arith.cmpf olt, %jit3A_1460, %lt3A_1469 : f32
      %ne3A_1471 = vector.broadcast %lt3A_1470 : i1 to vector<16xi1>
      %ne3A_1472 = vector.broadcast %ne3A_1471 : vector<16xi1> to vector<16xi1>
      %ne3A_1473 = arith.xori %lt3A_1468, %ne3A_1472 : vector<16xi1>
      %and3A_1474 = arith.andi %ne3A_1473, %ne3A_1465 : vector<16xi1>
      %add3A_1475 = vector.broadcast %jit3A_1460 : f32 to vector<16xf32>
      %add3A_1476 = arith.addf %rem3A_1462, %add3A_1475 : vector<16xf32>
      %select_n3A_1477 = arith.select %and3A_1474, %add3A_1476, %rem3A_1462 : vector<16xi1>, vector<16xf32>
      %convert_element_type3A_1478 = arith.fptosi %select_n3A_1477 : vector<16xf32> to vector<16xi32>
      %min3A_1479 = arith.constant 223 : i32
      %min3A_1480 = vector.broadcast %min3A_1479 : i32 to vector<16xi32>
      %min3A_1481 = arith.minsi %convert_element_type3A_1478, %min3A_1480 : vector<16xi32>
      %jit3A_1482 = arith.constant 2.240000e+02 : f32
      %rem3A_1483 = vector.broadcast %jit3A_1482 : f32 to vector<16xf32>
      %rem3A_1484 = arith.remf %add3A_1459, %rem3A_1483 : vector<16xf32>
      %ne3A_1485 = arith.constant 0.000000e+00 : f32
      %ne3A_1486 = vector.broadcast %ne3A_1485 : f32 to vector<16xf32>
      %ne3A_1487 = arith.cmpf one, %rem3A_1484, %ne3A_1486 : vector<16xf32>
      %lt3A_1488 = arith.constant 0.000000e+00 : f32
      %lt3A_1489 = vector.broadcast %lt3A_1488 : f32 to vector<16xf32>
      %lt3A_1490 = arith.cmpf olt, %rem3A_1484, %lt3A_1489 : vector<16xf32>
      %lt3A_1491 = arith.constant 0.000000e+00 : f32
      %lt3A_1492 = arith.cmpf olt, %jit3A_1482, %lt3A_1491 : f32
      %ne3A_1493 = vector.broadcast %lt3A_1492 : i1 to vector<16xi1>
      %ne3A_1494 = vector.broadcast %ne3A_1493 : vector<16xi1> to vector<16xi1>
      %ne3A_1495 = arith.xori %lt3A_1490, %ne3A_1494 : vector<16xi1>
      %and3A_1496 = arith.andi %ne3A_1495, %ne3A_1487 : vector<16xi1>
      %add3A_1497 = vector.broadcast %jit3A_1482 : f32 to vector<16xf32>
      %add3A_1498 = arith.addf %rem3A_1484, %add3A_1497 : vector<16xf32>
      %select_n3A_1499 = arith.select %and3A_1496, %add3A_1498, %rem3A_1484 : vector<16xi1>, vector<16xf32>
      %convert_element_type3A_1500 = arith.fptosi %select_n3A_1499 : vector<16xf32> to vector<16xi32>
      %min3A_1501 = arith.constant 223 : i32
      %min3A_1502 = vector.broadcast %min3A_1501 : i32 to vector<16xi32>
      %min3A_1503 = arith.minsi %convert_element_type3A_1500, %min3A_1502 : vector<16xi32>
      %mul3A_1504 = arith.constant 224 : i32
      %mul3A_1505 = vector.broadcast %mul3A_1504 : i32 to vector<16xi32>
      %mul3A_1506 = arith.muli %min3A_1481, %mul3A_1505 : vector<16xi32>
      %add3A_1507 = arith.constant 150528 : i32
      %add3A_1508 = vector.broadcast %add3A_1507 : i32 to vector<16xi32>
      %add3A_1509 = arith.addi %add3A_1508, %mul3A_1506 : vector<16xi32>
      %add3A_1510 = arith.addi %add3A_1509, %min3A_1503 : vector<16xi32>
      %swap3A_1511 = arith.index_cast %add3A_1449 : i32 to index
      %swap3A_1512 = tpu.vector_load %arg10[%swap3A_1511] {strides = array<i32>} : memref<6272xi32, #tpu.memory_space<vmem>>, vector<16xi32>,
      %swap3A_1513 = vector.shape_cast %swap3A_1512 : vector<16xi32> to vector<16xi32>
      %swap3A_1514 = vector.shape_cast %add3A_1510 : vector<16xi32> to vector<16xi32>
      tpu.vector_store %arg10[%swap3A_1511], %swap3A_1514 {strides = array<i32>} : memref<6272xi32, #tpu.memory_space<vmem>>, vector<16xi32>,
      %add3A_1515 = arith.constant 112 : i32
      %add3A_1516 = arith.addi %mul3A_1052, %add3A_1515 : i32
      %get3A_1517 = arith.index_cast %add3A_1516 : i32 to index
      %get3A_1518 = tpu.vector_load %arg9[%get3A_1517] {strides = array<i32>} : memref<6272xf32, #tpu.memory_space<vmem>>, vector<16xf32>,
      %get3A_1519 = vector.shape_cast %get3A_1518 : vector<16xf32> to vector<16xf32>
      %add3A_1520 = vector.broadcast %convert_element_type3A : f32 to vector<16xf32>
      %add3A_1521 = arith.addf %add3A_1520, %get3A_1519 : vector<16xf32>
      %get3A_1522 = arith.index_cast %add3A_1516 : i32 to index
      %get3A_1523 = tpu.vector_load %arg8[%get3A_1522] {strides = array<i32>} : memref<6272xf32, #tpu.memory_space<vmem>>, vector<16xf32>,
      %get3A_1524 = vector.shape_cast %get3A_1523 : vector<16xf32> to vector<16xf32>
      %add3A_1525 = vector.broadcast %convert_element_type3A_1054 : f32 to vector<16xf32>
      %add3A_1526 = arith.addf %add3A_1525, %get3A_1524 : vector<16xf32>
      %jit3A_1527 = arith.constant 2.240000e+02 : f32
      %rem3A_1528 = vector.broadcast %jit3A_1527 : f32 to vector<16xf32>
      %rem3A_1529 = arith.remf %add3A_1521, %rem3A_1528 : vector<16xf32>
      %ne3A_1530 = arith.constant 0.000000e+00 : f32
      %ne3A_1531 = vector.broadcast %ne3A_1530 : f32 to vector<16xf32>
      %ne3A_1532 = arith.cmpf one, %rem3A_1529, %ne3A_1531 : vector<16xf32>
      %lt3A_1533 = arith.constant 0.000000e+00 : f32
      %lt3A_1534 = vector.broadcast %lt3A_1533 : f32 to vector<16xf32>
      %lt3A_1535 = arith.cmpf olt, %rem3A_1529, %lt3A_1534 : vector<16xf32>
      %lt3A_1536 = arith.constant 0.000000e+00 : f32
      %lt3A_1537 = arith.cmpf olt, %jit3A_1527, %lt3A_1536 : f32
      %ne3A_1538 = vector.broadcast %lt3A_1537 : i1 to vector<16xi1>
      %ne3A_1539 = vector.broadcast %ne3A_1538 : vector<16xi1> to vector<16xi1>
      %ne3A_1540 = arith.xori %lt3A_1535, %ne3A_1539 : vector<16xi1>
      %and3A_1541 = arith.andi %ne3A_1540, %ne3A_1532 : vector<16xi1>
      %add3A_1542 = vector.broadcast %jit3A_1527 : f32 to vector<16xf32>
      %add3A_1543 = arith.addf %rem3A_1529, %add3A_1542 : vector<16xf32>
      %select_n3A_1544 = arith.select %and3A_1541, %add3A_1543, %rem3A_1529 : vector<16xi1>, vector<16xf32>
      %convert_element_type3A_1545 = arith.fptosi %select_n3A_1544 : vector<16xf32> to vector<16xi32>
      %min3A_1546 = arith.constant 223 : i32
      %min3A_1547 = vector.broadcast %min3A_1546 : i32 to vector<16xi32>
      %min3A_1548 = arith.minsi %convert_element_type3A_1545, %min3A_1547 : vector<16xi32>
      %jit3A_1549 = arith.constant 2.240000e+02 : f32
      %rem3A_1550 = vector.broadcast %jit3A_1549 : f32 to vector<16xf32>
      %rem3A_1551 = arith.remf %add3A_1526, %rem3A_1550 : vector<16xf32>
      %ne3A_1552 = arith.constant 0.000000e+00 : f32
      %ne3A_1553 = vector.broadcast %ne3A_1552 : f32 to vector<16xf32>
      %ne3A_1554 = arith.cmpf one, %rem3A_1551, %ne3A_1553 : vector<16xf32>
      %lt3A_1555 = arith.constant 0.000000e+00 : f32
      %lt3A_1556 = vector.broadcast %lt3A_1555 : f32 to vector<16xf32>
      %lt3A_1557 = arith.cmpf olt, %rem3A_1551, %lt3A_1556 : vector<16xf32>
      %lt3A_1558 = arith.constant 0.000000e+00 : f32
      %lt3A_1559 = arith.cmpf olt, %jit3A_1549, %lt3A_1558 : f32
      %ne3A_1560 = vector.broadcast %lt3A_1559 : i1 to vector<16xi1>
      %ne3A_1561 = vector.broadcast %ne3A_1560 : vector<16xi1> to vector<16xi1>
      %ne3A_1562 = arith.xori %lt3A_1557, %ne3A_1561 : vector<16xi1>
      %and3A_1563 = arith.andi %ne3A_1562, %ne3A_1554 : vector<16xi1>
      %add3A_1564 = vector.broadcast %jit3A_1549 : f32 to vector<16xf32>
      %add3A_1565 = arith.addf %rem3A_1551, %add3A_1564 : vector<16xf32>
      %select_n3A_1566 = arith.select %and3A_1563, %add3A_1565, %rem3A_1551 : vector<16xi1>, vector<16xf32>
      %convert_element_type3A_1567 = arith.fptosi %select_n3A_1566 : vector<16xf32> to vector<16xi32>
      %min3A_1568 = arith.constant 223 : i32
      %min3A_1569 = vector.broadcast %min3A_1568 : i32 to vector<16xi32>
      %min3A_1570 = arith.minsi %convert_element_type3A_1567, %min3A_1569 : vector<16xi32>
      %mul3A_1571 = arith.constant 224 : i32
      %mul3A_1572 = vector.broadcast %mul3A_1571 : i32 to vector<16xi32>
      %mul3A_1573 = arith.muli %min3A_1548, %mul3A_1572 : vector<16xi32>
      %add3A_1574 = arith.constant 150528 : i32
      %add3A_1575 = vector.broadcast %add3A_1574 : i32 to vector<16xi32>
      %add3A_1576 = arith.addi %add3A_1575, %mul3A_1573 : vector<16xi32>
      %add3A_1577 = arith.addi %add3A_1576, %min3A_1570 : vector<16xi32>
      %swap3A_1578 = arith.index_cast %add3A_1516 : i32 to index
      %swap3A_1579 = tpu.vector_load %arg10[%swap3A_1578] {strides = array<i32>} : memref<6272xi32, #tpu.memory_space<vmem>>, vector<16xi32>,
      %swap3A_1580 = vector.shape_cast %swap3A_1579 : vector<16xi32> to vector<16xi32>
      %swap3A_1581 = vector.shape_cast %add3A_1577 : vector<16xi32> to vector<16xi32>
      tpu.vector_store %arg10[%swap3A_1578], %swap3A_1581 {strides = array<i32>} : memref<6272xi32, #tpu.memory_space<vmem>>, vector<16xi32>,
      %add3A_1582 = arith.constant 128 : i32
      %add3A_1583 = arith.addi %mul3A_1052, %add3A_1582 : i32
      %get3A_1584 = arith.index_cast %add3A_1583 : i32 to index
      %get3A_1585 = tpu.vector_load %arg9[%get3A_1584] {strides = array<i32>} : memref<6272xf32, #tpu.memory_space<vmem>>, vector<16xf32>,
      %get3A_1586 = vector.shape_cast %get3A_1585 : vector<16xf32> to vector<16xf32>
      %add3A_1587 = vector.broadcast %convert_element_type3A : f32 to vector<16xf32>
      %add3A_1588 = arith.addf %add3A_1587, %get3A_1586 : vector<16xf32>
      %get3A_1589 = arith.index_cast %add3A_1583 : i32 to index
      %get3A_1590 = tpu.vector_load %arg8[%get3A_1589] {strides = array<i32>} : memref<6272xf32, #tpu.memory_space<vmem>>, vector<16xf32>,
      %get3A_1591 = vector.shape_cast %get3A_1590 : vector<16xf32> to vector<16xf32>
      %add3A_1592 = vector.broadcast %convert_element_type3A_1054 : f32 to vector<16xf32>
      %add3A_1593 = arith.addf %add3A_1592, %get3A_1591 : vector<16xf32>
      %jit3A_1594 = arith.constant 2.240000e+02 : f32
      %rem3A_1595 = vector.broadcast %jit3A_1594 : f32 to vector<16xf32>
      %rem3A_1596 = arith.remf %add3A_1588, %rem3A_1595 : vector<16xf32>
      %ne3A_1597 = arith.constant 0.000000e+00 : f32
      %ne3A_1598 = vector.broadcast %ne3A_1597 : f32 to vector<16xf32>
      %ne3A_1599 = arith.cmpf one, %rem3A_1596, %ne3A_1598 : vector<16xf32>
      %lt3A_1600 = arith.constant 0.000000e+00 : f32
      %lt3A_1601 = vector.broadcast %lt3A_1600 : f32 to vector<16xf32>
      %lt3A_1602 = arith.cmpf olt, %rem3A_1596, %lt3A_1601 : vector<16xf32>
      %lt3A_1603 = arith.constant 0.000000e+00 : f32
      %lt3A_1604 = arith.cmpf olt, %jit3A_1594, %lt3A_1603 : f32
      %ne3A_1605 = vector.broadcast %lt3A_1604 : i1 to vector<16xi1>
      %ne3A_1606 = vector.broadcast %ne3A_1605 : vector<16xi1> to vector<16xi1>
      %ne3A_1607 = arith.xori %lt3A_1602, %ne3A_1606 : vector<16xi1>
      %and3A_1608 = arith.andi %ne3A_1607, %ne3A_1599 : vector<16xi1>
      %add3A_1609 = vector.broadcast %jit3A_1594 : f32 to vector<16xf32>
      %add3A_1610 = arith.addf %rem3A_1596, %add3A_1609 : vector<16xf32>
      %select_n3A_1611 = arith.select %and3A_1608, %add3A_1610, %rem3A_1596 : vector<16xi1>, vector<16xf32>
      %convert_element_type3A_1612 = arith.fptosi %select_n3A_1611 : vector<16xf32> to vector<16xi32>
      %min3A_1613 = arith.constant 223 : i32
      %min3A_1614 = vector.broadcast %min3A_1613 : i32 to vector<16xi32>
      %min3A_1615 = arith.minsi %convert_element_type3A_1612, %min3A_1614 : vector<16xi32>
      %jit3A_1616 = arith.constant 2.240000e+02 : f32
      %rem3A_1617 = vector.broadcast %jit3A_1616 : f32 to vector<16xf32>
      %rem3A_1618 = arith.remf %add3A_1593, %rem3A_1617 : vector<16xf32>
      %ne3A_1619 = arith.constant 0.000000e+00 : f32
      %ne3A_1620 = vector.broadcast %ne3A_1619 : f32 to vector<16xf32>
      %ne3A_1621 = arith.cmpf one, %rem3A_1618, %ne3A_1620 : vector<16xf32>
      %lt3A_1622 = arith.constant 0.000000e+00 : f32
      %lt3A_1623 = vector.broadcast %lt3A_1622 : f32 to vector<16xf32>
      %lt3A_1624 = arith.cmpf olt, %rem3A_1618, %lt3A_1623 : vector<16xf32>
      %lt3A_1625 = arith.constant 0.000000e+00 : f32
      %lt3A_1626 = arith.cmpf olt, %jit3A_1616, %lt3A_1625 : f32
      %ne3A_1627 = vector.broadcast %lt3A_1626 : i1 to vector<16xi1>
      %ne3A_1628 = vector.broadcast %ne3A_1627 : vector<16xi1> to vector<16xi1>
      %ne3A_1629 = arith.xori %lt3A_1624, %ne3A_1628 : vector<16xi1>
      %and3A_1630 = arith.andi %ne3A_1629, %ne3A_1621 : vector<16xi1>
      %add3A_1631 = vector.broadcast %jit3A_1616 : f32 to vector<16xf32>
      %add3A_1632 = arith.addf %rem3A_1618, %add3A_1631 : vector<16xf32>
      %select_n3A_1633 = arith.select %and3A_1630, %add3A_1632, %rem3A_1618 : vector<16xi1>, vector<16xf32>
      %convert_element_type3A_1634 = arith.fptosi %select_n3A_1633 : vector<16xf32> to vector<16xi32>
      %min3A_1635 = arith.constant 223 : i32
      %min3A_1636 = vector.broadcast %min3A_1635 : i32 to vector<16xi32>
      %min3A_1637 = arith.minsi %convert_element_type3A_1634, %min3A_1636 : vector<16xi32>
      %mul3A_1638 = arith.constant 224 : i32
      %mul3A_1639 = vector.broadcast %mul3A_1638 : i32 to vector<16xi32>
      %mul3A_1640 = arith.muli %min3A_1615, %mul3A_1639 : vector<16xi32>
      %add3A_1641 = arith.constant 150528 : i32
      %add3A_1642 = vector.broadcast %add3A_1641 : i32 to vector<16xi32>
      %add3A_1643 = arith.addi %add3A_1642, %mul3A_1640 : vector<16xi32>
      %add3A_1644 = arith.addi %add3A_1643, %min3A_1637 : vector<16xi32>
      %swap3A_1645 = arith.index_cast %add3A_1583 : i32 to index
      %swap3A_1646 = tpu.vector_load %arg10[%swap3A_1645] {strides = array<i32>} : memref<6272xi32, #tpu.memory_space<vmem>>, vector<16xi32>,
      %swap3A_1647 = vector.shape_cast %swap3A_1646 : vector<16xi32> to vector<16xi32>
      %swap3A_1648 = vector.shape_cast %add3A_1644 : vector<16xi32> to vector<16xi32>
      tpu.vector_store %arg10[%swap3A_1645], %swap3A_1648 {strides = array<i32>} : memref<6272xi32, #tpu.memory_space<vmem>>, vector<16xi32>,
      %add3A_1649 = arith.constant 144 : i32
      %add3A_1650 = arith.addi %mul3A_1052, %add3A_1649 : i32
      %get3A_1651 = arith.index_cast %add3A_1650 : i32 to index
      %get3A_1652 = tpu.vector_load %arg9[%get3A_1651] {strides = array<i32>} : memref<6272xf32, #tpu.memory_space<vmem>>, vector<16xf32>,
      %get3A_1653 = vector.shape_cast %get3A_1652 : vector<16xf32> to vector<16xf32>
      %add3A_1654 = vector.broadcast %convert_element_type3A : f32 to vector<16xf32>
      %add3A_1655 = arith.addf %add3A_1654, %get3A_1653 : vector<16xf32>
      %get3A_1656 = arith.index_cast %add3A_1650 : i32 to index
      %get3A_1657 = tpu.vector_load %arg8[%get3A_1656] {strides = array<i32>} : memref<6272xf32, #tpu.memory_space<vmem>>, vector<16xf32>,
      %get3A_1658 = vector.shape_cast %get3A_1657 : vector<16xf32> to vector<16xf32>
      %add3A_1659 = vector.broadcast %convert_element_type3A_1054 : f32 to vector<16xf32>
      %add3A_1660 = arith.addf %add3A_1659, %get3A_1658 : vector<16xf32>
      %jit3A_1661 = arith.constant 2.240000e+02 : f32
      %rem3A_1662 = vector.broadcast %jit3A_1661 : f32 to vector<16xf32>
      %rem3A_1663 = arith.remf %add3A_1655, %rem3A_1662 : vector<16xf32>
      %ne3A_1664 = arith.constant 0.000000e+00 : f32
      %ne3A_1665 = vector.broadcast %ne3A_1664 : f32 to vector<16xf32>
      %ne3A_1666 = arith.cmpf one, %rem3A_1663, %ne3A_1665 : vector<16xf32>
      %lt3A_1667 = arith.constant 0.000000e+00 : f32
      %lt3A_1668 = vector.broadcast %lt3A_1667 : f32 to vector<16xf32>
      %lt3A_1669 = arith.cmpf olt, %rem3A_1663, %lt3A_1668 : vector<16xf32>
      %lt3A_1670 = arith.constant 0.000000e+00 : f32
      %lt3A_1671 = arith.cmpf olt, %jit3A_1661, %lt3A_1670 : f32
      %ne3A_1672 = vector.broadcast %lt3A_1671 : i1 to vector<16xi1>
      %ne3A_1673 = vector.broadcast %ne3A_1672 : vector<16xi1> to vector<16xi1>
      %ne3A_1674 = arith.xori %lt3A_1669, %ne3A_1673 : vector<16xi1>
      %and3A_1675 = arith.andi %ne3A_1674, %ne3A_1666 : vector<16xi1>
      %add3A_1676 = vector.broadcast %jit3A_1661 : f32 to vector<16xf32>
      %add3A_1677 = arith.addf %rem3A_1663, %add3A_1676 : vector<16xf32>
      %select_n3A_1678 = arith.select %and3A_1675, %add3A_1677, %rem3A_1663 : vector<16xi1>, vector<16xf32>
      %convert_element_type3A_1679 = arith.fptosi %select_n3A_1678 : vector<16xf32> to vector<16xi32>
      %min3A_1680 = arith.constant 223 : i32
      %min3A_1681 = vector.broadcast %min3A_1680 : i32 to vector<16xi32>
      %min3A_1682 = arith.minsi %convert_element_type3A_1679, %min3A_1681 : vector<16xi32>
      %jit3A_1683 = arith.constant 2.240000e+02 : f32
      %rem3A_1684 = vector.broadcast %jit3A_1683 : f32 to vector<16xf32>
      %rem3A_1685 = arith.remf %add3A_1660, %rem3A_1684 : vector<16xf32>
      %ne3A_1686 = arith.constant 0.000000e+00 : f32
      %ne3A_1687 = vector.broadcast %ne3A_1686 : f32 to vector<16xf32>
      %ne3A_1688 = arith.cmpf one, %rem3A_1685, %ne3A_1687 : vector<16xf32>
      %lt3A_1689 = arith.constant 0.000000e+00 : f32
      %lt3A_1690 = vector.broadcast %lt3A_1689 : f32 to vector<16xf32>
      %lt3A_1691 = arith.cmpf olt, %rem3A_1685, %lt3A_1690 : vector<16xf32>
      %lt3A_1692 = arith.constant 0.000000e+00 : f32
      %lt3A_1693 = arith.cmpf olt, %jit3A_1683, %lt3A_1692 : f32
      %ne3A_1694 = vector.broadcast %lt3A_1693 : i1 to vector<16xi1>
      %ne3A_1695 = vector.broadcast %ne3A_1694 : vector<16xi1> to vector<16xi1>
      %ne3A_1696 = arith.xori %lt3A_1691, %ne3A_1695 : vector<16xi1>
      %and3A_1697 = arith.andi %ne3A_1696, %ne3A_1688 : vector<16xi1>
      %add3A_1698 = vector.broadcast %jit3A_1683 : f32 to vector<16xf32>
      %add3A_1699 = arith.addf %rem3A_1685, %add3A_1698 : vector<16xf32>
      %select_n3A_1700 = arith.select %and3A_1697, %add3A_1699, %rem3A_1685 : vector<16xi1>, vector<16xf32>
      %convert_element_type3A_1701 = arith.fptosi %select_n3A_1700 : vector<16xf32> to vector<16xi32>
      %min3A_1702 = arith.constant 223 : i32
      %min3A_1703 = vector.broadcast %min3A_1702 : i32 to vector<16xi32>
      %min3A_1704 = arith.minsi %convert_element_type3A_1701, %min3A_1703 : vector<16xi32>
      %mul3A_1705 = arith.constant 224 : i32
      %mul3A_1706 = vector.broadcast %mul3A_1705 : i32 to vector<16xi32>
      %mul3A_1707 = arith.muli %min3A_1682, %mul3A_1706 : vector<16xi32>
      %add3A_1708 = arith.constant 150528 : i32
      %add3A_1709 = vector.broadcast %add3A_1708 : i32 to vector<16xi32>
      %add3A_1710 = arith.addi %add3A_1709, %mul3A_1707 : vector<16xi32>
      %add3A_1711 = arith.addi %add3A_1710, %min3A_1704 : vector<16xi32>
      %swap3A_1712 = arith.index_cast %add3A_1650 : i32 to index
      %swap3A_1713 = tpu.vector_load %arg10[%swap3A_1712] {strides = array<i32>} : memref<6272xi32, #tpu.memory_space<vmem>>, vector<16xi32>,
      %swap3A_1714 = vector.shape_cast %swap3A_1713 : vector<16xi32> to vector<16xi32>
      %swap3A_1715 = vector.shape_cast %add3A_1711 : vector<16xi32> to vector<16xi32>
      tpu.vector_store %arg10[%swap3A_1712], %swap3A_1715 {strides = array<i32>} : memref<6272xi32, #tpu.memory_space<vmem>>, vector<16xi32>,
      %add3A_1716 = arith.constant 160 : i32
      %add3A_1717 = arith.addi %mul3A_1052, %add3A_1716 : i32
      %get3A_1718 = arith.index_cast %add3A_1717 : i32 to index
      %get3A_1719 = tpu.vector_load %arg9[%get3A_1718] {strides = array<i32>} : memref<6272xf32, #tpu.memory_space<vmem>>, vector<16xf32>,
      %get3A_1720 = vector.shape_cast %get3A_1719 : vector<16xf32> to vector<16xf32>
      %add3A_1721 = vector.broadcast %convert_element_type3A : f32 to vector<16xf32>
      %add3A_1722 = arith.addf %add3A_1721, %get3A_1720 : vector<16xf32>
      %get3A_1723 = arith.index_cast %add3A_1717 : i32 to index
      %get3A_1724 = tpu.vector_load %arg8[%get3A_1723] {strides = array<i32>} : memref<6272xf32, #tpu.memory_space<vmem>>, vector<16xf32>,
      %get3A_1725 = vector.shape_cast %get3A_1724 : vector<16xf32> to vector<16xf32>
      %add3A_1726 = vector.broadcast %convert_element_type3A_1054 : f32 to vector<16xf32>
      %add3A_1727 = arith.addf %add3A_1726, %get3A_1725 : vector<16xf32>
      %jit3A_1728 = arith.constant 2.240000e+02 : f32
      %rem3A_1729 = vector.broadcast %jit3A_1728 : f32 to vector<16xf32>
      %rem3A_1730 = arith.remf %add3A_1722, %rem3A_1729 : vector<16xf32>
      %ne3A_1731 = arith.constant 0.000000e+00 : f32
      %ne3A_1732 = vector.broadcast %ne3A_1731 : f32 to vector<16xf32>
      %ne3A_1733 = arith.cmpf one, %rem3A_1730, %ne3A_1732 : vector<16xf32>
      %lt3A_1734 = arith.constant 0.000000e+00 : f32
      %lt3A_1735 = vector.broadcast %lt3A_1734 : f32 to vector<16xf32>
      %lt3A_1736 = arith.cmpf olt, %rem3A_1730, %lt3A_1735 : vector<16xf32>
      %lt3A_1737 = arith.constant 0.000000e+00 : f32
      %lt3A_1738 = arith.cmpf olt, %jit3A_1728, %lt3A_1737 : f32
      %ne3A_1739 = vector.broadcast %lt3A_1738 : i1 to vector<16xi1>
      %ne3A_1740 = vector.broadcast %ne3A_1739 : vector<16xi1> to vector<16xi1>
      %ne3A_1741 = arith.xori %lt3A_1736, %ne3A_1740 : vector<16xi1>
      %and3A_1742 = arith.andi %ne3A_1741, %ne3A_1733 : vector<16xi1>
      %add3A_1743 = vector.broadcast %jit3A_1728 : f32 to vector<16xf32>
      %add3A_1744 = arith.addf %rem3A_1730, %add3A_1743 : vector<16xf32>
      %select_n3A_1745 = arith.select %and3A_1742, %add3A_1744, %rem3A_1730 : vector<16xi1>, vector<16xf32>
      %convert_element_type3A_1746 = arith.fptosi %select_n3A_1745 : vector<16xf32> to vector<16xi32>
      %min3A_1747 = arith.constant 223 : i32
      %min3A_1748 = vector.broadcast %min3A_1747 : i32 to vector<16xi32>
      %min3A_1749 = arith.minsi %convert_element_type3A_1746, %min3A_1748 : vector<16xi32>
      %jit3A_1750 = arith.constant 2.240000e+02 : f32
      %rem3A_1751 = vector.broadcast %jit3A_1750 : f32 to vector<16xf32>
      %rem3A_1752 = arith.remf %add3A_1727, %rem3A_1751 : vector<16xf32>
      %ne3A_1753 = arith.constant 0.000000e+00 : f32
      %ne3A_1754 = vector.broadcast %ne3A_1753 : f32 to vector<16xf32>
      %ne3A_1755 = arith.cmpf one, %rem3A_1752, %ne3A_1754 : vector<16xf32>
      %lt3A_1756 = arith.constant 0.000000e+00 : f32
      %lt3A_1757 = vector.broadcast %lt3A_1756 : f32 to vector<16xf32>
      %lt3A_1758 = arith.cmpf olt, %rem3A_1752, %lt3A_1757 : vector<16xf32>
      %lt3A_1759 = arith.constant 0.000000e+00 : f32
      %lt3A_1760 = arith.cmpf olt, %jit3A_1750, %lt3A_1759 : f32
      %ne3A_1761 = vector.broadcast %lt3A_1760 : i1 to vector<16xi1>
      %ne3A_1762 = vector.broadcast %ne3A_1761 : vector<16xi1> to vector<16xi1>
      %ne3A_1763 = arith.xori %lt3A_1758, %ne3A_1762 : vector<16xi1>
      %and3A_1764 = arith.andi %ne3A_1763, %ne3A_1755 : vector<16xi1>
      %add3A_1765 = vector.broadcast %jit3A_1750 : f32 to vector<16xf32>
      %add3A_1766 = arith.addf %rem3A_1752, %add3A_1765 : vector<16xf32>
      %select_n3A_1767 = arith.select %and3A_1764, %add3A_1766, %rem3A_1752 : vector<16xi1>, vector<16xf32>
      %convert_element_type3A_1768 = arith.fptosi %select_n3A_1767 : vector<16xf32> to vector<16xi32>
      %min3A_1769 = arith.constant 223 : i32
      %min3A_1770 = vector.broadcast %min3A_1769 : i32 to vector<16xi32>
      %min3A_1771 = arith.minsi %convert_element_type3A_1768, %min3A_1770 : vector<16xi32>
      %mul3A_1772 = arith.constant 224 : i32
      %mul3A_1773 = vector.broadcast %mul3A_1772 : i32 to vector<16xi32>
      %mul3A_1774 = arith.muli %min3A_1749, %mul3A_1773 : vector<16xi32>
      %add3A_1775 = arith.constant 150528 : i32
      %add3A_1776 = vector.broadcast %add3A_1775 : i32 to vector<16xi32>
      %add3A_1777 = arith.addi %add3A_1776, %mul3A_1774 : vector<16xi32>
      %add3A_1778 = arith.addi %add3A_1777, %min3A_1771 : vector<16xi32>
      %swap3A_1779 = arith.index_cast %add3A_1717 : i32 to index
      %swap3A_1780 = tpu.vector_load %arg10[%swap3A_1779] {strides = array<i32>} : memref<6272xi32, #tpu.memory_space<vmem>>, vector<16xi32>,
      %swap3A_1781 = vector.shape_cast %swap3A_1780 : vector<16xi32> to vector<16xi32>
      %swap3A_1782 = vector.shape_cast %add3A_1778 : vector<16xi32> to vector<16xi32>
      tpu.vector_store %arg10[%swap3A_1779], %swap3A_1782 {strides = array<i32>} : memref<6272xi32, #tpu.memory_space<vmem>>, vector<16xi32>,
      %add3A_1783 = arith.constant 176 : i32
      %add3A_1784 = arith.addi %mul3A_1052, %add3A_1783 : i32
      %get3A_1785 = arith.index_cast %add3A_1784 : i32 to index
      %get3A_1786 = tpu.vector_load %arg9[%get3A_1785] {strides = array<i32>} : memref<6272xf32, #tpu.memory_space<vmem>>, vector<16xf32>,
      %get3A_1787 = vector.shape_cast %get3A_1786 : vector<16xf32> to vector<16xf32>
      %add3A_1788 = vector.broadcast %convert_element_type3A : f32 to vector<16xf32>
      %add3A_1789 = arith.addf %add3A_1788, %get3A_1787 : vector<16xf32>
      %get3A_1790 = arith.index_cast %add3A_1784 : i32 to index
      %get3A_1791 = tpu.vector_load %arg8[%get3A_1790] {strides = array<i32>} : memref<6272xf32, #tpu.memory_space<vmem>>, vector<16xf32>,
      %get3A_1792 = vector.shape_cast %get3A_1791 : vector<16xf32> to vector<16xf32>
      %add3A_1793 = vector.broadcast %convert_element_type3A_1054 : f32 to vector<16xf32>
      %add3A_1794 = arith.addf %add3A_1793, %get3A_1792 : vector<16xf32>
      %jit3A_1795 = arith.constant 2.240000e+02 : f32
      %rem3A_1796 = vector.broadcast %jit3A_1795 : f32 to vector<16xf32>
      %rem3A_1797 = arith.remf %add3A_1789, %rem3A_1796 : vector<16xf32>
      %ne3A_1798 = arith.constant 0.000000e+00 : f32
      %ne3A_1799 = vector.broadcast %ne3A_1798 : f32 to vector<16xf32>
      %ne3A_1800 = arith.cmpf one, %rem3A_1797, %ne3A_1799 : vector<16xf32>
      %lt3A_1801 = arith.constant 0.000000e+00 : f32
      %lt3A_1802 = vector.broadcast %lt3A_1801 : f32 to vector<16xf32>
      %lt3A_1803 = arith.cmpf olt, %rem3A_1797, %lt3A_1802 : vector<16xf32>
      %lt3A_1804 = arith.constant 0.000000e+00 : f32
      %lt3A_1805 = arith.cmpf olt, %jit3A_1795, %lt3A_1804 : f32
      %ne3A_1806 = vector.broadcast %lt3A_1805 : i1 to vector<16xi1>
      %ne3A_1807 = vector.broadcast %ne3A_1806 : vector<16xi1> to vector<16xi1>
      %ne3A_1808 = arith.xori %lt3A_1803, %ne3A_1807 : vector<16xi1>
      %and3A_1809 = arith.andi %ne3A_1808, %ne3A_1800 : vector<16xi1>
      %add3A_1810 = vector.broadcast %jit3A_1795 : f32 to vector<16xf32>
      %add3A_1811 = arith.addf %rem3A_1797, %add3A_1810 : vector<16xf32>
      %select_n3A_1812 = arith.select %and3A_1809, %add3A_1811, %rem3A_1797 : vector<16xi1>, vector<16xf32>
      %convert_element_type3A_1813 = arith.fptosi %select_n3A_1812 : vector<16xf32> to vector<16xi32>
      %min3A_1814 = arith.constant 223 : i32
      %min3A_1815 = vector.broadcast %min3A_1814 : i32 to vector<16xi32>
      %min3A_1816 = arith.minsi %convert_element_type3A_1813, %min3A_1815 : vector<16xi32>
      %jit3A_1817 = arith.constant 2.240000e+02 : f32
      %rem3A_1818 = vector.broadcast %jit3A_1817 : f32 to vector<16xf32>
      %rem3A_1819 = arith.remf %add3A_1794, %rem3A_1818 : vector<16xf32>
      %ne3A_1820 = arith.constant 0.000000e+00 : f32
      %ne3A_1821 = vector.broadcast %ne3A_1820 : f32 to vector<16xf32>
      %ne3A_1822 = arith.cmpf one, %rem3A_1819, %ne3A_1821 : vector<16xf32>
      %lt3A_1823 = arith.constant 0.000000e+00 : f32
      %lt3A_1824 = vector.broadcast %lt3A_1823 : f32 to vector<16xf32>
      %lt3A_1825 = arith.cmpf olt, %rem3A_1819, %lt3A_1824 : vector<16xf32>
      %lt3A_1826 = arith.constant 0.000000e+00 : f32
      %lt3A_1827 = arith.cmpf olt, %jit3A_1817, %lt3A_1826 : f32
      %ne3A_1828 = vector.broadcast %lt3A_1827 : i1 to vector<16xi1>
      %ne3A_1829 = vector.broadcast %ne3A_1828 : vector<16xi1> to vector<16xi1>
      %ne3A_1830 = arith.xori %lt3A_1825, %ne3A_1829 : vector<16xi1>
      %and3A_1831 = arith.andi %ne3A_1830, %ne3A_1822 : vector<16xi1>
      %add3A_1832 = vector.broadcast %jit3A_1817 : f32 to vector<16xf32>
      %add3A_1833 = arith.addf %rem3A_1819, %add3A_1832 : vector<16xf32>
      %select_n3A_1834 = arith.select %and3A_1831, %add3A_1833, %rem3A_1819 : vector<16xi1>, vector<16xf32>
      %convert_element_type3A_1835 = arith.fptosi %select_n3A_1834 : vector<16xf32> to vector<16xi32>
      %min3A_1836 = arith.constant 223 : i32
      %min3A_1837 = vector.broadcast %min3A_1836 : i32 to vector<16xi32>
      %min3A_1838 = arith.minsi %convert_element_type3A_1835, %min3A_1837 : vector<16xi32>
      %mul3A_1839 = arith.constant 224 : i32
      %mul3A_1840 = vector.broadcast %mul3A_1839 : i32 to vector<16xi32>
      %mul3A_1841 = arith.muli %min3A_1816, %mul3A_1840 : vector<16xi32>
      %add3A_1842 = arith.constant 150528 : i32
      %add3A_1843 = vector.broadcast %add3A_1842 : i32 to vector<16xi32>
      %add3A_1844 = arith.addi %add3A_1843, %mul3A_1841 : vector<16xi32>
      %add3A_1845 = arith.addi %add3A_1844, %min3A_1838 : vector<16xi32>
      %swap3A_1846 = arith.index_cast %add3A_1784 : i32 to index
      %swap3A_1847 = tpu.vector_load %arg10[%swap3A_1846] {strides = array<i32>} : memref<6272xi32, #tpu.memory_space<vmem>>, vector<16xi32>,
      %swap3A_1848 = vector.shape_cast %swap3A_1847 : vector<16xi32> to vector<16xi32>
      %swap3A_1849 = vector.shape_cast %add3A_1845 : vector<16xi32> to vector<16xi32>
      tpu.vector_store %arg10[%swap3A_1846], %swap3A_1849 {strides = array<i32>} : memref<6272xi32, #tpu.memory_space<vmem>>, vector<16xi32>,
      %add3A_1850 = arith.constant 192 : i32
      %add3A_1851 = arith.addi %mul3A_1052, %add3A_1850 : i32
      %get3A_1852 = arith.index_cast %add3A_1851 : i32 to index
      %get3A_1853 = tpu.vector_load %arg9[%get3A_1852] {strides = array<i32>} : memref<6272xf32, #tpu.memory_space<vmem>>, vector<16xf32>,
      %get3A_1854 = vector.shape_cast %get3A_1853 : vector<16xf32> to vector<16xf32>
      %add3A_1855 = vector.broadcast %convert_element_type3A : f32 to vector<16xf32>
      %add3A_1856 = arith.addf %add3A_1855, %get3A_1854 : vector<16xf32>
      %get3A_1857 = arith.index_cast %add3A_1851 : i32 to index
      %get3A_1858 = tpu.vector_load %arg8[%get3A_1857] {strides = array<i32>} : memref<6272xf32, #tpu.memory_space<vmem>>, vector<16xf32>,
      %get3A_1859 = vector.shape_cast %get3A_1858 : vector<16xf32> to vector<16xf32>
      %add3A_1860 = vector.broadcast %convert_element_type3A_1054 : f32 to vector<16xf32>
      %add3A_1861 = arith.addf %add3A_1860, %get3A_1859 : vector<16xf32>
      %jit3A_1862 = arith.constant 2.240000e+02 : f32
      %rem3A_1863 = vector.broadcast %jit3A_1862 : f32 to vector<16xf32>
      %rem3A_1864 = arith.remf %add3A_1856, %rem3A_1863 : vector<16xf32>
      %ne3A_1865 = arith.constant 0.000000e+00 : f32
      %ne3A_1866 = vector.broadcast %ne3A_1865 : f32 to vector<16xf32>
      %ne3A_1867 = arith.cmpf one, %rem3A_1864, %ne3A_1866 : vector<16xf32>
      %lt3A_1868 = arith.constant 0.000000e+00 : f32
      %lt3A_1869 = vector.broadcast %lt3A_1868 : f32 to vector<16xf32>
      %lt3A_1870 = arith.cmpf olt, %rem3A_1864, %lt3A_1869 : vector<16xf32>
      %lt3A_1871 = arith.constant 0.000000e+00 : f32
      %lt3A_1872 = arith.cmpf olt, %jit3A_1862, %lt3A_1871 : f32
      %ne3A_1873 = vector.broadcast %lt3A_1872 : i1 to vector<16xi1>
      %ne3A_1874 = vector.broadcast %ne3A_1873 : vector<16xi1> to vector<16xi1>
      %ne3A_1875 = arith.xori %lt3A_1870, %ne3A_1874 : vector<16xi1>
      %and3A_1876 = arith.andi %ne3A_1875, %ne3A_1867 : vector<16xi1>
      %add3A_1877 = vector.broadcast %jit3A_1862 : f32 to vector<16xf32>
      %add3A_1878 = arith.addf %rem3A_1864, %add3A_1877 : vector<16xf32>
      %select_n3A_1879 = arith.select %and3A_1876, %add3A_1878, %rem3A_1864 : vector<16xi1>, vector<16xf32>
      %convert_element_type3A_1880 = arith.fptosi %select_n3A_1879 : vector<16xf32> to vector<16xi32>
      %min3A_1881 = arith.constant 223 : i32
      %min3A_1882 = vector.broadcast %min3A_1881 : i32 to vector<16xi32>
      %min3A_1883 = arith.minsi %convert_element_type3A_1880, %min3A_1882 : vector<16xi32>
      %jit3A_1884 = arith.constant 2.240000e+02 : f32
      %rem3A_1885 = vector.broadcast %jit3A_1884 : f32 to vector<16xf32>
      %rem3A_1886 = arith.remf %add3A_1861, %rem3A_1885 : vector<16xf32>
      %ne3A_1887 = arith.constant 0.000000e+00 : f32
      %ne3A_1888 = vector.broadcast %ne3A_1887 : f32 to vector<16xf32>
      %ne3A_1889 = arith.cmpf one, %rem3A_1886, %ne3A_1888 : vector<16xf32>
      %lt3A_1890 = arith.constant 0.000000e+00 : f32
      %lt3A_1891 = vector.broadcast %lt3A_1890 : f32 to vector<16xf32>
      %lt3A_1892 = arith.cmpf olt, %rem3A_1886, %lt3A_1891 : vector<16xf32>
      %lt3A_1893 = arith.constant 0.000000e+00 : f32
      %lt3A_1894 = arith.cmpf olt, %jit3A_1884, %lt3A_1893 : f32
      %ne3A_1895 = vector.broadcast %lt3A_1894 : i1 to vector<16xi1>
      %ne3A_1896 = vector.broadcast %ne3A_1895 : vector<16xi1> to vector<16xi1>
      %ne3A_1897 = arith.xori %lt3A_1892, %ne3A_1896 : vector<16xi1>
      %and3A_1898 = arith.andi %ne3A_1897, %ne3A_1889 : vector<16xi1>
      %add3A_1899 = vector.broadcast %jit3A_1884 : f32 to vector<16xf32>
      %add3A_1900 = arith.addf %rem3A_1886, %add3A_1899 : vector<16xf32>
      %select_n3A_1901 = arith.select %and3A_1898, %add3A_1900, %rem3A_1886 : vector<16xi1>, vector<16xf32>
      %convert_element_type3A_1902 = arith.fptosi %select_n3A_1901 : vector<16xf32> to vector<16xi32>
      %min3A_1903 = arith.constant 223 : i32
      %min3A_1904 = vector.broadcast %min3A_1903 : i32 to vector<16xi32>
      %min3A_1905 = arith.minsi %convert_element_type3A_1902, %min3A_1904 : vector<16xi32>
      %mul3A_1906 = arith.constant 224 : i32
      %mul3A_1907 = vector.broadcast %mul3A_1906 : i32 to vector<16xi32>
      %mul3A_1908 = arith.muli %min3A_1883, %mul3A_1907 : vector<16xi32>
      %add3A_1909 = arith.constant 150528 : i32
      %add3A_1910 = vector.broadcast %add3A_1909 : i32 to vector<16xi32>
      %add3A_1911 = arith.addi %add3A_1910, %mul3A_1908 : vector<16xi32>
      %add3A_1912 = arith.addi %add3A_1911, %min3A_1905 : vector<16xi32>
      %swap3A_1913 = arith.index_cast %add3A_1851 : i32 to index
      %swap3A_1914 = tpu.vector_load %arg10[%swap3A_1913] {strides = array<i32>} : memref<6272xi32, #tpu.memory_space<vmem>>, vector<16xi32>,
      %swap3A_1915 = vector.shape_cast %swap3A_1914 : vector<16xi32> to vector<16xi32>
      %swap3A_1916 = vector.shape_cast %add3A_1912 : vector<16xi32> to vector<16xi32>
      tpu.vector_store %arg10[%swap3A_1913], %swap3A_1916 {strides = array<i32>} : memref<6272xi32, #tpu.memory_space<vmem>>, vector<16xi32>,
      %add3A_1917 = arith.constant 208 : i32
      %add3A_1918 = arith.addi %mul3A_1052, %add3A_1917 : i32
      %get3A_1919 = arith.index_cast %add3A_1918 : i32 to index
      %get3A_1920 = tpu.vector_load %arg9[%get3A_1919] {strides = array<i32>} : memref<6272xf32, #tpu.memory_space<vmem>>, vector<16xf32>,
      %get3A_1921 = vector.shape_cast %get3A_1920 : vector<16xf32> to vector<16xf32>
      %add3A_1922 = vector.broadcast %convert_element_type3A : f32 to vector<16xf32>
      %add3A_1923 = arith.addf %add3A_1922, %get3A_1921 : vector<16xf32>
      %get3A_1924 = arith.index_cast %add3A_1918 : i32 to index
      %get3A_1925 = tpu.vector_load %arg8[%get3A_1924] {strides = array<i32>} : memref<6272xf32, #tpu.memory_space<vmem>>, vector<16xf32>,
      %get3A_1926 = vector.shape_cast %get3A_1925 : vector<16xf32> to vector<16xf32>
      %add3A_1927 = vector.broadcast %convert_element_type3A_1054 : f32 to vector<16xf32>
      %add3A_1928 = arith.addf %add3A_1927, %get3A_1926 : vector<16xf32>
      %jit3A_1929 = arith.constant 2.240000e+02 : f32
      %rem3A_1930 = vector.broadcast %jit3A_1929 : f32 to vector<16xf32>
      %rem3A_1931 = arith.remf %add3A_1923, %rem3A_1930 : vector<16xf32>
      %ne3A_1932 = arith.constant 0.000000e+00 : f32
      %ne3A_1933 = vector.broadcast %ne3A_1932 : f32 to vector<16xf32>
      %ne3A_1934 = arith.cmpf one, %rem3A_1931, %ne3A_1933 : vector<16xf32>
      %lt3A_1935 = arith.constant 0.000000e+00 : f32
      %lt3A_1936 = vector.broadcast %lt3A_1935 : f32 to vector<16xf32>
      %lt3A_1937 = arith.cmpf olt, %rem3A_1931, %lt3A_1936 : vector<16xf32>
      %lt3A_1938 = arith.constant 0.000000e+00 : f32
      %lt3A_1939 = arith.cmpf olt, %jit3A_1929, %lt3A_1938 : f32
      %ne3A_1940 = vector.broadcast %lt3A_1939 : i1 to vector<16xi1>
      %ne3A_1941 = vector.broadcast %ne3A_1940 : vector<16xi1> to vector<16xi1>
      %ne3A_1942 = arith.xori %lt3A_1937, %ne3A_1941 : vector<16xi1>
      %and3A_1943 = arith.andi %ne3A_1942, %ne3A_1934 : vector<16xi1>
      %add3A_1944 = vector.broadcast %jit3A_1929 : f32 to vector<16xf32>
      %add3A_1945 = arith.addf %rem3A_1931, %add3A_1944 : vector<16xf32>
      %select_n3A_1946 = arith.select %and3A_1943, %add3A_1945, %rem3A_1931 : vector<16xi1>, vector<16xf32>
      %convert_element_type3A_1947 = arith.fptosi %select_n3A_1946 : vector<16xf32> to vector<16xi32>
      %min3A_1948 = arith.constant 223 : i32
      %min3A_1949 = vector.broadcast %min3A_1948 : i32 to vector<16xi32>
      %min3A_1950 = arith.minsi %convert_element_type3A_1947, %min3A_1949 : vector<16xi32>
      %jit3A_1951 = arith.constant 2.240000e+02 : f32
      %rem3A_1952 = vector.broadcast %jit3A_1951 : f32 to vector<16xf32>
      %rem3A_1953 = arith.remf %add3A_1928, %rem3A_1952 : vector<16xf32>
      %ne3A_1954 = arith.constant 0.000000e+00 : f32
      %ne3A_1955 = vector.broadcast %ne3A_1954 : f32 to vector<16xf32>
      %ne3A_1956 = arith.cmpf one, %rem3A_1953, %ne3A_1955 : vector<16xf32>
      %lt3A_1957 = arith.constant 0.000000e+00 : f32
      %lt3A_1958 = vector.broadcast %lt3A_1957 : f32 to vector<16xf32>
      %lt3A_1959 = arith.cmpf olt, %rem3A_1953, %lt3A_1958 : vector<16xf32>
      %lt3A_1960 = arith.constant 0.000000e+00 : f32
      %lt3A_1961 = arith.cmpf olt, %jit3A_1951, %lt3A_1960 : f32
      %ne3A_1962 = vector.broadcast %lt3A_1961 : i1 to vector<16xi1>
      %ne3A_1963 = vector.broadcast %ne3A_1962 : vector<16xi1> to vector<16xi1>
      %ne3A_1964 = arith.xori %lt3A_1959, %ne3A_1963 : vector<16xi1>
      %and3A_1965 = arith.andi %ne3A_1964, %ne3A_1956 : vector<16xi1>
      %add3A_1966 = vector.broadcast %jit3A_1951 : f32 to vector<16xf32>
      %add3A_1967 = arith.addf %rem3A_1953, %add3A_1966 : vector<16xf32>
      %select_n3A_1968 = arith.select %and3A_1965, %add3A_1967, %rem3A_1953 : vector<16xi1>, vector<16xf32>
      %convert_element_type3A_1969 = arith.fptosi %select_n3A_1968 : vector<16xf32> to vector<16xi32>
      %min3A_1970 = arith.constant 223 : i32
      %min3A_1971 = vector.broadcast %min3A_1970 : i32 to vector<16xi32>
      %min3A_1972 = arith.minsi %convert_element_type3A_1969, %min3A_1971 : vector<16xi32>
      %mul3A_1973 = arith.constant 224 : i32
      %mul3A_1974 = vector.broadcast %mul3A_1973 : i32 to vector<16xi32>
      %mul3A_1975 = arith.muli %min3A_1950, %mul3A_1974 : vector<16xi32>
      %add3A_1976 = arith.constant 150528 : i32
      %add3A_1977 = vector.broadcast %add3A_1976 : i32 to vector<16xi32>
      %add3A_1978 = arith.addi %add3A_1977, %mul3A_1975 : vector<16xi32>
      %add3A_1979 = arith.addi %add3A_1978, %min3A_1972 : vector<16xi32>
      %swap3A_1980 = arith.index_cast %add3A_1918 : i32 to index
      %swap3A_1981 = tpu.vector_load %arg10[%swap3A_1980] {strides = array<i32>} : memref<6272xi32, #tpu.memory_space<vmem>>, vector<16xi32>,
      %swap3A_1982 = vector.shape_cast %swap3A_1981 : vector<16xi32> to vector<16xi32>
      %swap3A_1983 = vector.shape_cast %add3A_1979 : vector<16xi32> to vector<16xi32>
      tpu.vector_store %arg10[%swap3A_1980], %swap3A_1983 {strides = array<i32>} : memref<6272xi32, #tpu.memory_space<vmem>>, vector<16xi32>,
    }
    %scan3A_16 = arith.constant 28 : i32
    %dma_start3A = arith.constant 0 : i32
    %dma_start3A_17 = tpu.memref_slice %arg11[%dma_start3A] : memref<18816xf32, #tpu.memory_space<vmem>> -> memref<224xf32, #tpu.memory_space<vmem>>
    %dma_start3A_18 = arith.constant 0 : i32
    %dma_start3A_19 = tpu.memref_slice %arg10[%dma_start3A_18] : memref<6272xi32, #tpu.memory_space<vmem>> -> memref<224xi32, #tpu.memory_space<vmem>>
    %dma_start3A_20 = arith.constant 0 : i32
    %dma_start3A_21 = tpu.memref_slice %arg2[%dma_start3A_20] : memref<200704xf32, #tpu.memory_space<hbm>> -> memref<200704xf32, #tpu.memory_space<hbm>>
    tpu.enqueue_indirect_dma source(%dma_start3A_21 : memref<200704xf32, #tpu.memory_space<hbm>>) target(%dma_start3A_17 : memref<224xf32, #tpu.memory_space<vmem>>) offsets(%dma_start3A_19 : memref<224xi32, #tpu.memory_space<vmem>>) semaphore(%arg12 : memref<!tpu.dma_semaphore, #tpu.memory_space<semaphore_mem>>)
    %dma_start3A_22 = arith.constant 6272 : i32
    %dma_start3A_23 = tpu.memref_slice %arg11[%dma_start3A_22] : memref<18816xf32, #tpu.memory_space<vmem>> -> memref<224xf32, #tpu.memory_space<vmem>>
    %dma_start3A_24 = arith.constant 0 : i32
    %dma_start3A_25 = tpu.memref_slice %arg10[%dma_start3A_24] : memref<6272xi32, #tpu.memory_space<vmem>> -> memref<224xi32, #tpu.memory_space<vmem>>
    %dma_start3A_26 = arith.constant 0 : i32
    %dma_start3A_27 = tpu.memref_slice %arg3[%dma_start3A_26] : memref<200704xf32, #tpu.memory_space<hbm>> -> memref<200704xf32, #tpu.memory_space<hbm>>
    tpu.enqueue_indirect_dma source(%dma_start3A_27 : memref<200704xf32, #tpu.memory_space<hbm>>) target(%dma_start3A_23 : memref<224xf32, #tpu.memory_space<vmem>>) offsets(%dma_start3A_25 : memref<224xi32, #tpu.memory_space<vmem>>) semaphore(%arg12 : memref<!tpu.dma_semaphore, #tpu.memory_space<semaphore_mem>>)
    %dma_start3A_28 = arith.constant 12544 : i32
    %dma_start3A_29 = tpu.memref_slice %arg11[%dma_start3A_28] : memref<18816xf32, #tpu.memory_space<vmem>> -> memref<224xf32, #tpu.memory_space<vmem>>
    %dma_start3A_30 = arith.constant 0 : i32
    %dma_start3A_31 = tpu.memref_slice %arg10[%dma_start3A_30] : memref<6272xi32, #tpu.memory_space<vmem>> -> memref<224xi32, #tpu.memory_space<vmem>>
    %dma_start3A_32 = arith.constant 0 : i32
    %dma_start3A_33 = tpu.memref_slice %arg4[%dma_start3A_32] : memref<200704xf32, #tpu.memory_space<hbm>> -> memref<200704xf32, #tpu.memory_space<hbm>>
    tpu.enqueue_indirect_dma source(%dma_start3A_33 : memref<200704xf32, #tpu.memory_space<hbm>>) target(%dma_start3A_29 : memref<224xf32, #tpu.memory_space<vmem>>) offsets(%dma_start3A_31 : memref<224xi32, #tpu.memory_space<vmem>>) semaphore(%arg12 : memref<!tpu.dma_semaphore, #tpu.memory_space<semaphore_mem>>)
    %dma_start3A_34 = arith.constant 224 : i32
    %dma_start3A_35 = tpu.memref_slice %arg11[%dma_start3A_34] : memref<18816xf32, #tpu.memory_space<vmem>> -> memref<224xf32, #tpu.memory_space<vmem>>
    %dma_start3A_36 = arith.constant 224 : i32
    %dma_start3A_37 = tpu.memref_slice %arg10[%dma_start3A_36] : memref<6272xi32, #tpu.memory_space<vmem>> -> memref<224xi32, #tpu.memory_space<vmem>>
    %dma_start3A_38 = arith.constant 0 : i32
    %dma_start3A_39 = tpu.memref_slice %arg2[%dma_start3A_38] : memref<200704xf32, #tpu.memory_space<hbm>> -> memref<200704xf32, #tpu.memory_space<hbm>>
    tpu.enqueue_indirect_dma source(%dma_start3A_39 : memref<200704xf32, #tpu.memory_space<hbm>>) target(%dma_start3A_35 : memref<224xf32, #tpu.memory_space<vmem>>) offsets(%dma_start3A_37 : memref<224xi32, #tpu.memory_space<vmem>>) semaphore(%arg12 : memref<!tpu.dma_semaphore, #tpu.memory_space<semaphore_mem>>)
    %dma_start3A_40 = arith.constant 6496 : i32
    %dma_start3A_41 = tpu.memref_slice %arg11[%dma_start3A_40] : memref<18816xf32, #tpu.memory_space<vmem>> -> memref<224xf32, #tpu.memory_space<vmem>>
    %dma_start3A_42 = arith.constant 224 : i32
    %dma_start3A_43 = tpu.memref_slice %arg10[%dma_start3A_42] : memref<6272xi32, #tpu.memory_space<vmem>> -> memref<224xi32, #tpu.memory_space<vmem>>
    %dma_start3A_44 = arith.constant 0 : i32
    %dma_start3A_45 = tpu.memref_slice %arg3[%dma_start3A_44] : memref<200704xf32, #tpu.memory_space<hbm>> -> memref<200704xf32, #tpu.memory_space<hbm>>
    tpu.enqueue_indirect_dma source(%dma_start3A_45 : memref<200704xf32, #tpu.memory_space<hbm>>) target(%dma_start3A_41 : memref<224xf32, #tpu.memory_space<vmem>>) offsets(%dma_start3A_43 : memref<224xi32, #tpu.memory_space<vmem>>) semaphore(%arg12 : memref<!tpu.dma_semaphore, #tpu.memory_space<semaphore_mem>>)
    %dma_start3A_46 = arith.constant 12768 : i32
    %dma_start3A_47 = tpu.memref_slice %arg11[%dma_start3A_46] : memref<18816xf32, #tpu.memory_space<vmem>> -> memref<224xf32, #tpu.memory_space<vmem>>
    %dma_start3A_48 = arith.constant 224 : i32
    %dma_start3A_49 = tpu.memref_slice %arg10[%dma_start3A_48] : memref<6272xi32, #tpu.memory_space<vmem>> -> memref<224xi32, #tpu.memory_space<vmem>>
    %dma_start3A_50 = arith.constant 0 : i32
    %dma_start3A_51 = tpu.memref_slice %arg4[%dma_start3A_50] : memref<200704xf32, #tpu.memory_space<hbm>> -> memref<200704xf32, #tpu.memory_space<hbm>>
    tpu.enqueue_indirect_dma source(%dma_start3A_51 : memref<200704xf32, #tpu.memory_space<hbm>>) target(%dma_start3A_47 : memref<224xf32, #tpu.memory_space<vmem>>) offsets(%dma_start3A_49 : memref<224xi32, #tpu.memory_space<vmem>>) semaphore(%arg12 : memref<!tpu.dma_semaphore, #tpu.memory_space<semaphore_mem>>)
    %dma_start3A_52 = arith.constant 448 : i32
    %dma_start3A_53 = tpu.memref_slice %arg11[%dma_start3A_52] : memref<18816xf32, #tpu.memory_space<vmem>> -> memref<224xf32, #tpu.memory_space<vmem>>
    %dma_start3A_54 = arith.constant 448 : i32
    %dma_start3A_55 = tpu.memref_slice %arg10[%dma_start3A_54] : memref<6272xi32, #tpu.memory_space<vmem>> -> memref<224xi32, #tpu.memory_space<vmem>>
    %dma_start3A_56 = arith.constant 0 : i32
    %dma_start3A_57 = tpu.memref_slice %arg2[%dma_start3A_56] : memref<200704xf32, #tpu.memory_space<hbm>> -> memref<200704xf32, #tpu.memory_space<hbm>>
    tpu.enqueue_indirect_dma source(%dma_start3A_57 : memref<200704xf32, #tpu.memory_space<hbm>>) target(%dma_start3A_53 : memref<224xf32, #tpu.memory_space<vmem>>) offsets(%dma_start3A_55 : memref<224xi32, #tpu.memory_space<vmem>>) semaphore(%arg12 : memref<!tpu.dma_semaphore, #tpu.memory_space<semaphore_mem>>)
    %dma_start3A_58 = arith.constant 6720 : i32
    %dma_start3A_59 = tpu.memref_slice %arg11[%dma_start3A_58] : memref<18816xf32, #tpu.memory_space<vmem>> -> memref<224xf32, #tpu.memory_space<vmem>>
    %dma_start3A_60 = arith.constant 448 : i32
    %dma_start3A_61 = tpu.memref_slice %arg10[%dma_start3A_60] : memref<6272xi32, #tpu.memory_space<vmem>> -> memref<224xi32, #tpu.memory_space<vmem>>
    %dma_start3A_62 = arith.constant 0 : i32
    %dma_start3A_63 = tpu.memref_slice %arg3[%dma_start3A_62] : memref<200704xf32, #tpu.memory_space<hbm>> -> memref<200704xf32, #tpu.memory_space<hbm>>
    tpu.enqueue_indirect_dma source(%dma_start3A_63 : memref<200704xf32, #tpu.memory_space<hbm>>) target(%dma_start3A_59 : memref<224xf32, #tpu.memory_space<vmem>>) offsets(%dma_start3A_61 : memref<224xi32, #tpu.memory_space<vmem>>) semaphore(%arg12 : memref<!tpu.dma_semaphore, #tpu.memory_space<semaphore_mem>>)
    %dma_start3A_64 = arith.constant 12992 : i32
    %dma_start3A_65 = tpu.memref_slice %arg11[%dma_start3A_64] : memref<18816xf32, #tpu.memory_space<vmem>> -> memref<224xf32, #tpu.memory_space<vmem>>
    %dma_start3A_66 = arith.constant 448 : i32
    %dma_start3A_67 = tpu.memref_slice %arg10[%dma_start3A_66] : memref<6272xi32, #tpu.memory_space<vmem>> -> memref<224xi32, #tpu.memory_space<vmem>>
    %dma_start3A_68 = arith.constant 0 : i32
    %dma_start3A_69 = tpu.memref_slice %arg4[%dma_start3A_68] : memref<200704xf32, #tpu.memory_space<hbm>> -> memref<200704xf32, #tpu.memory_space<hbm>>
    tpu.enqueue_indirect_dma source(%dma_start3A_69 : memref<200704xf32, #tpu.memory_space<hbm>>) target(%dma_start3A_65 : memref<224xf32, #tpu.memory_space<vmem>>) offsets(%dma_start3A_67 : memref<224xi32, #tpu.memory_space<vmem>>) semaphore(%arg12 : memref<!tpu.dma_semaphore, #tpu.memory_space<semaphore_mem>>)
    %dma_start3A_70 = arith.constant 672 : i32
    %dma_start3A_71 = tpu.memref_slice %arg11[%dma_start3A_70] : memref<18816xf32, #tpu.memory_space<vmem>> -> memref<224xf32, #tpu.memory_space<vmem>>
    %dma_start3A_72 = arith.constant 672 : i32
    %dma_start3A_73 = tpu.memref_slice %arg10[%dma_start3A_72] : memref<6272xi32, #tpu.memory_space<vmem>> -> memref<224xi32, #tpu.memory_space<vmem>>
    %dma_start3A_74 = arith.constant 0 : i32
    %dma_start3A_75 = tpu.memref_slice %arg2[%dma_start3A_74] : memref<200704xf32, #tpu.memory_space<hbm>> -> memref<200704xf32, #tpu.memory_space<hbm>>
    tpu.enqueue_indirect_dma source(%dma_start3A_75 : memref<200704xf32, #tpu.memory_space<hbm>>) target(%dma_start3A_71 : memref<224xf32, #tpu.memory_space<vmem>>) offsets(%dma_start3A_73 : memref<224xi32, #tpu.memory_space<vmem>>) semaphore(%arg12 : memref<!tpu.dma_semaphore, #tpu.memory_space<semaphore_mem>>)
    %dma_start3A_76 = arith.constant 6944 : i32
    %dma_start3A_77 = tpu.memref_slice %arg11[%dma_start3A_76] : memref<18816xf32, #tpu.memory_space<vmem>> -> memref<224xf32, #tpu.memory_space<vmem>>
    %dma_start3A_78 = arith.constant 672 : i32
    %dma_start3A_79 = tpu.memref_slice %arg10[%dma_start3A_78] : memref<6272xi32, #tpu.memory_space<vmem>> -> memref<224xi32, #tpu.memory_space<vmem>>
    %dma_start3A_80 = arith.constant 0 : i32
    %dma_start3A_81 = tpu.memref_slice %arg3[%dma_start3A_80] : memref<200704xf32, #tpu.memory_space<hbm>> -> memref<200704xf32, #tpu.memory_space<hbm>>
    tpu.enqueue_indirect_dma source(%dma_start3A_81 : memref<200704xf32, #tpu.memory_space<hbm>>) target(%dma_start3A_77 : memref<224xf32, #tpu.memory_space<vmem>>) offsets(%dma_start3A_79 : memref<224xi32, #tpu.memory_space<vmem>>) semaphore(%arg12 : memref<!tpu.dma_semaphore, #tpu.memory_space<semaphore_mem>>)
    %dma_start3A_82 = arith.constant 13216 : i32
    %dma_start3A_83 = tpu.memref_slice %arg11[%dma_start3A_82] : memref<18816xf32, #tpu.memory_space<vmem>> -> memref<224xf32, #tpu.memory_space<vmem>>
    %dma_start3A_84 = arith.constant 672 : i32
    %dma_start3A_85 = tpu.memref_slice %arg10[%dma_start3A_84] : memref<6272xi32, #tpu.memory_space<vmem>> -> memref<224xi32, #tpu.memory_space<vmem>>
    %dma_start3A_86 = arith.constant 0 : i32
    %dma_start3A_87 = tpu.memref_slice %arg4[%dma_start3A_86] : memref<200704xf32, #tpu.memory_space<hbm>> -> memref<200704xf32, #tpu.memory_space<hbm>>
    tpu.enqueue_indirect_dma source(%dma_start3A_87 : memref<200704xf32, #tpu.memory_space<hbm>>) target(%dma_start3A_83 : memref<224xf32, #tpu.memory_space<vmem>>) offsets(%dma_start3A_85 : memref<224xi32, #tpu.memory_space<vmem>>) semaphore(%arg12 : memref<!tpu.dma_semaphore, #tpu.memory_space<semaphore_mem>>)
    %dma_start3A_88 = arith.constant 896 : i32
    %dma_start3A_89 = tpu.memref_slice %arg11[%dma_start3A_88] : memref<18816xf32, #tpu.memory_space<vmem>> -> memref<224xf32, #tpu.memory_space<vmem>>
    %dma_start3A_90 = arith.constant 896 : i32
    %dma_start3A_91 = tpu.memref_slice %arg10[%dma_start3A_90] : memref<6272xi32, #tpu.memory_space<vmem>> -> memref<224xi32, #tpu.memory_space<vmem>>
    %dma_start3A_92 = arith.constant 0 : i32
    %dma_start3A_93 = tpu.memref_slice %arg2[%dma_start3A_92] : memref<200704xf32, #tpu.memory_space<hbm>> -> memref<200704xf32, #tpu.memory_space<hbm>>
    tpu.enqueue_indirect_dma source(%dma_start3A_93 : memref<200704xf32, #tpu.memory_space<hbm>>) target(%dma_start3A_89 : memref<224xf32, #tpu.memory_space<vmem>>) offsets(%dma_start3A_91 : memref<224xi32, #tpu.memory_space<vmem>>) semaphore(%arg12 : memref<!tpu.dma_semaphore, #tpu.memory_space<semaphore_mem>>)
    %dma_start3A_94 = arith.constant 7168 : i32
    %dma_start3A_95 = tpu.memref_slice %arg11[%dma_start3A_94] : memref<18816xf32, #tpu.memory_space<vmem>> -> memref<224xf32, #tpu.memory_space<vmem>>
    %dma_start3A_96 = arith.constant 896 : i32
    %dma_start3A_97 = tpu.memref_slice %arg10[%dma_start3A_96] : memref<6272xi32, #tpu.memory_space<vmem>> -> memref<224xi32, #tpu.memory_space<vmem>>
    %dma_start3A_98 = arith.constant 0 : i32
    %dma_start3A_99 = tpu.memref_slice %arg3[%dma_start3A_98] : memref<200704xf32, #tpu.memory_space<hbm>> -> memref<200704xf32, #tpu.memory_space<hbm>>
    tpu.enqueue_indirect_dma source(%dma_start3A_99 : memref<200704xf32, #tpu.memory_space<hbm>>) target(%dma_start3A_95 : memref<224xf32, #tpu.memory_space<vmem>>) offsets(%dma_start3A_97 : memref<224xi32, #tpu.memory_space<vmem>>) semaphore(%arg12 : memref<!tpu.dma_semaphore, #tpu.memory_space<semaphore_mem>>)
    %dma_start3A_100 = arith.constant 13440 : i32
    %dma_start3A_101 = tpu.memref_slice %arg11[%dma_start3A_100] : memref<18816xf32, #tpu.memory_space<vmem>> -> memref<224xf32, #tpu.memory_space<vmem>>
    %dma_start3A_102 = arith.constant 896 : i32
    %dma_start3A_103 = tpu.memref_slice %arg10[%dma_start3A_102] : memref<6272xi32, #tpu.memory_space<vmem>> -> memref<224xi32, #tpu.memory_space<vmem>>
    %dma_start3A_104 = arith.constant 0 : i32
    %dma_start3A_105 = tpu.memref_slice %arg4[%dma_start3A_104] : memref<200704xf32, #tpu.memory_space<hbm>> -> memref<200704xf32, #tpu.memory_space<hbm>>
    tpu.enqueue_indirect_dma source(%dma_start3A_105 : memref<200704xf32, #tpu.memory_space<hbm>>) target(%dma_start3A_101 : memref<224xf32, #tpu.memory_space<vmem>>) offsets(%dma_start3A_103 : memref<224xi32, #tpu.memory_space<vmem>>) semaphore(%arg12 : memref<!tpu.dma_semaphore, #tpu.memory_space<semaphore_mem>>)
    %dma_start3A_106 = arith.constant 1120 : i32
    %dma_start3A_107 = tpu.memref_slice %arg11[%dma_start3A_106] : memref<18816xf32, #tpu.memory_space<vmem>> -> memref<224xf32, #tpu.memory_space<vmem>>
    %dma_start3A_108 = arith.constant 1120 : i32
    %dma_start3A_109 = tpu.memref_slice %arg10[%dma_start3A_108] : memref<6272xi32, #tpu.memory_space<vmem>> -> memref<224xi32, #tpu.memory_space<vmem>>
    %dma_start3A_110 = arith.constant 0 : i32
    %dma_start3A_111 = tpu.memref_slice %arg2[%dma_start3A_110] : memref<200704xf32, #tpu.memory_space<hbm>> -> memref<200704xf32, #tpu.memory_space<hbm>>
    tpu.enqueue_indirect_dma source(%dma_start3A_111 : memref<200704xf32, #tpu.memory_space<hbm>>) target(%dma_start3A_107 : memref<224xf32, #tpu.memory_space<vmem>>) offsets(%dma_start3A_109 : memref<224xi32, #tpu.memory_space<vmem>>) semaphore(%arg12 : memref<!tpu.dma_semaphore, #tpu.memory_space<semaphore_mem>>)
    %dma_start3A_112 = arith.constant 7392 : i32
    %dma_start3A_113 = tpu.memref_slice %arg11[%dma_start3A_112] : memref<18816xf32, #tpu.memory_space<vmem>> -> memref<224xf32, #tpu.memory_space<vmem>>
    %dma_start3A_114 = arith.constant 1120 : i32
    %dma_start3A_115 = tpu.memref_slice %arg10[%dma_start3A_114] : memref<6272xi32, #tpu.memory_space<vmem>> -> memref<224xi32, #tpu.memory_space<vmem>>
    %dma_start3A_116 = arith.constant 0 : i32
    %dma_start3A_117 = tpu.memref_slice %arg3[%dma_start3A_116] : memref<200704xf32, #tpu.memory_space<hbm>> -> memref<200704xf32, #tpu.memory_space<hbm>>
    tpu.enqueue_indirect_dma source(%dma_start3A_117 : memref<200704xf32, #tpu.memory_space<hbm>>) target(%dma_start3A_113 : memref<224xf32, #tpu.memory_space<vmem>>) offsets(%dma_start3A_115 : memref<224xi32, #tpu.memory_space<vmem>>) semaphore(%arg12 : memref<!tpu.dma_semaphore, #tpu.memory_space<semaphore_mem>>)
    %dma_start3A_118 = arith.constant 13664 : i32
    %dma_start3A_119 = tpu.memref_slice %arg11[%dma_start3A_118] : memref<18816xf32, #tpu.memory_space<vmem>> -> memref<224xf32, #tpu.memory_space<vmem>>
    %dma_start3A_120 = arith.constant 1120 : i32
    %dma_start3A_121 = tpu.memref_slice %arg10[%dma_start3A_120] : memref<6272xi32, #tpu.memory_space<vmem>> -> memref<224xi32, #tpu.memory_space<vmem>>
    %dma_start3A_122 = arith.constant 0 : i32
    %dma_start3A_123 = tpu.memref_slice %arg4[%dma_start3A_122] : memref<200704xf32, #tpu.memory_space<hbm>> -> memref<200704xf32, #tpu.memory_space<hbm>>
    tpu.enqueue_indirect_dma source(%dma_start3A_123 : memref<200704xf32, #tpu.memory_space<hbm>>) target(%dma_start3A_119 : memref<224xf32, #tpu.memory_space<vmem>>) offsets(%dma_start3A_121 : memref<224xi32, #tpu.memory_space<vmem>>) semaphore(%arg12 : memref<!tpu.dma_semaphore, #tpu.memory_space<semaphore_mem>>)
    %dma_start3A_124 = arith.constant 1344 : i32
    %dma_start3A_125 = tpu.memref_slice %arg11[%dma_start3A_124] : memref<18816xf32, #tpu.memory_space<vmem>> -> memref<224xf32, #tpu.memory_space<vmem>>
    %dma_start3A_126 = arith.constant 1344 : i32
    %dma_start3A_127 = tpu.memref_slice %arg10[%dma_start3A_126] : memref<6272xi32, #tpu.memory_space<vmem>> -> memref<224xi32, #tpu.memory_space<vmem>>
    %dma_start3A_128 = arith.constant 0 : i32
    %dma_start3A_129 = tpu.memref_slice %arg2[%dma_start3A_128] : memref<200704xf32, #tpu.memory_space<hbm>> -> memref<200704xf32, #tpu.memory_space<hbm>>
    tpu.enqueue_indirect_dma source(%dma_start3A_129 : memref<200704xf32, #tpu.memory_space<hbm>>) target(%dma_start3A_125 : memref<224xf32, #tpu.memory_space<vmem>>) offsets(%dma_start3A_127 : memref<224xi32, #tpu.memory_space<vmem>>) semaphore(%arg12 : memref<!tpu.dma_semaphore, #tpu.memory_space<semaphore_mem>>)
    %dma_start3A_130 = arith.constant 7616 : i32
    %dma_start3A_131 = tpu.memref_slice %arg11[%dma_start3A_130] : memref<18816xf32, #tpu.memory_space<vmem>> -> memref<224xf32, #tpu.memory_space<vmem>>
    %dma_start3A_132 = arith.constant 1344 : i32
    %dma_start3A_133 = tpu.memref_slice %arg10[%dma_start3A_132] : memref<6272xi32, #tpu.memory_space<vmem>> -> memref<224xi32, #tpu.memory_space<vmem>>
    %dma_start3A_134 = arith.constant 0 : i32
    %dma_start3A_135 = tpu.memref_slice %arg3[%dma_start3A_134] : memref<200704xf32, #tpu.memory_space<hbm>> -> memref<200704xf32, #tpu.memory_space<hbm>>
    tpu.enqueue_indirect_dma source(%dma_start3A_135 : memref<200704xf32, #tpu.memory_space<hbm>>) target(%dma_start3A_131 : memref<224xf32, #tpu.memory_space<vmem>>) offsets(%dma_start3A_133 : memref<224xi32, #tpu.memory_space<vmem>>) semaphore(%arg12 : memref<!tpu.dma_semaphore, #tpu.memory_space<semaphore_mem>>)
    %dma_start3A_136 = arith.constant 13888 : i32
    %dma_start3A_137 = tpu.memref_slice %arg11[%dma_start3A_136] : memref<18816xf32, #tpu.memory_space<vmem>> -> memref<224xf32, #tpu.memory_space<vmem>>
    %dma_start3A_138 = arith.constant 1344 : i32
    %dma_start3A_139 = tpu.memref_slice %arg10[%dma_start3A_138] : memref<6272xi32, #tpu.memory_space<vmem>> -> memref<224xi32, #tpu.memory_space<vmem>>
    %dma_start3A_140 = arith.constant 0 : i32
    %dma_start3A_141 = tpu.memref_slice %arg4[%dma_start3A_140] : memref<200704xf32, #tpu.memory_space<hbm>> -> memref<200704xf32, #tpu.memory_space<hbm>>
    tpu.enqueue_indirect_dma source(%dma_start3A_141 : memref<200704xf32, #tpu.memory_space<hbm>>) target(%dma_start3A_137 : memref<224xf32, #tpu.memory_space<vmem>>) offsets(%dma_start3A_139 : memref<224xi32, #tpu.memory_space<vmem>>) semaphore(%arg12 : memref<!tpu.dma_semaphore, #tpu.memory_space<semaphore_mem>>)
    %dma_start3A_142 = arith.constant 1568 : i32
    %dma_start3A_143 = tpu.memref_slice %arg11[%dma_start3A_142] : memref<18816xf32, #tpu.memory_space<vmem>> -> memref<224xf32, #tpu.memory_space<vmem>>
    %dma_start3A_144 = arith.constant 1568 : i32
    %dma_start3A_145 = tpu.memref_slice %arg10[%dma_start3A_144] : memref<6272xi32, #tpu.memory_space<vmem>> -> memref<224xi32, #tpu.memory_space<vmem>>
    %dma_start3A_146 = arith.constant 0 : i32
    %dma_start3A_147 = tpu.memref_slice %arg2[%dma_start3A_146] : memref<200704xf32, #tpu.memory_space<hbm>> -> memref<200704xf32, #tpu.memory_space<hbm>>
    tpu.enqueue_indirect_dma source(%dma_start3A_147 : memref<200704xf32, #tpu.memory_space<hbm>>) target(%dma_start3A_143 : memref<224xf32, #tpu.memory_space<vmem>>) offsets(%dma_start3A_145 : memref<224xi32, #tpu.memory_space<vmem>>) semaphore(%arg12 : memref<!tpu.dma_semaphore, #tpu.memory_space<semaphore_mem>>)
    %dma_start3A_148 = arith.constant 7840 : i32
    %dma_start3A_149 = tpu.memref_slice %arg11[%dma_start3A_148] : memref<18816xf32, #tpu.memory_space<vmem>> -> memref<224xf32, #tpu.memory_space<vmem>>
    %dma_start3A_150 = arith.constant 1568 : i32
    %dma_start3A_151 = tpu.memref_slice %arg10[%dma_start3A_150] : memref<6272xi32, #tpu.memory_space<vmem>> -> memref<224xi32, #tpu.memory_space<vmem>>
    %dma_start3A_152 = arith.constant 0 : i32
    %dma_start3A_153 = tpu.memref_slice %arg3[%dma_start3A_152] : memref<200704xf32, #tpu.memory_space<hbm>> -> memref<200704xf32, #tpu.memory_space<hbm>>
    tpu.enqueue_indirect_dma source(%dma_start3A_153 : memref<200704xf32, #tpu.memory_space<hbm>>) target(%dma_start3A_149 : memref<224xf32, #tpu.memory_space<vmem>>) offsets(%dma_start3A_151 : memref<224xi32, #tpu.memory_space<vmem>>) semaphore(%arg12 : memref<!tpu.dma_semaphore, #tpu.memory_space<semaphore_mem>>)
    %dma_start3A_154 = arith.constant 14112 : i32
    %dma_start3A_155 = tpu.memref_slice %arg11[%dma_start3A_154] : memref<18816xf32, #tpu.memory_space<vmem>> -> memref<224xf32, #tpu.memory_space<vmem>>
    %dma_start3A_156 = arith.constant 1568 : i32
    %dma_start3A_157 = tpu.memref_slice %arg10[%dma_start3A_156] : memref<6272xi32, #tpu.memory_space<vmem>> -> memref<224xi32, #tpu.memory_space<vmem>>
    %dma_start3A_158 = arith.constant 0 : i32
    %dma_start3A_159 = tpu.memref_slice %arg4[%dma_start3A_158] : memref<200704xf32, #tpu.memory_space<hbm>> -> memref<200704xf32, #tpu.memory_space<hbm>>
    tpu.enqueue_indirect_dma source(%dma_start3A_159 : memref<200704xf32, #tpu.memory_space<hbm>>) target(%dma_start3A_155 : memref<224xf32, #tpu.memory_space<vmem>>) offsets(%dma_start3A_157 : memref<224xi32, #tpu.memory_space<vmem>>) semaphore(%arg12 : memref<!tpu.dma_semaphore, #tpu.memory_space<semaphore_mem>>)
    %dma_start3A_160 = arith.constant 1792 : i32
    %dma_start3A_161 = tpu.memref_slice %arg11[%dma_start3A_160] : memref<18816xf32, #tpu.memory_space<vmem>> -> memref<224xf32, #tpu.memory_space<vmem>>
    %dma_start3A_162 = arith.constant 1792 : i32
    %dma_start3A_163 = tpu.memref_slice %arg10[%dma_start3A_162] : memref<6272xi32, #tpu.memory_space<vmem>> -> memref<224xi32, #tpu.memory_space<vmem>>
    %dma_start3A_164 = arith.constant 0 : i32
    %dma_start3A_165 = tpu.memref_slice %arg2[%dma_start3A_164] : memref<200704xf32, #tpu.memory_space<hbm>> -> memref<200704xf32, #tpu.memory_space<hbm>>
    tpu.enqueue_indirect_dma source(%dma_start3A_165 : memref<200704xf32, #tpu.memory_space<hbm>>) target(%dma_start3A_161 : memref<224xf32, #tpu.memory_space<vmem>>) offsets(%dma_start3A_163 : memref<224xi32, #tpu.memory_space<vmem>>) semaphore(%arg12 : memref<!tpu.dma_semaphore, #tpu.memory_space<semaphore_mem>>)
    %dma_start3A_166 = arith.constant 8064 : i32
    %dma_start3A_167 = tpu.memref_slice %arg11[%dma_start3A_166] : memref<18816xf32, #tpu.memory_space<vmem>> -> memref<224xf32, #tpu.memory_space<vmem>>
    %dma_start3A_168 = arith.constant 1792 : i32
    %dma_start3A_169 = tpu.memref_slice %arg10[%dma_start3A_168] : memref<6272xi32, #tpu.memory_space<vmem>> -> memref<224xi32, #tpu.memory_space<vmem>>
    %dma_start3A_170 = arith.constant 0 : i32
    %dma_start3A_171 = tpu.memref_slice %arg3[%dma_start3A_170] : memref<200704xf32, #tpu.memory_space<hbm>> -> memref<200704xf32, #tpu.memory_space<hbm>>
    tpu.enqueue_indirect_dma source(%dma_start3A_171 : memref<200704xf32, #tpu.memory_space<hbm>>) target(%dma_start3A_167 : memref<224xf32, #tpu.memory_space<vmem>>) offsets(%dma_start3A_169 : memref<224xi32, #tpu.memory_space<vmem>>) semaphore(%arg12 : memref<!tpu.dma_semaphore, #tpu.memory_space<semaphore_mem>>)
    %dma_start3A_172 = arith.constant 14336 : i32
    %dma_start3A_173 = tpu.memref_slice %arg11[%dma_start3A_172] : memref<18816xf32, #tpu.memory_space<vmem>> -> memref<224xf32, #tpu.memory_space<vmem>>
    %dma_start3A_174 = arith.constant 1792 : i32
    %dma_start3A_175 = tpu.memref_slice %arg10[%dma_start3A_174] : memref<6272xi32, #tpu.memory_space<vmem>> -> memref<224xi32, #tpu.memory_space<vmem>>
    %dma_start3A_176 = arith.constant 0 : i32
    %dma_start3A_177 = tpu.memref_slice %arg4[%dma_start3A_176] : memref<200704xf32, #tpu.memory_space<hbm>> -> memref<200704xf32, #tpu.memory_space<hbm>>
    tpu.enqueue_indirect_dma source(%dma_start3A_177 : memref<200704xf32, #tpu.memory_space<hbm>>) target(%dma_start3A_173 : memref<224xf32, #tpu.memory_space<vmem>>) offsets(%dma_start3A_175 : memref<224xi32, #tpu.memory_space<vmem>>) semaphore(%arg12 : memref<!tpu.dma_semaphore, #tpu.memory_space<semaphore_mem>>)
    %dma_start3A_178 = arith.constant 2016 : i32
    %dma_start3A_179 = tpu.memref_slice %arg11[%dma_start3A_178] : memref<18816xf32, #tpu.memory_space<vmem>> -> memref<224xf32, #tpu.memory_space<vmem>>
    %dma_start3A_180 = arith.constant 2016 : i32
    %dma_start3A_181 = tpu.memref_slice %arg10[%dma_start3A_180] : memref<6272xi32, #tpu.memory_space<vmem>> -> memref<224xi32, #tpu.memory_space<vmem>>
    %dma_start3A_182 = arith.constant 0 : i32
    %dma_start3A_183 = tpu.memref_slice %arg2[%dma_start3A_182] : memref<200704xf32, #tpu.memory_space<hbm>> -> memref<200704xf32, #tpu.memory_space<hbm>>
    tpu.enqueue_indirect_dma source(%dma_start3A_183 : memref<200704xf32, #tpu.memory_space<hbm>>) target(%dma_start3A_179 : memref<224xf32, #tpu.memory_space<vmem>>) offsets(%dma_start3A_181 : memref<224xi32, #tpu.memory_space<vmem>>) semaphore(%arg12 : memref<!tpu.dma_semaphore, #tpu.memory_space<semaphore_mem>>)
    %dma_start3A_184 = arith.constant 8288 : i32
    %dma_start3A_185 = tpu.memref_slice %arg11[%dma_start3A_184] : memref<18816xf32, #tpu.memory_space<vmem>> -> memref<224xf32, #tpu.memory_space<vmem>>
    %dma_start3A_186 = arith.constant 2016 : i32
    %dma_start3A_187 = tpu.memref_slice %arg10[%dma_start3A_186] : memref<6272xi32, #tpu.memory_space<vmem>> -> memref<224xi32, #tpu.memory_space<vmem>>
    %dma_start3A_188 = arith.constant 0 : i32
    %dma_start3A_189 = tpu.memref_slice %arg3[%dma_start3A_188] : memref<200704xf32, #tpu.memory_space<hbm>> -> memref<200704xf32, #tpu.memory_space<hbm>>
    tpu.enqueue_indirect_dma source(%dma_start3A_189 : memref<200704xf32, #tpu.memory_space<hbm>>) target(%dma_start3A_185 : memref<224xf32, #tpu.memory_space<vmem>>) offsets(%dma_start3A_187 : memref<224xi32, #tpu.memory_space<vmem>>) semaphore(%arg12 : memref<!tpu.dma_semaphore, #tpu.memory_space<semaphore_mem>>)
    %dma_start3A_190 = arith.constant 14560 : i32
    %dma_start3A_191 = tpu.memref_slice %arg11[%dma_start3A_190] : memref<18816xf32, #tpu.memory_space<vmem>> -> memref<224xf32, #tpu.memory_space<vmem>>
    %dma_start3A_192 = arith.constant 2016 : i32
    %dma_start3A_193 = tpu.memref_slice %arg10[%dma_start3A_192] : memref<6272xi32, #tpu.memory_space<vmem>> -> memref<224xi32, #tpu.memory_space<vmem>>
    %dma_start3A_194 = arith.constant 0 : i32
    %dma_start3A_195 = tpu.memref_slice %arg4[%dma_start3A_194] : memref<200704xf32, #tpu.memory_space<hbm>> -> memref<200704xf32, #tpu.memory_space<hbm>>
    tpu.enqueue_indirect_dma source(%dma_start3A_195 : memref<200704xf32, #tpu.memory_space<hbm>>) target(%dma_start3A_191 : memref<224xf32, #tpu.memory_space<vmem>>) offsets(%dma_start3A_193 : memref<224xi32, #tpu.memory_space<vmem>>) semaphore(%arg12 : memref<!tpu.dma_semaphore, #tpu.memory_space<semaphore_mem>>)
    %dma_start3A_196 = arith.constant 2240 : i32
    %dma_start3A_197 = tpu.memref_slice %arg11[%dma_start3A_196] : memref<18816xf32, #tpu.memory_space<vmem>> -> memref<224xf32, #tpu.memory_space<vmem>>
    %dma_start3A_198 = arith.constant 2240 : i32
    %dma_start3A_199 = tpu.memref_slice %arg10[%dma_start3A_198] : memref<6272xi32, #tpu.memory_space<vmem>> -> memref<224xi32, #tpu.memory_space<vmem>>
    %dma_start3A_200 = arith.constant 0 : i32
    %dma_start3A_201 = tpu.memref_slice %arg2[%dma_start3A_200] : memref<200704xf32, #tpu.memory_space<hbm>> -> memref<200704xf32, #tpu.memory_space<hbm>>
    tpu.enqueue_indirect_dma source(%dma_start3A_201 : memref<200704xf32, #tpu.memory_space<hbm>>) target(%dma_start3A_197 : memref<224xf32, #tpu.memory_space<vmem>>) offsets(%dma_start3A_199 : memref<224xi32, #tpu.memory_space<vmem>>) semaphore(%arg12 : memref<!tpu.dma_semaphore, #tpu.memory_space<semaphore_mem>>)
    %dma_start3A_202 = arith.constant 8512 : i32
    %dma_start3A_203 = tpu.memref_slice %arg11[%dma_start3A_202] : memref<18816xf32, #tpu.memory_space<vmem>> -> memref<224xf32, #tpu.memory_space<vmem>>
    %dma_start3A_204 = arith.constant 2240 : i32
    %dma_start3A_205 = tpu.memref_slice %arg10[%dma_start3A_204] : memref<6272xi32, #tpu.memory_space<vmem>> -> memref<224xi32, #tpu.memory_space<vmem>>
    %dma_start3A_206 = arith.constant 0 : i32
    %dma_start3A_207 = tpu.memref_slice %arg3[%dma_start3A_206] : memref<200704xf32, #tpu.memory_space<hbm>> -> memref<200704xf32, #tpu.memory_space<hbm>>
    tpu.enqueue_indirect_dma source(%dma_start3A_207 : memref<200704xf32, #tpu.memory_space<hbm>>) target(%dma_start3A_203 : memref<224xf32, #tpu.memory_space<vmem>>) offsets(%dma_start3A_205 : memref<224xi32, #tpu.memory_space<vmem>>) semaphore(%arg12 : memref<!tpu.dma_semaphore, #tpu.memory_space<semaphore_mem>>)
    %dma_start3A_208 = arith.constant 14784 : i32
    %dma_start3A_209 = tpu.memref_slice %arg11[%dma_start3A_208] : memref<18816xf32, #tpu.memory_space<vmem>> -> memref<224xf32, #tpu.memory_space<vmem>>
    %dma_start3A_210 = arith.constant 2240 : i32
    %dma_start3A_211 = tpu.memref_slice %arg10[%dma_start3A_210] : memref<6272xi32, #tpu.memory_space<vmem>> -> memref<224xi32, #tpu.memory_space<vmem>>
    %dma_start3A_212 = arith.constant 0 : i32
    %dma_start3A_213 = tpu.memref_slice %arg4[%dma_start3A_212] : memref<200704xf32, #tpu.memory_space<hbm>> -> memref<200704xf32, #tpu.memory_space<hbm>>
    tpu.enqueue_indirect_dma source(%dma_start3A_213 : memref<200704xf32, #tpu.memory_space<hbm>>) target(%dma_start3A_209 : memref<224xf32, #tpu.memory_space<vmem>>) offsets(%dma_start3A_211 : memref<224xi32, #tpu.memory_space<vmem>>) semaphore(%arg12 : memref<!tpu.dma_semaphore, #tpu.memory_space<semaphore_mem>>)
    %dma_start3A_214 = arith.constant 2464 : i32
    %dma_start3A_215 = tpu.memref_slice %arg11[%dma_start3A_214] : memref<18816xf32, #tpu.memory_space<vmem>> -> memref<224xf32, #tpu.memory_space<vmem>>
    %dma_start3A_216 = arith.constant 2464 : i32
    %dma_start3A_217 = tpu.memref_slice %arg10[%dma_start3A_216] : memref<6272xi32, #tpu.memory_space<vmem>> -> memref<224xi32, #tpu.memory_space<vmem>>
    %dma_start3A_218 = arith.constant 0 : i32
    %dma_start3A_219 = tpu.memref_slice %arg2[%dma_start3A_218] : memref<200704xf32, #tpu.memory_space<hbm>> -> memref<200704xf32, #tpu.memory_space<hbm>>
    tpu.enqueue_indirect_dma source(%dma_start3A_219 : memref<200704xf32, #tpu.memory_space<hbm>>) target(%dma_start3A_215 : memref<224xf32, #tpu.memory_space<vmem>>) offsets(%dma_start3A_217 : memref<224xi32, #tpu.memory_space<vmem>>) semaphore(%arg12 : memref<!tpu.dma_semaphore, #tpu.memory_space<semaphore_mem>>)
    %dma_start3A_220 = arith.constant 8736 : i32
    %dma_start3A_221 = tpu.memref_slice %arg11[%dma_start3A_220] : memref<18816xf32, #tpu.memory_space<vmem>> -> memref<224xf32, #tpu.memory_space<vmem>>
    %dma_start3A_222 = arith.constant 2464 : i32
    %dma_start3A_223 = tpu.memref_slice %arg10[%dma_start3A_222] : memref<6272xi32, #tpu.memory_space<vmem>> -> memref<224xi32, #tpu.memory_space<vmem>>
    %dma_start3A_224 = arith.constant 0 : i32
    %dma_start3A_225 = tpu.memref_slice %arg3[%dma_start3A_224] : memref<200704xf32, #tpu.memory_space<hbm>> -> memref<200704xf32, #tpu.memory_space<hbm>>
    tpu.enqueue_indirect_dma source(%dma_start3A_225 : memref<200704xf32, #tpu.memory_space<hbm>>) target(%dma_start3A_221 : memref<224xf32, #tpu.memory_space<vmem>>) offsets(%dma_start3A_223 : memref<224xi32, #tpu.memory_space<vmem>>) semaphore(%arg12 : memref<!tpu.dma_semaphore, #tpu.memory_space<semaphore_mem>>)
    %dma_start3A_226 = arith.constant 15008 : i32
    %dma_start3A_227 = tpu.memref_slice %arg11[%dma_start3A_226] : memref<18816xf32, #tpu.memory_space<vmem>> -> memref<224xf32, #tpu.memory_space<vmem>>
    %dma_start3A_228 = arith.constant 2464 : i32
    %dma_start3A_229 = tpu.memref_slice %arg10[%dma_start3A_228] : memref<6272xi32, #tpu.memory_space<vmem>> -> memref<224xi32, #tpu.memory_space<vmem>>
    %dma_start3A_230 = arith.constant 0 : i32
    %dma_start3A_231 = tpu.memref_slice %arg4[%dma_start3A_230] : memref<200704xf32, #tpu.memory_space<hbm>> -> memref<200704xf32, #tpu.memory_space<hbm>>
    tpu.enqueue_indirect_dma source(%dma_start3A_231 : memref<200704xf32, #tpu.memory_space<hbm>>) target(%dma_start3A_227 : memref<224xf32, #tpu.memory_space<vmem>>) offsets(%dma_start3A_229 : memref<224xi32, #tpu.memory_space<vmem>>) semaphore(%arg12 : memref<!tpu.dma_semaphore, #tpu.memory_space<semaphore_mem>>)
    %dma_start3A_232 = arith.constant 2688 : i32
    %dma_start3A_233 = tpu.memref_slice %arg11[%dma_start3A_232] : memref<18816xf32, #tpu.memory_space<vmem>> -> memref<224xf32, #tpu.memory_space<vmem>>
    %dma_start3A_234 = arith.constant 2688 : i32
    %dma_start3A_235 = tpu.memref_slice %arg10[%dma_start3A_234] : memref<6272xi32, #tpu.memory_space<vmem>> -> memref<224xi32, #tpu.memory_space<vmem>>
    %dma_start3A_236 = arith.constant 0 : i32
    %dma_start3A_237 = tpu.memref_slice %arg2[%dma_start3A_236] : memref<200704xf32, #tpu.memory_space<hbm>> -> memref<200704xf32, #tpu.memory_space<hbm>>
    tpu.enqueue_indirect_dma source(%dma_start3A_237 : memref<200704xf32, #tpu.memory_space<hbm>>) target(%dma_start3A_233 : memref<224xf32, #tpu.memory_space<vmem>>) offsets(%dma_start3A_235 : memref<224xi32, #tpu.memory_space<vmem>>) semaphore(%arg12 : memref<!tpu.dma_semaphore, #tpu.memory_space<semaphore_mem>>)
    %dma_start3A_238 = arith.constant 8960 : i32
    %dma_start3A_239 = tpu.memref_slice %arg11[%dma_start3A_238] : memref<18816xf32, #tpu.memory_space<vmem>> -> memref<224xf32, #tpu.memory_space<vmem>>
    %dma_start3A_240 = arith.constant 2688 : i32
    %dma_start3A_241 = tpu.memref_slice %arg10[%dma_start3A_240] : memref<6272xi32, #tpu.memory_space<vmem>> -> memref<224xi32, #tpu.memory_space<vmem>>
    %dma_start3A_242 = arith.constant 0 : i32
    %dma_start3A_243 = tpu.memref_slice %arg3[%dma_start3A_242] : memref<200704xf32, #tpu.memory_space<hbm>> -> memref<200704xf32, #tpu.memory_space<hbm>>
    tpu.enqueue_indirect_dma source(%dma_start3A_243 : memref<200704xf32, #tpu.memory_space<hbm>>) target(%dma_start3A_239 : memref<224xf32, #tpu.memory_space<vmem>>) offsets(%dma_start3A_241 : memref<224xi32, #tpu.memory_space<vmem>>) semaphore(%arg12 : memref<!tpu.dma_semaphore, #tpu.memory_space<semaphore_mem>>)
    %dma_start3A_244 = arith.constant 15232 : i32
    %dma_start3A_245 = tpu.memref_slice %arg11[%dma_start3A_244] : memref<18816xf32, #tpu.memory_space<vmem>> -> memref<224xf32, #tpu.memory_space<vmem>>
    %dma_start3A_246 = arith.constant 2688 : i32
    %dma_start3A_247 = tpu.memref_slice %arg10[%dma_start3A_246] : memref<6272xi32, #tpu.memory_space<vmem>> -> memref<224xi32, #tpu.memory_space<vmem>>
    %dma_start3A_248 = arith.constant 0 : i32
    %dma_start3A_249 = tpu.memref_slice %arg4[%dma_start3A_248] : memref<200704xf32, #tpu.memory_space<hbm>> -> memref<200704xf32, #tpu.memory_space<hbm>>
    tpu.enqueue_indirect_dma source(%dma_start3A_249 : memref<200704xf32, #tpu.memory_space<hbm>>) target(%dma_start3A_245 : memref<224xf32, #tpu.memory_space<vmem>>) offsets(%dma_start3A_247 : memref<224xi32, #tpu.memory_space<vmem>>) semaphore(%arg12 : memref<!tpu.dma_semaphore, #tpu.memory_space<semaphore_mem>>)
    %dma_start3A_250 = arith.constant 2912 : i32
    %dma_start3A_251 = tpu.memref_slice %arg11[%dma_start3A_250] : memref<18816xf32, #tpu.memory_space<vmem>> -> memref<224xf32, #tpu.memory_space<vmem>>
    %dma_start3A_252 = arith.constant 2912 : i32
    %dma_start3A_253 = tpu.memref_slice %arg10[%dma_start3A_252] : memref<6272xi32, #tpu.memory_space<vmem>> -> memref<224xi32, #tpu.memory_space<vmem>>
    %dma_start3A_254 = arith.constant 0 : i32
    %dma_start3A_255 = tpu.memref_slice %arg2[%dma_start3A_254] : memref<200704xf32, #tpu.memory_space<hbm>> -> memref<200704xf32, #tpu.memory_space<hbm>>
    tpu.enqueue_indirect_dma source(%dma_start3A_255 : memref<200704xf32, #tpu.memory_space<hbm>>) target(%dma_start3A_251 : memref<224xf32, #tpu.memory_space<vmem>>) offsets(%dma_start3A_253 : memref<224xi32, #tpu.memory_space<vmem>>) semaphore(%arg12 : memref<!tpu.dma_semaphore, #tpu.memory_space<semaphore_mem>>)
    %dma_start3A_256 = arith.constant 9184 : i32
    %dma_start3A_257 = tpu.memref_slice %arg11[%dma_start3A_256] : memref<18816xf32, #tpu.memory_space<vmem>> -> memref<224xf32, #tpu.memory_space<vmem>>
    %dma_start3A_258 = arith.constant 2912 : i32
    %dma_start3A_259 = tpu.memref_slice %arg10[%dma_start3A_258] : memref<6272xi32, #tpu.memory_space<vmem>> -> memref<224xi32, #tpu.memory_space<vmem>>
    %dma_start3A_260 = arith.constant 0 : i32
    %dma_start3A_261 = tpu.memref_slice %arg3[%dma_start3A_260] : memref<200704xf32, #tpu.memory_space<hbm>> -> memref<200704xf32, #tpu.memory_space<hbm>>
    tpu.enqueue_indirect_dma source(%dma_start3A_261 : memref<200704xf32, #tpu.memory_space<hbm>>) target(%dma_start3A_257 : memref<224xf32, #tpu.memory_space<vmem>>) offsets(%dma_start3A_259 : memref<224xi32, #tpu.memory_space<vmem>>) semaphore(%arg12 : memref<!tpu.dma_semaphore, #tpu.memory_space<semaphore_mem>>)
    %dma_start3A_262 = arith.constant 15456 : i32
    %dma_start3A_263 = tpu.memref_slice %arg11[%dma_start3A_262] : memref<18816xf32, #tpu.memory_space<vmem>> -> memref<224xf32, #tpu.memory_space<vmem>>
    %dma_start3A_264 = arith.constant 2912 : i32
    %dma_start3A_265 = tpu.memref_slice %arg10[%dma_start3A_264] : memref<6272xi32, #tpu.memory_space<vmem>> -> memref<224xi32, #tpu.memory_space<vmem>>
    %dma_start3A_266 = arith.constant 0 : i32
    %dma_start3A_267 = tpu.memref_slice %arg4[%dma_start3A_266] : memref<200704xf32, #tpu.memory_space<hbm>> -> memref<200704xf32, #tpu.memory_space<hbm>>
    tpu.enqueue_indirect_dma source(%dma_start3A_267 : memref<200704xf32, #tpu.memory_space<hbm>>) target(%dma_start3A_263 : memref<224xf32, #tpu.memory_space<vmem>>) offsets(%dma_start3A_265 : memref<224xi32, #tpu.memory_space<vmem>>) semaphore(%arg12 : memref<!tpu.dma_semaphore, #tpu.memory_space<semaphore_mem>>)
    %dma_start3A_268 = arith.constant 3136 : i32
    %dma_start3A_269 = tpu.memref_slice %arg11[%dma_start3A_268] : memref<18816xf32, #tpu.memory_space<vmem>> -> memref<224xf32, #tpu.memory_space<vmem>>
    %dma_start3A_270 = arith.constant 3136 : i32
    %dma_start3A_271 = tpu.memref_slice %arg10[%dma_start3A_270] : memref<6272xi32, #tpu.memory_space<vmem>> -> memref<224xi32, #tpu.memory_space<vmem>>
    %dma_start3A_272 = arith.constant 0 : i32
    %dma_start3A_273 = tpu.memref_slice %arg2[%dma_start3A_272] : memref<200704xf32, #tpu.memory_space<hbm>> -> memref<200704xf32, #tpu.memory_space<hbm>>
    tpu.enqueue_indirect_dma source(%dma_start3A_273 : memref<200704xf32, #tpu.memory_space<hbm>>) target(%dma_start3A_269 : memref<224xf32, #tpu.memory_space<vmem>>) offsets(%dma_start3A_271 : memref<224xi32, #tpu.memory_space<vmem>>) semaphore(%arg12 : memref<!tpu.dma_semaphore, #tpu.memory_space<semaphore_mem>>)
    %dma_start3A_274 = arith.constant 9408 : i32
    %dma_start3A_275 = tpu.memref_slice %arg11[%dma_start3A_274] : memref<18816xf32, #tpu.memory_space<vmem>> -> memref<224xf32, #tpu.memory_space<vmem>>
    %dma_start3A_276 = arith.constant 3136 : i32
    %dma_start3A_277 = tpu.memref_slice %arg10[%dma_start3A_276] : memref<6272xi32, #tpu.memory_space<vmem>> -> memref<224xi32, #tpu.memory_space<vmem>>
    %dma_start3A_278 = arith.constant 0 : i32
    %dma_start3A_279 = tpu.memref_slice %arg3[%dma_start3A_278] : memref<200704xf32, #tpu.memory_space<hbm>> -> memref<200704xf32, #tpu.memory_space<hbm>>
    tpu.enqueue_indirect_dma source(%dma_start3A_279 : memref<200704xf32, #tpu.memory_space<hbm>>) target(%dma_start3A_275 : memref<224xf32, #tpu.memory_space<vmem>>) offsets(%dma_start3A_277 : memref<224xi32, #tpu.memory_space<vmem>>) semaphore(%arg12 : memref<!tpu.dma_semaphore, #tpu.memory_space<semaphore_mem>>)
    %dma_start3A_280 = arith.constant 15680 : i32
    %dma_start3A_281 = tpu.memref_slice %arg11[%dma_start3A_280] : memref<18816xf32, #tpu.memory_space<vmem>> -> memref<224xf32, #tpu.memory_space<vmem>>
    %dma_start3A_282 = arith.constant 3136 : i32
    %dma_start3A_283 = tpu.memref_slice %arg10[%dma_start3A_282] : memref<6272xi32, #tpu.memory_space<vmem>> -> memref<224xi32, #tpu.memory_space<vmem>>
    %dma_start3A_284 = arith.constant 0 : i32
    %dma_start3A_285 = tpu.memref_slice %arg4[%dma_start3A_284] : memref<200704xf32, #tpu.memory_space<hbm>> -> memref<200704xf32, #tpu.memory_space<hbm>>
    tpu.enqueue_indirect_dma source(%dma_start3A_285 : memref<200704xf32, #tpu.memory_space<hbm>>) target(%dma_start3A_281 : memref<224xf32, #tpu.memory_space<vmem>>) offsets(%dma_start3A_283 : memref<224xi32, #tpu.memory_space<vmem>>) semaphore(%arg12 : memref<!tpu.dma_semaphore, #tpu.memory_space<semaphore_mem>>)
    %dma_start3A_286 = arith.constant 3360 : i32
    %dma_start3A_287 = tpu.memref_slice %arg11[%dma_start3A_286] : memref<18816xf32, #tpu.memory_space<vmem>> -> memref<224xf32, #tpu.memory_space<vmem>>
    %dma_start3A_288 = arith.constant 3360 : i32
    %dma_start3A_289 = tpu.memref_slice %arg10[%dma_start3A_288] : memref<6272xi32, #tpu.memory_space<vmem>> -> memref<224xi32, #tpu.memory_space<vmem>>
    %dma_start3A_290 = arith.constant 0 : i32
    %dma_start3A_291 = tpu.memref_slice %arg2[%dma_start3A_290] : memref<200704xf32, #tpu.memory_space<hbm>> -> memref<200704xf32, #tpu.memory_space<hbm>>
    tpu.enqueue_indirect_dma source(%dma_start3A_291 : memref<200704xf32, #tpu.memory_space<hbm>>) target(%dma_start3A_287 : memref<224xf32, #tpu.memory_space<vmem>>) offsets(%dma_start3A_289 : memref<224xi32, #tpu.memory_space<vmem>>) semaphore(%arg12 : memref<!tpu.dma_semaphore, #tpu.memory_space<semaphore_mem>>)
    %dma_start3A_292 = arith.constant 9632 : i32
    %dma_start3A_293 = tpu.memref_slice %arg11[%dma_start3A_292] : memref<18816xf32, #tpu.memory_space<vmem>> -> memref<224xf32, #tpu.memory_space<vmem>>
    %dma_start3A_294 = arith.constant 3360 : i32
    %dma_start3A_295 = tpu.memref_slice %arg10[%dma_start3A_294] : memref<6272xi32, #tpu.memory_space<vmem>> -> memref<224xi32, #tpu.memory_space<vmem>>
    %dma_start3A_296 = arith.constant 0 : i32
    %dma_start3A_297 = tpu.memref_slice %arg3[%dma_start3A_296] : memref<200704xf32, #tpu.memory_space<hbm>> -> memref<200704xf32, #tpu.memory_space<hbm>>
    tpu.enqueue_indirect_dma source(%dma_start3A_297 : memref<200704xf32, #tpu.memory_space<hbm>>) target(%dma_start3A_293 : memref<224xf32, #tpu.memory_space<vmem>>) offsets(%dma_start3A_295 : memref<224xi32, #tpu.memory_space<vmem>>) semaphore(%arg12 : memref<!tpu.dma_semaphore, #tpu.memory_space<semaphore_mem>>)
    %dma_start3A_298 = arith.constant 15904 : i32
    %dma_start3A_299 = tpu.memref_slice %arg11[%dma_start3A_298] : memref<18816xf32, #tpu.memory_space<vmem>> -> memref<224xf32, #tpu.memory_space<vmem>>
    %dma_start3A_300 = arith.constant 3360 : i32
    %dma_start3A_301 = tpu.memref_slice %arg10[%dma_start3A_300] : memref<6272xi32, #tpu.memory_space<vmem>> -> memref<224xi32, #tpu.memory_space<vmem>>
    %dma_start3A_302 = arith.constant 0 : i32
    %dma_start3A_303 = tpu.memref_slice %arg4[%dma_start3A_302] : memref<200704xf32, #tpu.memory_space<hbm>> -> memref<200704xf32, #tpu.memory_space<hbm>>
    tpu.enqueue_indirect_dma source(%dma_start3A_303 : memref<200704xf32, #tpu.memory_space<hbm>>) target(%dma_start3A_299 : memref<224xf32, #tpu.memory_space<vmem>>) offsets(%dma_start3A_301 : memref<224xi32, #tpu.memory_space<vmem>>) semaphore(%arg12 : memref<!tpu.dma_semaphore, #tpu.memory_space<semaphore_mem>>)
    %dma_start3A_304 = arith.constant 3584 : i32
    %dma_start3A_305 = tpu.memref_slice %arg11[%dma_start3A_304] : memref<18816xf32, #tpu.memory_space<vmem>> -> memref<224xf32, #tpu.memory_space<vmem>>
    %dma_start3A_306 = arith.constant 3584 : i32
    %dma_start3A_307 = tpu.memref_slice %arg10[%dma_start3A_306] : memref<6272xi32, #tpu.memory_space<vmem>> -> memref<224xi32, #tpu.memory_space<vmem>>
    %dma_start3A_308 = arith.constant 0 : i32
    %dma_start3A_309 = tpu.memref_slice %arg2[%dma_start3A_308] : memref<200704xf32, #tpu.memory_space<hbm>> -> memref<200704xf32, #tpu.memory_space<hbm>>
    tpu.enqueue_indirect_dma source(%dma_start3A_309 : memref<200704xf32, #tpu.memory_space<hbm>>) target(%dma_start3A_305 : memref<224xf32, #tpu.memory_space<vmem>>) offsets(%dma_start3A_307 : memref<224xi32, #tpu.memory_space<vmem>>) semaphore(%arg12 : memref<!tpu.dma_semaphore, #tpu.memory_space<semaphore_mem>>)
    %dma_start3A_310 = arith.constant 9856 : i32
    %dma_start3A_311 = tpu.memref_slice %arg11[%dma_start3A_310] : memref<18816xf32, #tpu.memory_space<vmem>> -> memref<224xf32, #tpu.memory_space<vmem>>
    %dma_start3A_312 = arith.constant 3584 : i32
    %dma_start3A_313 = tpu.memref_slice %arg10[%dma_start3A_312] : memref<6272xi32, #tpu.memory_space<vmem>> -> memref<224xi32, #tpu.memory_space<vmem>>
    %dma_start3A_314 = arith.constant 0 : i32
    %dma_start3A_315 = tpu.memref_slice %arg3[%dma_start3A_314] : memref<200704xf32, #tpu.memory_space<hbm>> -> memref<200704xf32, #tpu.memory_space<hbm>>
    tpu.enqueue_indirect_dma source(%dma_start3A_315 : memref<200704xf32, #tpu.memory_space<hbm>>) target(%dma_start3A_311 : memref<224xf32, #tpu.memory_space<vmem>>) offsets(%dma_start3A_313 : memref<224xi32, #tpu.memory_space<vmem>>) semaphore(%arg12 : memref<!tpu.dma_semaphore, #tpu.memory_space<semaphore_mem>>)
    %dma_start3A_316 = arith.constant 16128 : i32
    %dma_start3A_317 = tpu.memref_slice %arg11[%dma_start3A_316] : memref<18816xf32, #tpu.memory_space<vmem>> -> memref<224xf32, #tpu.memory_space<vmem>>
    %dma_start3A_318 = arith.constant 3584 : i32
    %dma_start3A_319 = tpu.memref_slice %arg10[%dma_start3A_318] : memref<6272xi32, #tpu.memory_space<vmem>> -> memref<224xi32, #tpu.memory_space<vmem>>
    %dma_start3A_320 = arith.constant 0 : i32
    %dma_start3A_321 = tpu.memref_slice %arg4[%dma_start3A_320] : memref<200704xf32, #tpu.memory_space<hbm>> -> memref<200704xf32, #tpu.memory_space<hbm>>
    tpu.enqueue_indirect_dma source(%dma_start3A_321 : memref<200704xf32, #tpu.memory_space<hbm>>) target(%dma_start3A_317 : memref<224xf32, #tpu.memory_space<vmem>>) offsets(%dma_start3A_319 : memref<224xi32, #tpu.memory_space<vmem>>) semaphore(%arg12 : memref<!tpu.dma_semaphore, #tpu.memory_space<semaphore_mem>>)
    %dma_start3A_322 = arith.constant 3808 : i32
    %dma_start3A_323 = tpu.memref_slice %arg11[%dma_start3A_322] : memref<18816xf32, #tpu.memory_space<vmem>> -> memref<224xf32, #tpu.memory_space<vmem>>
    %dma_start3A_324 = arith.constant 3808 : i32
    %dma_start3A_325 = tpu.memref_slice %arg10[%dma_start3A_324] : memref<6272xi32, #tpu.memory_space<vmem>> -> memref<224xi32, #tpu.memory_space<vmem>>
    %dma_start3A_326 = arith.constant 0 : i32
    %dma_start3A_327 = tpu.memref_slice %arg2[%dma_start3A_326] : memref<200704xf32, #tpu.memory_space<hbm>> -> memref<200704xf32, #tpu.memory_space<hbm>>
    tpu.enqueue_indirect_dma source(%dma_start3A_327 : memref<200704xf32, #tpu.memory_space<hbm>>) target(%dma_start3A_323 : memref<224xf32, #tpu.memory_space<vmem>>) offsets(%dma_start3A_325 : memref<224xi32, #tpu.memory_space<vmem>>) semaphore(%arg12 : memref<!tpu.dma_semaphore, #tpu.memory_space<semaphore_mem>>)
    %dma_start3A_328 = arith.constant 10080 : i32
    %dma_start3A_329 = tpu.memref_slice %arg11[%dma_start3A_328] : memref<18816xf32, #tpu.memory_space<vmem>> -> memref<224xf32, #tpu.memory_space<vmem>>
    %dma_start3A_330 = arith.constant 3808 : i32
    %dma_start3A_331 = tpu.memref_slice %arg10[%dma_start3A_330] : memref<6272xi32, #tpu.memory_space<vmem>> -> memref<224xi32, #tpu.memory_space<vmem>>
    %dma_start3A_332 = arith.constant 0 : i32
    %dma_start3A_333 = tpu.memref_slice %arg3[%dma_start3A_332] : memref<200704xf32, #tpu.memory_space<hbm>> -> memref<200704xf32, #tpu.memory_space<hbm>>
    tpu.enqueue_indirect_dma source(%dma_start3A_333 : memref<200704xf32, #tpu.memory_space<hbm>>) target(%dma_start3A_329 : memref<224xf32, #tpu.memory_space<vmem>>) offsets(%dma_start3A_331 : memref<224xi32, #tpu.memory_space<vmem>>) semaphore(%arg12 : memref<!tpu.dma_semaphore, #tpu.memory_space<semaphore_mem>>)
    %dma_start3A_334 = arith.constant 16352 : i32
    %dma_start3A_335 = tpu.memref_slice %arg11[%dma_start3A_334] : memref<18816xf32, #tpu.memory_space<vmem>> -> memref<224xf32, #tpu.memory_space<vmem>>
    %dma_start3A_336 = arith.constant 3808 : i32
    %dma_start3A_337 = tpu.memref_slice %arg10[%dma_start3A_336] : memref<6272xi32, #tpu.memory_space<vmem>> -> memref<224xi32, #tpu.memory_space<vmem>>
    %dma_start3A_338 = arith.constant 0 : i32
    %dma_start3A_339 = tpu.memref_slice %arg4[%dma_start3A_338] : memref<200704xf32, #tpu.memory_space<hbm>> -> memref<200704xf32, #tpu.memory_space<hbm>>
    tpu.enqueue_indirect_dma source(%dma_start3A_339 : memref<200704xf32, #tpu.memory_space<hbm>>) target(%dma_start3A_335 : memref<224xf32, #tpu.memory_space<vmem>>) offsets(%dma_start3A_337 : memref<224xi32, #tpu.memory_space<vmem>>) semaphore(%arg12 : memref<!tpu.dma_semaphore, #tpu.memory_space<semaphore_mem>>)
    %dma_start3A_340 = arith.constant 4032 : i32
    %dma_start3A_341 = tpu.memref_slice %arg11[%dma_start3A_340] : memref<18816xf32, #tpu.memory_space<vmem>> -> memref<224xf32, #tpu.memory_space<vmem>>
    %dma_start3A_342 = arith.constant 4032 : i32
    %dma_start3A_343 = tpu.memref_slice %arg10[%dma_start3A_342] : memref<6272xi32, #tpu.memory_space<vmem>> -> memref<224xi32, #tpu.memory_space<vmem>>
    %dma_start3A_344 = arith.constant 0 : i32
    %dma_start3A_345 = tpu.memref_slice %arg2[%dma_start3A_344] : memref<200704xf32, #tpu.memory_space<hbm>> -> memref<200704xf32, #tpu.memory_space<hbm>>
    tpu.enqueue_indirect_dma source(%dma_start3A_345 : memref<200704xf32, #tpu.memory_space<hbm>>) target(%dma_start3A_341 : memref<224xf32, #tpu.memory_space<vmem>>) offsets(%dma_start3A_343 : memref<224xi32, #tpu.memory_space<vmem>>) semaphore(%arg12 : memref<!tpu.dma_semaphore, #tpu.memory_space<semaphore_mem>>)
    %dma_start3A_346 = arith.constant 10304 : i32
    %dma_start3A_347 = tpu.memref_slice %arg11[%dma_start3A_346] : memref<18816xf32, #tpu.memory_space<vmem>> -> memref<224xf32, #tpu.memory_space<vmem>>
    %dma_start3A_348 = arith.constant 4032 : i32
    %dma_start3A_349 = tpu.memref_slice %arg10[%dma_start3A_348] : memref<6272xi32, #tpu.memory_space<vmem>> -> memref<224xi32, #tpu.memory_space<vmem>>
    %dma_start3A_350 = arith.constant 0 : i32
    %dma_start3A_351 = tpu.memref_slice %arg3[%dma_start3A_350] : memref<200704xf32, #tpu.memory_space<hbm>> -> memref<200704xf32, #tpu.memory_space<hbm>>
    tpu.enqueue_indirect_dma source(%dma_start3A_351 : memref<200704xf32, #tpu.memory_space<hbm>>) target(%dma_start3A_347 : memref<224xf32, #tpu.memory_space<vmem>>) offsets(%dma_start3A_349 : memref<224xi32, #tpu.memory_space<vmem>>) semaphore(%arg12 : memref<!tpu.dma_semaphore, #tpu.memory_space<semaphore_mem>>)
    %dma_start3A_352 = arith.constant 16576 : i32
    %dma_start3A_353 = tpu.memref_slice %arg11[%dma_start3A_352] : memref<18816xf32, #tpu.memory_space<vmem>> -> memref<224xf32, #tpu.memory_space<vmem>>
    %dma_start3A_354 = arith.constant 4032 : i32
    %dma_start3A_355 = tpu.memref_slice %arg10[%dma_start3A_354] : memref<6272xi32, #tpu.memory_space<vmem>> -> memref<224xi32, #tpu.memory_space<vmem>>
    %dma_start3A_356 = arith.constant 0 : i32
    %dma_start3A_357 = tpu.memref_slice %arg4[%dma_start3A_356] : memref<200704xf32, #tpu.memory_space<hbm>> -> memref<200704xf32, #tpu.memory_space<hbm>>
    tpu.enqueue_indirect_dma source(%dma_start3A_357 : memref<200704xf32, #tpu.memory_space<hbm>>) target(%dma_start3A_353 : memref<224xf32, #tpu.memory_space<vmem>>) offsets(%dma_start3A_355 : memref<224xi32, #tpu.memory_space<vmem>>) semaphore(%arg12 : memref<!tpu.dma_semaphore, #tpu.memory_space<semaphore_mem>>)
    %dma_start3A_358 = arith.constant 4256 : i32
    %dma_start3A_359 = tpu.memref_slice %arg11[%dma_start3A_358] : memref<18816xf32, #tpu.memory_space<vmem>> -> memref<224xf32, #tpu.memory_space<vmem>>
    %dma_start3A_360 = arith.constant 4256 : i32
    %dma_start3A_361 = tpu.memref_slice %arg10[%dma_start3A_360] : memref<6272xi32, #tpu.memory_space<vmem>> -> memref<224xi32, #tpu.memory_space<vmem>>
    %dma_start3A_362 = arith.constant 0 : i32
    %dma_start3A_363 = tpu.memref_slice %arg2[%dma_start3A_362] : memref<200704xf32, #tpu.memory_space<hbm>> -> memref<200704xf32, #tpu.memory_space<hbm>>
    tpu.enqueue_indirect_dma source(%dma_start3A_363 : memref<200704xf32, #tpu.memory_space<hbm>>) target(%dma_start3A_359 : memref<224xf32, #tpu.memory_space<vmem>>) offsets(%dma_start3A_361 : memref<224xi32, #tpu.memory_space<vmem>>) semaphore(%arg12 : memref<!tpu.dma_semaphore, #tpu.memory_space<semaphore_mem>>)
    %dma_start3A_364 = arith.constant 10528 : i32
    %dma_start3A_365 = tpu.memref_slice %arg11[%dma_start3A_364] : memref<18816xf32, #tpu.memory_space<vmem>> -> memref<224xf32, #tpu.memory_space<vmem>>
    %dma_start3A_366 = arith.constant 4256 : i32
    %dma_start3A_367 = tpu.memref_slice %arg10[%dma_start3A_366] : memref<6272xi32, #tpu.memory_space<vmem>> -> memref<224xi32, #tpu.memory_space<vmem>>
    %dma_start3A_368 = arith.constant 0 : i32
    %dma_start3A_369 = tpu.memref_slice %arg3[%dma_start3A_368] : memref<200704xf32, #tpu.memory_space<hbm>> -> memref<200704xf32, #tpu.memory_space<hbm>>
    tpu.enqueue_indirect_dma source(%dma_start3A_369 : memref<200704xf32, #tpu.memory_space<hbm>>) target(%dma_start3A_365 : memref<224xf32, #tpu.memory_space<vmem>>) offsets(%dma_start3A_367 : memref<224xi32, #tpu.memory_space<vmem>>) semaphore(%arg12 : memref<!tpu.dma_semaphore, #tpu.memory_space<semaphore_mem>>)
    %dma_start3A_370 = arith.constant 16800 : i32
    %dma_start3A_371 = tpu.memref_slice %arg11[%dma_start3A_370] : memref<18816xf32, #tpu.memory_space<vmem>> -> memref<224xf32, #tpu.memory_space<vmem>>
    %dma_start3A_372 = arith.constant 4256 : i32
    %dma_start3A_373 = tpu.memref_slice %arg10[%dma_start3A_372] : memref<6272xi32, #tpu.memory_space<vmem>> -> memref<224xi32, #tpu.memory_space<vmem>>
    %dma_start3A_374 = arith.constant 0 : i32
    %dma_start3A_375 = tpu.memref_slice %arg4[%dma_start3A_374] : memref<200704xf32, #tpu.memory_space<hbm>> -> memref<200704xf32, #tpu.memory_space<hbm>>
    tpu.enqueue_indirect_dma source(%dma_start3A_375 : memref<200704xf32, #tpu.memory_space<hbm>>) target(%dma_start3A_371 : memref<224xf32, #tpu.memory_space<vmem>>) offsets(%dma_start3A_373 : memref<224xi32, #tpu.memory_space<vmem>>) semaphore(%arg12 : memref<!tpu.dma_semaphore, #tpu.memory_space<semaphore_mem>>)
    %dma_start3A_376 = arith.constant 4480 : i32
    %dma_start3A_377 = tpu.memref_slice %arg11[%dma_start3A_376] : memref<18816xf32, #tpu.memory_space<vmem>> -> memref<224xf32, #tpu.memory_space<vmem>>
    %dma_start3A_378 = arith.constant 4480 : i32
    %dma_start3A_379 = tpu.memref_slice %arg10[%dma_start3A_378] : memref<6272xi32, #tpu.memory_space<vmem>> -> memref<224xi32, #tpu.memory_space<vmem>>
    %dma_start3A_380 = arith.constant 0 : i32
    %dma_start3A_381 = tpu.memref_slice %arg2[%dma_start3A_380] : memref<200704xf32, #tpu.memory_space<hbm>> -> memref<200704xf32, #tpu.memory_space<hbm>>
    tpu.enqueue_indirect_dma source(%dma_start3A_381 : memref<200704xf32, #tpu.memory_space<hbm>>) target(%dma_start3A_377 : memref<224xf32, #tpu.memory_space<vmem>>) offsets(%dma_start3A_379 : memref<224xi32, #tpu.memory_space<vmem>>) semaphore(%arg12 : memref<!tpu.dma_semaphore, #tpu.memory_space<semaphore_mem>>)
    %dma_start3A_382 = arith.constant 10752 : i32
    %dma_start3A_383 = tpu.memref_slice %arg11[%dma_start3A_382] : memref<18816xf32, #tpu.memory_space<vmem>> -> memref<224xf32, #tpu.memory_space<vmem>>
    %dma_start3A_384 = arith.constant 4480 : i32
    %dma_start3A_385 = tpu.memref_slice %arg10[%dma_start3A_384] : memref<6272xi32, #tpu.memory_space<vmem>> -> memref<224xi32, #tpu.memory_space<vmem>>
    %dma_start3A_386 = arith.constant 0 : i32
    %dma_start3A_387 = tpu.memref_slice %arg3[%dma_start3A_386] : memref<200704xf32, #tpu.memory_space<hbm>> -> memref<200704xf32, #tpu.memory_space<hbm>>
    tpu.enqueue_indirect_dma source(%dma_start3A_387 : memref<200704xf32, #tpu.memory_space<hbm>>) target(%dma_start3A_383 : memref<224xf32, #tpu.memory_space<vmem>>) offsets(%dma_start3A_385 : memref<224xi32, #tpu.memory_space<vmem>>) semaphore(%arg12 : memref<!tpu.dma_semaphore, #tpu.memory_space<semaphore_mem>>)
    %dma_start3A_388 = arith.constant 17024 : i32
    %dma_start3A_389 = tpu.memref_slice %arg11[%dma_start3A_388] : memref<18816xf32, #tpu.memory_space<vmem>> -> memref<224xf32, #tpu.memory_space<vmem>>
    %dma_start3A_390 = arith.constant 4480 : i32
    %dma_start3A_391 = tpu.memref_slice %arg10[%dma_start3A_390] : memref<6272xi32, #tpu.memory_space<vmem>> -> memref<224xi32, #tpu.memory_space<vmem>>
    %dma_start3A_392 = arith.constant 0 : i32
    %dma_start3A_393 = tpu.memref_slice %arg4[%dma_start3A_392] : memref<200704xf32, #tpu.memory_space<hbm>> -> memref<200704xf32, #tpu.memory_space<hbm>>
    tpu.enqueue_indirect_dma source(%dma_start3A_393 : memref<200704xf32, #tpu.memory_space<hbm>>) target(%dma_start3A_389 : memref<224xf32, #tpu.memory_space<vmem>>) offsets(%dma_start3A_391 : memref<224xi32, #tpu.memory_space<vmem>>) semaphore(%arg12 : memref<!tpu.dma_semaphore, #tpu.memory_space<semaphore_mem>>)
    %dma_start3A_394 = arith.constant 4704 : i32
    %dma_start3A_395 = tpu.memref_slice %arg11[%dma_start3A_394] : memref<18816xf32, #tpu.memory_space<vmem>> -> memref<224xf32, #tpu.memory_space<vmem>>
    %dma_start3A_396 = arith.constant 4704 : i32
    %dma_start3A_397 = tpu.memref_slice %arg10[%dma_start3A_396] : memref<6272xi32, #tpu.memory_space<vmem>> -> memref<224xi32, #tpu.memory_space<vmem>>
    %dma_start3A_398 = arith.constant 0 : i32
    %dma_start3A_399 = tpu.memref_slice %arg2[%dma_start3A_398] : memref<200704xf32, #tpu.memory_space<hbm>> -> memref<200704xf32, #tpu.memory_space<hbm>>
    tpu.enqueue_indirect_dma source(%dma_start3A_399 : memref<200704xf32, #tpu.memory_space<hbm>>) target(%dma_start3A_395 : memref<224xf32, #tpu.memory_space<vmem>>) offsets(%dma_start3A_397 : memref<224xi32, #tpu.memory_space<vmem>>) semaphore(%arg12 : memref<!tpu.dma_semaphore, #tpu.memory_space<semaphore_mem>>)
    %dma_start3A_400 = arith.constant 10976 : i32
    %dma_start3A_401 = tpu.memref_slice %arg11[%dma_start3A_400] : memref<18816xf32, #tpu.memory_space<vmem>> -> memref<224xf32, #tpu.memory_space<vmem>>
    %dma_start3A_402 = arith.constant 4704 : i32
    %dma_start3A_403 = tpu.memref_slice %arg10[%dma_start3A_402] : memref<6272xi32, #tpu.memory_space<vmem>> -> memref<224xi32, #tpu.memory_space<vmem>>
    %dma_start3A_404 = arith.constant 0 : i32
    %dma_start3A_405 = tpu.memref_slice %arg3[%dma_start3A_404] : memref<200704xf32, #tpu.memory_space<hbm>> -> memref<200704xf32, #tpu.memory_space<hbm>>
    tpu.enqueue_indirect_dma source(%dma_start3A_405 : memref<200704xf32, #tpu.memory_space<hbm>>) target(%dma_start3A_401 : memref<224xf32, #tpu.memory_space<vmem>>) offsets(%dma_start3A_403 : memref<224xi32, #tpu.memory_space<vmem>>) semaphore(%arg12 : memref<!tpu.dma_semaphore, #tpu.memory_space<semaphore_mem>>)
    %dma_start3A_406 = arith.constant 17248 : i32
    %dma_start3A_407 = tpu.memref_slice %arg11[%dma_start3A_406] : memref<18816xf32, #tpu.memory_space<vmem>> -> memref<224xf32, #tpu.memory_space<vmem>>
    %dma_start3A_408 = arith.constant 4704 : i32
    %dma_start3A_409 = tpu.memref_slice %arg10[%dma_start3A_408] : memref<6272xi32, #tpu.memory_space<vmem>> -> memref<224xi32, #tpu.memory_space<vmem>>
    %dma_start3A_410 = arith.constant 0 : i32
    %dma_start3A_411 = tpu.memref_slice %arg4[%dma_start3A_410] : memref<200704xf32, #tpu.memory_space<hbm>> -> memref<200704xf32, #tpu.memory_space<hbm>>
    tpu.enqueue_indirect_dma source(%dma_start3A_411 : memref<200704xf32, #tpu.memory_space<hbm>>) target(%dma_start3A_407 : memref<224xf32, #tpu.memory_space<vmem>>) offsets(%dma_start3A_409 : memref<224xi32, #tpu.memory_space<vmem>>) semaphore(%arg12 : memref<!tpu.dma_semaphore, #tpu.memory_space<semaphore_mem>>)
    %dma_start3A_412 = arith.constant 4928 : i32
    %dma_start3A_413 = tpu.memref_slice %arg11[%dma_start3A_412] : memref<18816xf32, #tpu.memory_space<vmem>> -> memref<224xf32, #tpu.memory_space<vmem>>
    %dma_start3A_414 = arith.constant 4928 : i32
    %dma_start3A_415 = tpu.memref_slice %arg10[%dma_start3A_414] : memref<6272xi32, #tpu.memory_space<vmem>> -> memref<224xi32, #tpu.memory_space<vmem>>
    %dma_start3A_416 = arith.constant 0 : i32
    %dma_start3A_417 = tpu.memref_slice %arg2[%dma_start3A_416] : memref<200704xf32, #tpu.memory_space<hbm>> -> memref<200704xf32, #tpu.memory_space<hbm>>
    tpu.enqueue_indirect_dma source(%dma_start3A_417 : memref<200704xf32, #tpu.memory_space<hbm>>) target(%dma_start3A_413 : memref<224xf32, #tpu.memory_space<vmem>>) offsets(%dma_start3A_415 : memref<224xi32, #tpu.memory_space<vmem>>) semaphore(%arg12 : memref<!tpu.dma_semaphore, #tpu.memory_space<semaphore_mem>>)
    %dma_start3A_418 = arith.constant 11200 : i32
    %dma_start3A_419 = tpu.memref_slice %arg11[%dma_start3A_418] : memref<18816xf32, #tpu.memory_space<vmem>> -> memref<224xf32, #tpu.memory_space<vmem>>
    %dma_start3A_420 = arith.constant 4928 : i32
    %dma_start3A_421 = tpu.memref_slice %arg10[%dma_start3A_420] : memref<6272xi32, #tpu.memory_space<vmem>> -> memref<224xi32, #tpu.memory_space<vmem>>
    %dma_start3A_422 = arith.constant 0 : i32
    %dma_start3A_423 = tpu.memref_slice %arg3[%dma_start3A_422] : memref<200704xf32, #tpu.memory_space<hbm>> -> memref<200704xf32, #tpu.memory_space<hbm>>
    tpu.enqueue_indirect_dma source(%dma_start3A_423 : memref<200704xf32, #tpu.memory_space<hbm>>) target(%dma_start3A_419 : memref<224xf32, #tpu.memory_space<vmem>>) offsets(%dma_start3A_421 : memref<224xi32, #tpu.memory_space<vmem>>) semaphore(%arg12 : memref<!tpu.dma_semaphore, #tpu.memory_space<semaphore_mem>>)
    %dma_start3A_424 = arith.constant 17472 : i32
    %dma_start3A_425 = tpu.memref_slice %arg11[%dma_start3A_424] : memref<18816xf32, #tpu.memory_space<vmem>> -> memref<224xf32, #tpu.memory_space<vmem>>
    %dma_start3A_426 = arith.constant 4928 : i32
    %dma_start3A_427 = tpu.memref_slice %arg10[%dma_start3A_426] : memref<6272xi32, #tpu.memory_space<vmem>> -> memref<224xi32, #tpu.memory_space<vmem>>
    %dma_start3A_428 = arith.constant 0 : i32
    %dma_start3A_429 = tpu.memref_slice %arg4[%dma_start3A_428] : memref<200704xf32, #tpu.memory_space<hbm>> -> memref<200704xf32, #tpu.memory_space<hbm>>
    tpu.enqueue_indirect_dma source(%dma_start3A_429 : memref<200704xf32, #tpu.memory_space<hbm>>) target(%dma_start3A_425 : memref<224xf32, #tpu.memory_space<vmem>>) offsets(%dma_start3A_427 : memref<224xi32, #tpu.memory_space<vmem>>) semaphore(%arg12 : memref<!tpu.dma_semaphore, #tpu.memory_space<semaphore_mem>>)
    %dma_start3A_430 = arith.constant 5152 : i32
    %dma_start3A_431 = tpu.memref_slice %arg11[%dma_start3A_430] : memref<18816xf32, #tpu.memory_space<vmem>> -> memref<224xf32, #tpu.memory_space<vmem>>
    %dma_start3A_432 = arith.constant 5152 : i32
    %dma_start3A_433 = tpu.memref_slice %arg10[%dma_start3A_432] : memref<6272xi32, #tpu.memory_space<vmem>> -> memref<224xi32, #tpu.memory_space<vmem>>
    %dma_start3A_434 = arith.constant 0 : i32
    %dma_start3A_435 = tpu.memref_slice %arg2[%dma_start3A_434] : memref<200704xf32, #tpu.memory_space<hbm>> -> memref<200704xf32, #tpu.memory_space<hbm>>
    tpu.enqueue_indirect_dma source(%dma_start3A_435 : memref<200704xf32, #tpu.memory_space<hbm>>) target(%dma_start3A_431 : memref<224xf32, #tpu.memory_space<vmem>>) offsets(%dma_start3A_433 : memref<224xi32, #tpu.memory_space<vmem>>) semaphore(%arg12 : memref<!tpu.dma_semaphore, #tpu.memory_space<semaphore_mem>>)
    %dma_start3A_436 = arith.constant 11424 : i32
    %dma_start3A_437 = tpu.memref_slice %arg11[%dma_start3A_436] : memref<18816xf32, #tpu.memory_space<vmem>> -> memref<224xf32, #tpu.memory_space<vmem>>
    %dma_start3A_438 = arith.constant 5152 : i32
    %dma_start3A_439 = tpu.memref_slice %arg10[%dma_start3A_438] : memref<6272xi32, #tpu.memory_space<vmem>> -> memref<224xi32, #tpu.memory_space<vmem>>
    %dma_start3A_440 = arith.constant 0 : i32
    %dma_start3A_441 = tpu.memref_slice %arg3[%dma_start3A_440] : memref<200704xf32, #tpu.memory_space<hbm>> -> memref<200704xf32, #tpu.memory_space<hbm>>
    tpu.enqueue_indirect_dma source(%dma_start3A_441 : memref<200704xf32, #tpu.memory_space<hbm>>) target(%dma_start3A_437 : memref<224xf32, #tpu.memory_space<vmem>>) offsets(%dma_start3A_439 : memref<224xi32, #tpu.memory_space<vmem>>) semaphore(%arg12 : memref<!tpu.dma_semaphore, #tpu.memory_space<semaphore_mem>>)
    %dma_start3A_442 = arith.constant 17696 : i32
    %dma_start3A_443 = tpu.memref_slice %arg11[%dma_start3A_442] : memref<18816xf32, #tpu.memory_space<vmem>> -> memref<224xf32, #tpu.memory_space<vmem>>
    %dma_start3A_444 = arith.constant 5152 : i32
    %dma_start3A_445 = tpu.memref_slice %arg10[%dma_start3A_444] : memref<6272xi32, #tpu.memory_space<vmem>> -> memref<224xi32, #tpu.memory_space<vmem>>
    %dma_start3A_446 = arith.constant 0 : i32
    %dma_start3A_447 = tpu.memref_slice %arg4[%dma_start3A_446] : memref<200704xf32, #tpu.memory_space<hbm>> -> memref<200704xf32, #tpu.memory_space<hbm>>
    tpu.enqueue_indirect_dma source(%dma_start3A_447 : memref<200704xf32, #tpu.memory_space<hbm>>) target(%dma_start3A_443 : memref<224xf32, #tpu.memory_space<vmem>>) offsets(%dma_start3A_445 : memref<224xi32, #tpu.memory_space<vmem>>) semaphore(%arg12 : memref<!tpu.dma_semaphore, #tpu.memory_space<semaphore_mem>>)
    %dma_start3A_448 = arith.constant 5376 : i32
    %dma_start3A_449 = tpu.memref_slice %arg11[%dma_start3A_448] : memref<18816xf32, #tpu.memory_space<vmem>> -> memref<224xf32, #tpu.memory_space<vmem>>
    %dma_start3A_450 = arith.constant 5376 : i32
    %dma_start3A_451 = tpu.memref_slice %arg10[%dma_start3A_450] : memref<6272xi32, #tpu.memory_space<vmem>> -> memref<224xi32, #tpu.memory_space<vmem>>
    %dma_start3A_452 = arith.constant 0 : i32
    %dma_start3A_453 = tpu.memref_slice %arg2[%dma_start3A_452] : memref<200704xf32, #tpu.memory_space<hbm>> -> memref<200704xf32, #tpu.memory_space<hbm>>
    tpu.enqueue_indirect_dma source(%dma_start3A_453 : memref<200704xf32, #tpu.memory_space<hbm>>) target(%dma_start3A_449 : memref<224xf32, #tpu.memory_space<vmem>>) offsets(%dma_start3A_451 : memref<224xi32, #tpu.memory_space<vmem>>) semaphore(%arg12 : memref<!tpu.dma_semaphore, #tpu.memory_space<semaphore_mem>>)
    %dma_start3A_454 = arith.constant 11648 : i32
    %dma_start3A_455 = tpu.memref_slice %arg11[%dma_start3A_454] : memref<18816xf32, #tpu.memory_space<vmem>> -> memref<224xf32, #tpu.memory_space<vmem>>
    %dma_start3A_456 = arith.constant 5376 : i32
    %dma_start3A_457 = tpu.memref_slice %arg10[%dma_start3A_456] : memref<6272xi32, #tpu.memory_space<vmem>> -> memref<224xi32, #tpu.memory_space<vmem>>
    %dma_start3A_458 = arith.constant 0 : i32
    %dma_start3A_459 = tpu.memref_slice %arg3[%dma_start3A_458] : memref<200704xf32, #tpu.memory_space<hbm>> -> memref<200704xf32, #tpu.memory_space<hbm>>
    tpu.enqueue_indirect_dma source(%dma_start3A_459 : memref<200704xf32, #tpu.memory_space<hbm>>) target(%dma_start3A_455 : memref<224xf32, #tpu.memory_space<vmem>>) offsets(%dma_start3A_457 : memref<224xi32, #tpu.memory_space<vmem>>) semaphore(%arg12 : memref<!tpu.dma_semaphore, #tpu.memory_space<semaphore_mem>>)
    %dma_start3A_460 = arith.constant 17920 : i32
    %dma_start3A_461 = tpu.memref_slice %arg11[%dma_start3A_460] : memref<18816xf32, #tpu.memory_space<vmem>> -> memref<224xf32, #tpu.memory_space<vmem>>
    %dma_start3A_462 = arith.constant 5376 : i32
    %dma_start3A_463 = tpu.memref_slice %arg10[%dma_start3A_462] : memref<6272xi32, #tpu.memory_space<vmem>> -> memref<224xi32, #tpu.memory_space<vmem>>
    %dma_start3A_464 = arith.constant 0 : i32
    %dma_start3A_465 = tpu.memref_slice %arg4[%dma_start3A_464] : memref<200704xf32, #tpu.memory_space<hbm>> -> memref<200704xf32, #tpu.memory_space<hbm>>
    tpu.enqueue_indirect_dma source(%dma_start3A_465 : memref<200704xf32, #tpu.memory_space<hbm>>) target(%dma_start3A_461 : memref<224xf32, #tpu.memory_space<vmem>>) offsets(%dma_start3A_463 : memref<224xi32, #tpu.memory_space<vmem>>) semaphore(%arg12 : memref<!tpu.dma_semaphore, #tpu.memory_space<semaphore_mem>>)
    %dma_start3A_466 = arith.constant 5600 : i32
    %dma_start3A_467 = tpu.memref_slice %arg11[%dma_start3A_466] : memref<18816xf32, #tpu.memory_space<vmem>> -> memref<224xf32, #tpu.memory_space<vmem>>
    %dma_start3A_468 = arith.constant 5600 : i32
    %dma_start3A_469 = tpu.memref_slice %arg10[%dma_start3A_468] : memref<6272xi32, #tpu.memory_space<vmem>> -> memref<224xi32, #tpu.memory_space<vmem>>
    %dma_start3A_470 = arith.constant 0 : i32
    %dma_start3A_471 = tpu.memref_slice %arg2[%dma_start3A_470] : memref<200704xf32, #tpu.memory_space<hbm>> -> memref<200704xf32, #tpu.memory_space<hbm>>
    tpu.enqueue_indirect_dma source(%dma_start3A_471 : memref<200704xf32, #tpu.memory_space<hbm>>) target(%dma_start3A_467 : memref<224xf32, #tpu.memory_space<vmem>>) offsets(%dma_start3A_469 : memref<224xi32, #tpu.memory_space<vmem>>) semaphore(%arg12 : memref<!tpu.dma_semaphore, #tpu.memory_space<semaphore_mem>>)
    %dma_start3A_472 = arith.constant 11872 : i32
    %dma_start3A_473 = tpu.memref_slice %arg11[%dma_start3A_472] : memref<18816xf32, #tpu.memory_space<vmem>> -> memref<224xf32, #tpu.memory_space<vmem>>
    %dma_start3A_474 = arith.constant 5600 : i32
    %dma_start3A_475 = tpu.memref_slice %arg10[%dma_start3A_474] : memref<6272xi32, #tpu.memory_space<vmem>> -> memref<224xi32, #tpu.memory_space<vmem>>
    %dma_start3A_476 = arith.constant 0 : i32
    %dma_start3A_477 = tpu.memref_slice %arg3[%dma_start3A_476] : memref<200704xf32, #tpu.memory_space<hbm>> -> memref<200704xf32, #tpu.memory_space<hbm>>
    tpu.enqueue_indirect_dma source(%dma_start3A_477 : memref<200704xf32, #tpu.memory_space<hbm>>) target(%dma_start3A_473 : memref<224xf32, #tpu.memory_space<vmem>>) offsets(%dma_start3A_475 : memref<224xi32, #tpu.memory_space<vmem>>) semaphore(%arg12 : memref<!tpu.dma_semaphore, #tpu.memory_space<semaphore_mem>>)
    %dma_start3A_478 = arith.constant 18144 : i32
    %dma_start3A_479 = tpu.memref_slice %arg11[%dma_start3A_478] : memref<18816xf32, #tpu.memory_space<vmem>> -> memref<224xf32, #tpu.memory_space<vmem>>
    %dma_start3A_480 = arith.constant 5600 : i32
    %dma_start3A_481 = tpu.memref_slice %arg10[%dma_start3A_480] : memref<6272xi32, #tpu.memory_space<vmem>> -> memref<224xi32, #tpu.memory_space<vmem>>
    %dma_start3A_482 = arith.constant 0 : i32
    %dma_start3A_483 = tpu.memref_slice %arg4[%dma_start3A_482] : memref<200704xf32, #tpu.memory_space<hbm>> -> memref<200704xf32, #tpu.memory_space<hbm>>
    tpu.enqueue_indirect_dma source(%dma_start3A_483 : memref<200704xf32, #tpu.memory_space<hbm>>) target(%dma_start3A_479 : memref<224xf32, #tpu.memory_space<vmem>>) offsets(%dma_start3A_481 : memref<224xi32, #tpu.memory_space<vmem>>) semaphore(%arg12 : memref<!tpu.dma_semaphore, #tpu.memory_space<semaphore_mem>>)
    %dma_start3A_484 = arith.constant 5824 : i32
    %dma_start3A_485 = tpu.memref_slice %arg11[%dma_start3A_484] : memref<18816xf32, #tpu.memory_space<vmem>> -> memref<224xf32, #tpu.memory_space<vmem>>
    %dma_start3A_486 = arith.constant 5824 : i32
    %dma_start3A_487 = tpu.memref_slice %arg10[%dma_start3A_486] : memref<6272xi32, #tpu.memory_space<vmem>> -> memref<224xi32, #tpu.memory_space<vmem>>
    %dma_start3A_488 = arith.constant 0 : i32
    %dma_start3A_489 = tpu.memref_slice %arg2[%dma_start3A_488] : memref<200704xf32, #tpu.memory_space<hbm>> -> memref<200704xf32, #tpu.memory_space<hbm>>
    tpu.enqueue_indirect_dma source(%dma_start3A_489 : memref<200704xf32, #tpu.memory_space<hbm>>) target(%dma_start3A_485 : memref<224xf32, #tpu.memory_space<vmem>>) offsets(%dma_start3A_487 : memref<224xi32, #tpu.memory_space<vmem>>) semaphore(%arg12 : memref<!tpu.dma_semaphore, #tpu.memory_space<semaphore_mem>>)
    %dma_start3A_490 = arith.constant 12096 : i32
    %dma_start3A_491 = tpu.memref_slice %arg11[%dma_start3A_490] : memref<18816xf32, #tpu.memory_space<vmem>> -> memref<224xf32, #tpu.memory_space<vmem>>
    %dma_start3A_492 = arith.constant 5824 : i32
    %dma_start3A_493 = tpu.memref_slice %arg10[%dma_start3A_492] : memref<6272xi32, #tpu.memory_space<vmem>> -> memref<224xi32, #tpu.memory_space<vmem>>
    %dma_start3A_494 = arith.constant 0 : i32
    %dma_start3A_495 = tpu.memref_slice %arg3[%dma_start3A_494] : memref<200704xf32, #tpu.memory_space<hbm>> -> memref<200704xf32, #tpu.memory_space<hbm>>
    tpu.enqueue_indirect_dma source(%dma_start3A_495 : memref<200704xf32, #tpu.memory_space<hbm>>) target(%dma_start3A_491 : memref<224xf32, #tpu.memory_space<vmem>>) offsets(%dma_start3A_493 : memref<224xi32, #tpu.memory_space<vmem>>) semaphore(%arg12 : memref<!tpu.dma_semaphore, #tpu.memory_space<semaphore_mem>>)
    %dma_start3A_496 = arith.constant 18368 : i32
    %dma_start3A_497 = tpu.memref_slice %arg11[%dma_start3A_496] : memref<18816xf32, #tpu.memory_space<vmem>> -> memref<224xf32, #tpu.memory_space<vmem>>
    %dma_start3A_498 = arith.constant 5824 : i32
    %dma_start3A_499 = tpu.memref_slice %arg10[%dma_start3A_498] : memref<6272xi32, #tpu.memory_space<vmem>> -> memref<224xi32, #tpu.memory_space<vmem>>
    %dma_start3A_500 = arith.constant 0 : i32
    %dma_start3A_501 = tpu.memref_slice %arg4[%dma_start3A_500] : memref<200704xf32, #tpu.memory_space<hbm>> -> memref<200704xf32, #tpu.memory_space<hbm>>
    tpu.enqueue_indirect_dma source(%dma_start3A_501 : memref<200704xf32, #tpu.memory_space<hbm>>) target(%dma_start3A_497 : memref<224xf32, #tpu.memory_space<vmem>>) offsets(%dma_start3A_499 : memref<224xi32, #tpu.memory_space<vmem>>) semaphore(%arg12 : memref<!tpu.dma_semaphore, #tpu.memory_space<semaphore_mem>>)
    %dma_start3A_502 = arith.constant 6048 : i32
    %dma_start3A_503 = tpu.memref_slice %arg11[%dma_start3A_502] : memref<18816xf32, #tpu.memory_space<vmem>> -> memref<224xf32, #tpu.memory_space<vmem>>
    %dma_start3A_504 = arith.constant 6048 : i32
    %dma_start3A_505 = tpu.memref_slice %arg10[%dma_start3A_504] : memref<6272xi32, #tpu.memory_space<vmem>> -> memref<224xi32, #tpu.memory_space<vmem>>
    %dma_start3A_506 = arith.constant 0 : i32
    %dma_start3A_507 = tpu.memref_slice %arg2[%dma_start3A_506] : memref<200704xf32, #tpu.memory_space<hbm>> -> memref<200704xf32, #tpu.memory_space<hbm>>
    tpu.enqueue_indirect_dma source(%dma_start3A_507 : memref<200704xf32, #tpu.memory_space<hbm>>) target(%dma_start3A_503 : memref<224xf32, #tpu.memory_space<vmem>>) offsets(%dma_start3A_505 : memref<224xi32, #tpu.memory_space<vmem>>) semaphore(%arg12 : memref<!tpu.dma_semaphore, #tpu.memory_space<semaphore_mem>>)
    %dma_start3A_508 = arith.constant 12320 : i32
    %dma_start3A_509 = tpu.memref_slice %arg11[%dma_start3A_508] : memref<18816xf32, #tpu.memory_space<vmem>> -> memref<224xf32, #tpu.memory_space<vmem>>
    %dma_start3A_510 = arith.constant 6048 : i32
    %dma_start3A_511 = tpu.memref_slice %arg10[%dma_start3A_510] : memref<6272xi32, #tpu.memory_space<vmem>> -> memref<224xi32, #tpu.memory_space<vmem>>
    %dma_start3A_512 = arith.constant 0 : i32
    %dma_start3A_513 = tpu.memref_slice %arg3[%dma_start3A_512] : memref<200704xf32, #tpu.memory_space<hbm>> -> memref<200704xf32, #tpu.memory_space<hbm>>
    tpu.enqueue_indirect_dma source(%dma_start3A_513 : memref<200704xf32, #tpu.memory_space<hbm>>) target(%dma_start3A_509 : memref<224xf32, #tpu.memory_space<vmem>>) offsets(%dma_start3A_511 : memref<224xi32, #tpu.memory_space<vmem>>) semaphore(%arg12 : memref<!tpu.dma_semaphore, #tpu.memory_space<semaphore_mem>>)
    %dma_start3A_514 = arith.constant 18592 : i32
    %dma_start3A_515 = tpu.memref_slice %arg11[%dma_start3A_514] : memref<18816xf32, #tpu.memory_space<vmem>> -> memref<224xf32, #tpu.memory_space<vmem>>
    %dma_start3A_516 = arith.constant 6048 : i32
    %dma_start3A_517 = tpu.memref_slice %arg10[%dma_start3A_516] : memref<6272xi32, #tpu.memory_space<vmem>> -> memref<224xi32, #tpu.memory_space<vmem>>
    %dma_start3A_518 = arith.constant 0 : i32
    %dma_start3A_519 = tpu.memref_slice %arg4[%dma_start3A_518] : memref<200704xf32, #tpu.memory_space<hbm>> -> memref<200704xf32, #tpu.memory_space<hbm>>
    tpu.enqueue_indirect_dma source(%dma_start3A_519 : memref<200704xf32, #tpu.memory_space<hbm>>) target(%dma_start3A_515 : memref<224xf32, #tpu.memory_space<vmem>>) offsets(%dma_start3A_517 : memref<224xi32, #tpu.memory_space<vmem>>) semaphore(%arg12 : memref<!tpu.dma_semaphore, #tpu.memory_space<semaphore_mem>>)
    %dma_wait3A = arith.constant 0 : i32
    %dma_wait3A_520 = tpu.memref_slice %arg11[%dma_wait3A] : memref<18816xf32, #tpu.memory_space<vmem>> -> memref<224xf32, #tpu.memory_space<vmem>>
    %dma_wait3A_521 = arith.constant 0 : i32
    %dma_wait3A_522 = tpu.memref_slice %arg10[%dma_wait3A_521] : memref<6272xi32, #tpu.memory_space<vmem>> -> memref<224xi32, #tpu.memory_space<vmem>>
    %dma_wait3A_523 = arith.constant 0 : i32
    %dma_wait3A_524 = tpu.memref_slice %arg2[%dma_wait3A_523] : memref<200704xf32, #tpu.memory_space<hbm>> -> memref<200704xf32, #tpu.memory_space<hbm>>
    tpu.wait_indirect_dma semaphore(%arg12 : memref<!tpu.dma_semaphore, #tpu.memory_space<semaphore_mem>>) src(%dma_wait3A_524 : memref<200704xf32, #tpu.memory_space<hbm>>) dst(%dma_wait3A_520 : memref<224xf32, #tpu.memory_space<vmem>>)
    %dma_wait3A_525 = arith.constant 6272 : i32
    %dma_wait3A_526 = tpu.memref_slice %arg11[%dma_wait3A_525] : memref<18816xf32, #tpu.memory_space<vmem>> -> memref<224xf32, #tpu.memory_space<vmem>>
    %dma_wait3A_527 = arith.constant 0 : i32
    %dma_wait3A_528 = tpu.memref_slice %arg10[%dma_wait3A_527] : memref<6272xi32, #tpu.memory_space<vmem>> -> memref<224xi32, #tpu.memory_space<vmem>>
    %dma_wait3A_529 = arith.constant 0 : i32
    %dma_wait3A_530 = tpu.memref_slice %arg3[%dma_wait3A_529] : memref<200704xf32, #tpu.memory_space<hbm>> -> memref<200704xf32, #tpu.memory_space<hbm>>
    tpu.wait_indirect_dma semaphore(%arg12 : memref<!tpu.dma_semaphore, #tpu.memory_space<semaphore_mem>>) src(%dma_wait3A_530 : memref<200704xf32, #tpu.memory_space<hbm>>) dst(%dma_wait3A_526 : memref<224xf32, #tpu.memory_space<vmem>>)
    %dma_wait3A_531 = arith.constant 12544 : i32
    %dma_wait3A_532 = tpu.memref_slice %arg11[%dma_wait3A_531] : memref<18816xf32, #tpu.memory_space<vmem>> -> memref<224xf32, #tpu.memory_space<vmem>>
    %dma_wait3A_533 = arith.constant 0 : i32
    %dma_wait3A_534 = tpu.memref_slice %arg10[%dma_wait3A_533] : memref<6272xi32, #tpu.memory_space<vmem>> -> memref<224xi32, #tpu.memory_space<vmem>>
    %dma_wait3A_535 = arith.constant 0 : i32
    %dma_wait3A_536 = tpu.memref_slice %arg4[%dma_wait3A_535] : memref<200704xf32, #tpu.memory_space<hbm>> -> memref<200704xf32, #tpu.memory_space<hbm>>
    tpu.wait_indirect_dma semaphore(%arg12 : memref<!tpu.dma_semaphore, #tpu.memory_space<semaphore_mem>>) src(%dma_wait3A_536 : memref<200704xf32, #tpu.memory_space<hbm>>) dst(%dma_wait3A_532 : memref<224xf32, #tpu.memory_space<vmem>>)
    %dma_wait3A_537 = arith.constant 224 : i32
    %dma_wait3A_538 = tpu.memref_slice %arg11[%dma_wait3A_537] : memref<18816xf32, #tpu.memory_space<vmem>> -> memref<224xf32, #tpu.memory_space<vmem>>
    %dma_wait3A_539 = arith.constant 224 : i32
    %dma_wait3A_540 = tpu.memref_slice %arg10[%dma_wait3A_539] : memref<6272xi32, #tpu.memory_space<vmem>> -> memref<224xi32, #tpu.memory_space<vmem>>
    %dma_wait3A_541 = arith.constant 0 : i32
    %dma_wait3A_542 = tpu.memref_slice %arg2[%dma_wait3A_541] : memref<200704xf32, #tpu.memory_space<hbm>> -> memref<200704xf32, #tpu.memory_space<hbm>>
    tpu.wait_indirect_dma semaphore(%arg12 : memref<!tpu.dma_semaphore, #tpu.memory_space<semaphore_mem>>) src(%dma_wait3A_542 : memref<200704xf32, #tpu.memory_space<hbm>>) dst(%dma_wait3A_538 : memref<224xf32, #tpu.memory_space<vmem>>)
    %dma_wait3A_543 = arith.constant 6496 : i32
    %dma_wait3A_544 = tpu.memref_slice %arg11[%dma_wait3A_543] : memref<18816xf32, #tpu.memory_space<vmem>> -> memref<224xf32, #tpu.memory_space<vmem>>
    %dma_wait3A_545 = arith.constant 224 : i32
    %dma_wait3A_546 = tpu.memref_slice %arg10[%dma_wait3A_545] : memref<6272xi32, #tpu.memory_space<vmem>> -> memref<224xi32, #tpu.memory_space<vmem>>
    %dma_wait3A_547 = arith.constant 0 : i32
    %dma_wait3A_548 = tpu.memref_slice %arg3[%dma_wait3A_547] : memref<200704xf32, #tpu.memory_space<hbm>> -> memref<200704xf32, #tpu.memory_space<hbm>>
    tpu.wait_indirect_dma semaphore(%arg12 : memref<!tpu.dma_semaphore, #tpu.memory_space<semaphore_mem>>) src(%dma_wait3A_548 : memref<200704xf32, #tpu.memory_space<hbm>>) dst(%dma_wait3A_544 : memref<224xf32, #tpu.memory_space<vmem>>)
    %dma_wait3A_549 = arith.constant 12768 : i32
    %dma_wait3A_550 = tpu.memref_slice %arg11[%dma_wait3A_549] : memref<18816xf32, #tpu.memory_space<vmem>> -> memref<224xf32, #tpu.memory_space<vmem>>
    %dma_wait3A_551 = arith.constant 224 : i32
    %dma_wait3A_552 = tpu.memref_slice %arg10[%dma_wait3A_551] : memref<6272xi32, #tpu.memory_space<vmem>> -> memref<224xi32, #tpu.memory_space<vmem>>
    %dma_wait3A_553 = arith.constant 0 : i32
    %dma_wait3A_554 = tpu.memref_slice %arg4[%dma_wait3A_553] : memref<200704xf32, #tpu.memory_space<hbm>> -> memref<200704xf32, #tpu.memory_space<hbm>>
    tpu.wait_indirect_dma semaphore(%arg12 : memref<!tpu.dma_semaphore, #tpu.memory_space<semaphore_mem>>) src(%dma_wait3A_554 : memref<200704xf32, #tpu.memory_space<hbm>>) dst(%dma_wait3A_550 : memref<224xf32, #tpu.memory_space<vmem>>)
    %dma_wait3A_555 = arith.constant 448 : i32
    %dma_wait3A_556 = tpu.memref_slice %arg11[%dma_wait3A_555] : memref<18816xf32, #tpu.memory_space<vmem>> -> memref<224xf32, #tpu.memory_space<vmem>>
    %dma_wait3A_557 = arith.constant 448 : i32
    %dma_wait3A_558 = tpu.memref_slice %arg10[%dma_wait3A_557] : memref<6272xi32, #tpu.memory_space<vmem>> -> memref<224xi32, #tpu.memory_space<vmem>>
    %dma_wait3A_559 = arith.constant 0 : i32
    %dma_wait3A_560 = tpu.memref_slice %arg2[%dma_wait3A_559] : memref<200704xf32, #tpu.memory_space<hbm>> -> memref<200704xf32, #tpu.memory_space<hbm>>
    tpu.wait_indirect_dma semaphore(%arg12 : memref<!tpu.dma_semaphore, #tpu.memory_space<semaphore_mem>>) src(%dma_wait3A_560 : memref<200704xf32, #tpu.memory_space<hbm>>) dst(%dma_wait3A_556 : memref<224xf32, #tpu.memory_space<vmem>>)
    %dma_wait3A_561 = arith.constant 6720 : i32
    %dma_wait3A_562 = tpu.memref_slice %arg11[%dma_wait3A_561] : memref<18816xf32, #tpu.memory_space<vmem>> -> memref<224xf32, #tpu.memory_space<vmem>>
    %dma_wait3A_563 = arith.constant 448 : i32
    %dma_wait3A_564 = tpu.memref_slice %arg10[%dma_wait3A_563] : memref<6272xi32, #tpu.memory_space<vmem>> -> memref<224xi32, #tpu.memory_space<vmem>>
    %dma_wait3A_565 = arith.constant 0 : i32
    %dma_wait3A_566 = tpu.memref_slice %arg3[%dma_wait3A_565] : memref<200704xf32, #tpu.memory_space<hbm>> -> memref<200704xf32, #tpu.memory_space<hbm>>
    tpu.wait_indirect_dma semaphore(%arg12 : memref<!tpu.dma_semaphore, #tpu.memory_space<semaphore_mem>>) src(%dma_wait3A_566 : memref<200704xf32, #tpu.memory_space<hbm>>) dst(%dma_wait3A_562 : memref<224xf32, #tpu.memory_space<vmem>>)
    %dma_wait3A_567 = arith.constant 12992 : i32
    %dma_wait3A_568 = tpu.memref_slice %arg11[%dma_wait3A_567] : memref<18816xf32, #tpu.memory_space<vmem>> -> memref<224xf32, #tpu.memory_space<vmem>>
    %dma_wait3A_569 = arith.constant 448 : i32
    %dma_wait3A_570 = tpu.memref_slice %arg10[%dma_wait3A_569] : memref<6272xi32, #tpu.memory_space<vmem>> -> memref<224xi32, #tpu.memory_space<vmem>>
    %dma_wait3A_571 = arith.constant 0 : i32
    %dma_wait3A_572 = tpu.memref_slice %arg4[%dma_wait3A_571] : memref<200704xf32, #tpu.memory_space<hbm>> -> memref<200704xf32, #tpu.memory_space<hbm>>
    tpu.wait_indirect_dma semaphore(%arg12 : memref<!tpu.dma_semaphore, #tpu.memory_space<semaphore_mem>>) src(%dma_wait3A_572 : memref<200704xf32, #tpu.memory_space<hbm>>) dst(%dma_wait3A_568 : memref<224xf32, #tpu.memory_space<vmem>>)
    %dma_wait3A_573 = arith.constant 672 : i32
    %dma_wait3A_574 = tpu.memref_slice %arg11[%dma_wait3A_573] : memref<18816xf32, #tpu.memory_space<vmem>> -> memref<224xf32, #tpu.memory_space<vmem>>
    %dma_wait3A_575 = arith.constant 672 : i32
    %dma_wait3A_576 = tpu.memref_slice %arg10[%dma_wait3A_575] : memref<6272xi32, #tpu.memory_space<vmem>> -> memref<224xi32, #tpu.memory_space<vmem>>
    %dma_wait3A_577 = arith.constant 0 : i32
    %dma_wait3A_578 = tpu.memref_slice %arg2[%dma_wait3A_577] : memref<200704xf32, #tpu.memory_space<hbm>> -> memref<200704xf32, #tpu.memory_space<hbm>>
    tpu.wait_indirect_dma semaphore(%arg12 : memref<!tpu.dma_semaphore, #tpu.memory_space<semaphore_mem>>) src(%dma_wait3A_578 : memref<200704xf32, #tpu.memory_space<hbm>>) dst(%dma_wait3A_574 : memref<224xf32, #tpu.memory_space<vmem>>)
    %dma_wait3A_579 = arith.constant 6944 : i32
    %dma_wait3A_580 = tpu.memref_slice %arg11[%dma_wait3A_579] : memref<18816xf32, #tpu.memory_space<vmem>> -> memref<224xf32, #tpu.memory_space<vmem>>
    %dma_wait3A_581 = arith.constant 672 : i32
    %dma_wait3A_582 = tpu.memref_slice %arg10[%dma_wait3A_581] : memref<6272xi32, #tpu.memory_space<vmem>> -> memref<224xi32, #tpu.memory_space<vmem>>
    %dma_wait3A_583 = arith.constant 0 : i32
    %dma_wait3A_584 = tpu.memref_slice %arg3[%dma_wait3A_583] : memref<200704xf32, #tpu.memory_space<hbm>> -> memref<200704xf32, #tpu.memory_space<hbm>>
    tpu.wait_indirect_dma semaphore(%arg12 : memref<!tpu.dma_semaphore, #tpu.memory_space<semaphore_mem>>) src(%dma_wait3A_584 : memref<200704xf32, #tpu.memory_space<hbm>>) dst(%dma_wait3A_580 : memref<224xf32, #tpu.memory_space<vmem>>)
    %dma_wait3A_585 = arith.constant 13216 : i32
    %dma_wait3A_586 = tpu.memref_slice %arg11[%dma_wait3A_585] : memref<18816xf32, #tpu.memory_space<vmem>> -> memref<224xf32, #tpu.memory_space<vmem>>
    %dma_wait3A_587 = arith.constant 672 : i32
    %dma_wait3A_588 = tpu.memref_slice %arg10[%dma_wait3A_587] : memref<6272xi32, #tpu.memory_space<vmem>> -> memref<224xi32, #tpu.memory_space<vmem>>
    %dma_wait3A_589 = arith.constant 0 : i32
    %dma_wait3A_590 = tpu.memref_slice %arg4[%dma_wait3A_589] : memref<200704xf32, #tpu.memory_space<hbm>> -> memref<200704xf32, #tpu.memory_space<hbm>>
    tpu.wait_indirect_dma semaphore(%arg12 : memref<!tpu.dma_semaphore, #tpu.memory_space<semaphore_mem>>) src(%dma_wait3A_590 : memref<200704xf32, #tpu.memory_space<hbm>>) dst(%dma_wait3A_586 : memref<224xf32, #tpu.memory_space<vmem>>)
    %dma_wait3A_591 = arith.constant 896 : i32
    %dma_wait3A_592 = tpu.memref_slice %arg11[%dma_wait3A_591] : memref<18816xf32, #tpu.memory_space<vmem>> -> memref<224xf32, #tpu.memory_space<vmem>>
    %dma_wait3A_593 = arith.constant 896 : i32
    %dma_wait3A_594 = tpu.memref_slice %arg10[%dma_wait3A_593] : memref<6272xi32, #tpu.memory_space<vmem>> -> memref<224xi32, #tpu.memory_space<vmem>>
    %dma_wait3A_595 = arith.constant 0 : i32
    %dma_wait3A_596 = tpu.memref_slice %arg2[%dma_wait3A_595] : memref<200704xf32, #tpu.memory_space<hbm>> -> memref<200704xf32, #tpu.memory_space<hbm>>
    tpu.wait_indirect_dma semaphore(%arg12 : memref<!tpu.dma_semaphore, #tpu.memory_space<semaphore_mem>>) src(%dma_wait3A_596 : memref<200704xf32, #tpu.memory_space<hbm>>) dst(%dma_wait3A_592 : memref<224xf32, #tpu.memory_space<vmem>>)
    %dma_wait3A_597 = arith.constant 7168 : i32
    %dma_wait3A_598 = tpu.memref_slice %arg11[%dma_wait3A_597] : memref<18816xf32, #tpu.memory_space<vmem>> -> memref<224xf32, #tpu.memory_space<vmem>>
    %dma_wait3A_599 = arith.constant 896 : i32
    %dma_wait3A_600 = tpu.memref_slice %arg10[%dma_wait3A_599] : memref<6272xi32, #tpu.memory_space<vmem>> -> memref<224xi32, #tpu.memory_space<vmem>>
    %dma_wait3A_601 = arith.constant 0 : i32
    %dma_wait3A_602 = tpu.memref_slice %arg3[%dma_wait3A_601] : memref<200704xf32, #tpu.memory_space<hbm>> -> memref<200704xf32, #tpu.memory_space<hbm>>
    tpu.wait_indirect_dma semaphore(%arg12 : memref<!tpu.dma_semaphore, #tpu.memory_space<semaphore_mem>>) src(%dma_wait3A_602 : memref<200704xf32, #tpu.memory_space<hbm>>) dst(%dma_wait3A_598 : memref<224xf32, #tpu.memory_space<vmem>>)
    %dma_wait3A_603 = arith.constant 13440 : i32
    %dma_wait3A_604 = tpu.memref_slice %arg11[%dma_wait3A_603] : memref<18816xf32, #tpu.memory_space<vmem>> -> memref<224xf32, #tpu.memory_space<vmem>>
    %dma_wait3A_605 = arith.constant 896 : i32
    %dma_wait3A_606 = tpu.memref_slice %arg10[%dma_wait3A_605] : memref<6272xi32, #tpu.memory_space<vmem>> -> memref<224xi32, #tpu.memory_space<vmem>>
    %dma_wait3A_607 = arith.constant 0 : i32
    %dma_wait3A_608 = tpu.memref_slice %arg4[%dma_wait3A_607] : memref<200704xf32, #tpu.memory_space<hbm>> -> memref<200704xf32, #tpu.memory_space<hbm>>
    tpu.wait_indirect_dma semaphore(%arg12 : memref<!tpu.dma_semaphore, #tpu.memory_space<semaphore_mem>>) src(%dma_wait3A_608 : memref<200704xf32, #tpu.memory_space<hbm>>) dst(%dma_wait3A_604 : memref<224xf32, #tpu.memory_space<vmem>>)
    %dma_wait3A_609 = arith.constant 1120 : i32
    %dma_wait3A_610 = tpu.memref_slice %arg11[%dma_wait3A_609] : memref<18816xf32, #tpu.memory_space<vmem>> -> memref<224xf32, #tpu.memory_space<vmem>>
    %dma_wait3A_611 = arith.constant 1120 : i32
    %dma_wait3A_612 = tpu.memref_slice %arg10[%dma_wait3A_611] : memref<6272xi32, #tpu.memory_space<vmem>> -> memref<224xi32, #tpu.memory_space<vmem>>
    %dma_wait3A_613 = arith.constant 0 : i32
    %dma_wait3A_614 = tpu.memref_slice %arg2[%dma_wait3A_613] : memref<200704xf32, #tpu.memory_space<hbm>> -> memref<200704xf32, #tpu.memory_space<hbm>>
    tpu.wait_indirect_dma semaphore(%arg12 : memref<!tpu.dma_semaphore, #tpu.memory_space<semaphore_mem>>) src(%dma_wait3A_614 : memref<200704xf32, #tpu.memory_space<hbm>>) dst(%dma_wait3A_610 : memref<224xf32, #tpu.memory_space<vmem>>)
    %dma_wait3A_615 = arith.constant 7392 : i32
    %dma_wait3A_616 = tpu.memref_slice %arg11[%dma_wait3A_615] : memref<18816xf32, #tpu.memory_space<vmem>> -> memref<224xf32, #tpu.memory_space<vmem>>
    %dma_wait3A_617 = arith.constant 1120 : i32
    %dma_wait3A_618 = tpu.memref_slice %arg10[%dma_wait3A_617] : memref<6272xi32, #tpu.memory_space<vmem>> -> memref<224xi32, #tpu.memory_space<vmem>>
    %dma_wait3A_619 = arith.constant 0 : i32
    %dma_wait3A_620 = tpu.memref_slice %arg3[%dma_wait3A_619] : memref<200704xf32, #tpu.memory_space<hbm>> -> memref<200704xf32, #tpu.memory_space<hbm>>
    tpu.wait_indirect_dma semaphore(%arg12 : memref<!tpu.dma_semaphore, #tpu.memory_space<semaphore_mem>>) src(%dma_wait3A_620 : memref<200704xf32, #tpu.memory_space<hbm>>) dst(%dma_wait3A_616 : memref<224xf32, #tpu.memory_space<vmem>>)
    %dma_wait3A_621 = arith.constant 13664 : i32
    %dma_wait3A_622 = tpu.memref_slice %arg11[%dma_wait3A_621] : memref<18816xf32, #tpu.memory_space<vmem>> -> memref<224xf32, #tpu.memory_space<vmem>>
    %dma_wait3A_623 = arith.constant 1120 : i32
    %dma_wait3A_624 = tpu.memref_slice %arg10[%dma_wait3A_623] : memref<6272xi32, #tpu.memory_space<vmem>> -> memref<224xi32, #tpu.memory_space<vmem>>
    %dma_wait3A_625 = arith.constant 0 : i32
    %dma_wait3A_626 = tpu.memref_slice %arg4[%dma_wait3A_625] : memref<200704xf32, #tpu.memory_space<hbm>> -> memref<200704xf32, #tpu.memory_space<hbm>>
    tpu.wait_indirect_dma semaphore(%arg12 : memref<!tpu.dma_semaphore, #tpu.memory_space<semaphore_mem>>) src(%dma_wait3A_626 : memref<200704xf32, #tpu.memory_space<hbm>>) dst(%dma_wait3A_622 : memref<224xf32, #tpu.memory_space<vmem>>)
    %dma_wait3A_627 = arith.constant 1344 : i32
    %dma_wait3A_628 = tpu.memref_slice %arg11[%dma_wait3A_627] : memref<18816xf32, #tpu.memory_space<vmem>> -> memref<224xf32, #tpu.memory_space<vmem>>
    %dma_wait3A_629 = arith.constant 1344 : i32
    %dma_wait3A_630 = tpu.memref_slice %arg10[%dma_wait3A_629] : memref<6272xi32, #tpu.memory_space<vmem>> -> memref<224xi32, #tpu.memory_space<vmem>>
    %dma_wait3A_631 = arith.constant 0 : i32
    %dma_wait3A_632 = tpu.memref_slice %arg2[%dma_wait3A_631] : memref<200704xf32, #tpu.memory_space<hbm>> -> memref<200704xf32, #tpu.memory_space<hbm>>
    tpu.wait_indirect_dma semaphore(%arg12 : memref<!tpu.dma_semaphore, #tpu.memory_space<semaphore_mem>>) src(%dma_wait3A_632 : memref<200704xf32, #tpu.memory_space<hbm>>) dst(%dma_wait3A_628 : memref<224xf32, #tpu.memory_space<vmem>>)
    %dma_wait3A_633 = arith.constant 7616 : i32
    %dma_wait3A_634 = tpu.memref_slice %arg11[%dma_wait3A_633] : memref<18816xf32, #tpu.memory_space<vmem>> -> memref<224xf32, #tpu.memory_space<vmem>>
    %dma_wait3A_635 = arith.constant 1344 : i32
    %dma_wait3A_636 = tpu.memref_slice %arg10[%dma_wait3A_635] : memref<6272xi32, #tpu.memory_space<vmem>> -> memref<224xi32, #tpu.memory_space<vmem>>
    %dma_wait3A_637 = arith.constant 0 : i32
    %dma_wait3A_638 = tpu.memref_slice %arg3[%dma_wait3A_637] : memref<200704xf32, #tpu.memory_space<hbm>> -> memref<200704xf32, #tpu.memory_space<hbm>>
    tpu.wait_indirect_dma semaphore(%arg12 : memref<!tpu.dma_semaphore, #tpu.memory_space<semaphore_mem>>) src(%dma_wait3A_638 : memref<200704xf32, #tpu.memory_space<hbm>>) dst(%dma_wait3A_634 : memref<224xf32, #tpu.memory_space<vmem>>)
    %dma_wait3A_639 = arith.constant 13888 : i32
    %dma_wait3A_640 = tpu.memref_slice %arg11[%dma_wait3A_639] : memref<18816xf32, #tpu.memory_space<vmem>> -> memref<224xf32, #tpu.memory_space<vmem>>
    %dma_wait3A_641 = arith.constant 1344 : i32
    %dma_wait3A_642 = tpu.memref_slice %arg10[%dma_wait3A_641] : memref<6272xi32, #tpu.memory_space<vmem>> -> memref<224xi32, #tpu.memory_space<vmem>>
    %dma_wait3A_643 = arith.constant 0 : i32
    %dma_wait3A_644 = tpu.memref_slice %arg4[%dma_wait3A_643] : memref<200704xf32, #tpu.memory_space<hbm>> -> memref<200704xf32, #tpu.memory_space<hbm>>
    tpu.wait_indirect_dma semaphore(%arg12 : memref<!tpu.dma_semaphore, #tpu.memory_space<semaphore_mem>>) src(%dma_wait3A_644 : memref<200704xf32, #tpu.memory_space<hbm>>) dst(%dma_wait3A_640 : memref<224xf32, #tpu.memory_space<vmem>>)
    %dma_wait3A_645 = arith.constant 1568 : i32
    %dma_wait3A_646 = tpu.memref_slice %arg11[%dma_wait3A_645] : memref<18816xf32, #tpu.memory_space<vmem>> -> memref<224xf32, #tpu.memory_space<vmem>>
    %dma_wait3A_647 = arith.constant 1568 : i32
    %dma_wait3A_648 = tpu.memref_slice %arg10[%dma_wait3A_647] : memref<6272xi32, #tpu.memory_space<vmem>> -> memref<224xi32, #tpu.memory_space<vmem>>
    %dma_wait3A_649 = arith.constant 0 : i32
    %dma_wait3A_650 = tpu.memref_slice %arg2[%dma_wait3A_649] : memref<200704xf32, #tpu.memory_space<hbm>> -> memref<200704xf32, #tpu.memory_space<hbm>>
    tpu.wait_indirect_dma semaphore(%arg12 : memref<!tpu.dma_semaphore, #tpu.memory_space<semaphore_mem>>) src(%dma_wait3A_650 : memref<200704xf32, #tpu.memory_space<hbm>>) dst(%dma_wait3A_646 : memref<224xf32, #tpu.memory_space<vmem>>)
    %dma_wait3A_651 = arith.constant 7840 : i32
    %dma_wait3A_652 = tpu.memref_slice %arg11[%dma_wait3A_651] : memref<18816xf32, #tpu.memory_space<vmem>> -> memref<224xf32, #tpu.memory_space<vmem>>
    %dma_wait3A_653 = arith.constant 1568 : i32
    %dma_wait3A_654 = tpu.memref_slice %arg10[%dma_wait3A_653] : memref<6272xi32, #tpu.memory_space<vmem>> -> memref<224xi32, #tpu.memory_space<vmem>>
    %dma_wait3A_655 = arith.constant 0 : i32
    %dma_wait3A_656 = tpu.memref_slice %arg3[%dma_wait3A_655] : memref<200704xf32, #tpu.memory_space<hbm>> -> memref<200704xf32, #tpu.memory_space<hbm>>
    tpu.wait_indirect_dma semaphore(%arg12 : memref<!tpu.dma_semaphore, #tpu.memory_space<semaphore_mem>>) src(%dma_wait3A_656 : memref<200704xf32, #tpu.memory_space<hbm>>) dst(%dma_wait3A_652 : memref<224xf32, #tpu.memory_space<vmem>>)
    %dma_wait3A_657 = arith.constant 14112 : i32
    %dma_wait3A_658 = tpu.memref_slice %arg11[%dma_wait3A_657] : memref<18816xf32, #tpu.memory_space<vmem>> -> memref<224xf32, #tpu.memory_space<vmem>>
    %dma_wait3A_659 = arith.constant 1568 : i32
    %dma_wait3A_660 = tpu.memref_slice %arg10[%dma_wait3A_659] : memref<6272xi32, #tpu.memory_space<vmem>> -> memref<224xi32, #tpu.memory_space<vmem>>
    %dma_wait3A_661 = arith.constant 0 : i32
    %dma_wait3A_662 = tpu.memref_slice %arg4[%dma_wait3A_661] : memref<200704xf32, #tpu.memory_space<hbm>> -> memref<200704xf32, #tpu.memory_space<hbm>>
    tpu.wait_indirect_dma semaphore(%arg12 : memref<!tpu.dma_semaphore, #tpu.memory_space<semaphore_mem>>) src(%dma_wait3A_662 : memref<200704xf32, #tpu.memory_space<hbm>>) dst(%dma_wait3A_658 : memref<224xf32, #tpu.memory_space<vmem>>)
    %dma_wait3A_663 = arith.constant 1792 : i32
    %dma_wait3A_664 = tpu.memref_slice %arg11[%dma_wait3A_663] : memref<18816xf32, #tpu.memory_space<vmem>> -> memref<224xf32, #tpu.memory_space<vmem>>
    %dma_wait3A_665 = arith.constant 1792 : i32
    %dma_wait3A_666 = tpu.memref_slice %arg10[%dma_wait3A_665] : memref<6272xi32, #tpu.memory_space<vmem>> -> memref<224xi32, #tpu.memory_space<vmem>>
    %dma_wait3A_667 = arith.constant 0 : i32
    %dma_wait3A_668 = tpu.memref_slice %arg2[%dma_wait3A_667] : memref<200704xf32, #tpu.memory_space<hbm>> -> memref<200704xf32, #tpu.memory_space<hbm>>
    tpu.wait_indirect_dma semaphore(%arg12 : memref<!tpu.dma_semaphore, #tpu.memory_space<semaphore_mem>>) src(%dma_wait3A_668 : memref<200704xf32, #tpu.memory_space<hbm>>) dst(%dma_wait3A_664 : memref<224xf32, #tpu.memory_space<vmem>>)
    %dma_wait3A_669 = arith.constant 8064 : i32
    %dma_wait3A_670 = tpu.memref_slice %arg11[%dma_wait3A_669] : memref<18816xf32, #tpu.memory_space<vmem>> -> memref<224xf32, #tpu.memory_space<vmem>>
    %dma_wait3A_671 = arith.constant 1792 : i32
    %dma_wait3A_672 = tpu.memref_slice %arg10[%dma_wait3A_671] : memref<6272xi32, #tpu.memory_space<vmem>> -> memref<224xi32, #tpu.memory_space<vmem>>
    %dma_wait3A_673 = arith.constant 0 : i32
    %dma_wait3A_674 = tpu.memref_slice %arg3[%dma_wait3A_673] : memref<200704xf32, #tpu.memory_space<hbm>> -> memref<200704xf32, #tpu.memory_space<hbm>>
    tpu.wait_indirect_dma semaphore(%arg12 : memref<!tpu.dma_semaphore, #tpu.memory_space<semaphore_mem>>) src(%dma_wait3A_674 : memref<200704xf32, #tpu.memory_space<hbm>>) dst(%dma_wait3A_670 : memref<224xf32, #tpu.memory_space<vmem>>)
    %dma_wait3A_675 = arith.constant 14336 : i32
    %dma_wait3A_676 = tpu.memref_slice %arg11[%dma_wait3A_675] : memref<18816xf32, #tpu.memory_space<vmem>> -> memref<224xf32, #tpu.memory_space<vmem>>
    %dma_wait3A_677 = arith.constant 1792 : i32
    %dma_wait3A_678 = tpu.memref_slice %arg10[%dma_wait3A_677] : memref<6272xi32, #tpu.memory_space<vmem>> -> memref<224xi32, #tpu.memory_space<vmem>>
    %dma_wait3A_679 = arith.constant 0 : i32
    %dma_wait3A_680 = tpu.memref_slice %arg4[%dma_wait3A_679] : memref<200704xf32, #tpu.memory_space<hbm>> -> memref<200704xf32, #tpu.memory_space<hbm>>
    tpu.wait_indirect_dma semaphore(%arg12 : memref<!tpu.dma_semaphore, #tpu.memory_space<semaphore_mem>>) src(%dma_wait3A_680 : memref<200704xf32, #tpu.memory_space<hbm>>) dst(%dma_wait3A_676 : memref<224xf32, #tpu.memory_space<vmem>>)
    %dma_wait3A_681 = arith.constant 2016 : i32
    %dma_wait3A_682 = tpu.memref_slice %arg11[%dma_wait3A_681] : memref<18816xf32, #tpu.memory_space<vmem>> -> memref<224xf32, #tpu.memory_space<vmem>>
    %dma_wait3A_683 = arith.constant 2016 : i32
    %dma_wait3A_684 = tpu.memref_slice %arg10[%dma_wait3A_683] : memref<6272xi32, #tpu.memory_space<vmem>> -> memref<224xi32, #tpu.memory_space<vmem>>
    %dma_wait3A_685 = arith.constant 0 : i32
    %dma_wait3A_686 = tpu.memref_slice %arg2[%dma_wait3A_685] : memref<200704xf32, #tpu.memory_space<hbm>> -> memref<200704xf32, #tpu.memory_space<hbm>>
    tpu.wait_indirect_dma semaphore(%arg12 : memref<!tpu.dma_semaphore, #tpu.memory_space<semaphore_mem>>) src(%dma_wait3A_686 : memref<200704xf32, #tpu.memory_space<hbm>>) dst(%dma_wait3A_682 : memref<224xf32, #tpu.memory_space<vmem>>)
    %dma_wait3A_687 = arith.constant 8288 : i32
    %dma_wait3A_688 = tpu.memref_slice %arg11[%dma_wait3A_687] : memref<18816xf32, #tpu.memory_space<vmem>> -> memref<224xf32, #tpu.memory_space<vmem>>
    %dma_wait3A_689 = arith.constant 2016 : i32
    %dma_wait3A_690 = tpu.memref_slice %arg10[%dma_wait3A_689] : memref<6272xi32, #tpu.memory_space<vmem>> -> memref<224xi32, #tpu.memory_space<vmem>>
    %dma_wait3A_691 = arith.constant 0 : i32
    %dma_wait3A_692 = tpu.memref_slice %arg3[%dma_wait3A_691] : memref<200704xf32, #tpu.memory_space<hbm>> -> memref<200704xf32, #tpu.memory_space<hbm>>
    tpu.wait_indirect_dma semaphore(%arg12 : memref<!tpu.dma_semaphore, #tpu.memory_space<semaphore_mem>>) src(%dma_wait3A_692 : memref<200704xf32, #tpu.memory_space<hbm>>) dst(%dma_wait3A_688 : memref<224xf32, #tpu.memory_space<vmem>>)
    %dma_wait3A_693 = arith.constant 14560 : i32
    %dma_wait3A_694 = tpu.memref_slice %arg11[%dma_wait3A_693] : memref<18816xf32, #tpu.memory_space<vmem>> -> memref<224xf32, #tpu.memory_space<vmem>>
    %dma_wait3A_695 = arith.constant 2016 : i32
    %dma_wait3A_696 = tpu.memref_slice %arg10[%dma_wait3A_695] : memref<6272xi32, #tpu.memory_space<vmem>> -> memref<224xi32, #tpu.memory_space<vmem>>
    %dma_wait3A_697 = arith.constant 0 : i32
    %dma_wait3A_698 = tpu.memref_slice %arg4[%dma_wait3A_697] : memref<200704xf32, #tpu.memory_space<hbm>> -> memref<200704xf32, #tpu.memory_space<hbm>>
    tpu.wait_indirect_dma semaphore(%arg12 : memref<!tpu.dma_semaphore, #tpu.memory_space<semaphore_mem>>) src(%dma_wait3A_698 : memref<200704xf32, #tpu.memory_space<hbm>>) dst(%dma_wait3A_694 : memref<224xf32, #tpu.memory_space<vmem>>)
    %dma_wait3A_699 = arith.constant 2240 : i32
    %dma_wait3A_700 = tpu.memref_slice %arg11[%dma_wait3A_699] : memref<18816xf32, #tpu.memory_space<vmem>> -> memref<224xf32, #tpu.memory_space<vmem>>
    %dma_wait3A_701 = arith.constant 2240 : i32
    %dma_wait3A_702 = tpu.memref_slice %arg10[%dma_wait3A_701] : memref<6272xi32, #tpu.memory_space<vmem>> -> memref<224xi32, #tpu.memory_space<vmem>>
    %dma_wait3A_703 = arith.constant 0 : i32
    %dma_wait3A_704 = tpu.memref_slice %arg2[%dma_wait3A_703] : memref<200704xf32, #tpu.memory_space<hbm>> -> memref<200704xf32, #tpu.memory_space<hbm>>
    tpu.wait_indirect_dma semaphore(%arg12 : memref<!tpu.dma_semaphore, #tpu.memory_space<semaphore_mem>>) src(%dma_wait3A_704 : memref<200704xf32, #tpu.memory_space<hbm>>) dst(%dma_wait3A_700 : memref<224xf32, #tpu.memory_space<vmem>>)
    %dma_wait3A_705 = arith.constant 8512 : i32
    %dma_wait3A_706 = tpu.memref_slice %arg11[%dma_wait3A_705] : memref<18816xf32, #tpu.memory_space<vmem>> -> memref<224xf32, #tpu.memory_space<vmem>>
    %dma_wait3A_707 = arith.constant 2240 : i32
    %dma_wait3A_708 = tpu.memref_slice %arg10[%dma_wait3A_707] : memref<6272xi32, #tpu.memory_space<vmem>> -> memref<224xi32, #tpu.memory_space<vmem>>
    %dma_wait3A_709 = arith.constant 0 : i32
    %dma_wait3A_710 = tpu.memref_slice %arg3[%dma_wait3A_709] : memref<200704xf32, #tpu.memory_space<hbm>> -> memref<200704xf32, #tpu.memory_space<hbm>>
    tpu.wait_indirect_dma semaphore(%arg12 : memref<!tpu.dma_semaphore, #tpu.memory_space<semaphore_mem>>) src(%dma_wait3A_710 : memref<200704xf32, #tpu.memory_space<hbm>>) dst(%dma_wait3A_706 : memref<224xf32, #tpu.memory_space<vmem>>)
    %dma_wait3A_711 = arith.constant 14784 : i32
    %dma_wait3A_712 = tpu.memref_slice %arg11[%dma_wait3A_711] : memref<18816xf32, #tpu.memory_space<vmem>> -> memref<224xf32, #tpu.memory_space<vmem>>
    %dma_wait3A_713 = arith.constant 2240 : i32
    %dma_wait3A_714 = tpu.memref_slice %arg10[%dma_wait3A_713] : memref<6272xi32, #tpu.memory_space<vmem>> -> memref<224xi32, #tpu.memory_space<vmem>>
    %dma_wait3A_715 = arith.constant 0 : i32
    %dma_wait3A_716 = tpu.memref_slice %arg4[%dma_wait3A_715] : memref<200704xf32, #tpu.memory_space<hbm>> -> memref<200704xf32, #tpu.memory_space<hbm>>
    tpu.wait_indirect_dma semaphore(%arg12 : memref<!tpu.dma_semaphore, #tpu.memory_space<semaphore_mem>>) src(%dma_wait3A_716 : memref<200704xf32, #tpu.memory_space<hbm>>) dst(%dma_wait3A_712 : memref<224xf32, #tpu.memory_space<vmem>>)
    %dma_wait3A_717 = arith.constant 2464 : i32
    %dma_wait3A_718 = tpu.memref_slice %arg11[%dma_wait3A_717] : memref<18816xf32, #tpu.memory_space<vmem>> -> memref<224xf32, #tpu.memory_space<vmem>>
    %dma_wait3A_719 = arith.constant 2464 : i32
    %dma_wait3A_720 = tpu.memref_slice %arg10[%dma_wait3A_719] : memref<6272xi32, #tpu.memory_space<vmem>> -> memref<224xi32, #tpu.memory_space<vmem>>
    %dma_wait3A_721 = arith.constant 0 : i32
    %dma_wait3A_722 = tpu.memref_slice %arg2[%dma_wait3A_721] : memref<200704xf32, #tpu.memory_space<hbm>> -> memref<200704xf32, #tpu.memory_space<hbm>>
    tpu.wait_indirect_dma semaphore(%arg12 : memref<!tpu.dma_semaphore, #tpu.memory_space<semaphore_mem>>) src(%dma_wait3A_722 : memref<200704xf32, #tpu.memory_space<hbm>>) dst(%dma_wait3A_718 : memref<224xf32, #tpu.memory_space<vmem>>)
    %dma_wait3A_723 = arith.constant 8736 : i32
    %dma_wait3A_724 = tpu.memref_slice %arg11[%dma_wait3A_723] : memref<18816xf32, #tpu.memory_space<vmem>> -> memref<224xf32, #tpu.memory_space<vmem>>
    %dma_wait3A_725 = arith.constant 2464 : i32
    %dma_wait3A_726 = tpu.memref_slice %arg10[%dma_wait3A_725] : memref<6272xi32, #tpu.memory_space<vmem>> -> memref<224xi32, #tpu.memory_space<vmem>>
    %dma_wait3A_727 = arith.constant 0 : i32
    %dma_wait3A_728 = tpu.memref_slice %arg3[%dma_wait3A_727] : memref<200704xf32, #tpu.memory_space<hbm>> -> memref<200704xf32, #tpu.memory_space<hbm>>
    tpu.wait_indirect_dma semaphore(%arg12 : memref<!tpu.dma_semaphore, #tpu.memory_space<semaphore_mem>>) src(%dma_wait3A_728 : memref<200704xf32, #tpu.memory_space<hbm>>) dst(%dma_wait3A_724 : memref<224xf32, #tpu.memory_space<vmem>>)
    %dma_wait3A_729 = arith.constant 15008 : i32
    %dma_wait3A_730 = tpu.memref_slice %arg11[%dma_wait3A_729] : memref<18816xf32, #tpu.memory_space<vmem>> -> memref<224xf32, #tpu.memory_space<vmem>>
    %dma_wait3A_731 = arith.constant 2464 : i32
    %dma_wait3A_732 = tpu.memref_slice %arg10[%dma_wait3A_731] : memref<6272xi32, #tpu.memory_space<vmem>> -> memref<224xi32, #tpu.memory_space<vmem>>
    %dma_wait3A_733 = arith.constant 0 : i32
    %dma_wait3A_734 = tpu.memref_slice %arg4[%dma_wait3A_733] : memref<200704xf32, #tpu.memory_space<hbm>> -> memref<200704xf32, #tpu.memory_space<hbm>>
    tpu.wait_indirect_dma semaphore(%arg12 : memref<!tpu.dma_semaphore, #tpu.memory_space<semaphore_mem>>) src(%dma_wait3A_734 : memref<200704xf32, #tpu.memory_space<hbm>>) dst(%dma_wait3A_730 : memref<224xf32, #tpu.memory_space<vmem>>)
    %dma_wait3A_735 = arith.constant 2688 : i32
    %dma_wait3A_736 = tpu.memref_slice %arg11[%dma_wait3A_735] : memref<18816xf32, #tpu.memory_space<vmem>> -> memref<224xf32, #tpu.memory_space<vmem>>
    %dma_wait3A_737 = arith.constant 2688 : i32
    %dma_wait3A_738 = tpu.memref_slice %arg10[%dma_wait3A_737] : memref<6272xi32, #tpu.memory_space<vmem>> -> memref<224xi32, #tpu.memory_space<vmem>>
    %dma_wait3A_739 = arith.constant 0 : i32
    %dma_wait3A_740 = tpu.memref_slice %arg2[%dma_wait3A_739] : memref<200704xf32, #tpu.memory_space<hbm>> -> memref<200704xf32, #tpu.memory_space<hbm>>
    tpu.wait_indirect_dma semaphore(%arg12 : memref<!tpu.dma_semaphore, #tpu.memory_space<semaphore_mem>>) src(%dma_wait3A_740 : memref<200704xf32, #tpu.memory_space<hbm>>) dst(%dma_wait3A_736 : memref<224xf32, #tpu.memory_space<vmem>>)
    %dma_wait3A_741 = arith.constant 8960 : i32
    %dma_wait3A_742 = tpu.memref_slice %arg11[%dma_wait3A_741] : memref<18816xf32, #tpu.memory_space<vmem>> -> memref<224xf32, #tpu.memory_space<vmem>>
    %dma_wait3A_743 = arith.constant 2688 : i32
    %dma_wait3A_744 = tpu.memref_slice %arg10[%dma_wait3A_743] : memref<6272xi32, #tpu.memory_space<vmem>> -> memref<224xi32, #tpu.memory_space<vmem>>
    %dma_wait3A_745 = arith.constant 0 : i32
    %dma_wait3A_746 = tpu.memref_slice %arg3[%dma_wait3A_745] : memref<200704xf32, #tpu.memory_space<hbm>> -> memref<200704xf32, #tpu.memory_space<hbm>>
    tpu.wait_indirect_dma semaphore(%arg12 : memref<!tpu.dma_semaphore, #tpu.memory_space<semaphore_mem>>) src(%dma_wait3A_746 : memref<200704xf32, #tpu.memory_space<hbm>>) dst(%dma_wait3A_742 : memref<224xf32, #tpu.memory_space<vmem>>)
    %dma_wait3A_747 = arith.constant 15232 : i32
    %dma_wait3A_748 = tpu.memref_slice %arg11[%dma_wait3A_747] : memref<18816xf32, #tpu.memory_space<vmem>> -> memref<224xf32, #tpu.memory_space<vmem>>
    %dma_wait3A_749 = arith.constant 2688 : i32
    %dma_wait3A_750 = tpu.memref_slice %arg10[%dma_wait3A_749] : memref<6272xi32, #tpu.memory_space<vmem>> -> memref<224xi32, #tpu.memory_space<vmem>>
    %dma_wait3A_751 = arith.constant 0 : i32
    %dma_wait3A_752 = tpu.memref_slice %arg4[%dma_wait3A_751] : memref<200704xf32, #tpu.memory_space<hbm>> -> memref<200704xf32, #tpu.memory_space<hbm>>
    tpu.wait_indirect_dma semaphore(%arg12 : memref<!tpu.dma_semaphore, #tpu.memory_space<semaphore_mem>>) src(%dma_wait3A_752 : memref<200704xf32, #tpu.memory_space<hbm>>) dst(%dma_wait3A_748 : memref<224xf32, #tpu.memory_space<vmem>>)
    %dma_wait3A_753 = arith.constant 2912 : i32
    %dma_wait3A_754 = tpu.memref_slice %arg11[%dma_wait3A_753] : memref<18816xf32, #tpu.memory_space<vmem>> -> memref<224xf32, #tpu.memory_space<vmem>>
    %dma_wait3A_755 = arith.constant 2912 : i32
    %dma_wait3A_756 = tpu.memref_slice %arg10[%dma_wait3A_755] : memref<6272xi32, #tpu.memory_space<vmem>> -> memref<224xi32, #tpu.memory_space<vmem>>
    %dma_wait3A_757 = arith.constant 0 : i32
    %dma_wait3A_758 = tpu.memref_slice %arg2[%dma_wait3A_757] : memref<200704xf32, #tpu.memory_space<hbm>> -> memref<200704xf32, #tpu.memory_space<hbm>>
    tpu.wait_indirect_dma semaphore(%arg12 : memref<!tpu.dma_semaphore, #tpu.memory_space<semaphore_mem>>) src(%dma_wait3A_758 : memref<200704xf32, #tpu.memory_space<hbm>>) dst(%dma_wait3A_754 : memref<224xf32, #tpu.memory_space<vmem>>)
    %dma_wait3A_759 = arith.constant 9184 : i32
    %dma_wait3A_760 = tpu.memref_slice %arg11[%dma_wait3A_759] : memref<18816xf32, #tpu.memory_space<vmem>> -> memref<224xf32, #tpu.memory_space<vmem>>
    %dma_wait3A_761 = arith.constant 2912 : i32
    %dma_wait3A_762 = tpu.memref_slice %arg10[%dma_wait3A_761] : memref<6272xi32, #tpu.memory_space<vmem>> -> memref<224xi32, #tpu.memory_space<vmem>>
    %dma_wait3A_763 = arith.constant 0 : i32
    %dma_wait3A_764 = tpu.memref_slice %arg3[%dma_wait3A_763] : memref<200704xf32, #tpu.memory_space<hbm>> -> memref<200704xf32, #tpu.memory_space<hbm>>
    tpu.wait_indirect_dma semaphore(%arg12 : memref<!tpu.dma_semaphore, #tpu.memory_space<semaphore_mem>>) src(%dma_wait3A_764 : memref<200704xf32, #tpu.memory_space<hbm>>) dst(%dma_wait3A_760 : memref<224xf32, #tpu.memory_space<vmem>>)
    %dma_wait3A_765 = arith.constant 15456 : i32
    %dma_wait3A_766 = tpu.memref_slice %arg11[%dma_wait3A_765] : memref<18816xf32, #tpu.memory_space<vmem>> -> memref<224xf32, #tpu.memory_space<vmem>>
    %dma_wait3A_767 = arith.constant 2912 : i32
    %dma_wait3A_768 = tpu.memref_slice %arg10[%dma_wait3A_767] : memref<6272xi32, #tpu.memory_space<vmem>> -> memref<224xi32, #tpu.memory_space<vmem>>
    %dma_wait3A_769 = arith.constant 0 : i32
    %dma_wait3A_770 = tpu.memref_slice %arg4[%dma_wait3A_769] : memref<200704xf32, #tpu.memory_space<hbm>> -> memref<200704xf32, #tpu.memory_space<hbm>>
    tpu.wait_indirect_dma semaphore(%arg12 : memref<!tpu.dma_semaphore, #tpu.memory_space<semaphore_mem>>) src(%dma_wait3A_770 : memref<200704xf32, #tpu.memory_space<hbm>>) dst(%dma_wait3A_766 : memref<224xf32, #tpu.memory_space<vmem>>)
    %dma_wait3A_771 = arith.constant 3136 : i32
    %dma_wait3A_772 = tpu.memref_slice %arg11[%dma_wait3A_771] : memref<18816xf32, #tpu.memory_space<vmem>> -> memref<224xf32, #tpu.memory_space<vmem>>
    %dma_wait3A_773 = arith.constant 3136 : i32
    %dma_wait3A_774 = tpu.memref_slice %arg10[%dma_wait3A_773] : memref<6272xi32, #tpu.memory_space<vmem>> -> memref<224xi32, #tpu.memory_space<vmem>>
    %dma_wait3A_775 = arith.constant 0 : i32
    %dma_wait3A_776 = tpu.memref_slice %arg2[%dma_wait3A_775] : memref<200704xf32, #tpu.memory_space<hbm>> -> memref<200704xf32, #tpu.memory_space<hbm>>
    tpu.wait_indirect_dma semaphore(%arg12 : memref<!tpu.dma_semaphore, #tpu.memory_space<semaphore_mem>>) src(%dma_wait3A_776 : memref<200704xf32, #tpu.memory_space<hbm>>) dst(%dma_wait3A_772 : memref<224xf32, #tpu.memory_space<vmem>>)
    %dma_wait3A_777 = arith.constant 9408 : i32
    %dma_wait3A_778 = tpu.memref_slice %arg11[%dma_wait3A_777] : memref<18816xf32, #tpu.memory_space<vmem>> -> memref<224xf32, #tpu.memory_space<vmem>>
    %dma_wait3A_779 = arith.constant 3136 : i32
    %dma_wait3A_780 = tpu.memref_slice %arg10[%dma_wait3A_779] : memref<6272xi32, #tpu.memory_space<vmem>> -> memref<224xi32, #tpu.memory_space<vmem>>
    %dma_wait3A_781 = arith.constant 0 : i32
    %dma_wait3A_782 = tpu.memref_slice %arg3[%dma_wait3A_781] : memref<200704xf32, #tpu.memory_space<hbm>> -> memref<200704xf32, #tpu.memory_space<hbm>>
    tpu.wait_indirect_dma semaphore(%arg12 : memref<!tpu.dma_semaphore, #tpu.memory_space<semaphore_mem>>) src(%dma_wait3A_782 : memref<200704xf32, #tpu.memory_space<hbm>>) dst(%dma_wait3A_778 : memref<224xf32, #tpu.memory_space<vmem>>)
    %dma_wait3A_783 = arith.constant 15680 : i32
    %dma_wait3A_784 = tpu.memref_slice %arg11[%dma_wait3A_783] : memref<18816xf32, #tpu.memory_space<vmem>> -> memref<224xf32, #tpu.memory_space<vmem>>
    %dma_wait3A_785 = arith.constant 3136 : i32
    %dma_wait3A_786 = tpu.memref_slice %arg10[%dma_wait3A_785] : memref<6272xi32, #tpu.memory_space<vmem>> -> memref<224xi32, #tpu.memory_space<vmem>>
    %dma_wait3A_787 = arith.constant 0 : i32
    %dma_wait3A_788 = tpu.memref_slice %arg4[%dma_wait3A_787] : memref<200704xf32, #tpu.memory_space<hbm>> -> memref<200704xf32, #tpu.memory_space<hbm>>
    tpu.wait_indirect_dma semaphore(%arg12 : memref<!tpu.dma_semaphore, #tpu.memory_space<semaphore_mem>>) src(%dma_wait3A_788 : memref<200704xf32, #tpu.memory_space<hbm>>) dst(%dma_wait3A_784 : memref<224xf32, #tpu.memory_space<vmem>>)
    %dma_wait3A_789 = arith.constant 3360 : i32
    %dma_wait3A_790 = tpu.memref_slice %arg11[%dma_wait3A_789] : memref<18816xf32, #tpu.memory_space<vmem>> -> memref<224xf32, #tpu.memory_space<vmem>>
    %dma_wait3A_791 = arith.constant 3360 : i32
    %dma_wait3A_792 = tpu.memref_slice %arg10[%dma_wait3A_791] : memref<6272xi32, #tpu.memory_space<vmem>> -> memref<224xi32, #tpu.memory_space<vmem>>
    %dma_wait3A_793 = arith.constant 0 : i32
    %dma_wait3A_794 = tpu.memref_slice %arg2[%dma_wait3A_793] : memref<200704xf32, #tpu.memory_space<hbm>> -> memref<200704xf32, #tpu.memory_space<hbm>>
    tpu.wait_indirect_dma semaphore(%arg12 : memref<!tpu.dma_semaphore, #tpu.memory_space<semaphore_mem>>) src(%dma_wait3A_794 : memref<200704xf32, #tpu.memory_space<hbm>>) dst(%dma_wait3A_790 : memref<224xf32, #tpu.memory_space<vmem>>)
    %dma_wait3A_795 = arith.constant 9632 : i32
    %dma_wait3A_796 = tpu.memref_slice %arg11[%dma_wait3A_795] : memref<18816xf32, #tpu.memory_space<vmem>> -> memref<224xf32, #tpu.memory_space<vmem>>
    %dma_wait3A_797 = arith.constant 3360 : i32
    %dma_wait3A_798 = tpu.memref_slice %arg10[%dma_wait3A_797] : memref<6272xi32, #tpu.memory_space<vmem>> -> memref<224xi32, #tpu.memory_space<vmem>>
    %dma_wait3A_799 = arith.constant 0 : i32
    %dma_wait3A_800 = tpu.memref_slice %arg3[%dma_wait3A_799] : memref<200704xf32, #tpu.memory_space<hbm>> -> memref<200704xf32, #tpu.memory_space<hbm>>
    tpu.wait_indirect_dma semaphore(%arg12 : memref<!tpu.dma_semaphore, #tpu.memory_space<semaphore_mem>>) src(%dma_wait3A_800 : memref<200704xf32, #tpu.memory_space<hbm>>) dst(%dma_wait3A_796 : memref<224xf32, #tpu.memory_space<vmem>>)
    %dma_wait3A_801 = arith.constant 15904 : i32
    %dma_wait3A_802 = tpu.memref_slice %arg11[%dma_wait3A_801] : memref<18816xf32, #tpu.memory_space<vmem>> -> memref<224xf32, #tpu.memory_space<vmem>>
    %dma_wait3A_803 = arith.constant 3360 : i32
    %dma_wait3A_804 = tpu.memref_slice %arg10[%dma_wait3A_803] : memref<6272xi32, #tpu.memory_space<vmem>> -> memref<224xi32, #tpu.memory_space<vmem>>
    %dma_wait3A_805 = arith.constant 0 : i32
    %dma_wait3A_806 = tpu.memref_slice %arg4[%dma_wait3A_805] : memref<200704xf32, #tpu.memory_space<hbm>> -> memref<200704xf32, #tpu.memory_space<hbm>>
    tpu.wait_indirect_dma semaphore(%arg12 : memref<!tpu.dma_semaphore, #tpu.memory_space<semaphore_mem>>) src(%dma_wait3A_806 : memref<200704xf32, #tpu.memory_space<hbm>>) dst(%dma_wait3A_802 : memref<224xf32, #tpu.memory_space<vmem>>)
    %dma_wait3A_807 = arith.constant 3584 : i32
    %dma_wait3A_808 = tpu.memref_slice %arg11[%dma_wait3A_807] : memref<18816xf32, #tpu.memory_space<vmem>> -> memref<224xf32, #tpu.memory_space<vmem>>
    %dma_wait3A_809 = arith.constant 3584 : i32
    %dma_wait3A_810 = tpu.memref_slice %arg10[%dma_wait3A_809] : memref<6272xi32, #tpu.memory_space<vmem>> -> memref<224xi32, #tpu.memory_space<vmem>>
    %dma_wait3A_811 = arith.constant 0 : i32
    %dma_wait3A_812 = tpu.memref_slice %arg2[%dma_wait3A_811] : memref<200704xf32, #tpu.memory_space<hbm>> -> memref<200704xf32, #tpu.memory_space<hbm>>
    tpu.wait_indirect_dma semaphore(%arg12 : memref<!tpu.dma_semaphore, #tpu.memory_space<semaphore_mem>>) src(%dma_wait3A_812 : memref<200704xf32, #tpu.memory_space<hbm>>) dst(%dma_wait3A_808 : memref<224xf32, #tpu.memory_space<vmem>>)
    %dma_wait3A_813 = arith.constant 9856 : i32
    %dma_wait3A_814 = tpu.memref_slice %arg11[%dma_wait3A_813] : memref<18816xf32, #tpu.memory_space<vmem>> -> memref<224xf32, #tpu.memory_space<vmem>>
    %dma_wait3A_815 = arith.constant 3584 : i32
    %dma_wait3A_816 = tpu.memref_slice %arg10[%dma_wait3A_815] : memref<6272xi32, #tpu.memory_space<vmem>> -> memref<224xi32, #tpu.memory_space<vmem>>
    %dma_wait3A_817 = arith.constant 0 : i32
    %dma_wait3A_818 = tpu.memref_slice %arg3[%dma_wait3A_817] : memref<200704xf32, #tpu.memory_space<hbm>> -> memref<200704xf32, #tpu.memory_space<hbm>>
    tpu.wait_indirect_dma semaphore(%arg12 : memref<!tpu.dma_semaphore, #tpu.memory_space<semaphore_mem>>) src(%dma_wait3A_818 : memref<200704xf32, #tpu.memory_space<hbm>>) dst(%dma_wait3A_814 : memref<224xf32, #tpu.memory_space<vmem>>)
    %dma_wait3A_819 = arith.constant 16128 : i32
    %dma_wait3A_820 = tpu.memref_slice %arg11[%dma_wait3A_819] : memref<18816xf32, #tpu.memory_space<vmem>> -> memref<224xf32, #tpu.memory_space<vmem>>
    %dma_wait3A_821 = arith.constant 3584 : i32
    %dma_wait3A_822 = tpu.memref_slice %arg10[%dma_wait3A_821] : memref<6272xi32, #tpu.memory_space<vmem>> -> memref<224xi32, #tpu.memory_space<vmem>>
    %dma_wait3A_823 = arith.constant 0 : i32
    %dma_wait3A_824 = tpu.memref_slice %arg4[%dma_wait3A_823] : memref<200704xf32, #tpu.memory_space<hbm>> -> memref<200704xf32, #tpu.memory_space<hbm>>
    tpu.wait_indirect_dma semaphore(%arg12 : memref<!tpu.dma_semaphore, #tpu.memory_space<semaphore_mem>>) src(%dma_wait3A_824 : memref<200704xf32, #tpu.memory_space<hbm>>) dst(%dma_wait3A_820 : memref<224xf32, #tpu.memory_space<vmem>>)
    %dma_wait3A_825 = arith.constant 3808 : i32
    %dma_wait3A_826 = tpu.memref_slice %arg11[%dma_wait3A_825] : memref<18816xf32, #tpu.memory_space<vmem>> -> memref<224xf32, #tpu.memory_space<vmem>>
    %dma_wait3A_827 = arith.constant 3808 : i32
    %dma_wait3A_828 = tpu.memref_slice %arg10[%dma_wait3A_827] : memref<6272xi32, #tpu.memory_space<vmem>> -> memref<224xi32, #tpu.memory_space<vmem>>
    %dma_wait3A_829 = arith.constant 0 : i32
    %dma_wait3A_830 = tpu.memref_slice %arg2[%dma_wait3A_829] : memref<200704xf32, #tpu.memory_space<hbm>> -> memref<200704xf32, #tpu.memory_space<hbm>>
    tpu.wait_indirect_dma semaphore(%arg12 : memref<!tpu.dma_semaphore, #tpu.memory_space<semaphore_mem>>) src(%dma_wait3A_830 : memref<200704xf32, #tpu.memory_space<hbm>>) dst(%dma_wait3A_826 : memref<224xf32, #tpu.memory_space<vmem>>)
    %dma_wait3A_831 = arith.constant 10080 : i32
    %dma_wait3A_832 = tpu.memref_slice %arg11[%dma_wait3A_831] : memref<18816xf32, #tpu.memory_space<vmem>> -> memref<224xf32, #tpu.memory_space<vmem>>
    %dma_wait3A_833 = arith.constant 3808 : i32
    %dma_wait3A_834 = tpu.memref_slice %arg10[%dma_wait3A_833] : memref<6272xi32, #tpu.memory_space<vmem>> -> memref<224xi32, #tpu.memory_space<vmem>>
    %dma_wait3A_835 = arith.constant 0 : i32
    %dma_wait3A_836 = tpu.memref_slice %arg3[%dma_wait3A_835] : memref<200704xf32, #tpu.memory_space<hbm>> -> memref<200704xf32, #tpu.memory_space<hbm>>
    tpu.wait_indirect_dma semaphore(%arg12 : memref<!tpu.dma_semaphore, #tpu.memory_space<semaphore_mem>>) src(%dma_wait3A_836 : memref<200704xf32, #tpu.memory_space<hbm>>) dst(%dma_wait3A_832 : memref<224xf32, #tpu.memory_space<vmem>>)
    %dma_wait3A_837 = arith.constant 16352 : i32
    %dma_wait3A_838 = tpu.memref_slice %arg11[%dma_wait3A_837] : memref<18816xf32, #tpu.memory_space<vmem>> -> memref<224xf32, #tpu.memory_space<vmem>>
    %dma_wait3A_839 = arith.constant 3808 : i32
    %dma_wait3A_840 = tpu.memref_slice %arg10[%dma_wait3A_839] : memref<6272xi32, #tpu.memory_space<vmem>> -> memref<224xi32, #tpu.memory_space<vmem>>
    %dma_wait3A_841 = arith.constant 0 : i32
    %dma_wait3A_842 = tpu.memref_slice %arg4[%dma_wait3A_841] : memref<200704xf32, #tpu.memory_space<hbm>> -> memref<200704xf32, #tpu.memory_space<hbm>>
    tpu.wait_indirect_dma semaphore(%arg12 : memref<!tpu.dma_semaphore, #tpu.memory_space<semaphore_mem>>) src(%dma_wait3A_842 : memref<200704xf32, #tpu.memory_space<hbm>>) dst(%dma_wait3A_838 : memref<224xf32, #tpu.memory_space<vmem>>)
    %dma_wait3A_843 = arith.constant 4032 : i32
    %dma_wait3A_844 = tpu.memref_slice %arg11[%dma_wait3A_843] : memref<18816xf32, #tpu.memory_space<vmem>> -> memref<224xf32, #tpu.memory_space<vmem>>
    %dma_wait3A_845 = arith.constant 4032 : i32
    %dma_wait3A_846 = tpu.memref_slice %arg10[%dma_wait3A_845] : memref<6272xi32, #tpu.memory_space<vmem>> -> memref<224xi32, #tpu.memory_space<vmem>>
    %dma_wait3A_847 = arith.constant 0 : i32
    %dma_wait3A_848 = tpu.memref_slice %arg2[%dma_wait3A_847] : memref<200704xf32, #tpu.memory_space<hbm>> -> memref<200704xf32, #tpu.memory_space<hbm>>
    tpu.wait_indirect_dma semaphore(%arg12 : memref<!tpu.dma_semaphore, #tpu.memory_space<semaphore_mem>>) src(%dma_wait3A_848 : memref<200704xf32, #tpu.memory_space<hbm>>) dst(%dma_wait3A_844 : memref<224xf32, #tpu.memory_space<vmem>>)
    %dma_wait3A_849 = arith.constant 10304 : i32
    %dma_wait3A_850 = tpu.memref_slice %arg11[%dma_wait3A_849] : memref<18816xf32, #tpu.memory_space<vmem>> -> memref<224xf32, #tpu.memory_space<vmem>>
    %dma_wait3A_851 = arith.constant 4032 : i32
    %dma_wait3A_852 = tpu.memref_slice %arg10[%dma_wait3A_851] : memref<6272xi32, #tpu.memory_space<vmem>> -> memref<224xi32, #tpu.memory_space<vmem>>
    %dma_wait3A_853 = arith.constant 0 : i32
    %dma_wait3A_854 = tpu.memref_slice %arg3[%dma_wait3A_853] : memref<200704xf32, #tpu.memory_space<hbm>> -> memref<200704xf32, #tpu.memory_space<hbm>>
    tpu.wait_indirect_dma semaphore(%arg12 : memref<!tpu.dma_semaphore, #tpu.memory_space<semaphore_mem>>) src(%dma_wait3A_854 : memref<200704xf32, #tpu.memory_space<hbm>>) dst(%dma_wait3A_850 : memref<224xf32, #tpu.memory_space<vmem>>)
    %dma_wait3A_855 = arith.constant 16576 : i32
    %dma_wait3A_856 = tpu.memref_slice %arg11[%dma_wait3A_855] : memref<18816xf32, #tpu.memory_space<vmem>> -> memref<224xf32, #tpu.memory_space<vmem>>
    %dma_wait3A_857 = arith.constant 4032 : i32
    %dma_wait3A_858 = tpu.memref_slice %arg10[%dma_wait3A_857] : memref<6272xi32, #tpu.memory_space<vmem>> -> memref<224xi32, #tpu.memory_space<vmem>>
    %dma_wait3A_859 = arith.constant 0 : i32
    %dma_wait3A_860 = tpu.memref_slice %arg4[%dma_wait3A_859] : memref<200704xf32, #tpu.memory_space<hbm>> -> memref<200704xf32, #tpu.memory_space<hbm>>
    tpu.wait_indirect_dma semaphore(%arg12 : memref<!tpu.dma_semaphore, #tpu.memory_space<semaphore_mem>>) src(%dma_wait3A_860 : memref<200704xf32, #tpu.memory_space<hbm>>) dst(%dma_wait3A_856 : memref<224xf32, #tpu.memory_space<vmem>>)
    %dma_wait3A_861 = arith.constant 4256 : i32
    %dma_wait3A_862 = tpu.memref_slice %arg11[%dma_wait3A_861] : memref<18816xf32, #tpu.memory_space<vmem>> -> memref<224xf32, #tpu.memory_space<vmem>>
    %dma_wait3A_863 = arith.constant 4256 : i32
    %dma_wait3A_864 = tpu.memref_slice %arg10[%dma_wait3A_863] : memref<6272xi32, #tpu.memory_space<vmem>> -> memref<224xi32, #tpu.memory_space<vmem>>
    %dma_wait3A_865 = arith.constant 0 : i32
    %dma_wait3A_866 = tpu.memref_slice %arg2[%dma_wait3A_865] : memref<200704xf32, #tpu.memory_space<hbm>> -> memref<200704xf32, #tpu.memory_space<hbm>>
    tpu.wait_indirect_dma semaphore(%arg12 : memref<!tpu.dma_semaphore, #tpu.memory_space<semaphore_mem>>) src(%dma_wait3A_866 : memref<200704xf32, #tpu.memory_space<hbm>>) dst(%dma_wait3A_862 : memref<224xf32, #tpu.memory_space<vmem>>)
    %dma_wait3A_867 = arith.constant 10528 : i32
    %dma_wait3A_868 = tpu.memref_slice %arg11[%dma_wait3A_867] : memref<18816xf32, #tpu.memory_space<vmem>> -> memref<224xf32, #tpu.memory_space<vmem>>
    %dma_wait3A_869 = arith.constant 4256 : i32
    %dma_wait3A_870 = tpu.memref_slice %arg10[%dma_wait3A_869] : memref<6272xi32, #tpu.memory_space<vmem>> -> memref<224xi32, #tpu.memory_space<vmem>>
    %dma_wait3A_871 = arith.constant 0 : i32
    %dma_wait3A_872 = tpu.memref_slice %arg3[%dma_wait3A_871] : memref<200704xf32, #tpu.memory_space<hbm>> -> memref<200704xf32, #tpu.memory_space<hbm>>
    tpu.wait_indirect_dma semaphore(%arg12 : memref<!tpu.dma_semaphore, #tpu.memory_space<semaphore_mem>>) src(%dma_wait3A_872 : memref<200704xf32, #tpu.memory_space<hbm>>) dst(%dma_wait3A_868 : memref<224xf32, #tpu.memory_space<vmem>>)
    %dma_wait3A_873 = arith.constant 16800 : i32
    %dma_wait3A_874 = tpu.memref_slice %arg11[%dma_wait3A_873] : memref<18816xf32, #tpu.memory_space<vmem>> -> memref<224xf32, #tpu.memory_space<vmem>>
    %dma_wait3A_875 = arith.constant 4256 : i32
    %dma_wait3A_876 = tpu.memref_slice %arg10[%dma_wait3A_875] : memref<6272xi32, #tpu.memory_space<vmem>> -> memref<224xi32, #tpu.memory_space<vmem>>
    %dma_wait3A_877 = arith.constant 0 : i32
    %dma_wait3A_878 = tpu.memref_slice %arg4[%dma_wait3A_877] : memref<200704xf32, #tpu.memory_space<hbm>> -> memref<200704xf32, #tpu.memory_space<hbm>>
    tpu.wait_indirect_dma semaphore(%arg12 : memref<!tpu.dma_semaphore, #tpu.memory_space<semaphore_mem>>) src(%dma_wait3A_878 : memref<200704xf32, #tpu.memory_space<hbm>>) dst(%dma_wait3A_874 : memref<224xf32, #tpu.memory_space<vmem>>)
    %dma_wait3A_879 = arith.constant 4480 : i32
    %dma_wait3A_880 = tpu.memref_slice %arg11[%dma_wait3A_879] : memref<18816xf32, #tpu.memory_space<vmem>> -> memref<224xf32, #tpu.memory_space<vmem>>
    %dma_wait3A_881 = arith.constant 4480 : i32
    %dma_wait3A_882 = tpu.memref_slice %arg10[%dma_wait3A_881] : memref<6272xi32, #tpu.memory_space<vmem>> -> memref<224xi32, #tpu.memory_space<vmem>>
    %dma_wait3A_883 = arith.constant 0 : i32
    %dma_wait3A_884 = tpu.memref_slice %arg2[%dma_wait3A_883] : memref<200704xf32, #tpu.memory_space<hbm>> -> memref<200704xf32, #tpu.memory_space<hbm>>
    tpu.wait_indirect_dma semaphore(%arg12 : memref<!tpu.dma_semaphore, #tpu.memory_space<semaphore_mem>>) src(%dma_wait3A_884 : memref<200704xf32, #tpu.memory_space<hbm>>) dst(%dma_wait3A_880 : memref<224xf32, #tpu.memory_space<vmem>>)
    %dma_wait3A_885 = arith.constant 10752 : i32
    %dma_wait3A_886 = tpu.memref_slice %arg11[%dma_wait3A_885] : memref<18816xf32, #tpu.memory_space<vmem>> -> memref<224xf32, #tpu.memory_space<vmem>>
    %dma_wait3A_887 = arith.constant 4480 : i32
    %dma_wait3A_888 = tpu.memref_slice %arg10[%dma_wait3A_887] : memref<6272xi32, #tpu.memory_space<vmem>> -> memref<224xi32, #tpu.memory_space<vmem>>
    %dma_wait3A_889 = arith.constant 0 : i32
    %dma_wait3A_890 = tpu.memref_slice %arg3[%dma_wait3A_889] : memref<200704xf32, #tpu.memory_space<hbm>> -> memref<200704xf32, #tpu.memory_space<hbm>>
    tpu.wait_indirect_dma semaphore(%arg12 : memref<!tpu.dma_semaphore, #tpu.memory_space<semaphore_mem>>) src(%dma_wait3A_890 : memref<200704xf32, #tpu.memory_space<hbm>>) dst(%dma_wait3A_886 : memref<224xf32, #tpu.memory_space<vmem>>)
    %dma_wait3A_891 = arith.constant 17024 : i32
    %dma_wait3A_892 = tpu.memref_slice %arg11[%dma_wait3A_891] : memref<18816xf32, #tpu.memory_space<vmem>> -> memref<224xf32, #tpu.memory_space<vmem>>
    %dma_wait3A_893 = arith.constant 4480 : i32
    %dma_wait3A_894 = tpu.memref_slice %arg10[%dma_wait3A_893] : memref<6272xi32, #tpu.memory_space<vmem>> -> memref<224xi32, #tpu.memory_space<vmem>>
    %dma_wait3A_895 = arith.constant 0 : i32
    %dma_wait3A_896 = tpu.memref_slice %arg4[%dma_wait3A_895] : memref<200704xf32, #tpu.memory_space<hbm>> -> memref<200704xf32, #tpu.memory_space<hbm>>
    tpu.wait_indirect_dma semaphore(%arg12 : memref<!tpu.dma_semaphore, #tpu.memory_space<semaphore_mem>>) src(%dma_wait3A_896 : memref<200704xf32, #tpu.memory_space<hbm>>) dst(%dma_wait3A_892 : memref<224xf32, #tpu.memory_space<vmem>>)
    %dma_wait3A_897 = arith.constant 4704 : i32
    %dma_wait3A_898 = tpu.memref_slice %arg11[%dma_wait3A_897] : memref<18816xf32, #tpu.memory_space<vmem>> -> memref<224xf32, #tpu.memory_space<vmem>>
    %dma_wait3A_899 = arith.constant 4704 : i32
    %dma_wait3A_900 = tpu.memref_slice %arg10[%dma_wait3A_899] : memref<6272xi32, #tpu.memory_space<vmem>> -> memref<224xi32, #tpu.memory_space<vmem>>
    %dma_wait3A_901 = arith.constant 0 : i32
    %dma_wait3A_902 = tpu.memref_slice %arg2[%dma_wait3A_901] : memref<200704xf32, #tpu.memory_space<hbm>> -> memref<200704xf32, #tpu.memory_space<hbm>>
    tpu.wait_indirect_dma semaphore(%arg12 : memref<!tpu.dma_semaphore, #tpu.memory_space<semaphore_mem>>) src(%dma_wait3A_902 : memref<200704xf32, #tpu.memory_space<hbm>>) dst(%dma_wait3A_898 : memref<224xf32, #tpu.memory_space<vmem>>)
    %dma_wait3A_903 = arith.constant 10976 : i32
    %dma_wait3A_904 = tpu.memref_slice %arg11[%dma_wait3A_903] : memref<18816xf32, #tpu.memory_space<vmem>> -> memref<224xf32, #tpu.memory_space<vmem>>
    %dma_wait3A_905 = arith.constant 4704 : i32
    %dma_wait3A_906 = tpu.memref_slice %arg10[%dma_wait3A_905] : memref<6272xi32, #tpu.memory_space<vmem>> -> memref<224xi32, #tpu.memory_space<vmem>>
    %dma_wait3A_907 = arith.constant 0 : i32
    %dma_wait3A_908 = tpu.memref_slice %arg3[%dma_wait3A_907] : memref<200704xf32, #tpu.memory_space<hbm>> -> memref<200704xf32, #tpu.memory_space<hbm>>
    tpu.wait_indirect_dma semaphore(%arg12 : memref<!tpu.dma_semaphore, #tpu.memory_space<semaphore_mem>>) src(%dma_wait3A_908 : memref<200704xf32, #tpu.memory_space<hbm>>) dst(%dma_wait3A_904 : memref<224xf32, #tpu.memory_space<vmem>>)
    %dma_wait3A_909 = arith.constant 17248 : i32
    %dma_wait3A_910 = tpu.memref_slice %arg11[%dma_wait3A_909] : memref<18816xf32, #tpu.memory_space<vmem>> -> memref<224xf32, #tpu.memory_space<vmem>>
    %dma_wait3A_911 = arith.constant 4704 : i32
    %dma_wait3A_912 = tpu.memref_slice %arg10[%dma_wait3A_911] : memref<6272xi32, #tpu.memory_space<vmem>> -> memref<224xi32, #tpu.memory_space<vmem>>
    %dma_wait3A_913 = arith.constant 0 : i32
    %dma_wait3A_914 = tpu.memref_slice %arg4[%dma_wait3A_913] : memref<200704xf32, #tpu.memory_space<hbm>> -> memref<200704xf32, #tpu.memory_space<hbm>>
    tpu.wait_indirect_dma semaphore(%arg12 : memref<!tpu.dma_semaphore, #tpu.memory_space<semaphore_mem>>) src(%dma_wait3A_914 : memref<200704xf32, #tpu.memory_space<hbm>>) dst(%dma_wait3A_910 : memref<224xf32, #tpu.memory_space<vmem>>)
    %dma_wait3A_915 = arith.constant 4928 : i32
    %dma_wait3A_916 = tpu.memref_slice %arg11[%dma_wait3A_915] : memref<18816xf32, #tpu.memory_space<vmem>> -> memref<224xf32, #tpu.memory_space<vmem>>
    %dma_wait3A_917 = arith.constant 4928 : i32
    %dma_wait3A_918 = tpu.memref_slice %arg10[%dma_wait3A_917] : memref<6272xi32, #tpu.memory_space<vmem>> -> memref<224xi32, #tpu.memory_space<vmem>>
    %dma_wait3A_919 = arith.constant 0 : i32
    %dma_wait3A_920 = tpu.memref_slice %arg2[%dma_wait3A_919] : memref<200704xf32, #tpu.memory_space<hbm>> -> memref<200704xf32, #tpu.memory_space<hbm>>
    tpu.wait_indirect_dma semaphore(%arg12 : memref<!tpu.dma_semaphore, #tpu.memory_space<semaphore_mem>>) src(%dma_wait3A_920 : memref<200704xf32, #tpu.memory_space<hbm>>) dst(%dma_wait3A_916 : memref<224xf32, #tpu.memory_space<vmem>>)
    %dma_wait3A_921 = arith.constant 11200 : i32
    %dma_wait3A_922 = tpu.memref_slice %arg11[%dma_wait3A_921] : memref<18816xf32, #tpu.memory_space<vmem>> -> memref<224xf32, #tpu.memory_space<vmem>>
    %dma_wait3A_923 = arith.constant 4928 : i32
    %dma_wait3A_924 = tpu.memref_slice %arg10[%dma_wait3A_923] : memref<6272xi32, #tpu.memory_space<vmem>> -> memref<224xi32, #tpu.memory_space<vmem>>
    %dma_wait3A_925 = arith.constant 0 : i32
    %dma_wait3A_926 = tpu.memref_slice %arg3[%dma_wait3A_925] : memref<200704xf32, #tpu.memory_space<hbm>> -> memref<200704xf32, #tpu.memory_space<hbm>>
    tpu.wait_indirect_dma semaphore(%arg12 : memref<!tpu.dma_semaphore, #tpu.memory_space<semaphore_mem>>) src(%dma_wait3A_926 : memref<200704xf32, #tpu.memory_space<hbm>>) dst(%dma_wait3A_922 : memref<224xf32, #tpu.memory_space<vmem>>)
    %dma_wait3A_927 = arith.constant 17472 : i32
    %dma_wait3A_928 = tpu.memref_slice %arg11[%dma_wait3A_927] : memref<18816xf32, #tpu.memory_space<vmem>> -> memref<224xf32, #tpu.memory_space<vmem>>
    %dma_wait3A_929 = arith.constant 4928 : i32
    %dma_wait3A_930 = tpu.memref_slice %arg10[%dma_wait3A_929] : memref<6272xi32, #tpu.memory_space<vmem>> -> memref<224xi32, #tpu.memory_space<vmem>>
    %dma_wait3A_931 = arith.constant 0 : i32
    %dma_wait3A_932 = tpu.memref_slice %arg4[%dma_wait3A_931] : memref<200704xf32, #tpu.memory_space<hbm>> -> memref<200704xf32, #tpu.memory_space<hbm>>
    tpu.wait_indirect_dma semaphore(%arg12 : memref<!tpu.dma_semaphore, #tpu.memory_space<semaphore_mem>>) src(%dma_wait3A_932 : memref<200704xf32, #tpu.memory_space<hbm>>) dst(%dma_wait3A_928 : memref<224xf32, #tpu.memory_space<vmem>>)
    %dma_wait3A_933 = arith.constant 5152 : i32
    %dma_wait3A_934 = tpu.memref_slice %arg11[%dma_wait3A_933] : memref<18816xf32, #tpu.memory_space<vmem>> -> memref<224xf32, #tpu.memory_space<vmem>>
    %dma_wait3A_935 = arith.constant 5152 : i32
    %dma_wait3A_936 = tpu.memref_slice %arg10[%dma_wait3A_935] : memref<6272xi32, #tpu.memory_space<vmem>> -> memref<224xi32, #tpu.memory_space<vmem>>
    %dma_wait3A_937 = arith.constant 0 : i32
    %dma_wait3A_938 = tpu.memref_slice %arg2[%dma_wait3A_937] : memref<200704xf32, #tpu.memory_space<hbm>> -> memref<200704xf32, #tpu.memory_space<hbm>>
    tpu.wait_indirect_dma semaphore(%arg12 : memref<!tpu.dma_semaphore, #tpu.memory_space<semaphore_mem>>) src(%dma_wait3A_938 : memref<200704xf32, #tpu.memory_space<hbm>>) dst(%dma_wait3A_934 : memref<224xf32, #tpu.memory_space<vmem>>)
    %dma_wait3A_939 = arith.constant 11424 : i32
    %dma_wait3A_940 = tpu.memref_slice %arg11[%dma_wait3A_939] : memref<18816xf32, #tpu.memory_space<vmem>> -> memref<224xf32, #tpu.memory_space<vmem>>
    %dma_wait3A_941 = arith.constant 5152 : i32
    %dma_wait3A_942 = tpu.memref_slice %arg10[%dma_wait3A_941] : memref<6272xi32, #tpu.memory_space<vmem>> -> memref<224xi32, #tpu.memory_space<vmem>>
    %dma_wait3A_943 = arith.constant 0 : i32
    %dma_wait3A_944 = tpu.memref_slice %arg3[%dma_wait3A_943] : memref<200704xf32, #tpu.memory_space<hbm>> -> memref<200704xf32, #tpu.memory_space<hbm>>
    tpu.wait_indirect_dma semaphore(%arg12 : memref<!tpu.dma_semaphore, #tpu.memory_space<semaphore_mem>>) src(%dma_wait3A_944 : memref<200704xf32, #tpu.memory_space<hbm>>) dst(%dma_wait3A_940 : memref<224xf32, #tpu.memory_space<vmem>>)
    %dma_wait3A_945 = arith.constant 17696 : i32
    %dma_wait3A_946 = tpu.memref_slice %arg11[%dma_wait3A_945] : memref<18816xf32, #tpu.memory_space<vmem>> -> memref<224xf32, #tpu.memory_space<vmem>>
    %dma_wait3A_947 = arith.constant 5152 : i32
    %dma_wait3A_948 = tpu.memref_slice %arg10[%dma_wait3A_947] : memref<6272xi32, #tpu.memory_space<vmem>> -> memref<224xi32, #tpu.memory_space<vmem>>
    %dma_wait3A_949 = arith.constant 0 : i32
    %dma_wait3A_950 = tpu.memref_slice %arg4[%dma_wait3A_949] : memref<200704xf32, #tpu.memory_space<hbm>> -> memref<200704xf32, #tpu.memory_space<hbm>>
    tpu.wait_indirect_dma semaphore(%arg12 : memref<!tpu.dma_semaphore, #tpu.memory_space<semaphore_mem>>) src(%dma_wait3A_950 : memref<200704xf32, #tpu.memory_space<hbm>>) dst(%dma_wait3A_946 : memref<224xf32, #tpu.memory_space<vmem>>)
    %dma_wait3A_951 = arith.constant 5376 : i32
    %dma_wait3A_952 = tpu.memref_slice %arg11[%dma_wait3A_951] : memref<18816xf32, #tpu.memory_space<vmem>> -> memref<224xf32, #tpu.memory_space<vmem>>
    %dma_wait3A_953 = arith.constant 5376 : i32
    %dma_wait3A_954 = tpu.memref_slice %arg10[%dma_wait3A_953] : memref<6272xi32, #tpu.memory_space<vmem>> -> memref<224xi32, #tpu.memory_space<vmem>>
    %dma_wait3A_955 = arith.constant 0 : i32
    %dma_wait3A_956 = tpu.memref_slice %arg2[%dma_wait3A_955] : memref<200704xf32, #tpu.memory_space<hbm>> -> memref<200704xf32, #tpu.memory_space<hbm>>
    tpu.wait_indirect_dma semaphore(%arg12 : memref<!tpu.dma_semaphore, #tpu.memory_space<semaphore_mem>>) src(%dma_wait3A_956 : memref<200704xf32, #tpu.memory_space<hbm>>) dst(%dma_wait3A_952 : memref<224xf32, #tpu.memory_space<vmem>>)
    %dma_wait3A_957 = arith.constant 11648 : i32
    %dma_wait3A_958 = tpu.memref_slice %arg11[%dma_wait3A_957] : memref<18816xf32, #tpu.memory_space<vmem>> -> memref<224xf32, #tpu.memory_space<vmem>>
    %dma_wait3A_959 = arith.constant 5376 : i32
    %dma_wait3A_960 = tpu.memref_slice %arg10[%dma_wait3A_959] : memref<6272xi32, #tpu.memory_space<vmem>> -> memref<224xi32, #tpu.memory_space<vmem>>
    %dma_wait3A_961 = arith.constant 0 : i32
    %dma_wait3A_962 = tpu.memref_slice %arg3[%dma_wait3A_961] : memref<200704xf32, #tpu.memory_space<hbm>> -> memref<200704xf32, #tpu.memory_space<hbm>>
    tpu.wait_indirect_dma semaphore(%arg12 : memref<!tpu.dma_semaphore, #tpu.memory_space<semaphore_mem>>) src(%dma_wait3A_962 : memref<200704xf32, #tpu.memory_space<hbm>>) dst(%dma_wait3A_958 : memref<224xf32, #tpu.memory_space<vmem>>)
    %dma_wait3A_963 = arith.constant 17920 : i32
    %dma_wait3A_964 = tpu.memref_slice %arg11[%dma_wait3A_963] : memref<18816xf32, #tpu.memory_space<vmem>> -> memref<224xf32, #tpu.memory_space<vmem>>
    %dma_wait3A_965 = arith.constant 5376 : i32
    %dma_wait3A_966 = tpu.memref_slice %arg10[%dma_wait3A_965] : memref<6272xi32, #tpu.memory_space<vmem>> -> memref<224xi32, #tpu.memory_space<vmem>>
    %dma_wait3A_967 = arith.constant 0 : i32
    %dma_wait3A_968 = tpu.memref_slice %arg4[%dma_wait3A_967] : memref<200704xf32, #tpu.memory_space<hbm>> -> memref<200704xf32, #tpu.memory_space<hbm>>
    tpu.wait_indirect_dma semaphore(%arg12 : memref<!tpu.dma_semaphore, #tpu.memory_space<semaphore_mem>>) src(%dma_wait3A_968 : memref<200704xf32, #tpu.memory_space<hbm>>) dst(%dma_wait3A_964 : memref<224xf32, #tpu.memory_space<vmem>>)
    %dma_wait3A_969 = arith.constant 5600 : i32
    %dma_wait3A_970 = tpu.memref_slice %arg11[%dma_wait3A_969] : memref<18816xf32, #tpu.memory_space<vmem>> -> memref<224xf32, #tpu.memory_space<vmem>>
    %dma_wait3A_971 = arith.constant 5600 : i32
    %dma_wait3A_972 = tpu.memref_slice %arg10[%dma_wait3A_971] : memref<6272xi32, #tpu.memory_space<vmem>> -> memref<224xi32, #tpu.memory_space<vmem>>
    %dma_wait3A_973 = arith.constant 0 : i32
    %dma_wait3A_974 = tpu.memref_slice %arg2[%dma_wait3A_973] : memref<200704xf32, #tpu.memory_space<hbm>> -> memref<200704xf32, #tpu.memory_space<hbm>>
    tpu.wait_indirect_dma semaphore(%arg12 : memref<!tpu.dma_semaphore, #tpu.memory_space<semaphore_mem>>) src(%dma_wait3A_974 : memref<200704xf32, #tpu.memory_space<hbm>>) dst(%dma_wait3A_970 : memref<224xf32, #tpu.memory_space<vmem>>)
    %dma_wait3A_975 = arith.constant 11872 : i32
    %dma_wait3A_976 = tpu.memref_slice %arg11[%dma_wait3A_975] : memref<18816xf32, #tpu.memory_space<vmem>> -> memref<224xf32, #tpu.memory_space<vmem>>
    %dma_wait3A_977 = arith.constant 5600 : i32
    %dma_wait3A_978 = tpu.memref_slice %arg10[%dma_wait3A_977] : memref<6272xi32, #tpu.memory_space<vmem>> -> memref<224xi32, #tpu.memory_space<vmem>>
    %dma_wait3A_979 = arith.constant 0 : i32
    %dma_wait3A_980 = tpu.memref_slice %arg3[%dma_wait3A_979] : memref<200704xf32, #tpu.memory_space<hbm>> -> memref<200704xf32, #tpu.memory_space<hbm>>
    tpu.wait_indirect_dma semaphore(%arg12 : memref<!tpu.dma_semaphore, #tpu.memory_space<semaphore_mem>>) src(%dma_wait3A_980 : memref<200704xf32, #tpu.memory_space<hbm>>) dst(%dma_wait3A_976 : memref<224xf32, #tpu.memory_space<vmem>>)
    %dma_wait3A_981 = arith.constant 18144 : i32
    %dma_wait3A_982 = tpu.memref_slice %arg11[%dma_wait3A_981] : memref<18816xf32, #tpu.memory_space<vmem>> -> memref<224xf32, #tpu.memory_space<vmem>>
    %dma_wait3A_983 = arith.constant 5600 : i32
    %dma_wait3A_984 = tpu.memref_slice %arg10[%dma_wait3A_983] : memref<6272xi32, #tpu.memory_space<vmem>> -> memref<224xi32, #tpu.memory_space<vmem>>
    %dma_wait3A_985 = arith.constant 0 : i32
    %dma_wait3A_986 = tpu.memref_slice %arg4[%dma_wait3A_985] : memref<200704xf32, #tpu.memory_space<hbm>> -> memref<200704xf32, #tpu.memory_space<hbm>>
    tpu.wait_indirect_dma semaphore(%arg12 : memref<!tpu.dma_semaphore, #tpu.memory_space<semaphore_mem>>) src(%dma_wait3A_986 : memref<200704xf32, #tpu.memory_space<hbm>>) dst(%dma_wait3A_982 : memref<224xf32, #tpu.memory_space<vmem>>)
    %dma_wait3A_987 = arith.constant 5824 : i32
    %dma_wait3A_988 = tpu.memref_slice %arg11[%dma_wait3A_987] : memref<18816xf32, #tpu.memory_space<vmem>> -> memref<224xf32, #tpu.memory_space<vmem>>
    %dma_wait3A_989 = arith.constant 5824 : i32
    %dma_wait3A_990 = tpu.memref_slice %arg10[%dma_wait3A_989] : memref<6272xi32, #tpu.memory_space<vmem>> -> memref<224xi32, #tpu.memory_space<vmem>>
    %dma_wait3A_991 = arith.constant 0 : i32
    %dma_wait3A_992 = tpu.memref_slice %arg2[%dma_wait3A_991] : memref<200704xf32, #tpu.memory_space<hbm>> -> memref<200704xf32, #tpu.memory_space<hbm>>
    tpu.wait_indirect_dma semaphore(%arg12 : memref<!tpu.dma_semaphore, #tpu.memory_space<semaphore_mem>>) src(%dma_wait3A_992 : memref<200704xf32, #tpu.memory_space<hbm>>) dst(%dma_wait3A_988 : memref<224xf32, #tpu.memory_space<vmem>>)
    %dma_wait3A_993 = arith.constant 12096 : i32
    %dma_wait3A_994 = tpu.memref_slice %arg11[%dma_wait3A_993] : memref<18816xf32, #tpu.memory_space<vmem>> -> memref<224xf32, #tpu.memory_space<vmem>>
    %dma_wait3A_995 = arith.constant 5824 : i32
    %dma_wait3A_996 = tpu.memref_slice %arg10[%dma_wait3A_995] : memref<6272xi32, #tpu.memory_space<vmem>> -> memref<224xi32, #tpu.memory_space<vmem>>
    %dma_wait3A_997 = arith.constant 0 : i32
    %dma_wait3A_998 = tpu.memref_slice %arg3[%dma_wait3A_997] : memref<200704xf32, #tpu.memory_space<hbm>> -> memref<200704xf32, #tpu.memory_space<hbm>>
    tpu.wait_indirect_dma semaphore(%arg12 : memref<!tpu.dma_semaphore, #tpu.memory_space<semaphore_mem>>) src(%dma_wait3A_998 : memref<200704xf32, #tpu.memory_space<hbm>>) dst(%dma_wait3A_994 : memref<224xf32, #tpu.memory_space<vmem>>)
    %dma_wait3A_999 = arith.constant 18368 : i32
    %dma_wait3A_1000 = tpu.memref_slice %arg11[%dma_wait3A_999] : memref<18816xf32, #tpu.memory_space<vmem>> -> memref<224xf32, #tpu.memory_space<vmem>>
    %dma_wait3A_1001 = arith.constant 5824 : i32
    %dma_wait3A_1002 = tpu.memref_slice %arg10[%dma_wait3A_1001] : memref<6272xi32, #tpu.memory_space<vmem>> -> memref<224xi32, #tpu.memory_space<vmem>>
    %dma_wait3A_1003 = arith.constant 0 : i32
    %dma_wait3A_1004 = tpu.memref_slice %arg4[%dma_wait3A_1003] : memref<200704xf32, #tpu.memory_space<hbm>> -> memref<200704xf32, #tpu.memory_space<hbm>>
    tpu.wait_indirect_dma semaphore(%arg12 : memref<!tpu.dma_semaphore, #tpu.memory_space<semaphore_mem>>) src(%dma_wait3A_1004 : memref<200704xf32, #tpu.memory_space<hbm>>) dst(%dma_wait3A_1000 : memref<224xf32, #tpu.memory_space<vmem>>)
    %dma_wait3A_1005 = arith.constant 6048 : i32
    %dma_wait3A_1006 = tpu.memref_slice %arg11[%dma_wait3A_1005] : memref<18816xf32, #tpu.memory_space<vmem>> -> memref<224xf32, #tpu.memory_space<vmem>>
    %dma_wait3A_1007 = arith.constant 6048 : i32
    %dma_wait3A_1008 = tpu.memref_slice %arg10[%dma_wait3A_1007] : memref<6272xi32, #tpu.memory_space<vmem>> -> memref<224xi32, #tpu.memory_space<vmem>>
    %dma_wait3A_1009 = arith.constant 0 : i32
    %dma_wait3A_1010 = tpu.memref_slice %arg2[%dma_wait3A_1009] : memref<200704xf32, #tpu.memory_space<hbm>> -> memref<200704xf32, #tpu.memory_space<hbm>>
    tpu.wait_indirect_dma semaphore(%arg12 : memref<!tpu.dma_semaphore, #tpu.memory_space<semaphore_mem>>) src(%dma_wait3A_1010 : memref<200704xf32, #tpu.memory_space<hbm>>) dst(%dma_wait3A_1006 : memref<224xf32, #tpu.memory_space<vmem>>)
    %dma_wait3A_1011 = arith.constant 12320 : i32
    %dma_wait3A_1012 = tpu.memref_slice %arg11[%dma_wait3A_1011] : memref<18816xf32, #tpu.memory_space<vmem>> -> memref<224xf32, #tpu.memory_space<vmem>>
    %dma_wait3A_1013 = arith.constant 6048 : i32
    %dma_wait3A_1014 = tpu.memref_slice %arg10[%dma_wait3A_1013] : memref<6272xi32, #tpu.memory_space<vmem>> -> memref<224xi32, #tpu.memory_space<vmem>>
    %dma_wait3A_1015 = arith.constant 0 : i32
    %dma_wait3A_1016 = tpu.memref_slice %arg3[%dma_wait3A_1015] : memref<200704xf32, #tpu.memory_space<hbm>> -> memref<200704xf32, #tpu.memory_space<hbm>>
    tpu.wait_indirect_dma semaphore(%arg12 : memref<!tpu.dma_semaphore, #tpu.memory_space<semaphore_mem>>) src(%dma_wait3A_1016 : memref<200704xf32, #tpu.memory_space<hbm>>) dst(%dma_wait3A_1012 : memref<224xf32, #tpu.memory_space<vmem>>)
    %dma_wait3A_1017 = arith.constant 18592 : i32
    %dma_wait3A_1018 = tpu.memref_slice %arg11[%dma_wait3A_1017] : memref<18816xf32, #tpu.memory_space<vmem>> -> memref<224xf32, #tpu.memory_space<vmem>>
    %dma_wait3A_1019 = arith.constant 6048 : i32
    %dma_wait3A_1020 = tpu.memref_slice %arg10[%dma_wait3A_1019] : memref<6272xi32, #tpu.memory_space<vmem>> -> memref<224xi32, #tpu.memory_space<vmem>>
    %dma_wait3A_1021 = arith.constant 0 : i32
    %dma_wait3A_1022 = tpu.memref_slice %arg4[%dma_wait3A_1021] : memref<200704xf32, #tpu.memory_space<hbm>> -> memref<200704xf32, #tpu.memory_space<hbm>>
    tpu.wait_indirect_dma semaphore(%arg12 : memref<!tpu.dma_semaphore, #tpu.memory_space<semaphore_mem>>) src(%dma_wait3A_1022 : memref<200704xf32, #tpu.memory_space<hbm>>) dst(%dma_wait3A_1018 : memref<224xf32, #tpu.memory_space<vmem>>)
    %mul3A_1023 = arith.constant 3 : i32
    %mul3A_1024 = arith.muli %shift_right_arithmetic3A_1, %mul3A_1023 : i32
    %add3A_1025 = arith.constant 0 : i32
    %add3A_1026 = arith.addi %mul3A_1024, %add3A_1025 : i32
    %mul3A_1027 = arith.constant 224 : i32
    %mul3A_1028 = arith.muli %add3A_1026, %mul3A_1027 : i32
    %add3A_1029 = arith.addi %mul3A_1028, %mul3A_4 : i32
    %mul3A_1030 = arith.constant 224 : i32
    %mul3A_1031 = arith.muli %add3A_1029, %mul3A_1030 : i32
    "tpu.region"() ({
      %run_scoped3A = tpu.sem_alloc : memref<!tpu.dma_semaphore, #tpu.memory_space<semaphore_mem>>
      %dma_start3A_1050 = arith.constant 0 : i32
      %dma_start3A_1051 = tpu.memref_slice %arg11[%dma_start3A_1050] : memref<18816xf32, #tpu.memory_space<vmem>> -> memref<6272xf32, #tpu.memory_space<vmem>>
      %dma_start3A_1052 = tpu.memref_slice %arg7[%mul3A_1031] : memref<602112xf32, #tpu.memory_space<hbm>> -> memref<6272xf32, #tpu.memory_space<hbm>>
      %dma_start3A_1053 = tpu.memref_slice %arg7[%mul3A_1031] : memref<602112xf32, #tpu.memory_space<hbm>> -> memref<6272xf32, #tpu.memory_space<hbm>>
      %dma_start3A_1054 = arith.constant 0 : i32
      %dma_start3A_1055 = tpu.memref_slice %arg11[%dma_start3A_1054] : memref<18816xf32, #tpu.memory_space<vmem>> -> memref<6272xf32, #tpu.memory_space<vmem>>
      tpu.enqueue_dma source(%dma_start3A_1055 : memref<6272xf32, #tpu.memory_space<vmem>>) target(%dma_start3A_1053 : memref<6272xf32, #tpu.memory_space<hbm>>) target_semaphore(%run_scoped3A : memref<!tpu.dma_semaphore, #tpu.memory_space<semaphore_mem>>)
      %dma_wait3A_1056 = arith.constant 0 : i32
      %dma_wait3A_1057 = tpu.memref_slice %arg11[%dma_wait3A_1056] : memref<18816xf32, #tpu.memory_space<vmem>> -> memref<6272xf32, #tpu.memory_space<vmem>>
      %dma_wait3A_1058 = tpu.memref_slice %arg7[%mul3A_1031] : memref<602112xf32, #tpu.memory_space<hbm>> -> memref<6272xf32, #tpu.memory_space<hbm>>
      %dma_wait3A_1059 = tpu.memref_slice %arg7[%mul3A_1031] : memref<602112xf32, #tpu.memory_space<hbm>> -> memref<6272xf32, #tpu.memory_space<hbm>>
      %dma_wait3A_1060 = arith.constant 0 : i32
      %dma_wait3A_1061 = tpu.memref_slice %arg11[%dma_wait3A_1060] : memref<18816xf32, #tpu.memory_space<vmem>> -> memref<6272xf32, #tpu.memory_space<vmem>>
      tpu.wait_dma2 semaphore(%run_scoped3A : memref<!tpu.dma_semaphore, #tpu.memory_space<semaphore_mem>>) src(%dma_wait3A_1061 : memref<6272xf32, #tpu.memory_space<vmem>>) dst(%dma_wait3A_1059 : memref<6272xf32, #tpu.memory_space<hbm>>)
      tpu.yield
    }) : () -> ()
    %mul3A_1032 = arith.constant 3 : i32
    %mul3A_1033 = arith.muli %shift_right_arithmetic3A_1, %mul3A_1032 : i32
    %add3A_1034 = arith.constant 1 : i32
    %add3A_1035 = arith.addi %mul3A_1033, %add3A_1034 : i32
    %mul3A_1036 = arith.constant 224 : i32
    %mul3A_1037 = arith.muli %add3A_1035, %mul3A_1036 : i32
    %add3A_1038 = arith.addi %mul3A_1037, %mul3A_4 : i32
    %mul3A_1039 = arith.constant 224 : i32
    %mul3A_1040 = arith.muli %add3A_1038, %mul3A_1039 : i32
    "tpu.region"() ({
      %run_scoped3A = tpu.sem_alloc : memref<!tpu.dma_semaphore, #tpu.memory_space<semaphore_mem>>
      %dma_start3A_1050 = arith.constant 6272 : i32
      %dma_start3A_1051 = tpu.memref_slice %arg11[%dma_start3A_1050] : memref<18816xf32, #tpu.memory_space<vmem>> -> memref<6272xf32, #tpu.memory_space<vmem>>
      %dma_start3A_1052 = tpu.memref_slice %arg7[%mul3A_1040] : memref<602112xf32, #tpu.memory_space<hbm>> -> memref<6272xf32, #tpu.memory_space<hbm>>
      %dma_start3A_1053 = tpu.memref_slice %arg7[%mul3A_1040] : memref<602112xf32, #tpu.memory_space<hbm>> -> memref<6272xf32, #tpu.memory_space<hbm>>
      %dma_start3A_1054 = arith.constant 6272 : i32
      %dma_start3A_1055 = tpu.memref_slice %arg11[%dma_start3A_1054] : memref<18816xf32, #tpu.memory_space<vmem>> -> memref<6272xf32, #tpu.memory_space<vmem>>
      tpu.enqueue_dma source(%dma_start3A_1055 : memref<6272xf32, #tpu.memory_space<vmem>>) target(%dma_start3A_1053 : memref<6272xf32, #tpu.memory_space<hbm>>) target_semaphore(%run_scoped3A : memref<!tpu.dma_semaphore, #tpu.memory_space<semaphore_mem>>)
      %dma_wait3A_1056 = arith.constant 6272 : i32
      %dma_wait3A_1057 = tpu.memref_slice %arg11[%dma_wait3A_1056] : memref<18816xf32, #tpu.memory_space<vmem>> -> memref<6272xf32, #tpu.memory_space<vmem>>
      %dma_wait3A_1058 = tpu.memref_slice %arg7[%mul3A_1040] : memref<602112xf32, #tpu.memory_space<hbm>> -> memref<6272xf32, #tpu.memory_space<hbm>>
      %dma_wait3A_1059 = tpu.memref_slice %arg7[%mul3A_1040] : memref<602112xf32, #tpu.memory_space<hbm>> -> memref<6272xf32, #tpu.memory_space<hbm>>
      %dma_wait3A_1060 = arith.constant 6272 : i32
      %dma_wait3A_1061 = tpu.memref_slice %arg11[%dma_wait3A_1060] : memref<18816xf32, #tpu.memory_space<vmem>> -> memref<6272xf32, #tpu.memory_space<vmem>>
      tpu.wait_dma2 semaphore(%run_scoped3A : memref<!tpu.dma_semaphore, #tpu.memory_space<semaphore_mem>>) src(%dma_wait3A_1061 : memref<6272xf32, #tpu.memory_space<vmem>>) dst(%dma_wait3A_1059 : memref<6272xf32, #tpu.memory_space<hbm>>)
      tpu.yield
    }) : () -> ()
    %mul3A_1041 = arith.constant 3 : i32
    %mul3A_1042 = arith.muli %shift_right_arithmetic3A_1, %mul3A_1041 : i32
    %add3A_1043 = arith.constant 2 : i32
    %add3A_1044 = arith.addi %mul3A_1042, %add3A_1043 : i32
    %mul3A_1045 = arith.constant 224 : i32
    %mul3A_1046 = arith.muli %add3A_1044, %mul3A_1045 : i32
    %add3A_1047 = arith.addi %mul3A_1046, %mul3A_4 : i32
    %mul3A_1048 = arith.constant 224 : i32
    %mul3A_1049 = arith.muli %add3A_1047, %mul3A_1048 : i32
    "tpu.region"() ({
      %run_scoped3A = tpu.sem_alloc : memref<!tpu.dma_semaphore, #tpu.memory_space<semaphore_mem>>
      %dma_start3A_1050 = arith.constant 12544 : i32
      %dma_start3A_1051 = tpu.memref_slice %arg11[%dma_start3A_1050] : memref<18816xf32, #tpu.memory_space<vmem>> -> memref<6272xf32, #tpu.memory_space<vmem>>
      %dma_start3A_1052 = tpu.memref_slice %arg7[%mul3A_1049] : memref<602112xf32, #tpu.memory_space<hbm>> -> memref<6272xf32, #tpu.memory_space<hbm>>
      %dma_start3A_1053 = tpu.memref_slice %arg7[%mul3A_1049] : memref<602112xf32, #tpu.memory_space<hbm>> -> memref<6272xf32, #tpu.memory_space<hbm>>
      %dma_start3A_1054 = arith.constant 12544 : i32
      %dma_start3A_1055 = tpu.memref_slice %arg11[%dma_start3A_1054] : memref<18816xf32, #tpu.memory_space<vmem>> -> memref<6272xf32, #tpu.memory_space<vmem>>
      tpu.enqueue_dma source(%dma_start3A_1055 : memref<6272xf32, #tpu.memory_space<vmem>>) target(%dma_start3A_1053 : memref<6272xf32, #tpu.memory_space<hbm>>) target_semaphore(%run_scoped3A : memref<!tpu.dma_semaphore, #tpu.memory_space<semaphore_mem>>)
      %dma_wait3A_1056 = arith.constant 12544 : i32
      %dma_wait3A_1057 = tpu.memref_slice %arg11[%dma_wait3A_1056] : memref<18816xf32, #tpu.memory_space<vmem>> -> memref<6272xf32, #tpu.memory_space<vmem>>
      %dma_wait3A_1058 = tpu.memref_slice %arg7[%mul3A_1049] : memref<602112xf32, #tpu.memory_space<hbm>> -> memref<6272xf32, #tpu.memory_space<hbm>>
      %dma_wait3A_1059 = tpu.memref_slice %arg7[%mul3A_1049] : memref<602112xf32, #tpu.memory_space<hbm>> -> memref<6272xf32, #tpu.memory_space<hbm>>
      %dma_wait3A_1060 = arith.constant 12544 : i32
      %dma_wait3A_1061 = tpu.memref_slice %arg11[%dma_wait3A_1060] : memref<18816xf32, #tpu.memory_space<vmem>> -> memref<6272xf32, #tpu.memory_space<vmem>>
      tpu.wait_dma2 semaphore(%run_scoped3A : memref<!tpu.dma_semaphore, #tpu.memory_space<semaphore_mem>>) src(%dma_wait3A_1061 : memref<6272xf32, #tpu.memory_space<vmem>>) dst(%dma_wait3A_1059 : memref<6272xf32, #tpu.memory_space<hbm>>)
      tpu.yield
    }) : () -> ()
    return
  }
}

</mosaic_0001>

<sc_bundles>
// kernel: kernel.3.cloned.1.call-start
scs
__scs_entry_jumppad:
0x0: {  	(pc) =	sbr.rel $0x88, $3  }
0x1: {  	(tag) =	ssettag $0x0;
	lr =	simm.s32 $0x1  }
0x2: {  	[smem:$0x3FA0] =	sst lr;
	_ =	strace $0xD0000000  }
0x3: {  	_ = 	snop  }
0x4: {  	_ = 	snop  }
0x5: {  	_ = 	snop  }
0x6: {  	_ = 	snop  }
0x7: {  	_ = 	snop  }
__scs_overlays_trampoline_lowered:
0x8: {  	[smem:$0x3FAF] =	sst s0  }
0x9: {  	[smem:$0x3FB0] =	sst s1  }
0xa: {  	[smem:$0x3FB1] =	sst s2  }
0xb: {  	[smem:$0x3FB2] =	sst s3  }
0xc: {  	[smem:$0x3FB3] =	sst s4  }
0xd: {  	[smem:$0x3FB4] =	sst s5  }
0xe: {  	[smem:$0x3FB5] =	sst s6  }
0xf: {  	[smem:$0x3FB6] =	sst s7  }
0x10: {  	[smem:$0x3FB7] =	sst s8  }
0x11: {  	[smem:$0x3FB8] =	sst s9;
	s0 =	simm.s32 @!p0 $0x0  }
0x12: {  	s1 =	sld [smem:$0x3F9E];
	s0 =	simm.s32 @p0 $0x1  }
0x13: {  	[smem:$0x3FB9] =	sst s0;
	s0 =	simm.s32 @!p1 $0x0  }
0x14: {  	s2 =	sld [smem:$0x3F9D];
	s0 =	simm.s32 @p1 $0x1  }
0x15: {  	[smem:$0x3FBA] =	sst s0;
	s0 =	simm.s32 @!p2 $0x0  }
0x16: {  	s3 =	sld [smem:$0x3FDB];
	s0 =	simm.s32 @p2 $0x1  }
0x17: {  	s4 =	simm.s32 $0x1BF5;
	[smem:$0x3FBC] =	sst s0  }
0x18: {  	s0 =	sld [smem:$0x3F9F];
	_ =	swait.ge [sflag:s4], $0x0  }
0x19: {  	s7 =	sld [smem:$0x3FA0]  }
0x1a: {  	s8 =	sadd.s32 $0xFFFFE003, lr  }
0x1b: {  	s9 =	sadd.s32 $0xFFFFFEF7, lr;
	s5 =	simm.s32 $0xFFFFFFFF;
	p2 =	slt.u32 s8, $0xFFFFF086  }
0x1c: {  	p1 =	slt.u32 s9, $0xF7A;
	s5 =	simm.s32 @!p2 $0x0  }
0x1d: {  	s5 =	simm.s32 @p1 $0x1;
	p0 =	seq.s32 s7, s2  }
0x1e: {  	s7 =	smul.u32 @!p0 $0xF7A, s2;
	p2 =	seq.s32 @!p0 s5, $0x0  }
0x1f: {  	s9 =	smul.u32 $0xF7A, s1;
	s8 =	simm.s32 @!p0 $0x1BF5;
	p2 =	por !p2, p0  }
0x20: {  	[sflag:s8] =	ssyncset.s32 @!p0 $0xFFFFF086;
	s6 =	sadd.s32 @!p0 s3, s7;
	s7 =	simm.s32 @!p0 $0x108  }
0x21: {  	s3 =	sadd.s32 s3, s9;
	s6 =	sadd.s32 @!p0 $0x88, s6;
	s7 =	simm.s32 @p2 $0x1082  }
0x22: {  	[simem:s7], [sflag:s8] =	dma.local @!p0 [hbm:s6], $0xF7A  }
0x23: {  	s9 =	sor.u32 $0xD0000000, s2;
	s6 =	simm.s32 $0x108;
	_ =	swait.ge @!p0 [sflag:s8], $0x0  }
0x24: {  	s3 =	sadd.s32 $0x88, s3;
	s6 =	simm.s32 @!p1 $0x1082;
	[sflag:s4] =	ssyncset.s32 $0xFFFFF086  }
0x25: {  	[simem:s6], [sflag:s4] =	dma.local [hbm:s3], $0xF7A  }
0x26: {  	[smem:$0x3FA0] =	sst s1;
	(tag) =	ssettag s2;
	_ =	strace s9  }
0x27: {  	s1 =	sld [smem:$0x3FB0]  }
0x28: {  	s2 =	sld [smem:$0x3FB1]  }
0x29: {  	s4 =	sld [smem:$0x3FB3]  }
0x2a: {  	p0 =	seq.s32 s5, $0x0;
	s5 =	sld [smem:$0x3FB4]  }
0x2b: {  	s6 =	sld [smem:$0x3FB5]  }
0x2c: {  	s7 =	sld [smem:$0x3FB6]  }
0x2d: {  	s3 =	simm.s32 $0x108;
	s8 =	sld [smem:$0x3FB7]  }
0x2e: {  	s3 =	simm.s32 @!p0 $0x1082;
	s9 =	sld [smem:$0x3FB8]  }
0x2f: {  	lr =	sadd.s32 s0, s3;
	s0 =	sld [smem:$0x3FAF]  }
0x30: {  	s3 =	sld [smem:$0x3FB2]  }
0x31: {  	[smem:$0x3FBB] =	sst s10  }
0x32: {  	s10 =	sld [smem:$0x3FB9];
	_ =	sdelay $0x3  }
0x33: {  	p0 =	seq.s32 s10, $0x1;
	s10 =	sld [smem:$0x3FBB];
	_ =	sdelay $0x3  }
0x34: {  	[smem:$0x3FBB] =	sst s10  }
0x35: {  	s10 =	sld [smem:$0x3FBA];
	_ =	sdelay $0x3  }
0x36: {  	p1 =	seq.s32 s10, $0x1;
	s10 =	sld [smem:$0x3FBB];
	_ =	sdelay $0x3  }
0x37: {  	[smem:$0x3FBB] =	sst s10  }
0x38: {  	s10 =	sld [smem:$0x3FBC]  }
0x39: {  	_ = 	snop;
	(pc) =	sbr.ind lr, $3  }
0x3a: {  	_ = 	snop  }
0x3b: {  	_ = 	snop  }
0x3c: {  	p2 =	seq.s32 s10, $0x1;
	s10 =	sld [smem:$0x3FBB]  }
0x3d: {  	_ =	shalt  }
0x3e: {  	_ =	shalt  }
0x3f: {  	_ =	shalt  }
0x40: {  	_ =	shalt  }
0x41: {  	_ =	shalt  }
0x42: {  	_ =	shalt  }
0x43: {  	_ =	shalt  }
0x44: {  	_ =	shalt  }
0x45: {  	_ =	shalt  }
0x46: {  	_ =	shalt  }
0x47: {  	_ =	shalt  }
0x48: {  	_ =	shalt  }
0x49: {  	_ =	shalt  }
0x4a: {  	_ =	shalt  }
0x4b: {  	_ =	shalt  }
0x4c: {  	_ =	shalt  }
0x4d: {  	_ =	shalt  }
0x4e: {  	_ =	shalt  }
0x4f: {  	_ =	shalt  }
0x50: {  	_ =	shalt  }
0x51: {  	_ =	shalt  }
0x52: {  	_ =	shalt  }
0x53: {  	_ =	shalt  }
0x54: {  	_ =	shalt  }
0x55: {  	_ =	shalt  }
0x56: {  	_ =	shalt  }
0x57: {  	_ =	shalt  }
0x58: {  	_ =	shalt  }
0x59: {  	_ =	shalt  }
0x5a: {  	_ =	shalt  }
0x5b: {  	_ =	shalt  }
0x5c: {  	_ =	shalt  }
0x5d: {  	_ =	shalt  }
0x5e: {  	_ =	shalt  }
0x5f: {  	_ =	shalt  }
0x60: {  	_ =	shalt  }
0x61: {  	_ =	shalt  }
0x62: {  	_ =	shalt  }
0x63: {  	_ =	shalt  }
0x64: {  	_ =	shalt  }
0x65: {  	_ =	shalt  }
0x66: {  	_ =	shalt  }
0x67: {  	_ =	shalt  }
0x68: {  	_ =	shalt  }
0x69: {  	_ =	shalt  }
0x6a: {  	_ =	shalt  }
0x6b: {  	_ =	shalt  }
0x6c: {  	_ =	shalt  }
0x6d: {  	_ =	shalt  }
0x6e: {  	_ =	shalt  }
0x6f: {  	_ =	shalt  }
0x70: {  	_ =	shalt  }
0x71: {  	_ =	shalt  }
0x72: {  	_ =	shalt  }
0x73: {  	_ =	shalt  }
0x74: {  	_ =	shalt  }
0x75: {  	_ =	shalt  }
0x76: {  	_ =	shalt  }
0x77: {  	_ =	shalt  }
0x78: {  	_ =	shalt  }
0x79: {  	_ =	shalt  }
0x7a: {  	_ =	shalt  }
0x7b: {  	_ =	shalt  }
0x7c: {  	_ =	shalt  }
0x7d: {  	_ =	shalt  }
0x7e: {  	_ =	shalt  }
0x7f: {  	_ =	shalt  }
0x80: {  	_ =	shalt  }
0x81: {  	_ =	shalt  }
0x82: {  	_ =	shalt  }
0x83: {  	_ =	shalt  }
0x84: {  	_ =	shalt  }
0x85: {  	_ =	shalt  }
0x86: {  	_ =	shalt  }
0x87: {  	_ =	shalt  }
.Lfunc_end0:
.L_simem_size_0:
called_computation_lowered:
.L_overlay_start_0:
0x88: {  	s2 =	sld [smem:$0x3FD9]  }
0x89: {  	s3 =	sld [smem:$0x3FFE];
	_ =	sdelay $0x1  }
0x8a: {  	s1 =	srdreg.scid  }
0x8b: {  	s0 =	sand.u32 $0x1, s1  }
0x8c: {  	s17 =	sshll.u32 s0, $0xA;
	s2 =	sadd.s32 s3, s2  }
0x8d: {  	s2 =	sadd.s32 s2, s17  }
0x8e: {  	[smem:$0x3FC7] =	sst s2  }
0x8f: {  	_ = 	snop  }
0x90: {  	s2 =	sld [smem:$0x3FD0];
	(tm) =	ssettm $0x1  }
0x91: {  	s18 =	sld [smem:$0x3FFB];
	_ =	sdelay $0x3  }
0x92: {  	_ =	strace s18  }
0x93: {  	s3 =	sld [smem:$0x3FFC];
	_ =	sdelay $0x3  }
0x94: {  	_ =	strace s3  }
0x95: {  	s3 =	sld [smem:$0x3FFD];
	_ =	sdelay $0x3  }
0x96: {  	_ =	strace s3  }
0x97: {  	_ =	strace $0x8FFFFFFF  }
0x98: {  	s19 =	sld [smem:$0x3FDB];
	_ =	sdelay $0x1  }
0x99: {  	s4 =	simm.s32 $_scs_section_size  }
0x9a: {  	s5 =	simm.s32 $_size__tile_overlayer_lowered;
	s6 =	simm.s32 $_tile_overlayer_lowered  }
0x9b: {  	s22 =	simm.s32 $0x1BFF;
	s21 =	sshll.u32 s6, $0x1;
	s3 =	sadd.s32 s4, s19  }
0x9c: {  	s7 =	simm.s32 $0x0;
	s20 =	sshll.u32 s5, $0x1;
	s5 =	sadd.s32 s21, s3  }
0x9d: {  	[timem:s7], [sflag:s22] =	dma.local [hbm:s5], s20  }
0x9e: {  	_ =	swait.ge [sflag:s22], s20  }
0x9f: {  	s4 =	ssub.s32 $0x0, s20;
	[sflag:s22] =	ssyncset.done $0x0  }
0xa0: {  	[sflag:s22] =	ssyncadd.s32 s4;
	_ =	sdelay $0x1  }
0xa1: {  	s23 =	simm.s32 $0x1B8B  }
0xa2: {  	_ =	swait.ge [sflag:s23], $0x1  }
0xa3: {  	[sflag:s23] =	ssyncset.done $0x0  }
0xa4: {  	s25 =	simm.s32 $0x1B8E;
	s24 =	sld [smem:$0x3FFE];
	[sflag:s23] =	ssyncadd.s32 $0xFFFFFFFF  }
0xa5: {  	s26 =	simm.s32 $execute0_lowered;
	[smem:$0x3FD2] =	sst s25  }
0xa6: {  	s5 =	sshll.u32 s26, $0x1;
	_ =	strace $0x80000046;
	[dreg:$0x1] =	wrdreg $0xFFFFFFFF  }
0xa7: {  	s28 =	simm.s32 $_size_execute0_lowered;
	s3 =	sadd.s32 s3, s5;
	[dreg:$0x0] =	wrdreg $0x0  }
0xa8: {  	s5 =	sshll.u32 s28, $0x1;
	[dreg:$0x2] =	wrdreg s3  }
0xa9: {  	[dreg:$0x3] =	wrdreg s5  }
0xaa: {  	[dreg:$0x4] =	wrdreg $0xC0  }
0xab: {  	_ =	task [dreg:s7], $0x5FFFF  }
0xac: {  	[dreg:$0x1] =	wrdreg $0xFFFFFFFF  }
0xad: {  	[dreg:$0x0] =	wrdreg $0x60  }
0xae: {  	[dreg:$0x2] =	wrdreg s2  }
0xaf: {  	[dreg:$0x3] =	wrdreg s24  }
0xb0: {  	[dreg:$0x4] =	wrdreg $0x9  }
0xb1: {  	_ =	task.clear_ibuf [dreg:s7], $0x5FFFF;
	_ =	strace $0x90000046  }
0xb2: {  	s29 =	simm.s32 $0x9;
	_ =	strace $0x80000048  }
0xb3: {  	_ =	swait.ge [sflag:s29], $0x1  }
0xb4: {  	[sflag:s29] =	ssyncadd.s32 $0xFFFFFFFF  }
0xb5: {  	_ =	strace $0x90000048  }
0xb6: {  	_ =	sfence  }
0xb7: {  	s30 =	sld [smem:$0x0];
	_ =	sdelay $0x2  }
0xb8: {  	s31 =	sshll.u32 s1, $0xD;
	s1 =	sshrl.u32 s1, $0x2  }
0xb9: {  	s3 =	sand.u32 $0x4000, s31;
	s1 =	sadd.s32 s1, s30  }
0xba: {  	s0 =	sor.u32 s3, s0;
	s1 =	sshll.u32 s1, $0x11  }
0xbb: {  	s0 =	sor.u32 s1, s0  }
0xbc: {  	s0 =	sadd.s32 $0x8F2B, s0  }
0xbd: {  	[sflag:s0] =	ssyncadd.remote.s32 $0x1  }
0xbe: {  	_ =	sfence.sel $0xFFFF  }
0xbf: {  	[dreg:$0x0] =	wrdreg $0xFFFFFFFF;
	(pc) =	sbr.abs _section_cstart, $3  }
0xc0: {  	[dreg:$0x1] =	wrdreg $0xFFFFFFFF  }
0xc1: {  	_ =	task.clear_ibuf [dreg:s7], $0x2FFFF;
	_ =	strace $0x9FFFFFFF  }
0xc2: {  	(tm) =	ssettm $0x7FFFFFFF  }
0xc3: {  	_ =	shalt  }
tec
execute0_lowered:
.L_overlay_start_1:
0x0: {  	(tag) =	ssettag $0x1  }
0x1: {  	s0 =	srdreg.scid;
	s2 =	rddreg [dreg:$0x0]  }
0x2: {  	s4 =	stileid.u32;
	s7 =	rddreg [dreg:$0x1]  }
0x3: {  	s13 =	simm.s32 $0x2;
	s15 =	simm.s32 $0xE0;
	s31 =	simm.s32 $0x3AA0  }
0x4: {  	s14 =	simm.s32 $0x3B80;
	s17 =	simm.s32 $0x3E20;
	s10 =	simm.s32 $0x4360  }
0x5: {  	s11 =	simm.s32 $0x4440;
	s12 =	simm.s32 $0x4520;
	s16 =	simm.s32 $0x4600  }
0x6: {  	s24 =	simm.s32 $0x47C0;
	s29 =	simm.s32 $0x48A0;
	s0 =	sand.u32 $0x1, s0  }
0x7: {  	s1 =	sshll.u32 s4, $0x1;
	s8 =	sshrl.u32 s4, $0x2;
	s4 =	simm.s32 $0x0  }
0x8: {  	s5 =	sadd.s32 $0x12C00, s7;
	s6 =	sadd.s32 $0xCA00, s7;
	[smem:$0x7FF] =	sst s4  }
0x9: {  	v0 =	vimm.f32 $2.240000000e+02;
	s1 =	sor.u32 s0, s1;
	s18 =	smul.u32 $0x2A0, s8;
	_ =	strace $0x80000047  }
0xa: {  	s0 =	ssub.s32 $0x2, s0;
	s23 =	scvt.s32.f32 s8;
	s3 =	sand.u32 $0x7, s1;
	(erf) = vrcp.f32 v0  }
0xb: {  	s8 =	simm.s32 $0x41A0;
	s9 =	sshrl.u32 s0, $0x1;
	s21 =	smul.u32 $0x1C, s3  }
0xc: {  	s1 =	smul.u32 $0x310, s1;
	s19 =	ssub.s32 s0, s9;
	s9 =	simm.s32 $0x4280  }
0xd: {  	v62 =	vmov s23;
	s0 =	simm.s32 $0x1;
	s23 =	simm.s32 $0x0;
	s3 =	sadd.s32 s18, s21  }
0xe: {  	s1 =	sadd.s32 s1, s7;
	s30 =	smax.u32 s19, $0x1;
	s3 =	smul.u32 $0x1C, s3  }
0xf: {  	vm0 =	vcmask $0x300;
	v61 =	vimm.s32 $0x24C00;
	s19 =	simm.s32 $0x3FE0;
	s20 =	sadd.s32 $0x6800, s1;
	[dreg:$0x8] =	wrdreg s30  }
0x10: {  	vm14 =	vcmask $0x704;
	v0 =	vsel vm0, $0x0, v61;
	s22 =	sadd.s32 $0x600, s1;
	[dreg:$0x3] =	wrdreg s20;
	s3 =	sadd.s32 s3, s7  }
0x11: {  	vm15 =	vcmask $0xB08;
	v2 =	vsel vm14, $0xC400, v0;
	s18 =	simm.s32 $0x3F00;
	[dreg:$0x4] =	wrdreg s22;
	s25 =	sadd.s32 $0x18E00, s3  }
0x12: {  	[tilespmem:$0x1FFD0] =	vst v62;
	v61 =	vsel vm15, $0x18800, v2;
	s20 =	simm.s32 $0x46E0;
	s26 =	sadd.s32 $0x1A680, s3;
	[dreg:$0x5] =	wrdreg s25  }
0x13: {  	[tilespmem:$0x1FFF0] =	vst v61;
	s7 =	simm.s32 $0x40C0;
	s28 =	sadd.s32 $0x1BF00, s3;
	[dreg:$0x6] =	wrdreg s26;
	v63 =	vpop (erf)  }
0x14: {  	[dreg:$0x7] =	wrdreg s28;
	s26 =	simm.s32 $0x3C60;
	s25 =	simm.s32 $0x3D40;
	[tilespmem:$0x1FFE0] =	vst v63  }
.LBB2_1:
0x15: {  	s1 =	rddreg [dreg:$0x3]  }
0x16: {  	[tilespmem:s4], [sflag:$0x2] =	stream.linear.gather [hbm4b:s1+s4], $0x1880, $0x38;
	[tilespmem:$0x9300] =	vst v63  }
0x17: {  	_ =	swait.ge [sflag:s13], $0x1880  }
0x18: {  	[sflag:s13] =	ssyncset.done $0x0  }
0x19: {  	s3 =	simm.s32 $0x1880;
	s22 =	rddreg [dreg:$0x4];
	[sflag:s13] =	ssyncadd.s32 $0xFFFFE780  }
0x1a: {  	[tilespmem:s3], [sflag:$0x2] =	stream.linear.gather [hbm4b:s22+s4], $0x1880, $0x38;
	[tilespmem:$0x9300] =	vst v63  }
0x1b: {  	_ =	swait.ge [sflag:s13], $0x1880  }
0x1c: {  	[sflag:s13] =	ssyncset.done $0x0  }
0x1d: {  	s30 =	simm.s32 $0x0;
	v0 =	vld [tilespmem:$0x1FFD0];
	[sflag:s13] =	ssyncadd.s32 $0xFFFFE780  }
0x1e: {  	v3 =	vld [tilespmem:s30+$0x1950]  }
0x1f: {  	v4 =	vld [tilespmem:s30+$0x1880]  }
0x20: {  	v5 =	vld [tilespmem:s30+$0xD0]  }
0x21: {  	v6 =	vld [tilespmem:s30+$0x1890]  }
0x22: {  	v7 =	vld [tilespmem:s30+$0x18A0]  }
0x23: {  	v8 =	vld [tilespmem:s30+$0x18B0]  }
0x24: {  	v9 =	vld [tilespmem:s30+$0x18D0]  }
0x25: {  	s22 =	scvt.s32.f32 s21;
	v21 =	vld [tilespmem:s30+$0x40]  }
0x26: {  	v3 =	vadd.f32 v3, v0  }
0x27: {  	v16 =	vadd.f32 v4, v0;
	v5 =	vadd.f32 s22, v5  }
0x28: {  	v17 =	vadd.f32 v6, v0;
	v24 =	vadd.f32 v7, v0  }
0x29: {  	v26 =	vadd.f32 v8, v0;
	v18 =	vadd.f32 v9, v0  }
0x2a: {  	v1 =	vld [tilespmem:$0x1FFE0];
	v21 =	vadd.f32 s22, v21;
	v10 =	vand.u32 $0x7FFFFFFF, v3;
	v30 =	vand.u32 $0x7FFFFFFF, v16  }
0x2b: {  	v14 =	vand.u32 $0x7FFFFFFF, v5;
	v32 =	vand.u32 $0x7FFFFFFF, v17;
	v33 =	vand.u32 $0x7FFFFFFF, v24  }
0x2c: {  	v4 =	vld [tilespmem:s30+$0x18C0];
	v34 =	vand.u32 $0x7FFFFFFF, v26;
	v36 =	vand.u32 $0x7FFFFFFF, v18;
	v3 =	vand.u32 $0x80000000, v3  }
0x2d: {  	v6 =	vld [tilespmem:s30+$0x18E0];
	v5 =	vand.u32 $0x80000000, v5;
	v59 =	vand.u32 $0x7FFFFFFF, v21;
	v16 =	vand.u32 $0x80000000, v16  }
0x2e: {  	v7 =	vld [tilespmem:s30+$0x18F0];
	v17 =	vand.u32 $0x80000000, v17;
	v24 =	vand.u32 $0x80000000, v24;
	v26 =	vand.u32 $0x80000000, v26  }
0x2f: {  	v8 =	vld [tilespmem:s30+$0x1900];
	v18 =	vand.u32 $0x80000000, v18;
	v11 =	vmul.f32 v10, v1;
	v12 =	vmul.f32 v14, v1  }
0x30: {  	v21 =	vand.u32 $0x80000000, v21;
	v31 =	vmul.f32 v30, v1;
	v49 =	vmul.f32 v32, v1  }
0x31: {  	v11 =	vfloor.f32 v11;
	v15 =	vadd.f32 v4, v0;
	v9 =	vfloor.f32 v12  }
0x32: {  	v23 =	vadd.f32 v6, v0;
	v31 =	vfloor.f32 v31;
	v49 =	vfloor.f32 v49  }
0x33: {  	v20 =	vld [tilespmem:s30+$0x1920];
	v12 =	vadd.f32 v7, v0;
	v11 =	vmul.f32 $2.240000000e+02, v11;
	v9 =	vmul.f32 $2.240000000e+02, v9  }
0x34: {  	v13 =	vadd.f32 v8, v0;
	v31 =	vmul.f32 $2.240000000e+02, v31;
	v49 =	vmul.f32 $2.240000000e+02, v49  }
0x35: {  	v4 =	vld [tilespmem:s30+$0x1910];
	v35 =	vand.u32 $0x7FFFFFFF, v15;
	v37 =	vand.u32 $0x7FFFFFFF, v23;
	v39 =	vand.u32 $0x7FFFFFFF, v12  }
0x36: {  	v7 =	vld [tilespmem:s30+$0x1940];
	v40 =	vand.u32 $0x7FFFFFFF, v13;
	v15 =	vand.u32 $0x80000000, v15;
	v23 =	vand.u32 $0x80000000, v23  }
0x37: {  	v12 =	vand.u32 $0x80000000, v12;
	v13 =	vand.u32 $0x80000000, v13;
	v6 =	vsub.f32 v10, v11  }
0x38: {  	v8 =	vsub.f32 v14, v9;
	v11 =	vadd.f32 v20, v0;
	v50 =	vmul.f32 v37, v1  }
0x39: {  	v52 =	vmul.f32 v39, v1;
	v53 =	vmul.f32 v40, v1;
	v30 =	vsub.f32 v30, v31  }
0x3a: {  	v32 =	vsub.f32 v32, v49;
	vm0 =	veq.f32 v6, $2.240000000e+02;
	v19 =	vadd.f32 v4, v0  }
0x3b: {  	vm6 =	veq.f32 v8, $2.240000000e+02;
	v25 =	vadd.f32 v7, v0;
	v50 =	vfloor.f32 v50  }
0x3c: {  	v10 =	vld [tilespmem:s30+$0x1930];
	v43 =	vand.u32 $0x7FFFFFFF, v11;
	v52 =	vfloor.f32 v52;
	v53 =	vfloor.f32 v53  }
0x3d: {  	v9 =	vld [tilespmem:s30+$0x0];
	vm11 =	veq.f32 v30, $2.240000000e+02;
	vm12 =	veq.f32 v32, $2.240000000e+02;
	v11 =	vand.u32 $0x80000000, v11  }
0x3e: {  	v14 =	vld [tilespmem:s30+$0x20];
	v4 =	vsel vm0, $0x0, v6;
	v57 =	vmul.f32 v43, v1;
	v50 =	vmul.f32 $2.240000000e+02, v50  }
0x3f: {  	v52 =	vmul.f32 $2.240000000e+02, v52;
	v53 =	vmul.f32 $2.240000000e+02, v53;
	v30 =	vsel vm11, $0x0, v30  }
0x40: {  	v4 =	vand.u32 $0x7FFFFFFF, v4;
	v41 =	vand.u32 $0x7FFFFFFF, v19;
	v46 =	vand.u32 $0x7FFFFFFF, v25  }
0x41: {  	v30 =	vand.u32 $0x7FFFFFFF, v30;
	v19 =	vand.u32 $0x80000000, v19;
	v25 =	vand.u32 $0x80000000, v25  }
0x42: {  	v3 =	vor.u32 v3, v4;
	v4 =	vsel vm6, $0x0, v8;
	v22 =	vadd.f32 v10, v0  }
0x43: {  	v29 =	vadd.f32 s22, v9;
	v27 =	vadd.f32 s22, v14;
	v55 =	vmul.f32 v41, v1  }
0x44: {  	v60 =	vmul.f32 v46, v1;
	v57 =	vfloor.f32 v57;
	v37 =	vsub.f32 v37, v50  }
0x45: {  	v39 =	vsub.f32 v39, v52;
	v40 =	vsub.f32 v40, v53;
	v53 =	vmul.f32 v59, v1  }
0x46: {  	v6 =	vld [tilespmem:s30+$0x10];
	v16 =	vor.u32 v16, v30;
	v20 =	vadd.f32 $2.240000000e+02, v3;
	v4 =	vand.u32 $0x7FFFFFFF, v4  }
0x47: {  	v44 =	vld [tilespmem:s30+$0xA0];
	vm7 =	vlt.f32 v3, $0.0e+00;
	v57 =	vmul.f32 $2.240000000e+02, v57;
	v4 =	vor.u32 v5, v4  }
0x48: {  	v45 =	vand.u32 $0x7FFFFFFF, v22;
	v54 =	vand.u32 $0x7FFFFFFF, v27;
	v55 =	vfloor.f32 v55  }
0x49: {  	v60 =	vfloor.f32 v60;
	v53 =	vfloor.f32 v53;
	vm15 =	veq.f32 v37, $2.240000000e+02  }
0x4a: {  	v8 =	vld [tilespmem:s30+$0x30];
	vm4 =	veq.f32 v39, $2.240000000e+02;
	vm5 =	veq.f32 v40, $2.240000000e+02;
	v22 =	vand.u32 $0x80000000, v22  }
0x4b: {  	v10 =	vld [tilespmem:s30+$0x60];
	v27 =	vand.u32 $0x80000000, v27;
	v3 =	vsel vm7, v20, v3;
	v28 =	vadd.f32 s22, v6  }
0x4c: {  	v38 =	vld [tilespmem:s30+$0x70];
	v6 =	vadd.f32 s22, v44;
	v44 =	vmul.f32 v35, v1;
	v58 =	vmul.f32 v45, v1  }
0x4d: {  	v7 =	vadd.f32 $2.240000000e+02, v4;
	v50 =	vmul.f32 v54, v1;
	v55 =	vmul.f32 $2.240000000e+02, v55  }
0x4e: {  	vm8 =	vlt.f32 v4, $0.0e+00;
	v60 =	vmul.f32 $2.240000000e+02, v60;
	v3 =	vtrunc.f32 v3  }
0x4f: {  	v43 =	vsub.f32 v43, v57;
	v53 =	vmul.f32 $2.240000000e+02, v53;
	v3 =	vcvt.f32.s32 v3  }
0x50: {  	v4 =	vsel vm8, v7, v4;
	v20 =	vadd.f32 s22, v8;
	v9 =	vadd.f32 s22, v10  }
0x51: {  	v5 =	vld [tilespmem:s30+$0x50];
	v10 =	vadd.f32 s22, v38;
	v38 =	vmul.f32 v33, v1;
	v51 =	vand.u32 $0x7FFFFFFF, v28  }
0x52: {  	v47 =	vld [tilespmem:s30+$0xB0];
	v44 =	vfloor.f32 v44;
	v58 =	vfloor.f32 v58;
	v41 =	vsub.f32 v41, v55  }
0x53: {  	v46 =	vsub.f32 v46, v60;
	v50 =	vfloor.f32 v50;
	v53 =	vsub.f32 v59, v53  }
0x54: {  	vm7 =	veq.f32 v43, $2.240000000e+02;
	v4 =	vtrunc.f32 v4;
	v44 =	vmul.f32 $2.240000000e+02, v44  }
0x55: {  	v28 =	vand.u32 $0x80000000, v28;
	v58 =	vmul.f32 $2.240000000e+02, v58;
	v50 =	vmul.f32 $2.240000000e+02, v50  }
0x56: {  	vm9 =	vlt.s32 v3, $0xDF;
	v4 =	vcvt.f32.s32 v4;
	v14 =	vadd.f32 s22, v5  }
0x57: {  	v5 =	vadd.f32 s22, v47;
	v47 =	vand.u32 $0x7FFFFFFF, v29;
	v56 =	vand.u32 $0x7FFFFFFF, v20  }
0x58: {  	v38 =	vfloor.f32 v38;
	v49 =	vand.u32 $0x7FFFFFFF, v9;
	vm6 =	veq.f32 v41, $2.240000000e+02  }
0x59: {  	v42 =	vld [tilespmem:s30+$0x90];
	v29 =	vand.u32 $0x80000000, v29;
	v20 =	vand.u32 $0x80000000, v20;
	v9 =	vand.u32 $0x80000000, v9  }
0x5a: {  	v7 =	vld [tilespmem:s30+$0x80];
	v38 =	vmul.f32 $2.240000000e+02, v38;
	v35 =	vsub.f32 v35, v44;
	v44 =	vmul.f32 v47, v1  }
0x5b: {  	v3 =	vnsel vm9, $0xDF, v3;
	v52 =	vmul.f32 v56, v1;
	v57 =	vmul.f32 v49, v1  }
0x5c: {  	v45 =	vsub.f32 v45, v58;
	v50 =	vsub.f32 v54, v50;
	vm9 =	veq.f32 v46, $2.240000000e+02  }
0x5d: {  	vm10 =	vlt.s32 v4, $0xDF;
	v3 =	vmul.u32 $0xE0, v3;
	v31 =	vand.u32 $0x7FFFFFFF, v14  }
0x5e: {  	v48 =	vld [tilespmem:s30+$0xC0];
	v59 =	vand.u32 $0x7FFFFFFF, v5;
	v14 =	vand.u32 $0x80000000, v14;
	v5 =	vand.u32 $0x80000000, v5  }
0x5f: {  	v4 =	vnsel vm10, $0xDF, v4;
	v8 =	vadd.f32 s22, v7;
	v7 =	vadd.f32 s22, v42  }
0x60: {  	v42 =	vmul.f32 v34, v1;
	v33 =	vsub.f32 v33, v38;
	v55 =	vmul.f32 v31, v1  }
0x61: {  	v38 =	vand.u32 $0x7FFFFFFF, v10;
	v44 =	vfloor.f32 v44;
	v52 =	vfloor.f32 v52  }
0x62: {  	v57 =	vfloor.f32 v57;
	v63 =	vmul.f32 v59, v1;
	vm13 =	veq.f32 v35, $2.240000000e+02  }
0x63: {  	v3 =	vadd.s32 v4, v3;
	v4 =	vadd.f32 s22, v48;
	v48 =	vmul.f32 v36, v1  }
0x64: {  	vm8 =	veq.f32 v45, $2.240000000e+02;
	v44 =	vmul.f32 $2.240000000e+02, v44;
	v60 =	vmul.f32 v38, v1  }
0x65: {  	v10 =	vand.u32 $0x80000000, v10;
	v52 =	vmul.f32 $2.240000000e+02, v52;
	v57 =	vmul.f32 $2.240000000e+02, v57  }
0x66: {  	v42 =	vfloor.f32 v42;
	v58 =	vand.u32 $0x7FFFFFFF, v7;
	v55 =	vfloor.f32 v55  }
0x67: {  	vm1 =	veq.f32 v33, $2.240000000e+02;
	v7 =	vand.u32 $0x80000000, v7;
	v48 =	vfloor.f32 v48  }
0x68: {  	v42 =	vmul.f32 $2.240000000e+02, v42;
	v44 =	vsub.f32 v47, v44;
	v54 =	vmul.f32 v58, v1  }
0x69: {  	v52 =	vsub.f32 v56, v52;
	v55 =	vmul.f32 $2.240000000e+02, v55;
	v60 =	vfloor.f32 v60  }
0x6a: {  	v49 =	vsub.f32 v49, v57;
	v57 =	vfloor.f32 v63;
	v63 =	vsel vm12, $0x0, v32  }
0x6b: {  	vm12 =	veq.f32 v50, $2.240000000e+02;
	v48 =	vmul.f32 $2.240000000e+02, v48;
	v60 =	vmul.f32 $2.240000000e+02, v60  }
0x6c: {  	v57 =	vmul.f32 $2.240000000e+02, v57;
	v30 =	vand.u32 $0x7FFFFFFF, v63;
	v63 =	vsel vm5, $0x0, v40  }
0x6d: {  	v40 =	vsel vm9, $0x0, v46;
	v34 =	vsub.f32 v34, v42;
	v42 =	vand.u32 $0x7FFFFFFF, v8  }
0x6e: {  	v54 =	vfloor.f32 v54;
	v31 =	vsub.f32 v31, v55;
	v55 =	vand.u32 $0x7FFFFFFF, v4  }
0x6f: {  	v17 =	vor.u32 v17, v30;
	vm10 =	veq.f32 v44, $2.240000000e+02;
	v8 =	vand.u32 $0x80000000, v8  }
0x70: {  	v4 =	vand.u32 $0x80000000, v4;
	v36 =	vsub.f32 v36, v48;
	v48 =	vmul.f32 v51, v1  }
0x71: {  	v47 =	vmul.f32 v42, v1;
	v54 =	vmul.f32 $2.240000000e+02, v54;
	v38 =	vsub.f32 v38, v60  }
0x72: {  	v62 =	vmul.f32 v55, v1;
	v60 =	vsel vm15, $0x0, v37;
	v37 =	vsel vm7, $0x0, v43  }
0x73: {  	vm2 =	veq.f32 v34, $2.240000000e+02;
	vm15 =	veq.f32 v31, $2.240000000e+02;
	v48 =	vfloor.f32 v48  }
0x74: {  	v47 =	vfloor.f32 v47;
	v54 =	vsub.f32 v58, v54;
	vm14 =	veq.f32 v36, $2.240000000e+02  }
0x75: {  	v58 =	vsel vm13, $0x0, v35;
	vm13 =	veq.f32 v52, $2.240000000e+02;
	v48 =	vmul.f32 $2.240000000e+02, v48  }
0x76: {  	vm5 =	veq.f32 v38, $2.240000000e+02;
	v47 =	vmul.f32 $2.240000000e+02, v47;
	v30 =	vand.u32 $0x7FFFFFFF, v58  }
0x77: {  	v15 =	vor.u32 v15, v30;
	vm7 =	veq.f32 v54, $2.240000000e+02;
	v48 =	vsub.f32 v51, v48  }
0x78: {  	v51 =	vand.u32 $0x7FFFFFFF, v6;
	v42 =	vsub.f32 v42, v47;
	v47 =	vfloor.f32 v62  }
0x79: {  	v62 =	vsel vm4, $0x0, v39;
	v39 =	vsel vm8, $0x0, v45;
	v45 =	vsel vm13, $0x0, v52  }
0x7a: {  	vm4 =	veq.f32 v49, $2.240000000e+02;
	v52 =	vsel vm5, $0x0, v38;
	v6 =	vand.u32 $0x80000000, v6  }
0x7b: {  	v38 =	vadd.f32 $2.240000000e+02, v15;
	v56 =	vmul.f32 v51, v1;
	v30 =	vand.u32 $0x7FFFFFFF, v62  }
0x7c: {  	v47 =	vmul.f32 $2.240000000e+02, v47;
	v62 =	vadd.f32 $2.240000000e+02, v17;
	v12 =	vor.u32 v12, v30  }
0x7d: {  	v30 =	vand.u32 $0x7FFFFFFF, v37;
	vm11 =	veq.f32 v48, $2.240000000e+02;
	v56 =	vfloor.f32 v56  }
0x7e: {  	v47 =	vsub.f32 v55, v47;
	v55 =	vsel vm1, $0x0, v33;
	v11 =	vor.u32 v11, v30  }
0x7f: {  	v43 =	vsel vm11, $0x0, v48;
	v48 =	vsel vm15, $0x0, v31;
	v31 =	vand.u32 $0x7FFFFFFF, v52  }
0x80: {  	vm11 =	vlt.f32 v16, $0.0e+00;
	vm15 =	vlt.f32 v15, $0.0e+00;
	v56 =	vmul.f32 $2.240000000e+02, v56  }
0x81: {  	v32 =	vand.u32 $0x7FFFFFFF, v55;
	v10 =	vor.u32 v10, v31;
	v55 =	vsel vm7, $0x0, v54  }
0x82: {  	v15 =	vsel vm15, v38, v15;
	v24 =	vor.u32 v24, v32;
	v54 =	vadd.f32 $2.240000000e+02, v10  }
0x83: {  	v51 =	vsub.f32 v51, v56;
	v56 =	vsub.f32 v59, v57;
	v57 =	vsel vm2, $0x0, v34  }
0x84: {  	v59 =	vsel vm14, $0x0, v36;
	v36 =	vsel vm6, $0x0, v41;
	v41 =	vsel vm10, $0x0, v44  }
0x85: {  	v44 =	vsel vm12, $0x0, v50;
	vm14 =	veq.f32 v53, $2.240000000e+02;
	v50 =	vsel vm4, $0x0, v49  }
0x86: {  	vm6 =	veq.f32 v42, $2.240000000e+02;
	vm10 =	veq.f32 v47, $2.240000000e+02;
	vm12 =	vlt.f32 v17, $0.0e+00  }
0x87: {  	vm13 =	vlt.f32 v24, $0.0e+00;
	v33 =	vand.u32 $0x7FFFFFFF, v57;
	v32 =	vand.u32 $0x7FFFFFFF, v59  }
0x88: {  	v30 =	vand.u32 $0x7FFFFFFF, v41;
	v46 =	vsel vm14, $0x0, v53;
	v53 =	vsel vm6, $0x0, v42  }
0x89: {  	v59 =	vadd.f32 $2.240000000e+02, v16;
	v17 =	vsel vm12, v62, v17;
	v41 =	vadd.f32 $2.240000000e+02, v12  }
0x8a: {  	vm6 =	vlt.f32 v12, $0.0e+00;
	v26 =	vor.u32 v26, v33;
	v33 =	vand.u32 $0x7FFFFFFF, v60  }
0x8b: {  	v18 =	vor.u32 v18, v32;
	v32 =	vand.u32 $0x7FFFFFFF, v63;
	v29 =	vor.u32 v29, v30  }
0x8c: {  	v30 =	vand.u32 $0x7FFFFFFF, v44;
	vm8 =	veq.f32 v51, $2.240000000e+02;
	vm9 =	veq.f32 v56, $2.240000000e+02  }
0x8d: {  	v63 =	vsel vm10, $0x0, v47;
	v44 =	vadd.f32 $2.240000000e+02, v11;
	v23 =	vor.u32 v23, v33  }
0x8e: {  	v33 =	vand.u32 $0x7FFFFFFF, v36;
	v13 =	vor.u32 v13, v32;
	v32 =	vand.u32 $0x7FFFFFFF, v39  }
0x8f: {  	v27 =	vor.u32 v27, v30;
	v30 =	vand.u32 $0x7FFFFFFF, v45;
	v57 =	vsel vm8, $0x0, v51  }
0x90: {  	v60 =	vsel vm9, $0x0, v56;
	v16 =	vsel vm11, v59, v16;
	v36 =	vadd.f32 $2.240000000e+02, v24  }
0x91: {  	v37 =	vadd.f32 $2.240000000e+02, v26;
	v39 =	vadd.f32 $2.240000000e+02, v18;
	vm14 =	vlt.f32 v26, $0.0e+00  }
0x92: {  	vm4 =	vlt.f32 v18, $0.0e+00;
	v12 =	vsel vm6, v41, v12;
	vm9 =	vlt.f32 v11, $0.0e+00  }
0x93: {  	v47 =	vadd.f32 $2.240000000e+02, v29;
	vm12 =	vlt.f32 v29, $0.0e+00;
	v19 =	vor.u32 v19, v33  }
0x94: {  	v33 =	vand.u32 $0x7FFFFFFF, v40;
	v22 =	vor.u32 v22, v32;
	v32 =	vand.u32 $0x7FFFFFFF, v43  }
0x95: {  	v20 =	vor.u32 v20, v30;
	v30 =	vand.u32 $0x7FFFFFFF, v48;
	v58 =	vand.u32 $0x7FFFFFFF, v57  }
0x96: {  	v31 =	vand.u32 $0x7FFFFFFF, v60;
	v40 =	vadd.f32 $2.240000000e+02, v23;
	v42 =	vadd.f32 $2.240000000e+02, v13  }
0x97: {  	vm5 =	vlt.f32 v23, $0.0e+00;
	vm7 =	vlt.f32 v13, $0.0e+00;
	v11 =	vsel vm9, v44, v11  }
0x98: {  	v16 =	vtrunc.f32 v16;
	v49 =	vadd.f32 $2.240000000e+02, v27;
	v12 =	vtrunc.f32 v12  }
0x99: {  	v25 =	vor.u32 v25, v33;
	v28 =	vor.u32 v28, v32;
	v32 =	vand.u32 $0x7FFFFFFF, v46  }
0x9a: {  	v14 =	vor.u32 v14, v30;
	v30 =	vand.u32 $0x7FFFFFFF, v50;
	v6 =	vor.u32 v6, v58  }
0x9b: {  	v5 =	vor.u32 v5, v31;
	v24 =	vsel vm13, v36, v24;
	v26 =	vsel vm14, v37, v26  }
0x9c: {  	v18 =	vsel vm4, v39, v18;
	v43 =	vadd.f32 $2.240000000e+02, v19;
	v45 =	vadd.f32 $2.240000000e+02, v22  }
0x9d: {  	vm8 =	vlt.f32 v19, $0.0e+00;
	vm10 =	vlt.f32 v22, $0.0e+00;
	v29 =	vsel vm12, v47, v29  }
0x9e: {  	v50 =	vadd.f32 $2.240000000e+02, v20;
	vm14 =	vlt.f32 v27, $0.0e+00;
	vm15 =	vlt.f32 v20, $0.0e+00  }
0x9f: {  	v11 =	vtrunc.f32 v11;
	v12 =	vcvt.f32.s32 v12;
	v21 =	vor.u32 v21, v32  }
0xa0: {  	v9 =	vor.u32 v9, v30;
	v30 =	vand.u32 $0x7FFFFFFF, v53;
	v32 =	vand.u32 $0x7FFFFFFF, v63  }
0xa1: {  	v23 =	vsel vm5, v40, v23;
	v13 =	vsel vm7, v42, v13;
	v46 =	vadd.f32 $2.240000000e+02, v25  }
0xa2: {  	vm11 =	vlt.f32 v25, $0.0e+00;
	v48 =	vadd.f32 $2.240000000e+02, v28;
	vm13 =	vlt.f32 v28, $0.0e+00  }
0xa3: {  	v27 =	vsel vm14, v49, v27;
	v52 =	vadd.f32 $2.240000000e+02, v14;
	vm5 =	vlt.f32 v14, $0.0e+00  }
0xa4: {  	vm7 =	vlt.f32 v10, $0.0e+00;
	v11 =	vcvt.f32.s32 v11;
	v8 =	vor.u32 v8, v30  }
0xa5: {  	v30 =	vand.u32 $0x7FFFFFFF, v55;
	v4 =	vor.u32 v4, v32;
	v19 =	vsel vm8, v43, v19  }
0xa6: {  	v22 =	vsel vm10, v45, v22;
	v51 =	vadd.f32 $2.240000000e+02, v21;
	v20 =	vsel vm15, v50, v20  }
0xa7: {  	vm4 =	vlt.f32 v21, $0.0e+00;
	v53 =	vadd.f32 $2.240000000e+02, v9;
	vm6 =	vlt.f32 v9, $0.0e+00  }
0xa8: {  	v10 =	vsel vm7, v54, v10;
	vm10 =	vlt.f32 v6, $0.0e+00;
	v13 =	vtrunc.f32 v13  }
0xa9: {  	v7 =	vor.u32 v7, v30;
	v25 =	vsel vm11, v46, v25;
	v28 =	vsel vm13, v48, v28  }
0xaa: {  	v14 =	vsel vm5, v52, v14;
	v55 =	vadd.f32 $2.240000000e+02, v8;
	vm8 =	vlt.f32 v8, $0.0e+00  }
0xab: {  	vm11 =	vlt.f32 v5, $0.0e+00;
	vm12 =	vlt.f32 v4, $0.0e+00;
	v19 =	vtrunc.f32 v19  }
0xac: {  	v13 =	vcvt.f32.s32 v13;
	v10 =	vtrunc.f32 v10;
	v21 =	vsel vm4, v51, v21  }
0xad: {  	v9 =	vsel vm6, v53, v9;
	v56 =	vadd.f32 $2.240000000e+02, v7;
	v19 =	vcvt.f32.s32 v19  }
0xae: {  	vm9 =	vlt.f32 v7, $0.0e+00;
	v14 =	vtrunc.f32 v14;
	v59 =	vcvt.f32.s32 v10  }
0xaf: {  	v30 =	vsel vm8, v55, v8;
	v8 =	vadd.f32 $2.240000000e+02, v6;
	v14 =	vcvt.f32.s32 v14  }
0xb0: {  	v31 =	vsel vm9, v56, v7;
	v7 =	vadd.f32 $2.240000000e+02, v5;
	vm3 =	vlt.s32 v19, $0xDF  }
0xb1: {  	v57 =	vsel vm10, v8, v6;
	v6 =	vcvt.f32.s32 v16;
	v8 =	vtrunc.f32 v26  }
0xb2: {  	v16 =	vsel vm11, v7, v5;
	v5 =	vadd.f32 $2.240000000e+02, v4;
	v7 =	vtrunc.f32 v29  }
0xb3: {  	v8 =	vcvt.f32.s32 v8;
	vm13 =	vlt.s32 v6, $0xDF;
	v7 =	vcvt.f32.s32 v7  }
0xb4: {  	v58 =	vsel vm12, v5, v4;
	v4 =	vtrunc.f32 v17;
	v5 =	vnsel vm13, $0xDF, v6  }
0xb5: {  	v6 =	vtrunc.f32 v24;
	vm7 =	vlt.s32 v8, $0xDF;
	vm12 =	vlt.s32 v14, $0xDF  }
0xb6: {  	v5 =	vmul.u32 $0xE0, v5;
	vm14 =	vlt.s32 v7, $0xDF;
	v17 =	vcvt.f32.s32 v4  }
0xb7: {  	v8 =	vnsel vm7, $0xDF, v8;
	v14 =	vnsel vm12, $0xDF, v14;
	v4 =	vnsel vm14, $0xDF, v7  }
0xb8: {  	v7 =	vtrunc.f32 v27;
	v8 =	vmul.u32 $0xE0, v8;
	vm14 =	vlt.s32 v12, $0xDF  }
0xb9: {  	v4 =	vadd.s32 v4, v5;
	v5 =	vcvt.f32.s32 v6;
	v6 =	vtrunc.f32 v28  }
0xba: {  	vm15 =	vlt.s32 v17, $0xDF;
	v7 =	vcvt.f32.s32 v7;
	v10 =	vnsel vm14, $0xDF, v12  }
0xbb: {  	v6 =	vcvt.f32.s32 v6;
	v17 =	vnsel vm15, $0xDF, v17;
	vm15 =	vlt.s32 v13, $0xDF  }
0xbc: {  	vm4 =	vlt.s32 v5, $0xDF;
	v17 =	vmul.u32 $0xE0, v17;
	vm6 =	vlt.s32 v7, $0xDF  }
0xbd: {  	v12 =	vnsel vm15, $0xDF, v13;
	v13 =	vmul.u32 $0xE0, v10;
	vm5 =	vlt.s32 v6, $0xDF  }
0xbe: {  	v5 =	vnsel vm4, $0xDF, v5;
	v7 =	vnsel vm6, $0xDF, v7;
	v6 =	vnsel vm5, $0xDF, v6  }
0xbf: {  	v5 =	vmul.u32 $0xE0, v5;
	v6 =	vadd.s32 v6, v17;
	v17 =	vtrunc.f32 v18  }
0xc0: {  	v18 =	vtrunc.f32 v23;
	v23 =	vadd.s32 $0x24C00, v3;
	v3 =	vtrunc.f32 v16  }
0xc1: {  	v16 =	vtrunc.f32 v58;
	v5 =	vadd.s32 v7, v5;
	v7 =	vtrunc.f32 v15  }
0xc2: {  	vm4 =	vlt.s32 v11, $0xDF;
	v15 =	vtrunc.f32 v20;
	v17 =	vcvt.f32.s32 v17  }
0xc3: {  	v11 =	vnsel vm4, $0xDF, v11;
	v18 =	vcvt.f32.s32 v18;
	v63 =	vcvt.f32.s32 v3  }
0xc4: {  	v11 =	vmul.u32 $0xE0, v11;
	v16 =	vcvt.f32.s32 v16;
	v15 =	vcvt.f32.s32 v15  }
0xc5: {  	v20 =	vcvt.f32.s32 v7;
	vm11 =	vlt.s32 v17, $0xDF;
	vm13 =	vlt.s32 v18, $0xDF  }
0xc6: {  	vm14 =	vlt.s32 v63, $0xDF;
	vm15 =	vlt.s32 v16, $0xDF;
	vm8 =	vlt.s32 v15, $0xDF  }
0xc7: {  	vm9 =	vlt.s32 v20, $0xDF;
	v17 =	vnsel vm11, $0xDF, v17;
	v3 =	vnsel vm13, $0xDF, v18  }
0xc8: {  	v18 =	vnsel vm3, $0xDF, v19;
	v16 =	vnsel vm15, $0xDF, v16;
	v7 =	vnsel vm8, $0xDF, v15  }
0xc9: {  	v15 =	vtrunc.f32 v22;
	v7 =	vadd.s32 v7, v8;
	v8 =	vtrunc.f32 v21  }
0xca: {  	v20 =	vnsel vm9, $0xDF, v20;
	v22 =	vtrunc.f32 v57;
	v8 =	vcvt.f32.s32 v8  }
0xcb: {  	v10 =	vmul.u32 $0xE0, v18;
	v15 =	vcvt.f32.s32 v15;
	v62 =	vcvt.f32.s32 v22  }
0xcc: {  	v21 =	vtrunc.f32 v25;
	v20 =	vmul.u32 $0xE0, v20;
	vm10 =	vlt.s32 v8, $0xDF  }
0xcd: {  	vm5 =	vlt.s32 v15, $0xDF;
	vm13 =	vlt.s32 v62, $0xDF;
	v8 =	vnsel vm10, $0xDF, v8  }
0xce: {  	v19 =	vnsel vm5, $0xDF, v15;
	v15 =	vmul.u32 $0xE0, v3;
	v8 =	vadd.s32 v8, v20  }
0xcf: {  	v20 =	vcvt.f32.s32 v21;
	v21 =	vtrunc.f32 v9;
	v9 =	vmul.u32 $0xE0, v17  }
0xd0: {  	v18 =	vnsel vm13, $0xDF, v62;
	vm10 =	vlt.s32 v59, $0xDF;
	v17 =	vtrunc.f32 v30  }
0xd1: {  	v21 =	vcvt.f32.s32 v21;
	v9 =	vadd.s32 v14, v9;
	v14 =	vtrunc.f32 v31  }
0xd2: {  	v17 =	vcvt.f32.s32 v17;
	vm6 =	vlt.s32 v20, $0xDF;
	v60 =	vcvt.f32.s32 v14  }
0xd3: {  	v20 =	vnsel vm6, $0xDF, v20;
	v14 =	vmul.u32 $0xE0, v12;
	v12 =	vmul.u32 $0xE0, v19  }
0xd4: {  	vm9 =	vlt.s32 v21, $0xDF;
	vm11 =	vlt.s32 v17, $0xDF;
	v19 =	vnsel vm14, $0xDF, v63  }
0xd5: {  	v3 =	vmul.u32 $0xE0, v20;
	v20 =	vnsel vm9, $0xDF, v21;
	vm12 =	vlt.s32 v60, $0xDF  }
0xd6: {  	s28 =	simm.s32 $0x700;
	s3 =	smov.u32 s21;
	s22 =	simm.s32 $0xE0;
	[tilespmem:s30+$0x31D0] =	vst v23;
	v21 =	vnsel vm10, $0xDF, v59;
	v22 =	vnsel vm11, $0xDF, v17;
	v17 =	vnsel vm12, $0xDF, v60  }
.LBB2_2:
0xd7: {  	v23 =	vld [tilespmem:s22+$0x1950]  }
0xd8: {  	v11 =	vadd.s32 v18, v11;
	v18 =	vld [tilespmem:s22+$0x1890]  }
0xd9: {  	v0 =	vld [tilespmem:$0x1FFD0]  }
0xda: {  	v12 =	vadd.s32 v19, v12;
	v15 =	vadd.s32 v20, v15;
	v20 =	vld [tilespmem:s22+$0x1880]  }
0xdb: {  	v6 =	vadd.s32 $0x24C00, v6;
	v3 =	vadd.s32 v16, v3;
	v10 =	vadd.s32 v17, v10;
	v17 =	vld [tilespmem:s22+$0xD0]  }
0xdc: {  	v13 =	vadd.s32 v21, v13;
	v14 =	vadd.s32 v22, v14;
	v4 =	vadd.s32 v61, v4  }
0xdd: {  	s3 =	sadd.s32 $0x1, s3;
	v1 =	vld [tilespmem:$0x1FFE0];
	v3 =	vadd.s32 $0x24C00, v3;
	v13 =	vadd.s32 $0x24C00, v13;
	[tilespmem:s30+$0x3100] =	vst v4;
	v4 =	vadd.s32 $0x24C00, v5  }
0xde: {  	s1 =	scvt.s32.f32 s3;
	v5 =	vadd.s32 $0x24C00, v7;
	v7 =	vadd.s32 $0x24C00, v8;
	v32 =	vadd.f32 v23, v0;
	v8 =	vld [tilespmem:s22+$0x18A0];
	[tilespmem:s30+$0x3110] =	vst v6  }
0xdf: {  	v6 =	vadd.s32 $0x24C00, v9;
	v9 =	vadd.s32 $0x24C00, v15;
	v15 =	vadd.f32 v20, v0;
	v21 =	vld [tilespmem:s22+$0x18B0];
	[tilespmem:s30+$0x3120] =	vst v4  }
0xe0: {  	v33 =	vadd.f32 s1, v17;
	v20 =	vadd.f32 v18, v0;
	v4 =	vadd.s32 $0x24C00, v14;
	v14 =	vld [tilespmem:s22+$0x18C0]  }
0xe1: {  	v23 =	vand.u32 $0x7FFFFFFF, v32;
	[tilespmem:s30+$0x3130] =	vst v5;
	v5 =	vadd.s32 $0x24C00, v11;
	v11 =	vadd.s32 $0x24C00, v12  }
0xe2: {  	v2 =	vand.u32 $0x7FFFFFFF, v15;
	v17 =	vmul.f32 v23, v1;
	v19 =	vand.u32 $0x7FFFFFFF, v20;
	v12 =	vld [tilespmem:s22+$0x18D0];
	[tilespmem:s30+$0x3140] =	vst v7  }
0xe3: {  	v10 =	vadd.s32 $0x24C00, v10;
	v16 =	vmul.f32 v2, v1;
	v47 =	vmul.f32 v19, v1;
	v7 =	vld [tilespmem:s22+$0x18E0]  }
0xe4: {  	[tilespmem:s30+$0x3150] =	vst v6;
	v18 =	vfloor.f32 v17;
	v22 =	vadd.f32 v8, v0;
	v8 =	vand.u32 $0x7FFFFFFF, v33  }
0xe5: {  	v6 =	vld [tilespmem:s22+$0x18F0];
	[tilespmem:s30+$0x3160] =	vst v9;
	v24 =	vadd.f32 v21, v0;
	v21 =	vmul.f32 v8, v1;
	v25 =	vadd.f32 v14, v0  }
0xe6: {  	v9 =	vld [tilespmem:s22+$0x1900];
	[tilespmem:s30+$0x3170] =	vst v13;
	v14 =	vmul.f32 $2.240000000e+02, v18;
	v18 =	vand.u32 $0x7FFFFFFF, v22;
	v22 =	vand.u32 $0x80000000, v22  }
0xe7: {  	v13 =	vld [tilespmem:s22+$0x1910];
	[tilespmem:s30+$0x3180] =	vst v4;
	v27 =	vadd.f32 v12, v0;
	v12 =	vfloor.f32 v21;
	v56 =	vmul.f32 v18, v1  }
0xe8: {  	v4 =	vld [tilespmem:s22+$0x1920];
	[tilespmem:s30+$0x3190] =	vst v10;
	v28 =	vadd.f32 v7, v0;
	v10 =	vsub.f32 v23, v14;
	v12 =	vmul.f32 $2.240000000e+02, v12  }
0xe9: {  	v23 =	vand.u32 $0x7FFFFFFF, v24;
	v21 =	vand.u32 $0x7FFFFFFF, v25;
	v24 =	vand.u32 $0x80000000, v24  }
0xea: {  	v7 =	vld [tilespmem:s22+$0x1930];
	[tilespmem:s30+$0x31A0] =	vst v5;
	v25 =	vand.u32 $0x80000000, v25;
	v29 =	vadd.f32 v6, v0;
	v26 =	vand.u32 $0x7FFFFFFF, v27  }
0xeb: {  	v5 =	vld [tilespmem:s22+$0x1940];
	[tilespmem:s30+$0x31B0] =	vst v11;
	v11 =	vand.u32 $0x80000000, v32;
	v57 =	vmul.f32 v23, v1;
	v58 =	vmul.f32 v21, v1  }
0xec: {  	v56 =	vfloor.f32 v56;
	v27 =	vand.u32 $0x80000000, v27;
	v30 =	vadd.f32 v9, v0  }
0xed: {  	vm0 =	veq.f32 v10, $2.240000000e+02;
	v8 =	vsub.f32 v8, v12;
	v35 =	vand.u32 $0x7FFFFFFF, v28  }
0xee: {  	v59 =	vmul.f32 v26, v1;
	v28 =	vand.u32 $0x80000000, v28;
	v56 =	vmul.f32 $2.240000000e+02, v56  }
0xef: {  	v31 =	vadd.f32 v13, v0;
	v9 =	vsel vm0, $0x0, v10;
	v13 =	vand.u32 $0x80000000, v33  }
0xf0: {  	v37 =	vand.u32 $0x7FFFFFFF, v29;
	v60 =	vmul.f32 v35, v1;
	v57 =	vfloor.f32 v57  }
0xf1: {  	v58 =	vfloor.f32 v58;
	v29 =	vand.u32 $0x80000000, v29;
	v9 =	vand.u32 $0x7FFFFFFF, v9  }
0xf2: {  	vm9 =	veq.f32 v8, $2.240000000e+02;
	v32 =	vadd.f32 v4, v0;
	v42 =	vand.u32 $0x7FFFFFFF, v30  }
0xf3: {  	v61 =	vmul.f32 v37, v1;
	v59 =	vfloor.f32 v59;
	v30 =	vand.u32 $0x80000000, v30  }
0xf4: {  	v57 =	vmul.f32 $2.240000000e+02, v57;
	v58 =	vmul.f32 $2.240000000e+02, v58;
	v18 =	vsub.f32 v18, v56  }
0xf5: {  	v4 =	vor.u32 v11, v9;
	v8 =	vsel vm9, $0x0, v8;
	v33 =	vadd.f32 v7, v0  }
0xf6: {  	v38 =	vand.u32 $0x7FFFFFFF, v31;
	v62 =	vmul.f32 v42, v1;
	v60 =	vfloor.f32 v60  }
0xf7: {  	v6 =	vld [tilespmem:s22+$0x0];
	v31 =	vand.u32 $0x80000000, v31;
	v59 =	vmul.f32 $2.240000000e+02, v59;
	v11 =	vadd.f32 $2.240000000e+02, v4  }
0xf8: {  	[tilespmem:s30+$0x31C0] =	vst v3;
	s30 =	smov.u32 s22;
	v8 =	vand.u32 $0x7FFFFFFF, v8;
	vm10 =	vlt.f32 v4, $0.0e+00;
	v34 =	vadd.f32 v5, v0  }
0xf9: {  	v3 =	vld [tilespmem:s30+$0x10];
	v39 =	vand.u32 $0x7FFFFFFF, v32;
	v63 =	vmul.f32 v38, v1;
	v61 =	vfloor.f32 v61  }
0xfa: {  	v10 =	vld [tilespmem:s30+$0x20];
	v32 =	vand.u32 $0x80000000, v32;
	v23 =	vsub.f32 v23, v57;
	v21 =	vsub.f32 v21, v58  }
0xfb: {  	vm2 =	veq.f32 v18, $2.240000000e+02;
	v7 =	vor.u32 v13, v8;
	v40 =	vand.u32 $0x7FFFFFFF, v33  }
0xfc: {  	v55 =	vadd.f32 s1, v6;
	v62 =	vfloor.f32 v62;
	v33 =	vand.u32 $0x80000000, v33  }
0xfd: {  	v26 =	vsub.f32 v26, v59;
	v18 =	vsel vm2, $0x0, v18;
	v4 =	vsel vm10, v11, v4  }
0xfe: {  	v5 =	vadd.f32 $2.240000000e+02, v7;
	vm11 =	vlt.f32 v7, $0.0e+00;
	v41 =	vand.u32 $0x7FFFFFFF, v34  }
0xff: {  	[tilespmem:$0x1FEE0] =	vst v2;
	v9 =	vld [tilespmem:s30+$0x40];
	v0 =	vadd.f32 s1, v3;
	v2 =	vadd.f32 s1, v10;
	v63 =	vfloor.f32 v63  }
0x100: {  	v34 =	vand.u32 $0x80000000, v34;
	v56 =	vmul.f32 $2.240000000e+02, v62;
	vm3 =	veq.f32 v23, $2.240000000e+02  }
0x101: {  	vm4 =	veq.f32 v21, $2.240000000e+02;
	v18 =	vand.u32 $0x7FFFFFFF, v18;
	v4 =	vtrunc.f32 v4  }
0x102: {  	v8 =	vld [tilespmem:s30+$0x60];
	vm5 =	veq.f32 v26, $2.240000000e+02;
	v23 =	vsel vm3, $0x0, v23;
	v21 =	vsel vm4, $0x0, v21  }
0x103: {  	v13 =	vld [tilespmem:s30+$0x80];
	v18 =	vor.u32 v22, v18;
	v4 =	vcvt.f32.s32 v4;
	v5 =	vsel vm11, v5, v7  }
0x104: {  	v12 =	vld [tilespmem:s30+$0x30];
	v3 =	vadd.f32 s1, v9;
	v42 =	vsub.f32 v42, v56;
	v26 =	vsel vm5, $0x0, v26  }
0x105: {  	v14 =	vld [tilespmem:s30+$0x50];
	v23 =	vand.u32 $0x7FFFFFFF, v23;
	v21 =	vand.u32 $0x7FFFFFFF, v21;
	v5 =	vtrunc.f32 v5  }
0x106: {  	v36 =	vld [tilespmem:s30+$0x90];
	v26 =	vand.u32 $0x7FFFFFFF, v26;
	vm12 =	vlt.s32 v4, $0xDF;
	v5 =	vcvt.f32.s32 v5  }
0x107: {  	v11 =	vld [tilespmem:s30+$0x70];
	[tilespmem:$0x1FF40] =	vst v3;
	v6 =	vadd.f32 s1, v8;
	v51 =	vand.u32 $0x7FFFFFFF, v3;
	v3 =	vfloor.f32 v16  }
0x108: {  	v44 =	vld [tilespmem:s30+$0xB0];
	v8 =	vadd.f32 s1, v13;
	v4 =	vnsel vm12, $0xDF, v4;
	v3 =	vmul.f32 $2.240000000e+02, v3  }
0x109: {  	vm13 =	vlt.s32 v5, $0xDF;
	v7 =	vmul.u32 $0xE0, v4;
	v4 =	vadd.f32 s1, v12  }
0x10a: {  	[tilespmem:$0x1FF60] =	vst v6;
	v53 =	vand.u32 $0x7FFFFFFF, v6;
	v48 =	vand.u32 $0x7FFFFFFF, v8;
	v6 =	vand.u32 $0x80000000, v15  }
0x10b: {  	v43 =	vld [tilespmem:s30+$0xA0];
	[tilespmem:$0x1FF80] =	vst v8;
	v8 =	vmul.f32 v51, v1;
	v10 =	vnsel vm13, $0xDF, v5;
	v5 =	vadd.f32 s1, v14  }
0x10c: {  	[tilespmem:$0x1FEF0] =	vst v6;
	v6 =	vand.u32 $0x80000000, v20;
	v9 =	vadd.s32 v10, v7;
	v7 =	vadd.f32 s1, v11  }
0x10d: {  	v17 =	vmul.f32 v48, v1;
	v10 =	vadd.f32 s1, v36;
	v11 =	vadd.f32 s1, v44  }
0x10e: {  	[tilespmem:$0x1FF20] =	vst v2;
	v36 =	vand.u32 $0x7FFFFFFF, v55;
	v44 =	vand.u32 $0x7FFFFFFF, v2;
	v2 =	vmul.f32 v39, v1  }
0x10f: {  	[tilespmem:$0x1FF30] =	vst v4;
	v49 =	vand.u32 $0x7FFFFFFF, v4;
	v4 =	vfloor.f32 v47;
	v8 =	vfloor.f32 v8  }
0x110: {  	[tilespmem:$0x1FF10] =	vst v0;
	v12 =	vadd.s32 $0x24C00, v9;
	v9 =	vadd.f32 s1, v43;
	v43 =	vand.u32 $0x7FFFFFFF, v0  }
0x111: {  	v45 =	vld [tilespmem:s30+$0xC0];
	[tilespmem:$0x1FF50] =	vst v5;
	v0 =	vmul.f32 v40, v1;
	v52 =	vand.u32 $0x7FFFFFFF, v5;
	v5 =	vmul.f32 v41, v1  }
0x112: {  	v21 =	vor.u32 v25, v21;
	[tilespmem:$0x1FF00] =	vst v6;
	v15 =	vmul.f32 v36, v1;
	v6 =	vmul.f32 v44, v1  }
0x113: {  	vm7 =	veq.f32 v42, $2.240000000e+02;
	v4 =	vmul.f32 $2.240000000e+02, v4;
	v17 =	vfloor.f32 v17  }
0x114: {  	v8 =	vmul.f32 $2.240000000e+02, v8;
	[tilespmem:$0x1FF70] =	vst v7;
	v54 =	vand.u32 $0x7FFFFFFF, v7;
	v2 =	vfloor.f32 v2  }
0x115: {  	[tilespmem:$0x1FF90] =	vst v10;
	v50 =	vand.u32 $0x7FFFFFFF, v10;
	v7 =	vmul.f32 v49, v1;
	v10 =	vmul.f32 v53, v1  }
0x116: {  	[tilespmem:s30+$0x31D0] =	vst v12;
	v12 =	vadd.f32 s1, v45;
	v17 =	vmul.f32 $2.240000000e+02, v17;
	v0 =	vfloor.f32 v0  }
0x117: {  	[tilespmem:$0x1FFB0] =	vst v11;
	v46 =	vand.u32 $0x7FFFFFFF, v11;
	v16 =	vfloor.f32 v5;
	v5 =	vmul.f32 v43, v1  }
0x118: {  	[tilespmem:$0x1FFA0] =	vst v9;
	v45 =	vand.u32 $0x7FFFFFFF, v9;
	v9 =	vmul.f32 v52, v1;
	v11 =	vmul.f32 v54, v1  }
0x119: {  	v22 =	vor.u32 v27, v26;
	v20 =	vmul.f32 v50, v1;
	v13 =	vmul.f32 v46, v1  }
0x11a: {  	v4 =	vsub.f32 v19, v4;
	v19 =	vmul.f32 $2.240000000e+02, v60;
	v60 =	vmul.f32 $2.240000000e+02, v61  }
0x11b: {  	vm2 =	vlt.f32 v21, $0.0e+00;
	v61 =	vmul.f32 $2.240000000e+02, v63;
	v2 =	vmul.f32 $2.240000000e+02, v2  }
0x11c: {  	v55 =	vand.u32 $0x80000000, v55;
	v15 =	vfloor.f32 v15;
	v6 =	vfloor.f32 v6  }
0x11d: {  	[tilespmem:$0x1FFC0] =	vst v12;
	v47 =	vand.u32 $0x7FFFFFFF, v12;
	v12 =	vmul.f32 v45, v1;
	v0 =	vmul.f32 $2.240000000e+02, v0  }
0x11e: {  	v8 =	vsub.f32 v51, v8;
	v7 =	vfloor.f32 v7;
	v10 =	vfloor.f32 v10  }
0x11f: {  	v15 =	vmul.f32 $2.240000000e+02, v15;
	v6 =	vmul.f32 $2.240000000e+02, v6;
	v17 =	vsub.f32 v48, v17  }
0x120: {  	v48 =	vsel vm7, $0x0, v42;
	v14 =	vmul.f32 v47, v1;
	v5 =	vfloor.f32 v5  }
0x121: {  	v19 =	vsub.f32 v35, v19;
	v9 =	vfloor.f32 v9;
	v59 =	vsub.f32 v37, v60  }
0x122: {  	v11 =	vfloor.f32 v11;
	v38 =	vsub.f32 v38, v61;
	v2 =	vsub.f32 v39, v2  }
0x123: {  	v56 =	vld [tilespmem:$0x1FF60];
	v13 =	vfloor.f32 v13;
	vm1 =	veq.f32 v4, $2.240000000e+02;
	v7 =	vmul.f32 $2.240000000e+02, v7  }
0x124: {  	v10 =	vmul.f32 $2.240000000e+02, v10;
	vm4 =	veq.f32 v8, $2.240000000e+02;
	v12 =	vfloor.f32 v12  }
0x125: {  	v0 =	vsub.f32 v40, v0;
	v5 =	vmul.f32 $2.240000000e+02, v5;
	v9 =	vmul.f32 $2.240000000e+02, v9  }
0x126: {  	v11 =	vmul.f32 $2.240000000e+02, v11;
	v13 =	vmul.f32 $2.240000000e+02, v13;
	v15 =	vsub.f32 v36, v15  }
0x127: {  	v6 =	vsub.f32 v44, v6;
	v4 =	vsel vm1, $0x0, v4;
	v36 =	vand.u32 $0x7FFFFFFF, v48  }
0x128: {  	v8 =	vsel vm4, $0x0, v8;
	v44 =	vand.u32 $0x80000000, v56;
	v14 =	vfloor.f32 v14  }
0x129: {  	v12 =	vmul.f32 $2.240000000e+02, v12;
	vm11 =	veq.f32 v19, $2.240000000e+02;
	vm6 =	veq.f32 v59, $2.240000000e+02  }
0x12a: {  	v51 =	vld [tilespmem:$0x1FF20];
	vm10 =	veq.f32 v38, $2.240000000e+02;
	vm8 =	veq.f32 v2, $2.240000000e+02;
	v7 =	vsub.f32 v49, v7  }
0x12b: {  	v58 =	vld [tilespmem:$0x1FF80];
	v10 =	vsub.f32 v53, v10;
	v4 =	vand.u32 $0x7FFFFFFF, v4;
	v8 =	vand.u32 $0x7FFFFFFF, v8  }
0x12c: {  	v14 =	vmul.f32 $2.240000000e+02, v14;
	v5 =	vsub.f32 v43, v5;
	v9 =	vsub.f32 v52, v9  }
0x12d: {  	v57 =	vld [tilespmem:$0x1FF70];
	vm9 =	veq.f32 v0, $2.240000000e+02;
	v11 =	vsub.f32 v54, v11;
	v13 =	vsub.f32 v46, v13  }
0x12e: {  	v62 =	vld [tilespmem:$0x1FFB0];
	v19 =	vsel vm11, $0x0, v19;
	v35 =	vsel vm6, $0x0, v59;
	v49 =	vsel vm10, $0x0, v38  }
0x12f: {  	v1 =	vld [tilespmem:$0x1FEE0];
	v2 =	vsel vm8, $0x0, v2;
	vm11 =	veq.f32 v17, $2.240000000e+02;
	v40 =	vand.u32 $0x80000000, v51  }
0x130: {  	v46 =	vand.u32 $0x80000000, v58;
	v12 =	vsub.f32 v45, v12;
	v0 =	vsel vm9, $0x0, v0  }
0x131: {  	v19 =	vand.u32 $0x7FFFFFFF, v19;
	v35 =	vand.u32 $0x7FFFFFFF, v35;
	v37 =	vand.u32 $0x7FFFFFFF, v49  }
0x132: {  	v2 =	vand.u32 $0x7FFFFFFF, v2;
	vm9 =	veq.f32 v6, $2.240000000e+02;
	vm3 =	veq.f32 v7, $2.240000000e+02  }
0x133: {  	vm5 =	veq.f32 v10, $2.240000000e+02;
	v17 =	vsel vm11, $0x0, v17;
	v45 =	vand.u32 $0x80000000, v57  }
0x134: {  	v49 =	vand.u32 $0x80000000, v62;
	v3 =	vsub.f32 v1, v3;
	v1 =	vmul.f32 $2.240000000e+02, v16  }
0x135: {  	v60 =	vld [tilespmem:$0x1FFA0];
	v16 =	vfloor.f32 v20;
	v14 =	vsub.f32 v47, v14;
	v0 =	vand.u32 $0x7FFFFFFF, v0  }
0x136: {  	vm1 =	veq.f32 v5, $2.240000000e+02;
	vm10 =	veq.f32 v9, $2.240000000e+02;
	vm6 =	veq.f32 v11, $2.240000000e+02  }
0x137: {  	v19 =	vor.u32 v28, v19;
	v25 =	vor.u32 v31, v37;
	v2 =	vor.u32 v32, v2  }
0x138: {  	v6 =	vsel vm9, $0x0, v6;
	v7 =	vsel vm3, $0x0, v7;
	v10 =	vsel vm5, $0x0, v10  }
0x139: {  	v28 =	vadd.f32 $2.240000000e+02, v18;
	v31 =	vadd.f32 $2.240000000e+02, v22;
	v17 =	vand.u32 $0x7FFFFFFF, v17  }
0x13a: {  	v48 =	vand.u32 $0x80000000, v60;
	vm3 =	vlt.f32 v22, $0.0e+00;
	v16 =	vmul.f32 $2.240000000e+02, v16  }
0x13b: {  	vm8 =	veq.f32 v12, $2.240000000e+02;
	v0 =	vor.u32 v33, v0;
	v5 =	vsel vm1, $0x0, v5  }
0x13c: {  	v9 =	vsel vm10, $0x0, v9;
	v11 =	vsel vm6, $0x0, v11;
	v6 =	vand.u32 $0x7FFFFFFF, v6  }
0x13d: {  	v53 =	vld [tilespmem:$0x1FF40];
	v32 =	vadd.f32 $2.240000000e+02, v19;
	v7 =	vand.u32 $0x7FFFFFFF, v7;
	v10 =	vand.u32 $0x7FFFFFFF, v10  }
0x13e: {  	vm1 =	vlt.f32 v18, $0.0e+00;
	vm9 =	vlt.f32 v19, $0.0e+00;
	vm10 =	vlt.f32 v25, $0.0e+00  }
0x13f: {  	v52 =	vld [tilespmem:$0x1FF30];
	vm6 =	vlt.f32 v2, $0.0e+00;
	v17 =	vor.u32 v46, v17;
	v1 =	vsub.f32 v41, v1  }
0x140: {  	v54 =	vld [tilespmem:$0x1FF50];
	vm0 =	veq.f32 v3, $2.240000000e+02;
	vm14 =	veq.f32 v14, $2.240000000e+02;
	v12 =	vsel vm8, $0x0, v12  }
0x141: {  	v59 =	vld [tilespmem:$0x1FF90];
	v5 =	vand.u32 $0x7FFFFFFF, v5;
	v37 =	vadd.f32 $2.240000000e+02, v0;
	v9 =	vand.u32 $0x7FFFFFFF, v9  }
0x142: {  	v11 =	vand.u32 $0x7FFFFFFF, v11;
	v42 =	vand.u32 $0x80000000, v53;
	v6 =	vor.u32 v40, v6  }
0x143: {  	v10 =	vor.u32 v44, v10;
	v18 =	vsel vm1, v28, v18;
	v22 =	vsel vm3, v31, v22  }
0x144: {  	v3 =	vsel vm0, $0x0, v3;
	v16 =	vsub.f32 v50, v16;
	vm0 =	veq.f32 v15, $2.240000000e+02  }
0x145: {  	v14 =	vsel vm14, $0x0, v14;
	v12 =	vand.u32 $0x7FFFFFFF, v12;
	v41 =	vand.u32 $0x80000000, v52  }
0x146: {  	v43 =	vand.u32 $0x80000000, v54;
	v47 =	vand.u32 $0x80000000, v59;
	v8 =	vor.u32 v42, v8  }
0x147: {  	v11 =	vor.u32 v45, v11;
	v19 =	vsel vm9, v32, v19;
	v42 =	vadd.f32 $2.240000000e+02, v6  }
0x148: {  	v18 =	vtrunc.f32 v18;
	v46 =	vadd.f32 $2.240000000e+02, v10;
	v22 =	vtrunc.f32 v22  }
0x149: {  	v20 =	vld [tilespmem:$0x1FEF0];
	vm9 =	vlt.f32 v6, $0.0e+00;
	vm12 =	veq.f32 v1, $2.240000000e+02;
	v3 =	vand.u32 $0x7FFFFFFF, v3  }
0x14a: {  	v15 =	vsel vm0, $0x0, v15;
	v14 =	vand.u32 $0x7FFFFFFF, v14;
	v7 =	vor.u32 v41, v7  }
0x14b: {  	v9 =	vor.u32 v43, v9;
	v12 =	vor.u32 v48, v12;
	v44 =	vadd.f32 $2.240000000e+02, v8  }
0x14c: {  	v48 =	vadd.f32 $2.240000000e+02, v17;
	v19 =	vtrunc.f32 v19;
	v18 =	vcvt.f32.s32 v18  }
0x14d: {  	v22 =	vcvt.f32.s32 v22;
	v1 =	vsel vm12, $0x0, v1;
	vm7 =	veq.f32 v16, $2.240000000e+02  }
0x14e: {  	v3 =	vor.u32 v20, v3;
	vm12 =	veq.f32 v13, $2.240000000e+02;
	v15 =	vand.u32 $0x7FFFFFFF, v15  }
0x14f: {  	v43 =	vadd.f32 $2.240000000e+02, v7;
	v45 =	vadd.f32 $2.240000000e+02, v9;
	vm15 =	vlt.f32 v12, $0.0e+00  }
0x150: {  	v63 =	vld [tilespmem:$0x1FFC0];
	v6 =	vsel vm9, v42, v6;
	v19 =	vcvt.f32.s32 v19;
	v1 =	vand.u32 $0x7FFFFFFF, v1  }
0x151: {  	v50 =	vld [tilespmem:$0x1FF10];
	v16 =	vsel vm7, $0x0, v16;
	v13 =	vsel vm12, $0x0, v13;
	v26 =	vadd.f32 $2.240000000e+02, v3  }
0x152: {  	vm11 =	vlt.f32 v3, $0.0e+00;
	vm7 =	vlt.f32 v0, $0.0e+00;
	v15 =	vor.u32 v55, v15  }
0x153: {  	v6 =	vtrunc.f32 v6;
	v1 =	vor.u32 v34, v1;
	v16 =	vand.u32 $0x7FFFFFFF, v16  }
0x154: {  	v13 =	vand.u32 $0x7FFFFFFF, v13;
	v0 =	vsel vm7, v37, v0;
	v40 =	vadd.f32 $2.240000000e+02, v15  }
0x155: {  	vm7 =	vlt.f32 v15, $0.0e+00;
	v6 =	vcvt.f32.s32 v6;
	v38 =	vadd.f32 $2.240000000e+02, v1  }
0x156: {  	v39 =	vand.u32 $0x80000000, v50;
	v50 =	vand.u32 $0x80000000, v63;
	vm12 =	vlt.f32 v1, $0.0e+00  }
0x157: {  	v16 =	vor.u32 v47, v16;
	v3 =	vsel vm11, v26, v3;
	v13 =	vor.u32 v49, v13  }
0x158: {  	v20 =	vld [tilespmem:$0x1FF00];
	v47 =	vadd.f32 $2.240000000e+02, v11;
	v0 =	vtrunc.f32 v0;
	vm11 =	vlt.f32 v8, $0.0e+00  }
0x159: {  	v5 =	vor.u32 v39, v5;
	v14 =	vor.u32 v50, v14;
	v49 =	vadd.f32 $2.240000000e+02, v16  }
0x15a: {  	v3 =	vtrunc.f32 v3;
	v50 =	vadd.f32 $2.240000000e+02, v12;
	v51 =	vadd.f32 $2.240000000e+02, v13  }
0x15b: {  	vm3 =	vlt.f32 v16, $0.0e+00;
	vm13 =	vlt.f32 v13, $0.0e+00;
	v15 =	vsel vm7, v40, v15  }
0x15c: {  	v8 =	vsel vm11, v44, v8;
	v0 =	vcvt.f32.s32 v0;
	vm11 =	vlt.s32 v19, $0xDF  }
0x15d: {  	v4 =	vor.u32 v20, v4;
	v20 =	vor.u32 v24, v23;
	v23 =	vor.u32 v29, v35  }
0x15e: {  	v24 =	vor.u32 v30, v36;
	v30 =	vadd.f32 $2.240000000e+02, v21;
	v35 =	vadd.f32 $2.240000000e+02, v25  }
0x15f: {  	v36 =	vadd.f32 $2.240000000e+02, v2;
	v1 =	vsel vm12, v38, v1;
	v41 =	vadd.f32 $2.240000000e+02, v5  }
0x160: {  	v52 =	vadd.f32 $2.240000000e+02, v14;
	vm12 =	vlt.f32 v9, $0.0e+00;
	vm14 =	vlt.f32 v14, $0.0e+00  }
0x161: {  	v3 =	vcvt.f32.s32 v3;
	v15 =	vtrunc.f32 v15;
	v27 =	vadd.f32 $2.240000000e+02, v4  }
0x162: {  	v8 =	vtrunc.f32 v8;
	v29 =	vadd.f32 $2.240000000e+02, v20;
	v33 =	vadd.f32 $2.240000000e+02, v23  }
0x163: {  	v34 =	vadd.f32 $2.240000000e+02, v24;
	vm0 =	vlt.f32 v4, $0.0e+00;
	vm8 =	vlt.f32 v20, $0.0e+00  }
0x164: {  	vm4 =	vlt.f32 v23, $0.0e+00;
	vm5 =	vlt.f32 v24, $0.0e+00;
	v1 =	vtrunc.f32 v1  }
0x165: {  	v9 =	vsel vm12, v45, v9;
	v16 =	vsel vm3, v49, v16;
	v12 =	vsel vm15, v50, v12  }
0x166: {  	v13 =	vsel vm13, v51, v13;
	vm9 =	vlt.s32 v0, $0xDF;
	v53 =	vcvt.f32.s32 v15  }
0x167: {  	v8 =	vcvt.f32.s32 v8;
	v21 =	vsel vm2, v30, v21;
	v25 =	vsel vm10, v35, v25  }
0x168: {  	v2 =	vsel vm6, v36, v2;
	vm10 =	vlt.f32 v7, $0.0e+00;
	vm6 =	vlt.f32 v11, $0.0e+00  }
0x169: {  	vm2 =	vlt.f32 v17, $0.0e+00;
	v1 =	vcvt.f32.s32 v1;
	v9 =	vtrunc.f32 v9  }
0x16a: {  	v14 =	vsel vm14, v52, v14;
	v16 =	vtrunc.f32 v16;
	v12 =	vtrunc.f32 v12  }
0x16b: {  	v13 =	vtrunc.f32 v13;
	v0 =	vnsel vm9, $0xDF, v0;
	v4 =	vsel vm0, v27, v4  }
0x16c: {  	v20 =	vsel vm8, v29, v20;
	v23 =	vsel vm4, v33, v23;
	v24 =	vsel vm5, v34, v24  }
0x16d: {  	v21 =	vtrunc.f32 v21;
	v25 =	vtrunc.f32 v25;
	vm8 =	vlt.f32 v5, $0.0e+00  }
0x16e: {  	v2 =	vtrunc.f32 v2;
	vm4 =	vlt.f32 v10, $0.0e+00;
	v7 =	vsel vm10, v43, v7  }
0x16f: {  	v11 =	vsel vm6, v47, v11;
	v17 =	vsel vm2, v48, v17;
	v14 =	vtrunc.f32 v14  }
0x170: {  	vm0 =	vlt.s32 v3, $0xDF;
	v9 =	vcvt.f32.s32 v9;
	v16 =	vcvt.f32.s32 v16  }
0x171: {  	vm2 =	vlt.s32 v18, $0xDF;
	v55 =	vcvt.f32.s32 v12;
	v56 =	vcvt.f32.s32 v13  }
0x172: {  	vm5 =	vlt.s32 v22, $0xDF;
	v4 =	vtrunc.f32 v4;
	v20 =	vtrunc.f32 v20  }
0x173: {  	v13 =	vnsel vm11, $0xDF, v19;
	v23 =	vtrunc.f32 v23;
	v24 =	vtrunc.f32 v24  }
0x174: {  	vm15 =	vlt.s32 v53, $0xDF;
	v21 =	vcvt.f32.s32 v21;
	v25 =	vcvt.f32.s32 v25  }
0x175: {  	v5 =	vsel vm8, v41, v5;
	v2 =	vcvt.f32.s32 v2;
	v7 =	vtrunc.f32 v7  }
0x176: {  	v10 =	vsel vm4, v46, v10;
	v11 =	vtrunc.f32 v11;
	v17 =	vtrunc.f32 v17  }
0x177: {  	vm12 =	vlt.s32 v1, $0xDF;
	v57 =	vcvt.f32.s32 v14;
	v4 =	vcvt.f32.s32 v4  }
0x178: {  	v3 =	vnsel vm0, $0xDF, v3;
	v20 =	vcvt.f32.s32 v20;
	v23 =	vcvt.f32.s32 v23  }
0x179: {  	v15 =	vnsel vm2, $0xDF, v18;
	v24 =	vcvt.f32.s32 v24;
	v5 =	vtrunc.f32 v5  }
0x17a: {  	v12 =	vnsel vm5, $0xDF, v22;
	v10 =	vtrunc.f32 v10;
	v7 =	vcvt.f32.s32 v7  }
0x17b: {  	vm2 =	vlt.s32 v6, $0xDF;
	v54 =	vcvt.f32.s32 v11;
	v17 =	vcvt.f32.s32 v17  }
0x17c: {  	v1 =	vnsel vm12, $0xDF, v1;
	v59 =	vmul.u32 $0xE0, v15;
	v63 =	vmul.u32 $0xE0, v12  }
0x17d: {  	v15 =	vmul.u32 $0xE0, v13;
	v12 =	vmul.u32 $0xE0, v0;
	vm5 =	vlt.s32 v9, $0xDF  }
0x17e: {  	vm12 =	vlt.s32 v16, $0xDF;
	vm13 =	vlt.s32 v55, $0xDF;
	v0 =	vnsel vm15, $0xDF, v53  }
0x17f: {  	vm14 =	vlt.s32 v56, $0xDF;
	vm4 =	vlt.s32 v21, $0xDF;
	vm10 =	vlt.s32 v25, $0xDF  }
0x180: {  	vm8 =	vlt.s32 v2, $0xDF;
	v5 =	vcvt.f32.s32 v5;
	v18 =	vcvt.f32.s32 v10  }
0x181: {  	vm15 =	vlt.s32 v57, $0xDF;
	v9 =	vnsel vm5, $0xDF, v9;
	vm1 =	vlt.s32 v4, $0xDF  }
0x182: {  	vm3 =	vlt.s32 v20, $0xDF;
	vm6 =	vlt.s32 v23, $0xDF;
	vm7 =	vlt.s32 v24, $0xDF  }
0x183: {  	v11 =	vnsel vm4, $0xDF, v21;
	v2 =	vnsel vm8, $0xDF, v2;
	vm4 =	vlt.s32 v8, $0xDF  }
0x184: {  	vm8 =	vlt.s32 v17, $0xDF;
	v9 =	vadd.s32 v9, v63;
	v4 =	vnsel vm1, $0xDF, v4  }
0x185: {  	v10 =	vnsel vm3, $0xDF, v20;
	v14 =	vnsel vm6, $0xDF, v23;
	v19 =	vnsel vm7, $0xDF, v24  }
0x186: {  	v20 =	vnsel vm10, $0xDF, v25;
	v23 =	vmul.u32 $0xE0, v3;
	v62 =	vmul.u32 $0xE0, v11  }
0x187: {  	v11 =	vmul.u32 $0xE0, v2;
	vm1 =	vlt.s32 v5, $0xDF;
	v3 =	vmul.u32 $0xE0, v1  }
0x188: {  	vm3 =	vlt.s32 v7, $0xDF;
	vm6 =	vlt.s32 v18, $0xDF;
	vm7 =	vlt.s32 v54, $0xDF  }
0x189: {  	v2 =	vnsel vm2, $0xDF, v6;
	v8 =	vnsel vm4, $0xDF, v8;
	v22 =	vnsel vm8, $0xDF, v17  }
0x18a: {  	p0 =	sne.s32 s28, $0x5E80;
	v17 =	vnsel vm12, $0xDF, v16;
	v16 =	vnsel vm15, $0xDF, v57;
	v58 =	vmul.u32 $0xE0, v4  }
.Ltmp0:
0x18b: {  	v60 =	vmul.u32 $0xE0, v10;
	v13 =	vmul.u32 $0xE0, v14;
	v14 =	vmul.u32 $0xE0, v19;
	(pc) =	sbr.rel @p0 .LBB2_2-.Ltmp0, $4  }
0x18c: {  	v10 =	vmul.u32 $0xE0, v20;
	v1 =	vnsel vm1, $0xDF, v5;
	v7 =	vnsel vm3, $0xDF, v7  }
0x18d: {  	v20 =	vnsel vm6, $0xDF, v18;
	v21 =	vnsel vm7, $0xDF, v54;
	v18 =	vnsel vm13, $0xDF, v55  }
0x18e: {  	v19 =	vnsel vm14, $0xDF, v56;
	v5 =	vadd.s32 v2, v59;
	v4 =	vadd.s32 v0, v23  }
0x18f: {  	s22 =	sshra.s32 s28, $0x2;
	s28 =	sadd.s32 $0x380, s28;
	v61 =	vld [tilespmem:$0x1FFF0];
	v8 =	vadd.s32 v8, v62;
	v6 =	vadd.s32 v1, v58;
	v7 =	vadd.s32 v7, v60  }
0x190: {  	v0 =	vld [tilespmem:s22+$0x1950]  }
0x191: {  	v2 =	vld [tilespmem:s22+$0xD0]  }
0x192: {  	v1 =	vld [tilespmem:s22+$0x1880];
	v55 =	vadd.s32 $0x24C00, v6;
	v57 =	vadd.s32 $0x24C00, v5;
	v59 =	vadd.s32 $0x24C00, v7  }
0x193: {  	v15 =	vadd.s32 v20, v15;
	v62 =	vadd.s32 v22, v14;
	v8 =	vadd.s32 $0x24C00, v8;
	s1 =	sadd.s32 $0x1, s3;
	v26 =	vld [tilespmem:$0x1FFD0]  }
0x194: {  	v23 =	vld [tilespmem:s22+$0x1890];
	v10 =	vadd.s32 v17, v10;
	v11 =	vadd.s32 v18, v11;
	v12 =	vadd.s32 v19, v12;
	s3 =	scvt.s32.f32 s1  }
0x195: {  	v3 =	vadd.s32 v16, v3;
	v34 =	vadd.s32 $0x24C00, v9;
	v35 =	vadd.s32 $0x24C00, v15  }
0x196: {  	v37 =	vadd.s32 $0x24C00, v10;
	v4 =	vadd.s32 v61, v4;
	v27 =	vadd.f32 s3, v2;
	v2 =	vld [tilespmem:$0x1FFE0]  }
0x197: {  	v38 =	vadd.s32 $0x24C00, v11;
	v12 =	vadd.s32 $0x24C00, v12;
	v3 =	vadd.s32 $0x24C00, v3;
	[tilespmem:s30+$0x3100] =	vst v4  }
0x198: {  	v61 =	vadd.s32 v21, v13;
	v0 =	vadd.f32 v0, v26;
	v14 =	vadd.f32 v1, v26;
	v56 =	vld [tilespmem:s22+$0x18A0];
	[tilespmem:s30+$0x3110] =	vst v55  }
0x199: {  	v13 =	vadd.s32 $0x24C00, v62;
	v4 =	vadd.s32 $0x24C00, v61;
	v20 =	vadd.f32 v23, v26;
	v58 =	vld [tilespmem:s22+$0x18B0]  }
0x19a: {  	[tilespmem:s30+$0x3120] =	vst v57;
	v40 =	vand.u32 $0x7FFFFFFF, v0;
	v29 =	vand.u32 $0x7FFFFFFF, v14;
	v24 =	vand.u32 $0x7FFFFFFF, v27  }
0x19b: {  	v31 =	vand.u32 $0x7FFFFFFF, v20;
	v0 =	vand.u32 $0x80000000, v0;
	v60 =	vld [tilespmem:s22+$0x18C0];
	[tilespmem:s30+$0x3130] =	vst v59;
	v41 =	vmul.f32 v40, v2  }
0x19c: {  	v50 =	vand.u32 $0x80000000, v27;
	v14 =	vand.u32 $0x80000000, v14;
	v63 =	vld [tilespmem:s22+$0x18D0];
	[tilespmem:s30+$0x3140] =	vst v8;
	v44 =	vmul.f32 v24, v2  }
0x19d: {  	v36 =	vld [tilespmem:s22+$0x18E0];
	[tilespmem:s30+$0x3150] =	vst v34;
	v30 =	vmul.f32 v29, v2;
	v18 =	vadd.f32 v56, v26;
	v43 =	vfloor.f32 v41  }
0x19e: {  	v39 =	vld [tilespmem:s22+$0x18F0];
	[tilespmem:s30+$0x3160] =	vst v35;
	v22 =	vadd.f32 v58, v26;
	v6 =	vfloor.f32 v44;
	v58 =	vmul.f32 v31, v2  }
0x19f: {  	v20 =	vand.u32 $0x80000000, v20;
	v42 =	vld [tilespmem:s22+$0x1900];
	[tilespmem:s30+$0x3170] =	vst v4;
	v30 =	vfloor.f32 v30;
	v4 =	vmul.f32 $2.240000000e+02, v43  }
0x1a0: {  	v25 =	vadd.f32 v60, v26;
	v32 =	vand.u32 $0x7FFFFFFF, v18;
	v6 =	vmul.f32 $2.240000000e+02, v6  }
0x1a1: {  	v30 =	vmul.f32 $2.240000000e+02, v30;
	v18 =	vand.u32 $0x80000000, v18;
	v11 =	vadd.f32 v63, v26  }
0x1a2: {  	v33 =	vand.u32 $0x7FFFFFFF, v22;
	v59 =	vmul.f32 v32, v2;
	v4 =	vsub.f32 v40, v4  }
0x1a3: {  	v45 =	vld [tilespmem:s22+$0x1910];
	v19 =	vadd.f32 v36, v26;
	v34 =	vand.u32 $0x7FFFFFFF, v25;
	v48 =	vsub.f32 v24, v6  }
0x1a4: {  	[tilespmem:s30+$0x3180] =	vst v13;
	v60 =	vmul.f32 v33, v2;
	v30 =	vsub.f32 v29, v30;
	v23 =	vadd.f32 v39, v26  }
0x1a5: {  	v46 =	vld [tilespmem:s22+$0x1920];
	v35 =	vand.u32 $0x7FFFFFFF, v11;
	v61 =	vmul.f32 v34, v2;
	v11 =	vand.u32 $0x80000000, v11  }
0x1a6: {  	vm0 =	veq.f32 v4, $2.240000000e+02;
	v10 =	vadd.f32 v42, v26;
	vm7 =	veq.f32 v48, $2.240000000e+02  }
0x1a7: {  	[tilespmem:s30+$0x3190] =	vst v37;
	v36 =	vand.u32 $0x7FFFFFFF, v19;
	v62 =	vmul.f32 v35, v2;
	vm12 =	veq.f32 v30, $2.240000000e+02  }
0x1a8: {  	v47 =	vld [tilespmem:s22+$0x1930];
	v19 =	vand.u32 $0x80000000, v19;
	v4 =	vsel vm0, $0x0, v4;
	v15 =	vadd.f32 v45, v26  }
0x1a9: {  	[tilespmem:s30+$0x31A0] =	vst v38;
	v1 =	vsel vm7, $0x0, v48;
	v37 =	vand.u32 $0x7FFFFFFF, v23;
	v30 =	vsel vm12, $0x0, v30  }
0x1aa: {  	v49 =	vld [tilespmem:s22+$0x1940];
	[tilespmem:s30+$0x31B0] =	vst v12;
	v4 =	vand.u32 $0x7FFFFFFF, v4;
	v21 =	vadd.f32 v46, v26;
	v1 =	vand.u32 $0x7FFFFFFF, v1  }
0x1ab: {  	v8 =	vld [tilespmem:s22+$0x0];
	[tilespmem:s30+$0x31C0] =	vst v3;
	v38 =	vand.u32 $0x7FFFFFFF, v10;
	v46 =	vmul.f32 v36, v2;
	v63 =	vmul.f32 v37, v2  }
0x1ac: {  	v3 =	vld [tilespmem:s22+$0x10];
	v30 =	vand.u32 $0x7FFFFFFF, v30;
	v10 =	vand.u32 $0x80000000, v10;
	v0 =	vor.u32 v0, v4  }
0x1ad: {  	v51 =	vld [tilespmem:s22+$0x20];
	v12 =	vadd.f32 v47, v26;
	v1 =	vor.u32 v50, v1;
	v39 =	vand.u32 $0x7FFFFFFF, v15  }
0x1ae: {  	v52 =	vld [tilespmem:s22+$0x30];
	v47 =	vmul.f32 v38, v2;
	v14 =	vor.u32 v14, v30;
	v15 =	vand.u32 $0x80000000, v15  }
0x1af: {  	v53 =	vld [tilespmem:s22+$0x40];
	v4 =	vadd.f32 $2.240000000e+02, v0;
	vm8 =	vlt.f32 v0, $0.0e+00;
	v16 =	vadd.f32 v49, v26  }
0x1b0: {  	v54 =	vld [tilespmem:s22+$0x50];
	v5 =	vadd.f32 $2.240000000e+02, v1;
	vm9 =	vlt.f32 v1, $0.0e+00;
	v40 =	vand.u32 $0x7FFFFFFF, v21  }
0x1b1: {  	v41 =	vld [tilespmem:s22+$0x70];
	v48 =	vmul.f32 v39, v2;
	v46 =	vfloor.f32 v46;
	v21 =	vand.u32 $0x80000000, v21  }
0x1b2: {  	v44 =	vld [tilespmem:s22+$0x80];
	v42 =	vand.u32 $0x7FFFFFFF, v12;
	v28 =	vadd.f32 s3, v8;
	v49 =	vmul.f32 v40, v2  }
0x1b3: {  	v45 =	vld [tilespmem:s22+$0x90];
	v47 =	vfloor.f32 v47;
	v12 =	vand.u32 $0x80000000, v12;
	v0 =	vsel vm8, v4, v0  }
0x1b4: {  	v55 =	vld [tilespmem:s22+$0x60];
	v1 =	vsel vm9, v5, v1;
	v26 =	vadd.f32 s3, v3;
	v27 =	vadd.f32 s3, v51  }
0x1b5: {  	v56 =	vld [tilespmem:s22+$0xA0];
	v43 =	vand.u32 $0x7FFFFFFF, v16;
	v24 =	vadd.f32 s3, v52;
	v13 =	vadd.f32 s3, v53  }
0x1b6: {  	v57 =	vld [tilespmem:s22+$0xB0];
	v17 =	vadd.f32 s3, v54;
	v7 =	vadd.f32 s3, v41;
	v51 =	vmul.f32 v42, v2  }
0x1b7: {  	v8 =	vadd.f32 s3, v44;
	v41 =	vfloor.f32 v60;
	v44 =	vfloor.f32 v61  }
0x1b8: {  	v5 =	vadd.f32 s3, v45;
	v45 =	vfloor.f32 v62;
	v3 =	vfloor.f32 v63  }
0x1b9: {  	v9 =	vadd.f32 s3, v55;
	v48 =	vfloor.f32 v48;
	v0 =	vtrunc.f32 v0  }
0x1ba: {  	v6 =	vadd.f32 s3, v56;
	v1 =	vtrunc.f32 v1;
	v52 =	vmul.f32 v43, v2  }
0x1bb: {  	v4 =	vadd.f32 s3, v57;
	v49 =	vfloor.f32 v49;
	v29 =	vmul.f32 $2.240000000e+02, v41  }
0x1bc: {  	v16 =	vand.u32 $0x80000000, v16;
	v41 =	vmul.f32 $2.240000000e+02, v44;
	v44 =	vmul.f32 $2.240000000e+02, v45  }
0x1bd: {  	v50 =	vand.u32 $0x7FFFFFFF, v28;
	v3 =	vmul.f32 $2.240000000e+02, v3;
	v0 =	vcvt.f32.s32 v0  }
0x1be: {  	v1 =	vcvt.f32.s32 v1;
	v53 =	vand.u32 $0x7FFFFFFF, v26;
	v54 =	vand.u32 $0x7FFFFFFF, v27  }
0x1bf: {  	v55 =	vand.u32 $0x7FFFFFFF, v24;
	v56 =	vand.u32 $0x7FFFFFFF, v13;
	v57 =	vand.u32 $0x7FFFFFFF, v17  }
0x1c0: {  	v51 =	vfloor.f32 v51;
	v60 =	vmul.f32 v50, v2;
	v61 =	vand.u32 $0x7FFFFFFF, v8  }
0x1c1: {  	v26 =	vand.u32 $0x80000000, v26;
	v27 =	vand.u32 $0x80000000, v27;
	v24 =	vand.u32 $0x80000000, v24  }
0x1c2: {  	v13 =	vand.u32 $0x80000000, v13;
	v17 =	vand.u32 $0x80000000, v17;
	v52 =	vfloor.f32 v52  }
0x1c3: {  	v8 =	vand.u32 $0x80000000, v8;
	v62 =	vmul.f32 v53, v2;
	v63 =	vmul.f32 v54, v2  }
0x1c4: {  	v33 =	vsub.f32 v33, v29;
	v45 =	vmul.f32 v57, v2;
	v34 =	vsub.f32 v34, v41  }
0x1c5: {  	v29 =	vmul.f32 $2.240000000e+02, v46;
	v35 =	vsub.f32 v35, v44;
	v44 =	vand.u32 $0x7FFFFFFF, v6  }
0x1c6: {  	[tilespmem:$0x1FEB0] =	vst v6;
	v46 =	vmul.f32 $2.240000000e+02, v47;
	v6 =	vsub.f32 v37, v3;
	vm10 =	vlt.s32 v0, $0xDF  }
0x1c7: {  	vm11 =	vlt.s32 v1, $0xDF;
	v3 =	vfloor.f32 v60;
	v52 =	vmul.f32 $2.240000000e+02, v52  }
0x1c8: {  	v60 =	vmul.f32 v44, v2;
	v0 =	vnsel vm10, $0xDF, v0;
	v1 =	vnsel vm11, $0xDF, v1  }
0x1c9: {  	v36 =	vsub.f32 v36, v29;
	v29 =	vmul.f32 $2.240000000e+02, v48;
	v48 =	vmul.f32 $2.240000000e+02, v49  }
0x1ca: {  	v37 =	vsub.f32 v38, v46;
	v46 =	vmul.f32 v61, v2;
	v62 =	vfloor.f32 v62  }
0x1cb: {  	v45 =	vfloor.f32 v45;
	vm14 =	veq.f32 v33, $2.240000000e+02;
	vm2 =	veq.f32 v34, $2.240000000e+02  }
0x1cc: {  	vm15 =	veq.f32 v35, $2.240000000e+02;
	vm5 =	veq.f32 v6, $2.240000000e+02;
	v0 =	vmul.u32 $0xE0, v0  }
0x1cd: {  	v43 =	vsub.f32 v43, v52;
	v52 =	vfloor.f32 v63;
	v62 =	vmul.f32 $2.240000000e+02, v62  }
0x1ce: {  	v45 =	vmul.f32 $2.240000000e+02, v45;
	v63 =	vand.u32 $0x80000000, v25;
	v39 =	vsub.f32 v39, v29  }
0x1cf: {  	v29 =	vmul.f32 $2.240000000e+02, v51;
	v40 =	vsub.f32 v40, v48;
	v48 =	vand.u32 $0x7FFFFFFF, v4  }
0x1d0: {  	[tilespmem:$0x1FEC0] =	vst v4;
	v51 =	vmul.f32 $2.240000000e+02, v3;
	v46 =	vfloor.f32 v46;
	v4 =	vsel vm14, $0x0, v33  }
0x1d1: {  	v33 =	vand.u32 $0x80000000, v23;
	vm4 =	veq.f32 v36, $2.240000000e+02;
	vm6 =	veq.f32 v37, $2.240000000e+02  }
0x1d2: {  	v0 =	vadd.s32 v1, v0;
	v1 =	vfloor.f32 v59;
	v59 =	vand.u32 $0x7FFFFFFF, v7  }
0x1d3: {  	[tilespmem:$0x1FEA0] =	vst v7;
	v7 =	vmul.f32 v55, v2;
	v45 =	vsub.f32 v57, v45;
	v57 =	vfloor.f32 v60  }
0x1d4: {  	v38 =	vld [tilespmem:s22+$0xC0];
	v46 =	vmul.f32 $2.240000000e+02, v46;
	v25 =	vand.u32 $0x7FFFFFFF, v4;
	v37 =	vsel vm6, $0x0, v37  }
0x1d5: {  	vm10 =	veq.f32 v43, $2.240000000e+02;
	[tilespmem:$0x1FED0] =	vst v0;
	v0 =	vfloor.f32 v58;
	v58 =	vand.u32 $0x7FFFFFFF, v9  }
0x1d6: {  	v1 =	vmul.f32 $2.240000000e+02, v1;
	v47 =	vmul.f32 v59, v2;
	v42 =	vsub.f32 v42, v29  }
0x1d7: {  	v29 =	vmul.f32 v48, v2;
	v50 =	vsub.f32 v50, v51;
	vm7 =	veq.f32 v39, $2.240000000e+02  }
0x1d8: {  	vm8 =	veq.f32 v40, $2.240000000e+02;
	v9 =	vand.u32 $0x80000000, v9;
	v0 =	vmul.f32 $2.240000000e+02, v0  }
0x1d9: {  	v41 =	vmul.f32 v58, v2;
	v38 =	vadd.f32 s3, v38;
	v3 =	vfloor.f32 v7  }
0x1da: {  	v7 =	vmul.f32 $2.240000000e+02, v52;
	v52 =	vsub.f32 v53, v62;
	v53 =	vmul.f32 $2.240000000e+02, v57  }
0x1db: {  	v46 =	vsub.f32 v61, v46;
	v62 =	vand.u32 $0x80000000, v22;
	v39 =	vsel vm7, $0x0, v39  }
0x1dc: {  	v40 =	vsel vm8, $0x0, v40;
	v1 =	vsub.f32 v32, v1;
	v32 =	vmul.f32 v56, v2  }
0x1dd: {  	v22 =	vand.u32 $0x7FFFFFFF, v37;
	v3 =	vmul.f32 $2.240000000e+02, v3;
	v47 =	vfloor.f32 v47  }
0x1de: {  	v29 =	vfloor.f32 v29;
	v10 =	vor.u32 v10, v22;
	vm9 =	veq.f32 v42, $2.240000000e+02  }
0x1df: {  	vm11 =	veq.f32 v50, $2.240000000e+02;
	v0 =	vsub.f32 v31, v0;
	v31 =	vand.u32 $0x7FFFFFFF, v5  }
0x1e0: {  	v51 =	vsub.f32 v54, v7;
	v41 =	vfloor.f32 v41;
	v47 =	vmul.f32 $2.240000000e+02, v47  }
0x1e1: {  	v29 =	vmul.f32 $2.240000000e+02, v29;
	v44 =	vsub.f32 v44, v53;
	v7 =	vsel vm2, $0x0, v34  }
0x1e2: {  	v34 =	vsel vm15, $0x0, v35;
	v35 =	vsel vm4, $0x0, v36;
	v36 =	vsel vm5, $0x0, v6  }
0x1e3: {  	v42 =	vsel vm9, $0x0, v42;
	v53 =	vsel vm11, $0x0, v50;
	v54 =	vand.u32 $0x80000000, v28  }
0x1e4: {  	vm12 =	veq.f32 v52, $2.240000000e+02;
	vm4 =	veq.f32 v45, $2.240000000e+02;
	vm7 =	veq.f32 v46, $2.240000000e+02  }
0x1e5: {  	v50 =	vadd.f32 $2.240000000e+02, v10;
	v49 =	vmul.f32 v31, v2;
	v32 =	vfloor.f32 v32  }
0x1e6: {  	v3 =	vsub.f32 v55, v3;
	v41 =	vmul.f32 $2.240000000e+02, v41;
	vm13 =	veq.f32 v1, $2.240000000e+02  }
0x1e7: {  	v30 =	vand.u32 $0x7FFFFFFF, v7;
	v23 =	vand.u32 $0x7FFFFFFF, v34;
	v22 =	vand.u32 $0x7FFFFFFF, v42  }
0x1e8: {  	v55 =	vsel vm12, $0x0, v52;
	vm12 =	vlt.f32 v14, $0.0e+00;
	v42 =	vand.u32 $0x80000000, v38  }
0x1e9: {  	v32 =	vmul.f32 $2.240000000e+02, v32;
	v47 =	vsub.f32 v59, v47;
	v29 =	vsub.f32 v48, v29  }
0x1ea: {  	v37 =	vld [tilespmem:$0x1FEC0];
	vm1 =	veq.f32 v0, $2.240000000e+02;
	v1 =	vsel vm13, $0x0, v1;
	v11 =	vor.u32 v11, v23  }
0x1eb: {  	v23 =	vand.u32 $0x7FFFFFFF, v39;
	v12 =	vor.u32 v12, v22;
	v22 =	vand.u32 $0x7FFFFFFF, v53  }
0x1ec: {  	vm13 =	veq.f32 v51, $2.240000000e+02;
	vm9 =	veq.f32 v44, $2.240000000e+02;
	v49 =	vfloor.f32 v49  }
0x1ed: {  	v41 =	vsub.f32 v58, v41;
	v58 =	vand.u32 $0x7FFFFFFF, v38;
	v0 =	vsel vm1, $0x0, v0  }
0x1ee: {  	v1 =	vand.u32 $0x7FFFFFFF, v1;
	v15 =	vor.u32 v15, v23;
	v22 =	vor.u32 v54, v22  }
0x1ef: {  	vm14 =	veq.f32 v3, $2.240000000e+02;
	v4 =	vand.u32 $0x80000000, v37;
	v54 =	vadd.f32 $2.240000000e+02, v12  }
0x1f0: {  	v32 =	vsub.f32 v56, v32;
	v49 =	vmul.f32 $2.240000000e+02, v49;
	v59 =	vmul.f32 v58, v2  }
0x1f1: {  	v0 =	vand.u32 $0x7FFFFFFF, v0;
	v1 =	vor.u32 v18, v1;
	v18 =	vor.u32 v62, v25  }
0x1f2: {  	v25 =	vand.u32 $0x7FFFFFFF, v35;
	v2 =	vand.u32 $0x7FFFFFFF, v36;
	v56 =	vsel vm13, $0x0, v51  }
0x1f3: {  	v3 =	vsel vm14, $0x0, v3;
	vm6 =	veq.f32 v47, $2.240000000e+02;
	v62 =	vsel vm7, $0x0, v46  }
0x1f4: {  	v35 =	vadd.f32 $2.240000000e+02, v14;
	v51 =	vadd.f32 $2.240000000e+02, v15;
	v0 =	vor.u32 v20, v0  }
0x1f5: {  	v20 =	vor.u32 v63, v30;
	v19 =	vor.u32 v19, v25;
	v2 =	vor.u32 v33, v2  }
0x1f6: {  	v25 =	vand.u32 $0x7FFFFFFF, v40;
	v3 =	vand.u32 $0x7FFFFFFF, v3;
	vm5 =	veq.f32 v41, $2.240000000e+02  }
0x1f7: {  	v30 =	vand.u32 $0x80000000, v5;
	vm14 =	vlt.f32 v1, $0.0e+00;
	v31 =	vsub.f32 v31, v49  }
0x1f8: {  	v60 =	vfloor.f32 v59;
	v21 =	vor.u32 v21, v25;
	v49 =	vsel vm10, $0x0, v43  }
0x1f9: {  	v25 =	vand.u32 $0x7FFFFFFF, v56;
	vm15 =	veq.f32 v32, $2.240000000e+02;
	v3 =	vor.u32 v24, v3  }
0x1fa: {  	v59 =	vsel vm5, $0x0, v41;
	vm10 =	veq.f32 v29, $2.240000000e+02;
	v14 =	vsel vm12, v35, v14  }
0x1fb: {  	v41 =	vadd.f32 $2.240000000e+02, v0;
	vm13 =	vlt.f32 v0, $0.0e+00;
	v46 =	vadd.f32 $2.240000000e+02, v20  }
0x1fc: {  	vm5 =	vlt.f32 v11, $0.0e+00;
	vm7 =	vlt.f32 v2, $0.0e+00;
	v48 =	vmul.f32 $2.240000000e+02, v60  }
0x1fd: {  	v23 =	vand.u32 $0x7FFFFFFF, v49;
	v25 =	vor.u32 v27, v25;
	v57 =	vsel vm15, $0x0, v32  }
0x1fe: {  	v60 =	vsel vm6, $0x0, v47;
	v34 =	vsel vm10, $0x0, v29;
	vm15 =	vlt.f32 v18, $0.0e+00  }
0x1ff: {  	v47 =	vadd.f32 $2.240000000e+02, v11;
	v49 =	vadd.f32 $2.240000000e+02, v2;
	vm6 =	vlt.f32 v19, $0.0e+00  }
0x200: {  	v52 =	vadd.f32 $2.240000000e+02, v21;
	vm10 =	vlt.f32 v21, $0.0e+00;
	v14 =	vtrunc.f32 v14  }
0x201: {  	v16 =	vor.u32 v16, v23;
	v23 =	vand.u32 $0x7FFFFFFF, v55;
	v24 =	vand.u32 $0x7FFFFFFF, v57  }
0x202: {  	vm8 =	veq.f32 v31, $2.240000000e+02;
	v36 =	vand.u32 $0x7FFFFFFF, v34;
	v0 =	vsel vm13, v41, v0  }
0x203: {  	vm13 =	vlt.f32 v22, $0.0e+00;
	v14 =	vcvt.f32.s32 v14;
	v48 =	vsub.f32 v58, v48  }
0x204: {  	v23 =	vor.u32 v26, v23;
	v58 =	vsel vm4, $0x0, v45;
	v13 =	vor.u32 v13, v24  }
0x205: {  	v24 =	vand.u32 $0x7FFFFFFF, v59;
	v28 =	vsel vm8, $0x0, v31;
	v31 =	vsel vm9, $0x0, v44  }
0x206: {  	v63 =	vld [tilespmem:$0x1FEA0];
	v40 =	vor.u32 v4, v36;
	v44 =	vadd.f32 $2.240000000e+02, v1;
	v45 =	vadd.f32 $2.240000000e+02, v18  }
0x207: {  	vm4 =	vlt.f32 v20, $0.0e+00;
	v11 =	vsel vm5, v47, v11;
	v2 =	vsel vm7, v49, v2  }
0x208: {  	vm8 =	vlt.f32 v10, $0.0e+00;
	vm9 =	vlt.f32 v15, $0.0e+00;
	v55 =	vsel vm10, v52, v21  }
0x209: {  	v56 =	vadd.f32 $2.240000000e+02, v16;
	vm12 =	vlt.f32 v16, $0.0e+00;
	v0 =	vtrunc.f32 v0  }
0x20a: {  	v26 =	vand.u32 $0x7FFFFFFF, v58;
	v9 =	vor.u32 v9, v24;
	v24 =	vand.u32 $0x7FFFFFFF, v60  }
0x20b: {  	v27 =	vand.u32 $0x80000000, v63;
	v7 =	vand.u32 $0x7FFFFFFF, v28;
	v6 =	vand.u32 $0x7FFFFFFF, v31  }
0x20c: {  	v20 =	vsel vm4, v46, v20;
	v10 =	vsel vm8, v50, v10;
	v58 =	vadd.f32 $2.240000000e+02, v22  }
0x20d: {  	v53 =	vsel vm9, v51, v15;
	v60 =	vadd.f32 $2.240000000e+02, v23;
	v63 =	vadd.f32 $2.240000000e+02, v3  }
0x20e: {  	vm4 =	vlt.f32 v3, $0.0e+00;
	vm5 =	vlt.f32 v13, $0.0e+00;
	v0 =	vcvt.f32.s32 v0  }
0x20f: {  	v38 =	vadd.f32 $2.240000000e+02, v40;
	v11 =	vtrunc.f32 v11;
	v2 =	vtrunc.f32 v2  }
0x210: {  	v32 =	vld [tilespmem:$0x1FEB0];
	v17 =	vor.u32 v17, v26;
	v26 =	vand.u32 $0x7FFFFFFF, v62;
	v24 =	vor.u32 v27, v24  }
0x211: {  	vm11 =	veq.f32 v48, $2.240000000e+02;
	v1 =	vsel vm14, v44, v1;
	v18 =	vsel vm15, v45, v18  }
0x212: {  	v59 =	vsel vm12, v56, v16;
	v62 =	vadd.f32 $2.240000000e+02, v25;
	vm14 =	vlt.f32 v23, $0.0e+00  }
0x213: {  	vm15 =	vlt.f32 v25, $0.0e+00;
	vm7 =	vlt.f32 v9, $0.0e+00;
	v11 =	vcvt.f32.s32 v11  }
0x214: {  	vm12 =	vlt.f32 v40, $0.0e+00;
	v10 =	vtrunc.f32 v10;
	v2 =	vcvt.f32.s32 v2  }
0x215: {  	v8 =	vor.u32 v8, v26;
	v26 =	vor.u32 v30, v7;
	v33 =	vand.u32 $0x80000000, v32  }
0x216: {  	v39 =	vsel vm11, $0x0, v48;
	v48 =	vadd.f32 $2.240000000e+02, v19;
	vm11 =	vlt.f32 v12, $0.0e+00  }
0x217: {  	v15 =	vsel vm14, v60, v23;
	v30 =	vadd.f32 $2.240000000e+02, v13;
	v3 =	vsel vm4, v63, v3  }
0x218: {  	v31 =	vadd.f32 $2.240000000e+02, v17;
	v32 =	vadd.f32 $2.240000000e+02, v9;
	vm8 =	vlt.f32 v24, $0.0e+00  }
0x219: {  	v1 =	vtrunc.f32 v1;
	vm4 =	vlt.s32 v0, $0xDF;
	v10 =	vcvt.f32.s32 v10  }
0x21a: {  	v7 =	vtrunc.f32 v55;
	v52 =	vtrunc.f32 v59;
	v27 =	vor.u32 v33, v6  }
0x21b: {  	v5 =	vand.u32 $0x7FFFFFFF, v39;
	v57 =	vsel vm11, v54, v12;
	v12 =	vsel vm13, v58, v22  }
0x21c: {  	v16 =	vsel vm15, v62, v25;
	v33 =	vadd.f32 $2.240000000e+02, v24;
	v34 =	vadd.f32 $2.240000000e+02, v8  }
0x21d: {  	v35 =	vadd.f32 $2.240000000e+02, v26;
	vm9 =	vlt.f32 v8, $0.0e+00;
	vm10 =	vlt.f32 v26, $0.0e+00  }
0x21e: {  	vm13 =	vlt.s32 v14, $0xDF;
	v1 =	vcvt.f32.s32 v1;
	v0 =	vnsel vm4, $0xDF, v0  }
0x21f: {  	v3 =	vtrunc.f32 v3;
	vm4 =	vlt.s32 v2, $0xDF;
	v6 =	vtrunc.f32 v53  }
0x220: {  	v7 =	vcvt.f32.s32 v7;
	v43 =	vor.u32 v42, v5;
	v19 =	vsel vm6, v48, v19  }
0x221: {  	v13 =	vsel vm5, v30, v13;
	vm6 =	vlt.f32 v17, $0.0e+00;
	v9 =	vsel vm7, v32, v9  }
0x222: {  	v37 =	vadd.f32 $2.240000000e+02, v27;
	vm11 =	vlt.f32 v27, $0.0e+00;
	v12 =	vtrunc.f32 v12  }
0x223: {  	v14 =	vnsel vm13, $0xDF, v14;
	v41 =	vtrunc.f32 v16;
	v42 =	vtrunc.f32 v18  }
0x224: {  	v0 =	vmul.u32 $0xE0, v0;
	v3 =	vcvt.f32.s32 v3;
	v2 =	vnsel vm4, $0xDF, v2  }
0x225: {  	v6 =	vcvt.f32.s32 v6;
	v5 =	vtrunc.f32 v57;
	v17 =	vsel vm6, v31, v17  }
0x226: {  	v21 =	vsel vm8, v33, v24;
	v8 =	vsel vm9, v34, v8;
	v36 =	vsel vm10, v35, v26  }
0x227: {  	v12 =	vcvt.f32.s32 v12;
	v24 =	vsel vm12, v38, v40;
	v39 =	vadd.f32 $2.240000000e+02, v43  }
0x228: {  	vm14 =	vlt.f32 v43, $0.0e+00;
	v40 =	vtrunc.f32 v15;
	v15 =	vcvt.f32.s32 v41  }
0x229: {  	v14 =	vmul.u32 $0xE0, v14;
	v16 =	vcvt.f32.s32 v42;
	v44 =	vtrunc.f32 v19  }
0x22a: {  	vm5 =	vlt.s32 v1, $0xDF;
	v13 =	vtrunc.f32 v13;
	v9 =	vtrunc.f32 v9  }
0x22b: {  	v2 =	vmul.u32 $0xE0, v2;
	v53 =	vcvt.f32.s32 v5;
	v23 =	vsel vm11, v37, v27  }
0x22c: {  	v1 =	vnsel vm5, $0xDF, v1;
	vm9 =	vlt.s32 v3, $0xDF;
	v45 =	vtrunc.f32 v17  }
0x22d: {  	vm11 =	vlt.s32 v11, $0xDF;
	v13 =	vcvt.f32.s32 v13;
	v9 =	vcvt.f32.s32 v9  }
0x22e: {  	v47 =	vtrunc.f32 v21;
	v8 =	vtrunc.f32 v8;
	vm5 =	vlt.s32 v10, $0xDF  }
0x22f: {  	v49 =	vtrunc.f32 v36;
	v54 =	vtrunc.f32 v24;
	vm15 =	vlt.s32 v12, $0xDF  }
0x230: {  	v25 =	vsel vm14, v39, v43;
	v1 =	vmul.u32 $0xE0, v1;
	vm7 =	vlt.s32 v15, $0xDF  }
0x231: {  	v43 =	vtrunc.f32 v20;
	vm8 =	vlt.s32 v16, $0xDF;
	v3 =	vnsel vm9, $0xDF, v3  }
0x232: {  	v11 =	vnsel vm11, $0xDF, v11;
	v8 =	vcvt.f32.s32 v8;
	v10 =	vnsel vm5, $0xDF, v10  }
0x233: {  	v50 =	vtrunc.f32 v23;
	vm9 =	vlt.s32 v7, $0xDF;
	v12 =	vnsel vm15, $0xDF, v12  }
0x234: {  	v15 =	vnsel vm7, $0xDF, v15;
	v16 =	vnsel vm8, $0xDF, v16;
	v11 =	vmul.u32 $0xE0, v11  }
0x235: {  	v61 =	vld [tilespmem:$0x1FFF0];
	vm13 =	vlt.s32 v13, $0xDF;
	vm15 =	vlt.s32 v9, $0xDF;
	v10 =	vmul.u32 $0xE0, v10  }
0x236: {  	vm8 =	vlt.s32 v6, $0xDF;
	v7 =	vnsel vm9, $0xDF, v7;
	v55 =	vtrunc.f32 v25  }
0x237: {  	v12 =	vadd.s32 v12, v14;
	v14 =	vcvt.f32.s32 v40;
	v1 =	vadd.s32 v15, v1  }
0x238: {  	v48 =	vld [tilespmem:$0x1FED0];
	v16 =	vmul.u32 $0xE0, v16;
	v15 =	vcvt.f32.s32 v44;
	v13 =	vnsel vm13, $0xDF, v13  }
0x239: {  	v9 =	vnsel vm15, $0xDF, v9;
	vm7 =	vlt.s32 v8, $0xDF;
	v6 =	vnsel vm8, $0xDF, v6  }
0x23a: {  	v7 =	vmul.u32 $0xE0, v7;
	v8 =	vnsel vm7, $0xDF, v8;
	v12 =	vadd.s32 v61, v12  }
0x23b: {  	v1 =	vadd.s32 $0x24C00, v1;
	vm6 =	vlt.s32 v14, $0xDF;
	v3 =	vadd.s32 v3, v16  }
0x23c: {  	v16 =	vcvt.f32.s32 v45;
	vm12 =	vlt.s32 v15, $0xDF;
	v8 =	vadd.s32 v8, v10  }
0x23d: {  	v10 =	vadd.s32 $0x24C00, v48;
	[tilespmem:s22+$0x3120] =	vst v1;
	v1 =	vcvt.f32.s32 v54;
	v14 =	vnsel vm6, $0xDF, v14  }
0x23e: {  	v46 =	vnsel vm12, $0xDF, v15;
	v0 =	vadd.s32 v14, v0;
	v14 =	vcvt.f32.s32 v43  }
0x23f: {  	v15 =	vcvt.f32.s32 v50;
	v3 =	vadd.s32 $0x24C00, v3;
	vm12 =	vlt.s32 v53, $0xDF  }
0x240: {  	v59 =	vadd.s32 $0x24C00, v8;
	vm14 =	vlt.s32 v16, $0xDF;
	vm10 =	vlt.s32 v14, $0xDF  }
0x241: {  	[tilespmem:s22+$0x3130] =	vst v3;
	v3 =	vcvt.f32.s32 v55;
	v4 =	vnsel vm12, $0xDF, v53;
	v14 =	vnsel vm10, $0xDF, v14  }
0x242: {  	v16 =	vnsel vm14, $0xDF, v16;
	vm11 =	vlt.s32 v15, $0xDF;
	v14 =	vmul.u32 $0xE0, v14  }
0x243: {  	v0 =	vadd.s32 $0x24C00, v0;
	v4 =	vmul.u32 $0xE0, v4;
	vm14 =	vlt.s32 v1, $0xDF  }
0x244: {  	v11 =	vadd.s32 v16, v11;
	v13 =	vadd.s32 v13, v14;
	v14 =	vmul.u32 $0xE0, v46  }
0x245: {  	v51 =	vnsel vm11, $0xDF, v15;
	[tilespmem:s22+$0x3110] =	vst v0;
	v0 =	vcvt.f32.s32 v52;
	vm15 =	vlt.s32 v3, $0xDF  }
0x246: {  	[tilespmem:s22+$0x3100] =	vst v12;
	v1 =	vnsel vm14, $0xDF, v1;
	v9 =	vadd.s32 v9, v14;
	v14 =	vcvt.f32.s32 v47  }
0x247: {  	[tilespmem:s22+$0x31D0] =	vst v10;
	v7 =	vadd.s32 v51, v7;
	v57 =	vadd.s32 $0x24C00, v11;
	v1 =	vadd.s32 v1, v4  }
0x248: {  	[tilespmem:s22+$0x3180] =	vst v59;
	vm13 =	vlt.s32 v0, $0xDF;
	v63 =	vadd.s32 $0x24C00, v7;
	vm6 =	vlt.s32 v14, $0xDF  }
0x249: {  	[tilespmem:s22+$0x3150] =	vst v57;
	v1 =	vadd.s32 $0x24C00, v1;
	v0 =	vnsel vm13, $0xDF, v0;
	v14 =	vnsel vm6, $0xDF, v14  }
0x24a: {  	[tilespmem:s22+$0x31A0] =	vst v63;
	v0 =	vmul.u32 $0xE0, v0;
	v2 =	vadd.s32 v14, v2;
	v14 =	vcvt.f32.s32 v49  }
0x24b: {  	v6 =	vmul.u32 $0xE0, v6;
	v62 =	vnsel vm15, $0xDF, v3;
	[tilespmem:s22+$0x31B0] =	vst v1;
	v56 =	vadd.s32 $0x24C00, v13  }
0x24c: {  	[tilespmem:s22+$0x3140] =	vst v56;
	v0 =	vadd.s32 v62, v0;
	v58 =	vadd.s32 $0x24C00, v9;
	vm10 =	vlt.s32 v14, $0xDF  }
0x24d: {  	v0 =	vadd.s32 $0x24C00, v0;
	[tilespmem:s22+$0x3160] =	vst v58;
	v14 =	vnsel vm10, $0xDF, v14  }
0x24e: {  	[tilespmem:s22+$0x31C0] =	vst v0;
	v2 =	vadd.s32 $0x24C00, v2;
	v6 =	vadd.s32 v14, v6  }
0x24f: {  	[tilespmem:s22+$0x3170] =	vst v2;
	v60 =	vadd.s32 $0x24C00, v6  }
0x250: {  	s30 =	simm.s32 $0x3100;
	s3 =	simm.s32 $0x4980;
	[tilespmem:s22+$0x3190] =	vst v60  }
0x251: {  	[tilespmem:s3], [sflag:$0x1] =	stream.indirect.gather [hbm4b:s2+s15], $0x1, s30, s15, $0xb8;
	[tilespmem:$0x9300] =	vst v63  }
0x252: {  	s22 =	simm.s32 $0x6200  }
0x253: {  	[tilespmem:s22], [sflag:$0x1] =	stream.indirect.gather [hbm4b:s5+s15], $0x1, s30, s15, $0xb8;
	[tilespmem:$0x9300] =	vst v63  }
0x254: {  	s28 =	simm.s32 $0x7A80  }
0x255: {  	[tilespmem:s28], [sflag:$0x1] =	stream.indirect.gather [hbm4b:s6+s15], $0x1, s30, s15, $0xb8;
	[tilespmem:$0x9300] =	vst v63  }
0x256: {  	s1 =	simm.s32 $0x31E0;
	s30 =	simm.s32 $0x4A60  }
0x257: {  	[tilespmem:s30], [sflag:$0x1] =	stream.indirect.gather [hbm4b:s2+s15], $0x1, s1, s15, $0xb8;
	[tilespmem:$0x9300] =	vst v63  }
0x258: {  	s30 =	simm.s32 $0x62E0  }
0x259: {  	[tilespmem:s30], [sflag:$0x1] =	stream.indirect.gather [hbm4b:s5+s15], $0x1, s1, s15, $0xb8;
	[tilespmem:$0x9300] =	vst v63  }
0x25a: {  	s30 =	simm.s32 $0x7B60  }
0x25b: {  	[tilespmem:s30], [sflag:$0x1] =	stream.indirect.gather [hbm4b:s6+s15], $0x1, s1, s15, $0xb8;
	[tilespmem:$0x9300] =	vst v63  }
0x25c: {  	s1 =	simm.s32 $0x32C0;
	s30 =	simm.s32 $0x4B40  }
0x25d: {  	[tilespmem:s30], [sflag:$0x1] =	stream.indirect.gather [hbm4b:s2+s15], $0x1, s1, s15, $0xb8;
	[tilespmem:$0x9300] =	vst v63  }
0x25e: {  	s30 =	simm.s32 $0x63C0  }
0x25f: {  	[tilespmem:s30], [sflag:$0x1] =	stream.indirect.gather [hbm4b:s5+s15], $0x1, s1, s15, $0xb8;
	[tilespmem:$0x9300] =	vst v63  }
0x260: {  	s30 =	simm.s32 $0x7C40  }
0x261: {  	[tilespmem:s30], [sflag:$0x1] =	stream.indirect.gather [hbm4b:s6+s15], $0x1, s1, s15, $0xb8;
	[tilespmem:$0x9300] =	vst v63  }
0x262: {  	s1 =	simm.s32 $0x33A0;
	s30 =	simm.s32 $0x4C20  }
0x263: {  	[tilespmem:s30], [sflag:$0x1] =	stream.indirect.gather [hbm4b:s2+s15], $0x1, s1, s15, $0xb8;
	[tilespmem:$0x9300] =	vst v63  }
0x264: {  	s30 =	simm.s32 $0x64A0  }
0x265: {  	[tilespmem:s30], [sflag:$0x1] =	stream.indirect.gather [hbm4b:s5+s15], $0x1, s1, s15, $0xb8;
	[tilespmem:$0x9300] =	vst v63  }
0x266: {  	s30 =	simm.s32 $0x7D20  }
0x267: {  	[tilespmem:s30], [sflag:$0x1] =	stream.indirect.gather [hbm4b:s6+s15], $0x1, s1, s15, $0xb8;
	[tilespmem:$0x9300] =	vst v63  }
0x268: {  	s1 =	simm.s32 $0x3480;
	s30 =	simm.s32 $0x4D00  }
0x269: {  	[tilespmem:s30], [sflag:$0x1] =	stream.indirect.gather [hbm4b:s2+s15], $0x1, s1, s15, $0xb8;
	[tilespmem:$0x9300] =	vst v63  }
0x26a: {  	s30 =	simm.s32 $0x6580  }
0x26b: {  	[tilespmem:s30], [sflag:$0x1] =	stream.indirect.gather [hbm4b:s5+s15], $0x1, s1, s15, $0xb8;
	[tilespmem:$0x9300] =	vst v63  }
0x26c: {  	s30 =	simm.s32 $0x7E00  }
0x26d: {  	[tilespmem:s30], [sflag:$0x1] =	stream.indirect.gather [hbm4b:s6+s15], $0x1, s1, s15, $0xb8;
	[tilespmem:$0x9300] =	vst v63  }
0x26e: {  	s1 =	simm.s32 $0x3560;
	s30 =	simm.s32 $0x4DE0  }
0x26f: {  	[tilespmem:s30], [sflag:$0x1] =	stream.indirect.gather [hbm4b:s2+s15], $0x1, s1, s15, $0xb8;
	[tilespmem:$0x9300] =	vst v63  }
0x270: {  	s30 =	simm.s32 $0x6660  }
0x271: {  	[tilespmem:s30], [sflag:$0x1] =	stream.indirect.gather [hbm4b:s5+s15], $0x1, s1, s15, $0xb8;
	[tilespmem:$0x9300] =	vst v63  }
0x272: {  	s30 =	simm.s32 $0x7EE0  }
0x273: {  	[tilespmem:s30], [sflag:$0x1] =	stream.indirect.gather [hbm4b:s6+s15], $0x1, s1, s15, $0xb8;
	[tilespmem:$0x9300] =	vst v63  }
0x274: {  	s1 =	simm.s32 $0x3640;
	s30 =	simm.s32 $0x4EC0  }
0x275: {  	[tilespmem:s30], [sflag:$0x1] =	stream.indirect.gather [hbm4b:s2+s15], $0x1, s1, s15, $0xb8;
	[tilespmem:$0x9300] =	vst v63  }
0x276: {  	s30 =	simm.s32 $0x6740  }
0x277: {  	[tilespmem:s30], [sflag:$0x1] =	stream.indirect.gather [hbm4b:s5+s15], $0x1, s1, s15, $0xb8;
	[tilespmem:$0x9300] =	vst v63  }
0x278: {  	s30 =	simm.s32 $0x7FC0  }
0x279: {  	[tilespmem:s30], [sflag:$0x1] =	stream.indirect.gather [hbm4b:s6+s15], $0x1, s1, s15, $0xb8;
	[tilespmem:$0x9300] =	vst v63  }
0x27a: {  	s1 =	simm.s32 $0x3720;
	s30 =	simm.s32 $0x4FA0  }
0x27b: {  	[tilespmem:s30], [sflag:$0x1] =	stream.indirect.gather [hbm4b:s2+s15], $0x1, s1, s15, $0xb8;
	[tilespmem:$0x9300] =	vst v63  }
0x27c: {  	s30 =	simm.s32 $0x6820  }
0x27d: {  	[tilespmem:s30], [sflag:$0x1] =	stream.indirect.gather [hbm4b:s5+s15], $0x1, s1, s15, $0xb8;
	[tilespmem:$0x9300] =	vst v63  }
0x27e: {  	s30 =	simm.s32 $0x80A0  }
0x27f: {  	[tilespmem:s30], [sflag:$0x1] =	stream.indirect.gather [hbm4b:s6+s15], $0x1, s1, s15, $0xb8;
	[tilespmem:$0x9300] =	vst v63  }
0x280: {  	s1 =	simm.s32 $0x3800;
	s30 =	simm.s32 $0x5080  }
0x281: {  	[tilespmem:s30], [sflag:$0x1] =	stream.indirect.gather [hbm4b:s2+s15], $0x1, s1, s15, $0xb8;
	[tilespmem:$0x9300] =	vst v63  }
0x282: {  	s30 =	simm.s32 $0x6900  }
0x283: {  	[tilespmem:s30], [sflag:$0x1] =	stream.indirect.gather [hbm4b:s5+s15], $0x1, s1, s15, $0xb8;
	[tilespmem:$0x9300] =	vst v63  }
0x284: {  	s30 =	simm.s32 $0x8180  }
0x285: {  	[tilespmem:s30], [sflag:$0x1] =	stream.indirect.gather [hbm4b:s6+s15], $0x1, s1, s15, $0xb8;
	[tilespmem:$0x9300] =	vst v63  }
0x286: {  	s1 =	simm.s32 $0x38E0;
	s30 =	simm.s32 $0x5160  }
0x287: {  	[tilespmem:s30], [sflag:$0x1] =	stream.indirect.gather [hbm4b:s2+s15], $0x1, s1, s15, $0xb8;
	[tilespmem:$0x9300] =	vst v63  }
0x288: {  	s30 =	simm.s32 $0x69E0  }
0x289: {  	[tilespmem:s30], [sflag:$0x1] =	stream.indirect.gather [hbm4b:s5+s15], $0x1, s1, s15, $0xb8;
	[tilespmem:$0x9300] =	vst v63  }
0x28a: {  	s30 =	simm.s32 $0x8260  }
0x28b: {  	[tilespmem:s30], [sflag:$0x1] =	stream.indirect.gather [hbm4b:s6+s15], $0x1, s1, s15, $0xb8;
	[tilespmem:$0x9300] =	vst v63  }
0x28c: {  	s1 =	simm.s32 $0x39C0;
	s30 =	simm.s32 $0x5240  }
0x28d: {  	[tilespmem:s30], [sflag:$0x1] =	stream.indirect.gather [hbm4b:s2+s15], $0x1, s1, s15, $0xb8;
	[tilespmem:$0x9300] =	vst v63  }
0x28e: {  	s30 =	simm.s32 $0x6AC0  }
0x28f: {  	[tilespmem:s30], [sflag:$0x1] =	stream.indirect.gather [hbm4b:s5+s15], $0x1, s1, s15, $0xb8;
	[tilespmem:$0x9300] =	vst v63  }
0x290: {  	s30 =	simm.s32 $0x8340  }
0x291: {  	[tilespmem:s30], [sflag:$0x1] =	stream.indirect.gather [hbm4b:s6+s15], $0x1, s1, s15, $0xb8;
	[tilespmem:$0x9300] =	vst v63  }
0x292: {  	s30 =	simm.s32 $0x5320  }
0x293: {  	[tilespmem:s30], [sflag:$0x1] =	stream.indirect.gather [hbm4b:s2+s15], $0x1, s31, s15, $0xb8;
	[tilespmem:$0x9300] =	vst v63  }
0x294: {  	s30 =	simm.s32 $0x6BA0  }
0x295: {  	[tilespmem:s30], [sflag:$0x1] =	stream.indirect.gather [hbm4b:s5+s15], $0x1, s31, s15, $0xb8;
	[tilespmem:$0x9300] =	vst v63  }
0x296: {  	s30 =	simm.s32 $0x8420  }
0x297: {  	[tilespmem:s30], [sflag:$0x1] =	stream.indirect.gather [hbm4b:s6+s15], $0x1, s31, s15, $0xb8;
	[tilespmem:$0x9300] =	vst v63  }
0x298: {  	s30 =	simm.s32 $0x5400  }
0x299: {  	[tilespmem:s30], [sflag:$0x1] =	stream.indirect.gather [hbm4b:s2+s15], $0x1, s14, s15, $0xb8;
	[tilespmem:$0x9300] =	vst v63  }
0x29a: {  	s30 =	simm.s32 $0x6C80  }
0x29b: {  	[tilespmem:s30], [sflag:$0x1] =	stream.indirect.gather [hbm4b:s5+s15], $0x1, s14, s15, $0xb8;
	[tilespmem:$0x9300] =	vst v63  }
0x29c: {  	s30 =	simm.s32 $0x8500  }
0x29d: {  	[tilespmem:s30], [sflag:$0x1] =	stream.indirect.gather [hbm4b:s6+s15], $0x1, s14, s15, $0xb8;
	[tilespmem:$0x9300] =	vst v63  }
0x29e: {  	s30 =	simm.s32 $0x54E0  }
0x29f: {  	[tilespmem:s30], [sflag:$0x1] =	stream.indirect.gather [hbm4b:s2+s15], $0x1, s26, s15, $0xb8;
	[tilespmem:$0x9300] =	vst v63  }
0x2a0: {  	s30 =	simm.s32 $0x6D60  }
0x2a1: {  	[tilespmem:s30], [sflag:$0x1] =	stream.indirect.gather [hbm4b:s5+s15], $0x1, s26, s15, $0xb8;
	[tilespmem:$0x9300] =	vst v63  }
0x2a2: {  	s30 =	simm.s32 $0x85E0  }
0x2a3: {  	[tilespmem:s30], [sflag:$0x1] =	stream.indirect.gather [hbm4b:s6+s15], $0x1, s26, s15, $0xb8;
	[tilespmem:$0x9300] =	vst v63  }
0x2a4: {  	s30 =	simm.s32 $0x55C0  }
0x2a5: {  	[tilespmem:s30], [sflag:$0x1] =	stream.indirect.gather [hbm4b:s2+s15], $0x1, s25, s15, $0xb8;
	[tilespmem:$0x9300] =	vst v63  }
0x2a6: {  	s30 =	simm.s32 $0x6E40  }
0x2a7: {  	[tilespmem:s30], [sflag:$0x1] =	stream.indirect.gather [hbm4b:s5+s15], $0x1, s25, s15, $0xb8;
	[tilespmem:$0x9300] =	vst v63  }
0x2a8: {  	s30 =	simm.s32 $0x86C0  }
0x2a9: {  	[tilespmem:s30], [sflag:$0x1] =	stream.indirect.gather [hbm4b:s6+s15], $0x1, s25, s15, $0xb8;
	[tilespmem:$0x9300] =	vst v63  }
0x2aa: {  	s30 =	simm.s32 $0x56A0  }
0x2ab: {  	[tilespmem:s30], [sflag:$0x1] =	stream.indirect.gather [hbm4b:s2+s15], $0x1, s17, s15, $0xb8;
	[tilespmem:$0x9300] =	vst v63  }
0x2ac: {  	s30 =	simm.s32 $0x6F20  }
0x2ad: {  	[tilespmem:s30], [sflag:$0x1] =	stream.indirect.gather [hbm4b:s5+s15], $0x1, s17, s15, $0xb8;
	[tilespmem:$0x9300] =	vst v63  }
0x2ae: {  	s30 =	simm.s32 $0x87A0  }
0x2af: {  	[tilespmem:s30], [sflag:$0x1] =	stream.indirect.gather [hbm4b:s6+s15], $0x1, s17, s15, $0xb8;
	[tilespmem:$0x9300] =	vst v63  }
0x2b0: {  	s30 =	simm.s32 $0x5780  }
0x2b1: {  	[tilespmem:s30], [sflag:$0x1] =	stream.indirect.gather [hbm4b:s2+s15], $0x1, s18, s15, $0xb8;
	[tilespmem:$0x9300] =	vst v63  }
0x2b2: {  	s30 =	simm.s32 $0x7000  }
0x2b3: {  	[tilespmem:s30], [sflag:$0x1] =	stream.indirect.gather [hbm4b:s5+s15], $0x1, s18, s15, $0xb8;
	[tilespmem:$0x9300] =	vst v63  }
0x2b4: {  	s30 =	simm.s32 $0x8880  }
0x2b5: {  	[tilespmem:s30], [sflag:$0x1] =	stream.indirect.gather [hbm4b:s6+s15], $0x1, s18, s15, $0xb8;
	[tilespmem:$0x9300] =	vst v63  }
0x2b6: {  	s30 =	simm.s32 $0x5860  }
0x2b7: {  	[tilespmem:s30], [sflag:$0x1] =	stream.indirect.gather [hbm4b:s2+s15], $0x1, s19, s15, $0xb8;
	[tilespmem:$0x9300] =	vst v63  }
0x2b8: {  	s30 =	simm.s32 $0x70E0  }
0x2b9: {  	[tilespmem:s30], [sflag:$0x1] =	stream.indirect.gather [hbm4b:s5+s15], $0x1, s19, s15, $0xb8;
	[tilespmem:$0x9300] =	vst v63  }
0x2ba: {  	s30 =	simm.s32 $0x8960  }
0x2bb: {  	[tilespmem:s30], [sflag:$0x1] =	stream.indirect.gather [hbm4b:s6+s15], $0x1, s19, s15, $0xb8;
	[tilespmem:$0x9300] =	vst v63  }
0x2bc: {  	s30 =	simm.s32 $0x5940  }
0x2bd: {  	[tilespmem:s30], [sflag:$0x1] =	stream.indirect.gather [hbm4b:s2+s15], $0x1, s7, s15, $0xb8;
	[tilespmem:$0x9300] =	vst v63  }
0x2be: {  	s30 =	simm.s32 $0x71C0  }
0x2bf: {  	[tilespmem:s30], [sflag:$0x1] =	stream.indirect.gather [hbm4b:s5+s15], $0x1, s7, s15, $0xb8;
	[tilespmem:$0x9300] =	vst v63  }
0x2c0: {  	s30 =	simm.s32 $0x8A40  }
0x2c1: {  	[tilespmem:s30], [sflag:$0x1] =	stream.indirect.gather [hbm4b:s6+s15], $0x1, s7, s15, $0xb8;
	[tilespmem:$0x9300] =	vst v63  }
0x2c2: {  	s30 =	simm.s32 $0x5A20  }
0x2c3: {  	[tilespmem:s30], [sflag:$0x1] =	stream.indirect.gather [hbm4b:s2+s15], $0x1, s8, s15, $0xb8;
	[tilespmem:$0x9300] =	vst v63  }
0x2c4: {  	s30 =	simm.s32 $0x72A0  }
0x2c5: {  	[tilespmem:s30], [sflag:$0x1] =	stream.indirect.gather [hbm4b:s5+s15], $0x1, s8, s15, $0xb8;
	[tilespmem:$0x9300] =	vst v63  }
0x2c6: {  	s30 =	simm.s32 $0x8B20  }
0x2c7: {  	[tilespmem:s30], [sflag:$0x1] =	stream.indirect.gather [hbm4b:s6+s15], $0x1, s8, s15, $0xb8;
	[tilespmem:$0x9300] =	vst v63  }
0x2c8: {  	s30 =	simm.s32 $0x5B00  }
0x2c9: {  	[tilespmem:s30], [sflag:$0x1] =	stream.indirect.gather [hbm4b:s2+s15], $0x1, s9, s15, $0xb8;
	[tilespmem:$0x9300] =	vst v63  }
0x2ca: {  	s30 =	simm.s32 $0x7380  }
0x2cb: {  	[tilespmem:s30], [sflag:$0x1] =	stream.indirect.gather [hbm4b:s5+s15], $0x1, s9, s15, $0xb8;
	[tilespmem:$0x9300] =	vst v63  }
0x2cc: {  	s30 =	simm.s32 $0x8C00  }
0x2cd: {  	[tilespmem:s30], [sflag:$0x1] =	stream.indirect.gather [hbm4b:s6+s15], $0x1, s9, s15, $0xb8;
	[tilespmem:$0x9300] =	vst v63  }
0x2ce: {  	s30 =	simm.s32 $0x5BE0  }
0x2cf: {  	[tilespmem:s30], [sflag:$0x1] =	stream.indirect.gather [hbm4b:s2+s15], $0x1, s10, s15, $0xb8;
	[tilespmem:$0x9300] =	vst v63  }
0x2d0: {  	s30 =	simm.s32 $0x7460  }
0x2d1: {  	[tilespmem:s30], [sflag:$0x1] =	stream.indirect.gather [hbm4b:s5+s15], $0x1, s10, s15, $0xb8;
	[tilespmem:$0x9300] =	vst v63  }
0x2d2: {  	s30 =	simm.s32 $0x8CE0  }
0x2d3: {  	[tilespmem:s30], [sflag:$0x1] =	stream.indirect.gather [hbm4b:s6+s15], $0x1, s10, s15, $0xb8;
	[tilespmem:$0x9300] =	vst v63  }
0x2d4: {  	s30 =	simm.s32 $0x5CC0  }
0x2d5: {  	[tilespmem:s30], [sflag:$0x1] =	stream.indirect.gather [hbm4b:s2+s15], $0x1, s11, s15, $0xb8;
	[tilespmem:$0x9300] =	vst v63  }
0x2d6: {  	s30 =	simm.s32 $0x7540  }
0x2d7: {  	[tilespmem:s30], [sflag:$0x1] =	stream.indirect.gather [hbm4b:s5+s15], $0x1, s11, s15, $0xb8;
	[tilespmem:$0x9300] =	vst v63  }
0x2d8: {  	s30 =	simm.s32 $0x8DC0  }
0x2d9: {  	[tilespmem:s30], [sflag:$0x1] =	stream.indirect.gather [hbm4b:s6+s15], $0x1, s11, s15, $0xb8;
	[tilespmem:$0x9300] =	vst v63  }
0x2da: {  	s30 =	simm.s32 $0x5DA0  }
0x2db: {  	[tilespmem:s30], [sflag:$0x1] =	stream.indirect.gather [hbm4b:s2+s15], $0x1, s12, s15, $0xb8;
	[tilespmem:$0x9300] =	vst v63  }
0x2dc: {  	s30 =	simm.s32 $0x7620  }
0x2dd: {  	[tilespmem:s30], [sflag:$0x1] =	stream.indirect.gather [hbm4b:s5+s15], $0x1, s12, s15, $0xb8;
	[tilespmem:$0x9300] =	vst v63  }
0x2de: {  	s30 =	simm.s32 $0x8EA0  }
0x2df: {  	[tilespmem:s30], [sflag:$0x1] =	stream.indirect.gather [hbm4b:s6+s15], $0x1, s12, s15, $0xb8;
	[tilespmem:$0x9300] =	vst v63  }
0x2e0: {  	s30 =	simm.s32 $0x5E80  }
0x2e1: {  	[tilespmem:s30], [sflag:$0x1] =	stream.indirect.gather [hbm4b:s2+s15], $0x1, s16, s15, $0xb8;
	[tilespmem:$0x9300] =	vst v63  }
0x2e2: {  	s30 =	simm.s32 $0x7700  }
0x2e3: {  	[tilespmem:s30], [sflag:$0x1] =	stream.indirect.gather [hbm4b:s5+s15], $0x1, s16, s15, $0xb8;
	[tilespmem:$0x9300] =	vst v63  }
0x2e4: {  	s30 =	simm.s32 $0x8F80  }
0x2e5: {  	[tilespmem:s30], [sflag:$0x1] =	stream.indirect.gather [hbm4b:s6+s15], $0x1, s16, s15, $0xb8;
	[tilespmem:$0x9300] =	vst v63  }
0x2e6: {  	s30 =	simm.s32 $0x5F60  }
0x2e7: {  	[tilespmem:s30], [sflag:$0x1] =	stream.indirect.gather [hbm4b:s2+s15], $0x1, s20, s15, $0xb8;
	[tilespmem:$0x9300] =	vst v63  }
0x2e8: {  	s30 =	simm.s32 $0x77E0  }
0x2e9: {  	[tilespmem:s30], [sflag:$0x1] =	stream.indirect.gather [hbm4b:s5+s15], $0x1, s20, s15, $0xb8;
	[tilespmem:$0x9300] =	vst v63  }
0x2ea: {  	s30 =	simm.s32 $0x9060  }
0x2eb: {  	[tilespmem:s30], [sflag:$0x1] =	stream.indirect.gather [hbm4b:s6+s15], $0x1, s20, s15, $0xb8;
	[tilespmem:$0x9300] =	vst v63  }
0x2ec: {  	s30 =	simm.s32 $0x6040  }
0x2ed: {  	[tilespmem:s30], [sflag:$0x1] =	stream.indirect.gather [hbm4b:s2+s15], $0x1, s24, s15, $0xb8;
	[tilespmem:$0x9300] =	vst v63  }
0x2ee: {  	s30 =	simm.s32 $0x78C0  }
0x2ef: {  	[tilespmem:s30], [sflag:$0x1] =	stream.indirect.gather [hbm4b:s5+s15], $0x1, s24, s15, $0xb8;
	[tilespmem:$0x9300] =	vst v63  }
0x2f0: {  	s30 =	simm.s32 $0x9140  }
0x2f1: {  	[tilespmem:s30], [sflag:$0x1] =	stream.indirect.gather [hbm4b:s6+s15], $0x1, s24, s15, $0xb8;
	[tilespmem:$0x9300] =	vst v63  }
0x2f2: {  	s30 =	simm.s32 $0x6120  }
0x2f3: {  	[tilespmem:s30], [sflag:$0x1] =	stream.indirect.gather [hbm4b:s2+s15], $0x1, s29, s15, $0xb8;
	[tilespmem:$0x9300] =	vst v63  }
0x2f4: {  	s30 =	simm.s32 $0x79A0  }
0x2f5: {  	[tilespmem:s30], [sflag:$0x1] =	stream.indirect.gather [hbm4b:s5+s15], $0x1, s29, s15, $0xb8;
	[tilespmem:$0x9300] =	vst v63  }
0x2f6: {  	s30 =	simm.s32 $0x9220  }
0x2f7: {  	[tilespmem:s30], [sflag:$0x1] =	stream.indirect.gather [hbm4b:s6+s15], $0x1, s29, s15, $0xb8;
	[tilespmem:$0x9300] =	vst v63  }
0x2f8: {  	_ =	swait.ge [sflag:s0], $0xE0  }
0x2f9: {  	[sflag:s0] =	ssyncset.done $0x0  }
0x2fa: {  	[sflag:s0] =	ssyncadd.s32 $0xFFFFFF20  }
0x2fb: {  	_ =	swait.ge [sflag:s0], $0xE0  }
0x2fc: {  	[sflag:s0] =	ssyncset.done $0x0  }
0x2fd: {  	[sflag:s0] =	ssyncadd.s32 $0xFFFFFF20  }
0x2fe: {  	_ =	swait.ge [sflag:s0], $0xE0  }
0x2ff: {  	[sflag:s0] =	ssyncset.done $0x0  }
0x300: {  	[sflag:s0] =	ssyncadd.s32 $0xFFFFFF20  }
0x301: {  	_ =	swait.ge [sflag:s0], $0xE0  }
0x302: {  	[sflag:s0] =	ssyncset.done $0x0  }
0x303: {  	[sflag:s0] =	ssyncadd.s32 $0xFFFFFF20  }
0x304: {  	_ =	swait.ge [sflag:s0], $0xE0  }
0x305: {  	[sflag:s0] =	ssyncset.done $0x0  }
0x306: {  	[sflag:s0] =	ssyncadd.s32 $0xFFFFFF20  }
0x307: {  	_ =	swait.ge [sflag:s0], $0xE0  }
0x308: {  	[sflag:s0] =	ssyncset.done $0x0  }
0x309: {  	[sflag:s0] =	ssyncadd.s32 $0xFFFFFF20  }
0x30a: {  	_ =	swait.ge [sflag:s0], $0xE0  }
0x30b: {  	[sflag:s0] =	ssyncset.done $0x0  }
0x30c: {  	[sflag:s0] =	ssyncadd.s32 $0xFFFFFF20  }
0x30d: {  	_ =	swait.ge [sflag:s0], $0xE0  }
0x30e: {  	[sflag:s0] =	ssyncset.done $0x0  }
0x30f: {  	[sflag:s0] =	ssyncadd.s32 $0xFFFFFF20  }
0x310: {  	_ =	swait.ge [sflag:s0], $0xE0  }
0x311: {  	[sflag:s0] =	ssyncset.done $0x0  }
0x312: {  	[sflag:s0] =	ssyncadd.s32 $0xFFFFFF20  }
0x313: {  	_ =	swait.ge [sflag:s0], $0xE0  }
0x314: {  	[sflag:s0] =	ssyncset.done $0x0  }
0x315: {  	[sflag:s0] =	ssyncadd.s32 $0xFFFFFF20  }
0x316: {  	_ =	swait.ge [sflag:s0], $0xE0  }
0x317: {  	[sflag:s0] =	ssyncset.done $0x0  }
0x318: {  	[sflag:s0] =	ssyncadd.s32 $0xFFFFFF20  }
0x319: {  	_ =	swait.ge [sflag:s0], $0xE0  }
0x31a: {  	[sflag:s0] =	ssyncset.done $0x0  }
0x31b: {  	[sflag:s0] =	ssyncadd.s32 $0xFFFFFF20  }
0x31c: {  	_ =	swait.ge [sflag:s0], $0xE0  }
0x31d: {  	[sflag:s0] =	ssyncset.done $0x0  }
0x31e: {  	[sflag:s0] =	ssyncadd.s32 $0xFFFFFF20  }
0x31f: {  	_ =	swait.ge [sflag:s0], $0xE0  }
0x320: {  	[sflag:s0] =	ssyncset.done $0x0  }
0x321: {  	[sflag:s0] =	ssyncadd.s32 $0xFFFFFF20  }
0x322: {  	_ =	swait.ge [sflag:s0], $0xE0  }
0x323: {  	[sflag:s0] =	ssyncset.done $0x0  }
0x324: {  	[sflag:s0] =	ssyncadd.s32 $0xFFFFFF20  }
0x325: {  	_ =	swait.ge [sflag:s0], $0xE0  }
0x326: {  	[sflag:s0] =	ssyncset.done $0x0  }
0x327: {  	[sflag:s0] =	ssyncadd.s32 $0xFFFFFF20  }
0x328: {  	_ =	swait.ge [sflag:s0], $0xE0  }
0x329: {  	[sflag:s0] =	ssyncset.done $0x0  }
0x32a: {  	[sflag:s0] =	ssyncadd.s32 $0xFFFFFF20  }
0x32b: {  	_ =	swait.ge [sflag:s0], $0xE0  }
0x32c: {  	[sflag:s0] =	ssyncset.done $0x0  }
0x32d: {  	[sflag:s0] =	ssyncadd.s32 $0xFFFFFF20  }
0x32e: {  	_ =	swait.ge [sflag:s0], $0xE0  }
0x32f: {  	[sflag:s0] =	ssyncset.done $0x0  }
0x330: {  	[sflag:s0] =	ssyncadd.s32 $0xFFFFFF20  }
0x331: {  	_ =	swait.ge [sflag:s0], $0xE0  }
0x332: {  	[sflag:s0] =	ssyncset.done $0x0  }
0x333: {  	[sflag:s0] =	ssyncadd.s32 $0xFFFFFF20  }
0x334: {  	_ =	swait.ge [sflag:s0], $0xE0  }
0x335: {  	[sflag:s0] =	ssyncset.done $0x0  }
0x336: {  	[sflag:s0] =	ssyncadd.s32 $0xFFFFFF20  }
0x337: {  	_ =	swait.ge [sflag:s0], $0xE0  }
0x338: {  	[sflag:s0] =	ssyncset.done $0x0  }
0x339: {  	[sflag:s0] =	ssyncadd.s32 $0xFFFFFF20  }
0x33a: {  	_ =	swait.ge [sflag:s0], $0xE0  }
0x33b: {  	[sflag:s0] =	ssyncset.done $0x0  }
0x33c: {  	[sflag:s0] =	ssyncadd.s32 $0xFFFFFF20  }
0x33d: {  	_ =	swait.ge [sflag:s0], $0xE0  }
0x33e: {  	[sflag:s0] =	ssyncset.done $0x0  }
0x33f: {  	[sflag:s0] =	ssyncadd.s32 $0xFFFFFF20  }
0x340: {  	_ =	swait.ge [sflag:s0], $0xE0  }
0x341: {  	[sflag:s0] =	ssyncset.done $0x0  }
0x342: {  	[sflag:s0] =	ssyncadd.s32 $0xFFFFFF20  }
0x343: {  	_ =	swait.ge [sflag:s0], $0xE0  }
0x344: {  	[sflag:s0] =	ssyncset.done $0x0  }
0x345: {  	[sflag:s0] =	ssyncadd.s32 $0xFFFFFF20  }
0x346: {  	_ =	swait.ge [sflag:s0], $0xE0  }
0x347: {  	[sflag:s0] =	ssyncset.done $0x0  }
0x348: {  	[sflag:s0] =	ssyncadd.s32 $0xFFFFFF20  }
0x349: {  	_ =	swait.ge [sflag:s0], $0xE0  }
0x34a: {  	[sflag:s0] =	ssyncset.done $0x0  }
0x34b: {  	[sflag:s0] =	ssyncadd.s32 $0xFFFFFF20  }
0x34c: {  	_ =	swait.ge [sflag:s0], $0xE0  }
0x34d: {  	[sflag:s0] =	ssyncset.done $0x0  }
0x34e: {  	[sflag:s0] =	ssyncadd.s32 $0xFFFFFF20  }
0x34f: {  	_ =	swait.ge [sflag:s0], $0xE0  }
0x350: {  	[sflag:s0] =	ssyncset.done $0x0  }
0x351: {  	[sflag:s0] =	ssyncadd.s32 $0xFFFFFF20  }
0x352: {  	_ =	swait.ge [sflag:s0], $0xE0  }
0x353: {  	[sflag:s0] =	ssyncset.done $0x0  }
0x354: {  	[sflag:s0] =	ssyncadd.s32 $0xFFFFFF20  }
0x355: {  	_ =	swait.ge [sflag:s0], $0xE0  }
0x356: {  	[sflag:s0] =	ssyncset.done $0x0  }
0x357: {  	[sflag:s0] =	ssyncadd.s32 $0xFFFFFF20  }
0x358: {  	_ =	swait.ge [sflag:s0], $0xE0  }
0x359: {  	[sflag:s0] =	ssyncset.done $0x0  }
0x35a: {  	[sflag:s0] =	ssyncadd.s32 $0xFFFFFF20  }
0x35b: {  	_ =	swait.ge [sflag:s0], $0xE0  }
0x35c: {  	[sflag:s0] =	ssyncset.done $0x0  }
0x35d: {  	[sflag:s0] =	ssyncadd.s32 $0xFFFFFF20  }
0x35e: {  	_ =	swait.ge [sflag:s0], $0xE0  }
0x35f: {  	[sflag:s0] =	ssyncset.done $0x0  }
0x360: {  	[sflag:s0] =	ssyncadd.s32 $0xFFFFFF20  }
0x361: {  	_ =	swait.ge [sflag:s0], $0xE0  }
0x362: {  	[sflag:s0] =	ssyncset.done $0x0  }
0x363: {  	[sflag:s0] =	ssyncadd.s32 $0xFFFFFF20  }
0x364: {  	_ =	swait.ge [sflag:s0], $0xE0  }
0x365: {  	[sflag:s0] =	ssyncset.done $0x0  }
0x366: {  	[sflag:s0] =	ssyncadd.s32 $0xFFFFFF20  }
0x367: {  	_ =	swait.ge [sflag:s0], $0xE0  }
0x368: {  	[sflag:s0] =	ssyncset.done $0x0  }
0x369: {  	[sflag:s0] =	ssyncadd.s32 $0xFFFFFF20  }
0x36a: {  	_ =	swait.ge [sflag:s0], $0xE0  }
0x36b: {  	[sflag:s0] =	ssyncset.done $0x0  }
0x36c: {  	[sflag:s0] =	ssyncadd.s32 $0xFFFFFF20  }
0x36d: {  	_ =	swait.ge [sflag:s0], $0xE0  }
0x36e: {  	[sflag:s0] =	ssyncset.done $0x0  }
0x36f: {  	[sflag:s0] =	ssyncadd.s32 $0xFFFFFF20  }
0x370: {  	_ =	swait.ge [sflag:s0], $0xE0  }
0x371: {  	[sflag:s0] =	ssyncset.done $0x0  }
0x372: {  	[sflag:s0] =	ssyncadd.s32 $0xFFFFFF20  }
0x373: {  	_ =	swait.ge [sflag:s0], $0xE0  }
0x374: {  	[sflag:s0] =	ssyncset.done $0x0  }
0x375: {  	[sflag:s0] =	ssyncadd.s32 $0xFFFFFF20  }
0x376: {  	_ =	swait.ge [sflag:s0], $0xE0  }
0x377: {  	[sflag:s0] =	ssyncset.done $0x0  }
0x378: {  	[sflag:s0] =	ssyncadd.s32 $0xFFFFFF20  }
0x379: {  	_ =	swait.ge [sflag:s0], $0xE0  }
0x37a: {  	[sflag:s0] =	ssyncset.done $0x0  }
0x37b: {  	[sflag:s0] =	ssyncadd.s32 $0xFFFFFF20  }
0x37c: {  	_ =	swait.ge [sflag:s0], $0xE0  }
0x37d: {  	[sflag:s0] =	ssyncset.done $0x0  }
0x37e: {  	[sflag:s0] =	ssyncadd.s32 $0xFFFFFF20  }
0x37f: {  	_ =	swait.ge [sflag:s0], $0xE0  }
0x380: {  	[sflag:s0] =	ssyncset.done $0x0  }
0x381: {  	[sflag:s0] =	ssyncadd.s32 $0xFFFFFF20  }
0x382: {  	_ =	swait.ge [sflag:s0], $0xE0  }
0x383: {  	[sflag:s0] =	ssyncset.done $0x0  }
0x384: {  	[sflag:s0] =	ssyncadd.s32 $0xFFFFFF20  }
0x385: {  	_ =	swait.ge [sflag:s0], $0xE0  }
0x386: {  	[sflag:s0] =	ssyncset.done $0x0  }
0x387: {  	[sflag:s0] =	ssyncadd.s32 $0xFFFFFF20  }
0x388: {  	_ =	swait.ge [sflag:s0], $0xE0  }
0x389: {  	[sflag:s0] =	ssyncset.done $0x0  }
0x38a: {  	[sflag:s0] =	ssyncadd.s32 $0xFFFFFF20  }
0x38b: {  	_ =	swait.ge [sflag:s0], $0xE0  }
0x38c: {  	[sflag:s0] =	ssyncset.done $0x0  }
0x38d: {  	[sflag:s0] =	ssyncadd.s32 $0xFFFFFF20  }
0x38e: {  	_ =	swait.ge [sflag:s0], $0xE0  }
0x38f: {  	[sflag:s0] =	ssyncset.done $0x0  }
0x390: {  	[sflag:s0] =	ssyncadd.s32 $0xFFFFFF20  }
0x391: {  	_ =	swait.ge [sflag:s0], $0xE0  }
0x392: {  	[sflag:s0] =	ssyncset.done $0x0  }
0x393: {  	[sflag:s0] =	ssyncadd.s32 $0xFFFFFF20  }
0x394: {  	_ =	swait.ge [sflag:s0], $0xE0  }
0x395: {  	[sflag:s0] =	ssyncset.done $0x0  }
0x396: {  	[sflag:s0] =	ssyncadd.s32 $0xFFFFFF20  }
0x397: {  	_ =	swait.ge [sflag:s0], $0xE0  }
0x398: {  	[sflag:s0] =	ssyncset.done $0x0  }
0x399: {  	[sflag:s0] =	ssyncadd.s32 $0xFFFFFF20  }
0x39a: {  	_ =	swait.ge [sflag:s0], $0xE0  }
0x39b: {  	[sflag:s0] =	ssyncset.done $0x0  }
0x39c: {  	[sflag:s0] =	ssyncadd.s32 $0xFFFFFF20  }
0x39d: {  	_ =	swait.ge [sflag:s0], $0xE0  }
0x39e: {  	[sflag:s0] =	ssyncset.done $0x0  }
0x39f: {  	[sflag:s0] =	ssyncadd.s32 $0xFFFFFF20  }
0x3a0: {  	_ =	swait.ge [sflag:s0], $0xE0  }
0x3a1: {  	[sflag:s0] =	ssyncset.done $0x0  }
0x3a2: {  	[sflag:s0] =	ssyncadd.s32 $0xFFFFFF20  }
0x3a3: {  	_ =	swait.ge [sflag:s0], $0xE0  }
0x3a4: {  	[sflag:s0] =	ssyncset.done $0x0  }
0x3a5: {  	[sflag:s0] =	ssyncadd.s32 $0xFFFFFF20  }
0x3a6: {  	_ =	swait.ge [sflag:s0], $0xE0  }
0x3a7: {  	[sflag:s0] =	ssyncset.done $0x0  }
0x3a8: {  	[sflag:s0] =	ssyncadd.s32 $0xFFFFFF20  }
0x3a9: {  	_ =	swait.ge [sflag:s0], $0xE0  }
0x3aa: {  	[sflag:s0] =	ssyncset.done $0x0  }
0x3ab: {  	[sflag:s0] =	ssyncadd.s32 $0xFFFFFF20  }
0x3ac: {  	_ =	swait.ge [sflag:s0], $0xE0  }
0x3ad: {  	[sflag:s0] =	ssyncset.done $0x0  }
0x3ae: {  	[sflag:s0] =	ssyncadd.s32 $0xFFFFFF20  }
0x3af: {  	_ =	swait.ge [sflag:s0], $0xE0  }
0x3b0: {  	[sflag:s0] =	ssyncset.done $0x0  }
0x3b1: {  	[sflag:s0] =	ssyncadd.s32 $0xFFFFFF20  }
0x3b2: {  	_ =	swait.ge [sflag:s0], $0xE0  }
0x3b3: {  	[sflag:s0] =	ssyncset.done $0x0  }
0x3b4: {  	[sflag:s0] =	ssyncadd.s32 $0xFFFFFF20  }
0x3b5: {  	_ =	swait.ge [sflag:s0], $0xE0  }
0x3b6: {  	[sflag:s0] =	ssyncset.done $0x0  }
0x3b7: {  	[sflag:s0] =	ssyncadd.s32 $0xFFFFFF20  }
0x3b8: {  	_ =	swait.ge [sflag:s0], $0xE0  }
0x3b9: {  	[sflag:s0] =	ssyncset.done $0x0  }
0x3ba: {  	[sflag:s0] =	ssyncadd.s32 $0xFFFFFF20  }
0x3bb: {  	_ =	swait.ge [sflag:s0], $0xE0  }
0x3bc: {  	[sflag:s0] =	ssyncset.done $0x0  }
0x3bd: {  	[sflag:s0] =	ssyncadd.s32 $0xFFFFFF20  }
0x3be: {  	_ =	swait.ge [sflag:s0], $0xE0  }
0x3bf: {  	[sflag:s0] =	ssyncset.done $0x0  }
0x3c0: {  	[sflag:s0] =	ssyncadd.s32 $0xFFFFFF20  }
0x3c1: {  	_ =	swait.ge [sflag:s0], $0xE0  }
0x3c2: {  	[sflag:s0] =	ssyncset.done $0x0  }
0x3c3: {  	[sflag:s0] =	ssyncadd.s32 $0xFFFFFF20  }
0x3c4: {  	_ =	swait.ge [sflag:s0], $0xE0  }
0x3c5: {  	[sflag:s0] =	ssyncset.done $0x0  }
0x3c6: {  	[sflag:s0] =	ssyncadd.s32 $0xFFFFFF20  }
0x3c7: {  	_ =	swait.ge [sflag:s0], $0xE0  }
0x3c8: {  	[sflag:s0] =	ssyncset.done $0x0  }
0x3c9: {  	[sflag:s0] =	ssyncadd.s32 $0xFFFFFF20  }
0x3ca: {  	_ =	swait.ge [sflag:s0], $0xE0  }
0x3cb: {  	[sflag:s0] =	ssyncset.done $0x0  }
0x3cc: {  	[sflag:s0] =	ssyncadd.s32 $0xFFFFFF20  }
0x3cd: {  	_ =	swait.ge [sflag:s0], $0xE0  }
0x3ce: {  	[sflag:s0] =	ssyncset.done $0x0  }
0x3cf: {  	[sflag:s0] =	ssyncadd.s32 $0xFFFFFF20  }
0x3d0: {  	_ =	swait.ge [sflag:s0], $0xE0  }
0x3d1: {  	[sflag:s0] =	ssyncset.done $0x0  }
0x3d2: {  	[sflag:s0] =	ssyncadd.s32 $0xFFFFFF20  }
0x3d3: {  	_ =	swait.ge [sflag:s0], $0xE0  }
0x3d4: {  	[sflag:s0] =	ssyncset.done $0x0  }
0x3d5: {  	[sflag:s0] =	ssyncadd.s32 $0xFFFFFF20  }
0x3d6: {  	_ =	swait.ge [sflag:s0], $0xE0  }
0x3d7: {  	[sflag:s0] =	ssyncset.done $0x0  }
0x3d8: {  	[sflag:s0] =	ssyncadd.s32 $0xFFFFFF20  }
0x3d9: {  	_ =	swait.ge [sflag:s0], $0xE0  }
0x3da: {  	[sflag:s0] =	ssyncset.done $0x0  }
0x3db: {  	[sflag:s0] =	ssyncadd.s32 $0xFFFFFF20  }
0x3dc: {  	_ =	swait.ge [sflag:s0], $0xE0  }
0x3dd: {  	[sflag:s0] =	ssyncset.done $0x0  }
0x3de: {  	[sflag:s0] =	ssyncadd.s32 $0xFFFFFF20  }
0x3df: {  	_ =	swait.ge [sflag:s0], $0xE0  }
0x3e0: {  	[sflag:s0] =	ssyncset.done $0x0  }
0x3e1: {  	[sflag:s0] =	ssyncadd.s32 $0xFFFFFF20  }
0x3e2: {  	_ =	swait.ge [sflag:s0], $0xE0  }
0x3e3: {  	[sflag:s0] =	ssyncset.done $0x0  }
0x3e4: {  	[sflag:s0] =	ssyncadd.s32 $0xFFFFFF20  }
0x3e5: {  	_ =	swait.ge [sflag:s0], $0xE0  }
0x3e6: {  	[sflag:s0] =	ssyncset.done $0x0  }
0x3e7: {  	[sflag:s0] =	ssyncadd.s32 $0xFFFFFF20  }
0x3e8: {  	_ =	swait.ge [sflag:s0], $0xE0  }
0x3e9: {  	[sflag:s0] =	ssyncset.done $0x0  }
0x3ea: {  	[sflag:s0] =	ssyncadd.s32 $0xFFFFFF20  }
0x3eb: {  	_ =	swait.ge [sflag:s0], $0xE0  }
0x3ec: {  	[sflag:s0] =	ssyncset.done $0x0  }
0x3ed: {  	[sflag:s0] =	ssyncadd.s32 $0xFFFFFF20  }
0x3ee: {  	_ =	swait.ge [sflag:s0], $0xE0  }
0x3ef: {  	[sflag:s0] =	ssyncset.done $0x0  }
0x3f0: {  	[sflag:s0] =	ssyncadd.s32 $0xFFFFFF20  }
0x3f1: {  	_ =	swait.ge [sflag:s0], $0xE0  }
0x3f2: {  	[sflag:s0] =	ssyncset.done $0x0  }
0x3f3: {  	s30 =	rddreg [dreg:$0x5];
	[sflag:s0] =	ssyncadd.s32 $0xFFFFFF20  }
0x3f4: {  	[hbm4b:s30+s4] =	stream.linear.scatter [tilespmem:s3], [sflag:$0x2], $0x1880, $0x38;
	[tilespmem:$0x9300] =	vst v63  }
0x3f5: {  	_ =	swait.ge [sflag:s13], $0x1880  }
0x3f6: {  	[sflag:s13] =	ssyncset.done $0x0  }
0x3f7: {  	s3 =	rddreg [dreg:$0x6];
	[sflag:s13] =	ssyncadd.s32 $0xFFFFE780  }
0x3f8: {  	[hbm4b:s3+s4] =	stream.linear.scatter [tilespmem:s22], [sflag:$0x2], $0x1880, $0x38;
	[tilespmem:$0x9300] =	vst v63  }
0x3f9: {  	_ =	swait.ge [sflag:s13], $0x1880  }
0x3fa: {  	[sflag:s13] =	ssyncset.done $0x0  }
0x3fb: {  	s22 =	rddreg [dreg:$0x7];
	[sflag:s13] =	ssyncadd.s32 $0xFFFFE780  }
0x3fc: {  	[hbm4b:s22+s4] =	stream.linear.scatter [tilespmem:s28], [sflag:$0x2], $0x1880, $0x38;
	[tilespmem:$0x9300] =	vst v63  }
0x3fd: {  	_ =	swait.ge [sflag:s13], $0x1880  }
0x3fe: {  	s23 =	sadd.s32 $0x1, s23;
	s30 =	rddreg [dreg:$0x8]  }
0x3ff: {  	p0 =	sne.s32 s23, s30  }
.Ltmp1:
0x400: {  	_ = 	snop;
	(pc) =	sbr.rel @p0 .LBB2_1-.Ltmp1, $3  }
0x401: {  	_ =	sdelay $0x1  }
0x402: {  	[sflag:s13] =	ssyncset.done $0x0  }
0x403: {  	[sflag:s13] =	ssyncadd.s32 $0xFFFFE780  }
0x404: {  	_ =	sfence.sel $0x180000  }
0x405: {  	[bflag:$0x0] =	sbarrier.arrive $0xFFFF  }
0x406: {  	_ =	strace $0x90000047  }
0x407: {  	s0 =	stileid.u32;
	[bflag:$0x2] =	sbarrier.arrive $0xFFFF  }
0x408: {  	p0 =	sne.s32 s0, $0x0;
	s0 =	rddreg [dreg:$0x2]  }
0x409: {  	s0 =	sadd.s32 @!p0 $0x100000, s0  }
0x40a: {  	[sflag:s0] =	ssyncadd.tile.s32 @!p0 $0x1;
	_ =	shalt  }
.Lfunc_end2:
_tile_overlayer_lowered:
.L_overlay_start_2:
0x40b: {  	(tag) =	ssettag $0x2  }
0x40c: {  	s0 =	rddreg [dreg:$0x0];
	s2 =	stileid.u32  }
0x40d: {  	s1 =	rddreg [dreg:$0x1];
	p0 =	sne.s32 s2, $0x0  }
0x40e: {  	s3 =	rddreg [dreg:$0x2];
	[bflag:$0x3] =	sbarrier.arrive $0xFFFF;
	s2 =	simm.s32 @!p0 $0x1C02  }
0x40f: {  	[timem:s3], [sflag:s2] =	dma.local @!p0 [hbm:s0], s1  }
0x410: {  	s0 =	simm.s32 @!p0 $0x2  }
0x411: {  	_ =	swait.ge @!p0 [sflag:s0], s1  }
0x412: {  	s1 =	ssub.s32 @!p0 $0x0, s1;
	[sflag:s0] =	ssyncset.done @!p0 $0x0  }
0x413: {  	[sflag:s0] =	ssyncadd.s32 @!p0 s1  }
0x414: {  	[bflag:$0x3] =	sbarrier.arrive $0xFFFF  }
0x415: {  	_ =	shalt  }

</sc_bundles>
